<compile_context>
chip_gen: v7x
topology: tpu7x:2x2x1
jax: 0.10.2.dev20260603
libtpu: 0.0.44.dev20260713+nightly
codegen_flags: <defaults>
</compile_context>

<pallas_src>
import functools

import jax
import jax.numpy as jnp
from jax import lax
from jax.experimental import pallas as pl
from jax.experimental.pallas import tpu as pltpu
from jax.experimental.pallas import tpu_sc as plsc

N_NODES = 10000
F = 128
FH = F // 2
NEG_SLOPE = 0.2

NC = 2
NS = 16
CH = 128
SLAB = 28
L = 16
NPAD = 10240


def _prolog_body(h_ref, w_ref, a_ref, ha_ref, hb_ref, sl_ref, sr_ref,
                 mbig_ref):
    i = pl.program_id(0)
    hl = lax.dot_general(h_ref[...], w_ref[...], (((1,), (1,)), ((), ())),
                         preferred_element_type=jnp.float32)
    ha_ref[...] = hl[:, :FH]
    hb_ref[...] = hl[:, FH:]
    al = a_ref[0, :F]
    ar = a_ref[0, F:]
    sl = jnp.sum(hl * al[None, :], axis=1, keepdims=True)
    sr = jnp.sum(hl * ar[None, :], axis=1, keepdims=True)
    blk = sl.shape[0]
    sl_ref[...] = jnp.broadcast_to(sl, (blk, L))
    sr_ref[...] = jnp.broadcast_to(sr, (blk, L))
    new = jnp.concatenate([jnp.full((1, 1), jnp.max(sl)),
                           jnp.full((1, 1), jnp.max(sr))], axis=1)
    acc = jnp.where(i == 0, new, jnp.maximum(mbig_ref[...], new))
    t = jnp.sum(acc, axis=1, keepdims=True)
    m = jnp.broadcast_to(jnp.where(t > 0, t, t * NEG_SLOPE), (1, 2))
    mbig_ref[...] = jnp.where(i == pl.num_programs(0) - 1, m, acc)


def _epilog_body(acc_ref, den_ref, out_ref):
    t0 = acc_ref[0, 0] + acc_ref[1, 0]
    t1 = acc_ref[0, 1] + acc_ref[1, 1]
    d = den_ref[0][:, 0:1] + den_ref[1][:, 0:1] + 1e-16
    r = jnp.concatenate([t0, t1], axis=1) / d
    out_ref[...] = jnp.where(r > 0, r, jnp.exp(jnp.minimum(r, 0.0)) - 1.0)


def _make_sc_kernel(n_chunks, e_real):
    e_tile = n_chunks * CH
    npt = NPAD // NS
    mesh = plsc.VectorSubcoreMesh(core_axis_name="c", subcore_axis_name="s")

    @functools.partial(
        pl.kernel,
        out_type=[
            jax.ShapeDtypeStruct((NC, 2, NPAD, FH), jnp.float32),
            jax.ShapeDtypeStruct((NC, NPAD, L), jnp.float32),
        ],
        mesh=mesh,
        compiler_params=pltpu.CompilerParams(needs_layout_passes=False,
                                             use_tc_tiling_on_sc=False),
        scratch_types=[
            pltpu.VMEM((2, SLAB, CH), jnp.int32),
            pltpu.VMEM((2, SLAB, CH), jnp.int32),
            pltpu.VMEM((3, CH, FH), jnp.float32),
            pltpu.VMEM((3, CH, L), jnp.float32),
            pltpu.VMEM((3, CH, L), jnp.float32),
            pltpu.VMEM((3, CH, L), jnp.float32),
            pltpu.VMEM((L,), jnp.float32),
            pltpu.VMEM((n_chunks, CH), jnp.float32),
            pltpu.VMEM_SHARED((NPAD, FH), jnp.float32),
            pltpu.VMEM_SHARED((NPAD, L), jnp.float32),
            pltpu.SemaphoreType.DMA,
            pltpu.SemaphoreType.DMA,
            pltpu.SemaphoreType.DMA,
            pltpu.SemaphoreType.DMA,
            pltpu.SemaphoreType.DMA,
            pltpu.SemaphoreType.DMA,
        ],
    )
    def sc_kernel(row_hbm, col_hbm, sl_hbm, sr_hbm, ha_hbm, hb_hbm, m_hbm,
                  acc_out, den_out,
                  row_v, col_v, rows_v, ex_v, el_v, er_v, m_v, ex_all,
                  acc_sh, den_sh, gsem0, gsem1, gsem2, ssem0, ssem1, ssem2):
        cid = lax.axis_index("c")
        sid = lax.axis_index("s")
        wid = cid * NS + sid
        ebase = wid * e_tile
        nbase = sid * npt

        pltpu.sync_copy(m_hbm, m_v)

        zero16 = jnp.zeros((L,), jnp.float32)
        zero_idx = jnp.zeros((L,), jnp.int32)
        iota16 = lax.iota(jnp.int32, L)

        gsems = (gsem0, gsem1, gsem2)
        ssems = (ssem0, ssem1, ssem2)

        def slab_slot(ci):
            return lax.rem(lax.div(ci, SLAB), 2)

        for half in range(2):
            hl_hbm = ha_hbm if half == 0 else hb_hbm

            def zrow(j, _):
                for f in range(FH // L):
                    rows_v[0, j, pl.ds(f * L, L)] = zero16
                if half == 0:
                    for s in range(3):
                        ex_v[s, j, :] = zero16
                return 0
            lax.fori_loop(0, CH, zrow, 0)
            for p in range(npt // CH):
                pltpu.sync_copy(rows_v.at[0],
                                acc_sh.at[pl.ds(nbase + p * CH, CH), :])
            if half == 0:
                for p in range(npt // CH):
                    pltpu.sync_copy(ex_v.at[0],
                                    den_sh.at[pl.ds(nbase + p * CH, CH), :])
            plsc.subcore_barrier()

            big_m = m_v[...]

            def fetch(ci, s):
                sp = slab_slot(ci)
                li = lax.rem(ci, SLAB)
                if half == 0:
                    pltpu.async_copy(sl_hbm.at[row_v.at[sp, li]],
                                     el_v.at[s], gsems[s])
                    pltpu.async_copy(sr_hbm.at[col_v.at[sp, li]],
                                     er_v.at[s], gsems[s])
                pltpu.async_copy(hl_hbm.at[col_v.at[sp, li]], rows_v.at[s],
                                 gsems[s])

            def drain_scatter(s):
                pltpu.make_async_copy(ha_hbm.at[pl.ds(0, CH), :],
                                      rows_v.at[s], ssems[s]).wait()
                if half == 0:
                    pltpu.make_async_copy(sl_hbm.at[pl.ds(0, CH), :],
                                          ex_v.at[s], ssems[s]).wait()

            pltpu.sync_copy(row_hbm.at[wid, 0], row_v.at[0])
            pltpu.sync_copy(col_hbm.at[wid, 0], col_v.at[0])
            fetch(0, 0)

            def do_chunk(ci, b):
                bn = (b + 1) % 3

                @pl.when((lax.rem(ci + 1, SLAB) == 0)
                         & (ci + 1 < n_chunks))
                def _():
                    si = lax.div(ci + 1, SLAB)
                    sp = lax.rem(si, 2)
                    pltpu.sync_copy(row_hbm.at[wid, si], row_v.at[sp])
                    pltpu.sync_copy(col_hbm.at[wid, si], col_v.at[sp])

                @pl.when(ci >= 2)
                def _():
                    drain_scatter(bn)

                @pl.when(ci + 1 < n_chunks)
                def _():
                    fetch(ci + 1, bn)

                if half == 0:
                    pltpu.make_async_copy(sl_hbm.at[pl.ds(0, CH), :],
                                          el_v.at[b], gsems[b]).wait()
                    pltpu.make_async_copy(sl_hbm.at[pl.ds(0, CH), :],
                                          er_v.at[b], gsems[b]).wait()
                pltpu.make_async_copy(ha_hbm.at[pl.ds(0, CH), :],
                                      rows_v.at[b], gsems[b]).wait()

                if half == 0:
                    for g in range(CH // L):
                        off = g * L
                        el = plsc.load_gather(
                            el_v, [jnp.full((L,), b, jnp.int32),
                                   off + iota16, zero_idx])
                        er = plsc.load_gather(
                            er_v, [jnp.full((L,), b, jnp.int32),
                                   off + iota16, zero_idx])
                        t = el + er
                        e = jnp.where(t > 0, t, t * NEG_SLOPE)
                        eid = ebase + ci * CH + off + iota16
                        ex = jnp.where(eid < e_real, jnp.exp(e - big_m),
                                       0.0)
                        plsc.store_scatter(ex_v.at[b],
                                           [off + iota16, zero_idx], ex)
                        ex_all[ci, pl.ds(off, L)] = ex

                def scale(jh, _):
                    for u in range(2):
                        j = jh * 2 + u
                        if half == 0:
                            s = plsc.load_gather(
                                ex_v, [jnp.full((L,), b, jnp.int32),
                                       jnp.full((L,), j, jnp.int32),
                                       zero_idx])
                        else:
                            s = plsc.load_gather(
                                ex_all, [jnp.full((L,), ci, jnp.int32),
                                         jnp.full((L,), j, jnp.int32)])
                        for f in range(FH // L):
                            fs = pl.ds(f * L, L)
                            rows_v[b, j, fs] = rows_v[b, j, fs] * s
                    return 0
                lax.fori_loop(0, CH // 2, scale, 0)

                sp = slab_slot(ci)
                li = lax.rem(ci, SLAB)
                pltpu.async_copy(rows_v.at[b], acc_sh.at[row_v.at[sp, li]],
                                 ssems[b], add=True)
                if half == 0:
                    pltpu.async_copy(ex_v.at[b], den_sh.at[row_v.at[sp, li]],
                                     ssems[b], add=True)

            def triple(cp, _):
                do_chunk(cp * 3, 0)
                do_chunk(cp * 3 + 1, 1)
                do_chunk(cp * 3 + 2, 2)
                return 0

            lax.fori_loop(0, n_chunks // 3, triple, 0)
            drain_scatter(1)
            drain_scatter(2)
            plsc.subcore_barrier()

            pltpu.sync_copy(acc_sh.at[pl.ds(nbase, npt), :],
                            acc_out.at[cid, half, pl.ds(nbase, npt), :])
            if half == 0:
                pltpu.sync_copy(den_sh.at[pl.ds(nbase, npt), :],
                                den_out.at[cid, pl.ds(nbase, npt), :])

    return sc_kernel


def kernel(h, edge_index, edge_weight, W, a):
    n = h.shape[0]
    e = edge_index.shape[1]
    e_real = e + n
    n_chunks = -(-e_real // (NC * NS * CH))
    n_chunks += (-n_chunks) % SLAB
    e_pad = NC * NS * n_chunks * CH

    loops = jnp.arange(n, dtype=edge_index.dtype)
    pad = jnp.arange(e_pad - e_real, dtype=edge_index.dtype)
    row = jnp.concatenate([edge_index[0], loops, n + pad % (NPAD - n)])
    col = jnp.concatenate([edge_index[1], loops, pad % n])
    row4 = row.reshape(NC * NS, n_chunks // SLAB, SLAB, CH)
    col4 = col.reshape(NC * NS, n_chunks // SLAB, SLAB, CH)

    blk = 1000
    grid = n // blk
    ha, hb, sl, sr, mbig = pl.pallas_call(
        _prolog_body,
        grid=(grid,),
        in_specs=[
            pl.BlockSpec((blk, F), lambda i: (i, 0)),
            pl.BlockSpec((F, F), lambda i: (0, 0)),
            pl.BlockSpec((1, 2 * F), lambda i: (0, 0)),
        ],
        out_specs=[
            pl.BlockSpec((blk, FH), lambda i: (i, 0)),
            pl.BlockSpec((blk, FH), lambda i: (i, 0)),
            pl.BlockSpec((blk, L), lambda i: (i, 0)),
            pl.BlockSpec((blk, L), lambda i: (i, 0)),
            pl.BlockSpec((1, 2), lambda i: (0, 0)),
        ],
        out_shape=[
            jax.ShapeDtypeStruct((n, FH), jnp.float32),
            jax.ShapeDtypeStruct((n, FH), jnp.float32),
            jax.ShapeDtypeStruct((n, L), jnp.float32),
            jax.ShapeDtypeStruct((n, L), jnp.float32),
            jax.ShapeDtypeStruct((1, 2), jnp.float32),
        ],
    )(h, W, a)

    m16 = jnp.broadcast_to(mbig[0, 0], (L,))
    row4, col4, sl, sr, ha, hb, m16 = lax.optimization_barrier(
        (row4, col4, sl, sr, ha, hb, m16))
    sc = _make_sc_kernel(n_chunks, e_real)
    acc, den = sc(row4, col4, sl, sr, ha, hb, m16)

    blk2 = 1024
    out = pl.pallas_call(
        _epilog_body,
        grid=(NPAD // blk2,),
        in_specs=[
            pl.BlockSpec((NC, 2, blk2, FH), lambda i: (0, 0, i, 0)),
            pl.BlockSpec((NC, blk2, L), lambda i: (0, i, 0)),
        ],
        out_specs=pl.BlockSpec((blk2, F), lambda i: (i, 0)),
        out_shape=jax.ShapeDtypeStruct((NPAD, F), jnp.float32),
    )(acc, den)
    return out[:n]

# --- scband reference (transcript-rebuilt; emitter-appended) ---
"""Pipeline reference for scband-graph-attention-layer-54107997995611 (READ-ONLY COPY).

The authoritative reference and input builder live on the scoring server;
editing this copy changes nothing except your own understanding.
"""

import jax, jax.numpy as jnp
import numpy as np

N = 10000
E = 320000
F_IN = 128
F_OUT = 128
NEG_SLOPE = 0.2


def _glorot(key, shape):
    fan = shape[0] + shape[1]
    limit = np.sqrt(6.0 / fan)
    return jax.random.uniform(key, shape, jnp.float32, -limit, limit)


def setup_inputs(seed: int = 0) -> dict:
    key = jax.random.key(seed)
    k1, k2, k3, k4, k5 = jax.random.split(key, 5)
    h = jax.random.normal(k1, (N, F_IN), dtype=jnp.float32)
    edge_index = jax.random.randint(k2, (2, E), 0, N, dtype=jnp.int32)
    edge_weight = jax.random.uniform(k3, (E,), dtype=jnp.float32)
    W = _glorot(k4, (F_OUT, F_IN))          # torch Linear weight layout [out, in]
    a = _glorot(k5, (1, 2 * F_OUT))
    return {"h": h, "edge_index": edge_index, "edge_weight": edge_weight, "W": W, "a": a}


def reference(h, edge_index, edge_weight, W, a):
    n = h.shape[0]
    # Linear (no bias)
    h_lin = h @ W.T
    # add_self_loops
    loops = jnp.arange(n, dtype=edge_index.dtype)
    ei = jnp.concatenate([edge_index, jnp.stack([loops, loops], axis=0)], axis=1)
    row, col = ei[0], ei[1]
    # attention logits: cat([h_lin[row], h_lin[col]]) @ a.T, leaky relu
    h_cat = jnp.concatenate([jnp.take(h_lin, row, axis=0), jnp.take(h_lin, col, axis=0)], axis=1)
    e = jax.nn.leaky_relu(h_cat @ a.T, NEG_SLOPE).squeeze(-1)
    # segment softmax over destination node `row`
    seg_max = jax.ops.segment_max(e, row, num_segments=n)
    seg_max = jnp.where(jnp.isfinite(seg_max), seg_max, 0.0)
    ex = jnp.exp(e - jnp.take(seg_max, row))
    denom = jax.ops.segment_sum(ex, row, num_segments=n)
    alpha = ex / (jnp.take(denom, row) + 1e-16)
    # dropout p=0.0 -> identity for attn_drop and ffd_drop
    # weighted scatter-add aggregation (index_add_)
    msgs = alpha[:, None] * jnp.take(h_lin, col, axis=0)
    h_prime = jnp.zeros((n, h_lin.shape[1]), dtype=h.dtype).at[row].add(msgs)
    # residual=False; activation = elu
    return jax.nn.elu(h_prime)

if __name__ == "__main__":
    import jax
    _d = setup_inputs()
    print(jax.jit(kernel)(*tuple(_d.values())))

</pallas_src>

<mosaic_0001>
#map = affine_map<(d0, d1) -> (0, 0, 0, 0)>
#map1 = affine_map<(d0, d1) -> (0, 0)>
#map2 = affine_map<(d0, d1) -> (0)>
#map3 = affine_map<(d0, d1) -> (0, 0, 0)>
module attributes {stable_mosaic.version = 14 : i64} {
  func.func @sc_kernel(%arg0: i32, %arg1: i32, %arg2: memref<32x3x28x128xi32, #tpu.memory_space<hbm>>, %arg3: memref<32x3x28x128xi32, #tpu.memory_space<hbm>>, %arg4: memref<10000x16xf32, #tpu.memory_space<hbm>>, %arg5: memref<10000x16xf32, #tpu.memory_space<hbm>>, %arg6: memref<10000x64xf32, #tpu.memory_space<hbm>>, %arg7: memref<10000x64xf32, #tpu.memory_space<hbm>>, %arg8: memref<16xf32, #tpu.memory_space<hbm>>, %arg9: memref<2x2x10240x64xf32, #tpu.memory_space<hbm>>, %arg10: memref<2x10240x16xf32, #tpu.memory_space<hbm>>, %arg11: memref<2x28x128xi32, #tpu.memory_space<vmem>>, %arg12: memref<2x28x128xi32, #tpu.memory_space<vmem>>, %arg13: memref<3x128x64xf32, #tpu.memory_space<vmem>>, %arg14: memref<3x128x16xf32, #tpu.memory_space<vmem>>, %arg15: memref<3x128x16xf32, #tpu.memory_space<vmem>>, %arg16: memref<3x128x16xf32, #tpu.memory_space<vmem>>, %arg17: memref<16xf32, #tpu.memory_space<vmem>>, %arg18: memref<84x128xf32, #tpu.memory_space<vmem>>, %arg19: memref<10240x64xf32, #tpu.memory_space<vmem_shared>>, %arg20: memref<10240x16xf32, #tpu.memory_space<vmem_shared>>, %arg21: memref<!tpu.dma_semaphore, #tpu.memory_space<semaphore_mem>>, %arg22: memref<!tpu.dma_semaphore, #tpu.memory_space<semaphore_mem>>, %arg23: memref<!tpu.dma_semaphore, #tpu.memory_space<semaphore_mem>>, %arg24: memref<!tpu.dma_semaphore, #tpu.memory_space<semaphore_mem>>, %arg25: memref<!tpu.dma_semaphore, #tpu.memory_space<semaphore_mem>>, %arg26: memref<!tpu.dma_semaphore, #tpu.memory_space<semaphore_mem>>) attributes {dimension_semantics = [#tpu.dimension_semantics<core_parallel>, #tpu.dimension_semantics<subcore_parallel>], iteration_bounds = array<i64: 2, 16>, scalar_prefetch = 0 : i64, scratch_operands = 16 : i64, tpu.core_type = #tpu.core_type<sc_vector_subcore>, window_params = [{transform_indices = #map}, {transform_indices = #map}, {transform_indices = #map1}, {transform_indices = #map1}, {transform_indices = #map1}, {transform_indices = #map1}, {transform_indices = #map2}, {transform_indices = #map}, {transform_indices = #map3}]} {
    %mul3A = arith.constant 16 : i32
    %mul3A_0 = arith.muli %arg0, %mul3A : i32
    %add3A = arith.addi %mul3A_0, %arg1 : i32
    %mul3A_1 = arith.constant 10752 : i32
    %mul3A_2 = arith.muli %add3A, %mul3A_1 : i32
    %mul3A_3 = arith.constant 640 : i32
    %mul3A_4 = arith.muli %arg1, %mul3A_3 : i32
    "tpu.region"() ({
      %run_scoped3A_241 = tpu.sem_alloc : memref<!tpu.dma_semaphore, #tpu.memory_space<semaphore_mem>>
      tpu.enqueue_dma source(%arg8 : memref<16xf32, #tpu.memory_space<hbm>>) target(%arg17 : memref<16xf32, #tpu.memory_space<vmem>>) target_semaphore(%run_scoped3A_241 : memref<!tpu.dma_semaphore, #tpu.memory_space<semaphore_mem>>)
      tpu.wait_dma2 semaphore(%run_scoped3A_241 : memref<!tpu.dma_semaphore, #tpu.memory_space<semaphore_mem>>) src(%arg8 : memref<16xf32, #tpu.memory_space<hbm>>) dst(%arg17 : memref<16xf32, #tpu.memory_space<vmem>>)
      tpu.yield
    }) : () -> ()
    %broadcast_in_dim3A = arith.constant 0.000000e+00 : f32
    %broadcast_in_dim3A_5 = vector.broadcast %broadcast_in_dim3A : f32 to vector<16xf32>
    %broadcast_in_dim3A_6 = arith.constant 0 : i32
    %broadcast_in_dim3A_7 = vector.broadcast %broadcast_in_dim3A_6 : i32 to vector<16xi32>
    %iota3A = tpu.iota {dimensions = array<i32: 0>} : vector<16xi32>
    %scan3A = arith.constant 0 : i32
    %scan3A_8 = arith.constant 0 : i32
    %scan3A_9 = arith.constant 128 : i32
    %scan3A_10 = arith.addi %scan3A_8, %scan3A_9 : i32
    %scan3A_11 = arith.constant 1 : i32
    %scan3A_12 = scf.for %scan3A_241 = %scan3A_8 to %scan3A_10 step %scan3A_11 iter_args(%scan3A_242 = %scan3A) -> (i32)  : i32 {
      %swap3A = arith.constant 0 : i32
      %swap3A_243 = arith.index_cast %swap3A : i32 to index
      %swap3A_244 = arith.index_cast %scan3A_241 : i32 to index
      %swap3A_245 = arith.constant 0 : index
      %swap3A_246 = tpu.vector_load %arg13[%swap3A_243, %swap3A_244, %swap3A_245] {strides = array<i32>} : memref<3x128x64xf32, #tpu.memory_space<vmem>>, vector<16xf32>,
      tpu.vector_store %arg13[%swap3A_243, %swap3A_244, %swap3A_245], %broadcast_in_dim3A_5 {strides = array<i32>} : memref<3x128x64xf32, #tpu.memory_space<vmem>>, vector<16xf32>,
      %swap3A_247 = arith.constant 0 : i32
      %swap3A_248 = arith.index_cast %swap3A_247 : i32 to index
      %swap3A_249 = arith.index_cast %scan3A_241 : i32 to index
      %swap3A_250 = arith.constant 16 : index
      %swap3A_251 = tpu.vector_load %arg13[%swap3A_248, %swap3A_249, %swap3A_250] {strides = array<i32>} : memref<3x128x64xf32, #tpu.memory_space<vmem>>, vector<16xf32>,
      tpu.vector_store %arg13[%swap3A_248, %swap3A_249, %swap3A_250], %broadcast_in_dim3A_5 {strides = array<i32>} : memref<3x128x64xf32, #tpu.memory_space<vmem>>, vector<16xf32>,
      %swap3A_252 = arith.constant 0 : i32
      %swap3A_253 = arith.index_cast %swap3A_252 : i32 to index
      %swap3A_254 = arith.index_cast %scan3A_241 : i32 to index
      %swap3A_255 = arith.constant 32 : index
      %swap3A_256 = tpu.vector_load %arg13[%swap3A_253, %swap3A_254, %swap3A_255] {strides = array<i32>} : memref<3x128x64xf32, #tpu.memory_space<vmem>>, vector<16xf32>,
      tpu.vector_store %arg13[%swap3A_253, %swap3A_254, %swap3A_255], %broadcast_in_dim3A_5 {strides = array<i32>} : memref<3x128x64xf32, #tpu.memory_space<vmem>>, vector<16xf32>,
      %swap3A_257 = arith.constant 0 : i32
      %swap3A_258 = arith.index_cast %swap3A_257 : i32 to index
      %swap3A_259 = arith.index_cast %scan3A_241 : i32 to index
      %swap3A_260 = arith.constant 48 : index
      %swap3A_261 = tpu.vector_load %arg13[%swap3A_258, %swap3A_259, %swap3A_260] {strides = array<i32>} : memref<3x128x64xf32, #tpu.memory_space<vmem>>, vector<16xf32>,
      tpu.vector_store %arg13[%swap3A_258, %swap3A_259, %swap3A_260], %broadcast_in_dim3A_5 {strides = array<i32>} : memref<3x128x64xf32, #tpu.memory_space<vmem>>, vector<16xf32>,
      %swap3A_262 = arith.constant 0 : i32
      %swap3A_263 = arith.index_cast %swap3A_262 : i32 to index
      %swap3A_264 = arith.index_cast %scan3A_241 : i32 to index
      %swap3A_265 = arith.constant 0 : index
      %swap3A_266 = tpu.vector_load %arg14[%swap3A_263, %swap3A_264, %swap3A_265] {strides = array<i32>} : memref<3x128x16xf32, #tpu.memory_space<vmem>>, vector<16xf32>,
      tpu.vector_store %arg14[%swap3A_263, %swap3A_264, %swap3A_265], %broadcast_in_dim3A_5 {strides = array<i32>} : memref<3x128x16xf32, #tpu.memory_space<vmem>>, vector<16xf32>,
      %swap3A_267 = arith.constant 1 : i32
      %swap3A_268 = arith.index_cast %swap3A_267 : i32 to index
      %swap3A_269 = arith.index_cast %scan3A_241 : i32 to index
      %swap3A_270 = arith.constant 0 : index
      %swap3A_271 = tpu.vector_load %arg14[%swap3A_268, %swap3A_269, %swap3A_270] {strides = array<i32>} : memref<3x128x16xf32, #tpu.memory_space<vmem>>, vector<16xf32>,
      tpu.vector_store %arg14[%swap3A_268, %swap3A_269, %swap3A_270], %broadcast_in_dim3A_5 {strides = array<i32>} : memref<3x128x16xf32, #tpu.memory_space<vmem>>, vector<16xf32>,
      %swap3A_272 = arith.constant 2 : i32
      %swap3A_273 = arith.index_cast %swap3A_272 : i32 to index
      %swap3A_274 = arith.index_cast %scan3A_241 : i32 to index
      %swap3A_275 = arith.constant 0 : index
      %swap3A_276 = tpu.vector_load %arg14[%swap3A_273, %swap3A_274, %swap3A_275] {strides = array<i32>} : memref<3x128x16xf32, #tpu.memory_space<vmem>>, vector<16xf32>,
      tpu.vector_store %arg14[%swap3A_273, %swap3A_274, %swap3A_275], %broadcast_in_dim3A_5 {strides = array<i32>} : memref<3x128x16xf32, #tpu.memory_space<vmem>>, vector<16xf32>,
      %scan3A_277 = arith.constant 0 : i32
      scf.yield %scan3A_277 : i32
    }
    %scan3A_13 = arith.constant 128 : i32
    %add3A_14 = arith.constant 0 : i32
    %add3A_15 = arith.addi %mul3A_4, %add3A_14 : i32
    %run_scoped3A = arith.constant 0 : i32
    "tpu.region"() ({
      %run_scoped3A_241 = tpu.sem_alloc : memref<!tpu.dma_semaphore, #tpu.memory_space<semaphore_mem>>
      %dma_start3A_242 = arith.constant 0 : i32
      %dma_start3A_243 = arith.constant 0 : i32
      %dma_start3A_244 = tpu.memref_slice %arg13[%run_scoped3A, %dma_start3A_242, %dma_start3A_243] : memref<3x128x64xf32, #tpu.memory_space<vmem>> -> memref<1x128x64xf32, #tpu.memory_space<vmem>>
      %dma_start3A_245 = tpu.memref_squeeze %dma_start3A_244 : memref<1x128x64xf32, #tpu.memory_space<vmem>> -> memref<128x64xf32, #tpu.memory_space<vmem>>
      %dma_start3A_246 = arith.constant 0 : i32
      %dma_start3A_247 = tpu.memref_slice %arg19[%add3A_15, %dma_start3A_246] : memref<10240x64xf32, #tpu.memory_space<vmem_shared>> -> memref<128x64xf32, #tpu.memory_space<vmem_shared>>
      %dma_start3A_248 = arith.constant 0 : i32
      %dma_start3A_249 = tpu.memref_slice %arg19[%add3A_15, %dma_start3A_248] : memref<10240x64xf32, #tpu.memory_space<vmem_shared>> -> memref<128x64xf32, #tpu.memory_space<vmem_shared>>
      %dma_start3A_250 = arith.constant 0 : i32
      %dma_start3A_251 = arith.constant 0 : i32
      %dma_start3A_252 = tpu.memref_slice %arg13[%run_scoped3A, %dma_start3A_250, %dma_start3A_251] : memref<3x128x64xf32, #tpu.memory_space<vmem>> -> memref<1x128x64xf32, #tpu.memory_space<vmem>>
      %dma_start3A_253 = tpu.memref_squeeze %dma_start3A_252 : memref<1x128x64xf32, #tpu.memory_space<vmem>> -> memref<128x64xf32, #tpu.memory_space<vmem>>
      tpu.enqueue_dma source(%dma_start3A_253 : memref<128x64xf32, #tpu.memory_space<vmem>>) target(%dma_start3A_249 : memref<128x64xf32, #tpu.memory_space<vmem_shared>>) target_semaphore(%run_scoped3A_241 : memref<!tpu.dma_semaphore, #tpu.memory_space<semaphore_mem>>)
      %dma_wait3A_254 = arith.constant 0 : i32
      %dma_wait3A_255 = arith.constant 0 : i32
      %dma_wait3A_256 = tpu.memref_slice %arg13[%run_scoped3A, %dma_wait3A_254, %dma_wait3A_255] : memref<3x128x64xf32, #tpu.memory_space<vmem>> -> memref<1x128x64xf32, #tpu.memory_space<vmem>>
      %dma_wait3A_257 = tpu.memref_squeeze %dma_wait3A_256 : memref<1x128x64xf32, #tpu.memory_space<vmem>> -> memref<128x64xf32, #tpu.memory_space<vmem>>
      %dma_wait3A_258 = arith.constant 0 : i32
      %dma_wait3A_259 = tpu.memref_slice %arg19[%add3A_15, %dma_wait3A_258] : memref<10240x64xf32, #tpu.memory_space<vmem_shared>> -> memref<128x64xf32, #tpu.memory_space<vmem_shared>>
      %dma_wait3A_260 = arith.constant 0 : i32
      %dma_wait3A_261 = tpu.memref_slice %arg19[%add3A_15, %dma_wait3A_260] : memref<10240x64xf32, #tpu.memory_space<vmem_shared>> -> memref<128x64xf32, #tpu.memory_space<vmem_shared>>
      %dma_wait3A_262 = arith.constant 0 : i32
      %dma_wait3A_263 = arith.constant 0 : i32
      %dma_wait3A_264 = tpu.memref_slice %arg13[%run_scoped3A, %dma_wait3A_262, %dma_wait3A_263] : memref<3x128x64xf32, #tpu.memory_space<vmem>> -> memref<1x128x64xf32, #tpu.memory_space<vmem>>
      %dma_wait3A_265 = tpu.memref_squeeze %dma_wait3A_264 : memref<1x128x64xf32, #tpu.memory_space<vmem>> -> memref<128x64xf32, #tpu.memory_space<vmem>>
      tpu.wait_dma2 semaphore(%run_scoped3A_241 : memref<!tpu.dma_semaphore, #tpu.memory_space<semaphore_mem>>) src(%dma_wait3A_265 : memref<128x64xf32, #tpu.memory_space<vmem>>) dst(%dma_wait3A_261 : memref<128x64xf32, #tpu.memory_space<vmem_shared>>)
      tpu.yield
    }) : () -> ()
    %add3A_16 = arith.constant 128 : i32
    %add3A_17 = arith.addi %mul3A_4, %add3A_16 : i32
    %run_scoped3A_18 = arith.constant 0 : i32
    "tpu.region"() ({
      %run_scoped3A_241 = tpu.sem_alloc : memref<!tpu.dma_semaphore, #tpu.memory_space<semaphore_mem>>
      %dma_start3A_242 = arith.constant 0 : i32
      %dma_start3A_243 = arith.constant 0 : i32
      %dma_start3A_244 = tpu.memref_slice %arg13[%run_scoped3A_18, %dma_start3A_242, %dma_start3A_243] : memref<3x128x64xf32, #tpu.memory_space<vmem>> -> memref<1x128x64xf32, #tpu.memory_space<vmem>>
      %dma_start3A_245 = tpu.memref_squeeze %dma_start3A_244 : memref<1x128x64xf32, #tpu.memory_space<vmem>> -> memref<128x64xf32, #tpu.memory_space<vmem>>
      %dma_start3A_246 = arith.constant 0 : i32
      %dma_start3A_247 = tpu.memref_slice %arg19[%add3A_17, %dma_start3A_246] : memref<10240x64xf32, #tpu.memory_space<vmem_shared>> -> memref<128x64xf32, #tpu.memory_space<vmem_shared>>
      %dma_start3A_248 = arith.constant 0 : i32
      %dma_start3A_249 = tpu.memref_slice %arg19[%add3A_17, %dma_start3A_248] : memref<10240x64xf32, #tpu.memory_space<vmem_shared>> -> memref<128x64xf32, #tpu.memory_space<vmem_shared>>
      %dma_start3A_250 = arith.constant 0 : i32
      %dma_start3A_251 = arith.constant 0 : i32
      %dma_start3A_252 = tpu.memref_slice %arg13[%run_scoped3A_18, %dma_start3A_250, %dma_start3A_251] : memref<3x128x64xf32, #tpu.memory_space<vmem>> -> memref<1x128x64xf32, #tpu.memory_space<vmem>>
      %dma_start3A_253 = tpu.memref_squeeze %dma_start3A_252 : memref<1x128x64xf32, #tpu.memory_space<vmem>> -> memref<128x64xf32, #tpu.memory_space<vmem>>
      tpu.enqueue_dma source(%dma_start3A_253 : memref<128x64xf32, #tpu.memory_space<vmem>>) target(%dma_start3A_249 : memref<128x64xf32, #tpu.memory_space<vmem_shared>>) target_semaphore(%run_scoped3A_241 : memref<!tpu.dma_semaphore, #tpu.memory_space<semaphore_mem>>)
      %dma_wait3A_254 = arith.constant 0 : i32
      %dma_wait3A_255 = arith.constant 0 : i32
      %dma_wait3A_256 = tpu.memref_slice %arg13[%run_scoped3A_18, %dma_wait3A_254, %dma_wait3A_255] : memref<3x128x64xf32, #tpu.memory_space<vmem>> -> memref<1x128x64xf32, #tpu.memory_space<vmem>>
      %dma_wait3A_257 = tpu.memref_squeeze %dma_wait3A_256 : memref<1x128x64xf32, #tpu.memory_space<vmem>> -> memref<128x64xf32, #tpu.memory_space<vmem>>
      %dma_wait3A_258 = arith.constant 0 : i32
      %dma_wait3A_259 = tpu.memref_slice %arg19[%add3A_17, %dma_wait3A_258] : memref<10240x64xf32, #tpu.memory_space<vmem_shared>> -> memref<128x64xf32, #tpu.memory_space<vmem_shared>>
      %dma_wait3A_260 = arith.constant 0 : i32
      %dma_wait3A_261 = tpu.memref_slice %arg19[%add3A_17, %dma_wait3A_260] : memref<10240x64xf32, #tpu.memory_space<vmem_shared>> -> memref<128x64xf32, #tpu.memory_space<vmem_shared>>
      %dma_wait3A_262 = arith.constant 0 : i32
      %dma_wait3A_263 = arith.constant 0 : i32
      %dma_wait3A_264 = tpu.memref_slice %arg13[%run_scoped3A_18, %dma_wait3A_262, %dma_wait3A_263] : memref<3x128x64xf32, #tpu.memory_space<vmem>> -> memref<1x128x64xf32, #tpu.memory_space<vmem>>
      %dma_wait3A_265 = tpu.memref_squeeze %dma_wait3A_264 : memref<1x128x64xf32, #tpu.memory_space<vmem>> -> memref<128x64xf32, #tpu.memory_space<vmem>>
      tpu.wait_dma2 semaphore(%run_scoped3A_241 : memref<!tpu.dma_semaphore, #tpu.memory_space<semaphore_mem>>) src(%dma_wait3A_265 : memref<128x64xf32, #tpu.memory_space<vmem>>) dst(%dma_wait3A_261 : memref<128x64xf32, #tpu.memory_space<vmem_shared>>)
      tpu.yield
    }) : () -> ()
    %add3A_19 = arith.constant 256 : i32
    %add3A_20 = arith.addi %mul3A_4, %add3A_19 : i32
    %run_scoped3A_21 = arith.constant 0 : i32
    "tpu.region"() ({
      %run_scoped3A_241 = tpu.sem_alloc : memref<!tpu.dma_semaphore, #tpu.memory_space<semaphore_mem>>
      %dma_start3A_242 = arith.constant 0 : i32
      %dma_start3A_243 = arith.constant 0 : i32
      %dma_start3A_244 = tpu.memref_slice %arg13[%run_scoped3A_21, %dma_start3A_242, %dma_start3A_243] : memref<3x128x64xf32, #tpu.memory_space<vmem>> -> memref<1x128x64xf32, #tpu.memory_space<vmem>>
      %dma_start3A_245 = tpu.memref_squeeze %dma_start3A_244 : memref<1x128x64xf32, #tpu.memory_space<vmem>> -> memref<128x64xf32, #tpu.memory_space<vmem>>
      %dma_start3A_246 = arith.constant 0 : i32
      %dma_start3A_247 = tpu.memref_slice %arg19[%add3A_20, %dma_start3A_246] : memref<10240x64xf32, #tpu.memory_space<vmem_shared>> -> memref<128x64xf32, #tpu.memory_space<vmem_shared>>
      %dma_start3A_248 = arith.constant 0 : i32
      %dma_start3A_249 = tpu.memref_slice %arg19[%add3A_20, %dma_start3A_248] : memref<10240x64xf32, #tpu.memory_space<vmem_shared>> -> memref<128x64xf32, #tpu.memory_space<vmem_shared>>
      %dma_start3A_250 = arith.constant 0 : i32
      %dma_start3A_251 = arith.constant 0 : i32
      %dma_start3A_252 = tpu.memref_slice %arg13[%run_scoped3A_21, %dma_start3A_250, %dma_start3A_251] : memref<3x128x64xf32, #tpu.memory_space<vmem>> -> memref<1x128x64xf32, #tpu.memory_space<vmem>>
      %dma_start3A_253 = tpu.memref_squeeze %dma_start3A_252 : memref<1x128x64xf32, #tpu.memory_space<vmem>> -> memref<128x64xf32, #tpu.memory_space<vmem>>
      tpu.enqueue_dma source(%dma_start3A_253 : memref<128x64xf32, #tpu.memory_space<vmem>>) target(%dma_start3A_249 : memref<128x64xf32, #tpu.memory_space<vmem_shared>>) target_semaphore(%run_scoped3A_241 : memref<!tpu.dma_semaphore, #tpu.memory_space<semaphore_mem>>)
      %dma_wait3A_254 = arith.constant 0 : i32
      %dma_wait3A_255 = arith.constant 0 : i32
      %dma_wait3A_256 = tpu.memref_slice %arg13[%run_scoped3A_21, %dma_wait3A_254, %dma_wait3A_255] : memref<3x128x64xf32, #tpu.memory_space<vmem>> -> memref<1x128x64xf32, #tpu.memory_space<vmem>>
      %dma_wait3A_257 = tpu.memref_squeeze %dma_wait3A_256 : memref<1x128x64xf32, #tpu.memory_space<vmem>> -> memref<128x64xf32, #tpu.memory_space<vmem>>
      %dma_wait3A_258 = arith.constant 0 : i32
      %dma_wait3A_259 = tpu.memref_slice %arg19[%add3A_20, %dma_wait3A_258] : memref<10240x64xf32, #tpu.memory_space<vmem_shared>> -> memref<128x64xf32, #tpu.memory_space<vmem_shared>>
      %dma_wait3A_260 = arith.constant 0 : i32
      %dma_wait3A_261 = tpu.memref_slice %arg19[%add3A_20, %dma_wait3A_260] : memref<10240x64xf32, #tpu.memory_space<vmem_shared>> -> memref<128x64xf32, #tpu.memory_space<vmem_shared>>
      %dma_wait3A_262 = arith.constant 0 : i32
      %dma_wait3A_263 = arith.constant 0 : i32
      %dma_wait3A_264 = tpu.memref_slice %arg13[%run_scoped3A_21, %dma_wait3A_262, %dma_wait3A_263] : memref<3x128x64xf32, #tpu.memory_space<vmem>> -> memref<1x128x64xf32, #tpu.memory_space<vmem>>
      %dma_wait3A_265 = tpu.memref_squeeze %dma_wait3A_264 : memref<1x128x64xf32, #tpu.memory_space<vmem>> -> memref<128x64xf32, #tpu.memory_space<vmem>>
      tpu.wait_dma2 semaphore(%run_scoped3A_241 : memref<!tpu.dma_semaphore, #tpu.memory_space<semaphore_mem>>) src(%dma_wait3A_265 : memref<128x64xf32, #tpu.memory_space<vmem>>) dst(%dma_wait3A_261 : memref<128x64xf32, #tpu.memory_space<vmem_shared>>)
      tpu.yield
    }) : () -> ()
    %add3A_22 = arith.constant 384 : i32
    %add3A_23 = arith.addi %mul3A_4, %add3A_22 : i32
    %run_scoped3A_24 = arith.constant 0 : i32
    "tpu.region"() ({
      %run_scoped3A_241 = tpu.sem_alloc : memref<!tpu.dma_semaphore, #tpu.memory_space<semaphore_mem>>
      %dma_start3A_242 = arith.constant 0 : i32
      %dma_start3A_243 = arith.constant 0 : i32
      %dma_start3A_244 = tpu.memref_slice %arg13[%run_scoped3A_24, %dma_start3A_242, %dma_start3A_243] : memref<3x128x64xf32, #tpu.memory_space<vmem>> -> memref<1x128x64xf32, #tpu.memory_space<vmem>>
      %dma_start3A_245 = tpu.memref_squeeze %dma_start3A_244 : memref<1x128x64xf32, #tpu.memory_space<vmem>> -> memref<128x64xf32, #tpu.memory_space<vmem>>
      %dma_start3A_246 = arith.constant 0 : i32
      %dma_start3A_247 = tpu.memref_slice %arg19[%add3A_23, %dma_start3A_246] : memref<10240x64xf32, #tpu.memory_space<vmem_shared>> -> memref<128x64xf32, #tpu.memory_space<vmem_shared>>
      %dma_start3A_248 = arith.constant 0 : i32
      %dma_start3A_249 = tpu.memref_slice %arg19[%add3A_23, %dma_start3A_248] : memref<10240x64xf32, #tpu.memory_space<vmem_shared>> -> memref<128x64xf32, #tpu.memory_space<vmem_shared>>
      %dma_start3A_250 = arith.constant 0 : i32
      %dma_start3A_251 = arith.constant 0 : i32
      %dma_start3A_252 = tpu.memref_slice %arg13[%run_scoped3A_24, %dma_start3A_250, %dma_start3A_251] : memref<3x128x64xf32, #tpu.memory_space<vmem>> -> memref<1x128x64xf32, #tpu.memory_space<vmem>>
      %dma_start3A_253 = tpu.memref_squeeze %dma_start3A_252 : memref<1x128x64xf32, #tpu.memory_space<vmem>> -> memref<128x64xf32, #tpu.memory_space<vmem>>
      tpu.enqueue_dma source(%dma_start3A_253 : memref<128x64xf32, #tpu.memory_space<vmem>>) target(%dma_start3A_249 : memref<128x64xf32, #tpu.memory_space<vmem_shared>>) target_semaphore(%run_scoped3A_241 : memref<!tpu.dma_semaphore, #tpu.memory_space<semaphore_mem>>)
      %dma_wait3A_254 = arith.constant 0 : i32
      %dma_wait3A_255 = arith.constant 0 : i32
      %dma_wait3A_256 = tpu.memref_slice %arg13[%run_scoped3A_24, %dma_wait3A_254, %dma_wait3A_255] : memref<3x128x64xf32, #tpu.memory_space<vmem>> -> memref<1x128x64xf32, #tpu.memory_space<vmem>>
      %dma_wait3A_257 = tpu.memref_squeeze %dma_wait3A_256 : memref<1x128x64xf32, #tpu.memory_space<vmem>> -> memref<128x64xf32, #tpu.memory_space<vmem>>
      %dma_wait3A_258 = arith.constant 0 : i32
      %dma_wait3A_259 = tpu.memref_slice %arg19[%add3A_23, %dma_wait3A_258] : memref<10240x64xf32, #tpu.memory_space<vmem_shared>> -> memref<128x64xf32, #tpu.memory_space<vmem_shared>>
      %dma_wait3A_260 = arith.constant 0 : i32
      %dma_wait3A_261 = tpu.memref_slice %arg19[%add3A_23, %dma_wait3A_260] : memref<10240x64xf32, #tpu.memory_space<vmem_shared>> -> memref<128x64xf32, #tpu.memory_space<vmem_shared>>
      %dma_wait3A_262 = arith.constant 0 : i32
      %dma_wait3A_263 = arith.constant 0 : i32
      %dma_wait3A_264 = tpu.memref_slice %arg13[%run_scoped3A_24, %dma_wait3A_262, %dma_wait3A_263] : memref<3x128x64xf32, #tpu.memory_space<vmem>> -> memref<1x128x64xf32, #tpu.memory_space<vmem>>
      %dma_wait3A_265 = tpu.memref_squeeze %dma_wait3A_264 : memref<1x128x64xf32, #tpu.memory_space<vmem>> -> memref<128x64xf32, #tpu.memory_space<vmem>>
      tpu.wait_dma2 semaphore(%run_scoped3A_241 : memref<!tpu.dma_semaphore, #tpu.memory_space<semaphore_mem>>) src(%dma_wait3A_265 : memref<128x64xf32, #tpu.memory_space<vmem>>) dst(%dma_wait3A_261 : memref<128x64xf32, #tpu.memory_space<vmem_shared>>)
      tpu.yield
    }) : () -> ()
    %add3A_25 = arith.constant 512 : i32
    %add3A_26 = arith.addi %mul3A_4, %add3A_25 : i32
    %run_scoped3A_27 = arith.constant 0 : i32
    "tpu.region"() ({
      %run_scoped3A_241 = tpu.sem_alloc : memref<!tpu.dma_semaphore, #tpu.memory_space<semaphore_mem>>
      %dma_start3A_242 = arith.constant 0 : i32
      %dma_start3A_243 = arith.constant 0 : i32
      %dma_start3A_244 = tpu.memref_slice %arg13[%run_scoped3A_27, %dma_start3A_242, %dma_start3A_243] : memref<3x128x64xf32, #tpu.memory_space<vmem>> -> memref<1x128x64xf32, #tpu.memory_space<vmem>>
      %dma_start3A_245 = tpu.memref_squeeze %dma_start3A_244 : memref<1x128x64xf32, #tpu.memory_space<vmem>> -> memref<128x64xf32, #tpu.memory_space<vmem>>
      %dma_start3A_246 = arith.constant 0 : i32
      %dma_start3A_247 = tpu.memref_slice %arg19[%add3A_26, %dma_start3A_246] : memref<10240x64xf32, #tpu.memory_space<vmem_shared>> -> memref<128x64xf32, #tpu.memory_space<vmem_shared>>
      %dma_start3A_248 = arith.constant 0 : i32
      %dma_start3A_249 = tpu.memref_slice %arg19[%add3A_26, %dma_start3A_248] : memref<10240x64xf32, #tpu.memory_space<vmem_shared>> -> memref<128x64xf32, #tpu.memory_space<vmem_shared>>
      %dma_start3A_250 = arith.constant 0 : i32
      %dma_start3A_251 = arith.constant 0 : i32
      %dma_start3A_252 = tpu.memref_slice %arg13[%run_scoped3A_27, %dma_start3A_250, %dma_start3A_251] : memref<3x128x64xf32, #tpu.memory_space<vmem>> -> memref<1x128x64xf32, #tpu.memory_space<vmem>>
      %dma_start3A_253 = tpu.memref_squeeze %dma_start3A_252 : memref<1x128x64xf32, #tpu.memory_space<vmem>> -> memref<128x64xf32, #tpu.memory_space<vmem>>
      tpu.enqueue_dma source(%dma_start3A_253 : memref<128x64xf32, #tpu.memory_space<vmem>>) target(%dma_start3A_249 : memref<128x64xf32, #tpu.memory_space<vmem_shared>>) target_semaphore(%run_scoped3A_241 : memref<!tpu.dma_semaphore, #tpu.memory_space<semaphore_mem>>)
      %dma_wait3A_254 = arith.constant 0 : i32
      %dma_wait3A_255 = arith.constant 0 : i32
      %dma_wait3A_256 = tpu.memref_slice %arg13[%run_scoped3A_27, %dma_wait3A_254, %dma_wait3A_255] : memref<3x128x64xf32, #tpu.memory_space<vmem>> -> memref<1x128x64xf32, #tpu.memory_space<vmem>>
      %dma_wait3A_257 = tpu.memref_squeeze %dma_wait3A_256 : memref<1x128x64xf32, #tpu.memory_space<vmem>> -> memref<128x64xf32, #tpu.memory_space<vmem>>
      %dma_wait3A_258 = arith.constant 0 : i32
      %dma_wait3A_259 = tpu.memref_slice %arg19[%add3A_26, %dma_wait3A_258] : memref<10240x64xf32, #tpu.memory_space<vmem_shared>> -> memref<128x64xf32, #tpu.memory_space<vmem_shared>>
      %dma_wait3A_260 = arith.constant 0 : i32
      %dma_wait3A_261 = tpu.memref_slice %arg19[%add3A_26, %dma_wait3A_260] : memref<10240x64xf32, #tpu.memory_space<vmem_shared>> -> memref<128x64xf32, #tpu.memory_space<vmem_shared>>
      %dma_wait3A_262 = arith.constant 0 : i32
      %dma_wait3A_263 = arith.constant 0 : i32
      %dma_wait3A_264 = tpu.memref_slice %arg13[%run_scoped3A_27, %dma_wait3A_262, %dma_wait3A_263] : memref<3x128x64xf32, #tpu.memory_space<vmem>> -> memref<1x128x64xf32, #tpu.memory_space<vmem>>
      %dma_wait3A_265 = tpu.memref_squeeze %dma_wait3A_264 : memref<1x128x64xf32, #tpu.memory_space<vmem>> -> memref<128x64xf32, #tpu.memory_space<vmem>>
      tpu.wait_dma2 semaphore(%run_scoped3A_241 : memref<!tpu.dma_semaphore, #tpu.memory_space<semaphore_mem>>) src(%dma_wait3A_265 : memref<128x64xf32, #tpu.memory_space<vmem>>) dst(%dma_wait3A_261 : memref<128x64xf32, #tpu.memory_space<vmem_shared>>)
      tpu.yield
    }) : () -> ()
    %add3A_28 = arith.constant 0 : i32
    %add3A_29 = arith.addi %mul3A_4, %add3A_28 : i32
    %run_scoped3A_30 = arith.constant 0 : i32
    "tpu.region"() ({
      %run_scoped3A_241 = tpu.sem_alloc : memref<!tpu.dma_semaphore, #tpu.memory_space<semaphore_mem>>
      %dma_start3A_242 = arith.constant 0 : i32
      %dma_start3A_243 = arith.constant 0 : i32
      %dma_start3A_244 = tpu.memref_slice %arg14[%run_scoped3A_30, %dma_start3A_242, %dma_start3A_243] : memref<3x128x16xf32, #tpu.memory_space<vmem>> -> memref<1x128x16xf32, #tpu.memory_space<vmem>>
      %dma_start3A_245 = tpu.memref_squeeze %dma_start3A_244 : memref<1x128x16xf32, #tpu.memory_space<vmem>> -> memref<128x16xf32, #tpu.memory_space<vmem>>
      %dma_start3A_246 = arith.constant 0 : i32
      %dma_start3A_247 = tpu.memref_slice %arg20[%add3A_29, %dma_start3A_246] : memref<10240x16xf32, #tpu.memory_space<vmem_shared>> -> memref<128x16xf32, #tpu.memory_space<vmem_shared>>
      %dma_start3A_248 = arith.constant 0 : i32
      %dma_start3A_249 = tpu.memref_slice %arg20[%add3A_29, %dma_start3A_248] : memref<10240x16xf32, #tpu.memory_space<vmem_shared>> -> memref<128x16xf32, #tpu.memory_space<vmem_shared>>
      %dma_start3A_250 = arith.constant 0 : i32
      %dma_start3A_251 = arith.constant 0 : i32
      %dma_start3A_252 = tpu.memref_slice %arg14[%run_scoped3A_30, %dma_start3A_250, %dma_start3A_251] : memref<3x128x16xf32, #tpu.memory_space<vmem>> -> memref<1x128x16xf32, #tpu.memory_space<vmem>>
      %dma_start3A_253 = tpu.memref_squeeze %dma_start3A_252 : memref<1x128x16xf32, #tpu.memory_space<vmem>> -> memref<128x16xf32, #tpu.memory_space<vmem>>
      tpu.enqueue_dma source(%dma_start3A_253 : memref<128x16xf32, #tpu.memory_space<vmem>>) target(%dma_start3A_249 : memref<128x16xf32, #tpu.memory_space<vmem_shared>>) target_semaphore(%run_scoped3A_241 : memref<!tpu.dma_semaphore, #tpu.memory_space<semaphore_mem>>)
      %dma_wait3A_254 = arith.constant 0 : i32
      %dma_wait3A_255 = arith.constant 0 : i32
      %dma_wait3A_256 = tpu.memref_slice %arg14[%run_scoped3A_30, %dma_wait3A_254, %dma_wait3A_255] : memref<3x128x16xf32, #tpu.memory_space<vmem>> -> memref<1x128x16xf32, #tpu.memory_space<vmem>>
      %dma_wait3A_257 = tpu.memref_squeeze %dma_wait3A_256 : memref<1x128x16xf32, #tpu.memory_space<vmem>> -> memref<128x16xf32, #tpu.memory_space<vmem>>
      %dma_wait3A_258 = arith.constant 0 : i32
      %dma_wait3A_259 = tpu.memref_slice %arg20[%add3A_29, %dma_wait3A_258] : memref<10240x16xf32, #tpu.memory_space<vmem_shared>> -> memref<128x16xf32, #tpu.memory_space<vmem_shared>>
      %dma_wait3A_260 = arith.constant 0 : i32
      %dma_wait3A_261 = tpu.memref_slice %arg20[%add3A_29, %dma_wait3A_260] : memref<10240x16xf32, #tpu.memory_space<vmem_shared>> -> memref<128x16xf32, #tpu.memory_space<vmem_shared>>
      %dma_wait3A_262 = arith.constant 0 : i32
      %dma_wait3A_263 = arith.constant 0 : i32
      %dma_wait3A_264 = tpu.memref_slice %arg14[%run_scoped3A_30, %dma_wait3A_262, %dma_wait3A_263] : memref<3x128x16xf32, #tpu.memory_space<vmem>> -> memref<1x128x16xf32, #tpu.memory_space<vmem>>
      %dma_wait3A_265 = tpu.memref_squeeze %dma_wait3A_264 : memref<1x128x16xf32, #tpu.memory_space<vmem>> -> memref<128x16xf32, #tpu.memory_space<vmem>>
      tpu.wait_dma2 semaphore(%run_scoped3A_241 : memref<!tpu.dma_semaphore, #tpu.memory_space<semaphore_mem>>) src(%dma_wait3A_265 : memref<128x16xf32, #tpu.memory_space<vmem>>) dst(%dma_wait3A_261 : memref<128x16xf32, #tpu.memory_space<vmem_shared>>)
      tpu.yield
    }) : () -> ()
    %add3A_31 = arith.constant 128 : i32
    %add3A_32 = arith.addi %mul3A_4, %add3A_31 : i32
    %run_scoped3A_33 = arith.constant 0 : i32
    "tpu.region"() ({
      %run_scoped3A_241 = tpu.sem_alloc : memref<!tpu.dma_semaphore, #tpu.memory_space<semaphore_mem>>
      %dma_start3A_242 = arith.constant 0 : i32
      %dma_start3A_243 = arith.constant 0 : i32
      %dma_start3A_244 = tpu.memref_slice %arg14[%run_scoped3A_33, %dma_start3A_242, %dma_start3A_243] : memref<3x128x16xf32, #tpu.memory_space<vmem>> -> memref<1x128x16xf32, #tpu.memory_space<vmem>>
      %dma_start3A_245 = tpu.memref_squeeze %dma_start3A_244 : memref<1x128x16xf32, #tpu.memory_space<vmem>> -> memref<128x16xf32, #tpu.memory_space<vmem>>
      %dma_start3A_246 = arith.constant 0 : i32
      %dma_start3A_247 = tpu.memref_slice %arg20[%add3A_32, %dma_start3A_246] : memref<10240x16xf32, #tpu.memory_space<vmem_shared>> -> memref<128x16xf32, #tpu.memory_space<vmem_shared>>
      %dma_start3A_248 = arith.constant 0 : i32
      %dma_start3A_249 = tpu.memref_slice %arg20[%add3A_32, %dma_start3A_248] : memref<10240x16xf32, #tpu.memory_space<vmem_shared>> -> memref<128x16xf32, #tpu.memory_space<vmem_shared>>
      %dma_start3A_250 = arith.constant 0 : i32
      %dma_start3A_251 = arith.constant 0 : i32
      %dma_start3A_252 = tpu.memref_slice %arg14[%run_scoped3A_33, %dma_start3A_250, %dma_start3A_251] : memref<3x128x16xf32, #tpu.memory_space<vmem>> -> memref<1x128x16xf32, #tpu.memory_space<vmem>>
      %dma_start3A_253 = tpu.memref_squeeze %dma_start3A_252 : memref<1x128x16xf32, #tpu.memory_space<vmem>> -> memref<128x16xf32, #tpu.memory_space<vmem>>
      tpu.enqueue_dma source(%dma_start3A_253 : memref<128x16xf32, #tpu.memory_space<vmem>>) target(%dma_start3A_249 : memref<128x16xf32, #tpu.memory_space<vmem_shared>>) target_semaphore(%run_scoped3A_241 : memref<!tpu.dma_semaphore, #tpu.memory_space<semaphore_mem>>)
      %dma_wait3A_254 = arith.constant 0 : i32
      %dma_wait3A_255 = arith.constant 0 : i32
      %dma_wait3A_256 = tpu.memref_slice %arg14[%run_scoped3A_33, %dma_wait3A_254, %dma_wait3A_255] : memref<3x128x16xf32, #tpu.memory_space<vmem>> -> memref<1x128x16xf32, #tpu.memory_space<vmem>>
      %dma_wait3A_257 = tpu.memref_squeeze %dma_wait3A_256 : memref<1x128x16xf32, #tpu.memory_space<vmem>> -> memref<128x16xf32, #tpu.memory_space<vmem>>
      %dma_wait3A_258 = arith.constant 0 : i32
      %dma_wait3A_259 = tpu.memref_slice %arg20[%add3A_32, %dma_wait3A_258] : memref<10240x16xf32, #tpu.memory_space<vmem_shared>> -> memref<128x16xf32, #tpu.memory_space<vmem_shared>>
      %dma_wait3A_260 = arith.constant 0 : i32
      %dma_wait3A_261 = tpu.memref_slice %arg20[%add3A_32, %dma_wait3A_260] : memref<10240x16xf32, #tpu.memory_space<vmem_shared>> -> memref<128x16xf32, #tpu.memory_space<vmem_shared>>
      %dma_wait3A_262 = arith.constant 0 : i32
      %dma_wait3A_263 = arith.constant 0 : i32
      %dma_wait3A_264 = tpu.memref_slice %arg14[%run_scoped3A_33, %dma_wait3A_262, %dma_wait3A_263] : memref<3x128x16xf32, #tpu.memory_space<vmem>> -> memref<1x128x16xf32, #tpu.memory_space<vmem>>
      %dma_wait3A_265 = tpu.memref_squeeze %dma_wait3A_264 : memref<1x128x16xf32, #tpu.memory_space<vmem>> -> memref<128x16xf32, #tpu.memory_space<vmem>>
      tpu.wait_dma2 semaphore(%run_scoped3A_241 : memref<!tpu.dma_semaphore, #tpu.memory_space<semaphore_mem>>) src(%dma_wait3A_265 : memref<128x16xf32, #tpu.memory_space<vmem>>) dst(%dma_wait3A_261 : memref<128x16xf32, #tpu.memory_space<vmem_shared>>)
      tpu.yield
    }) : () -> ()
    %add3A_34 = arith.constant 256 : i32
    %add3A_35 = arith.addi %mul3A_4, %add3A_34 : i32
    %run_scoped3A_36 = arith.constant 0 : i32
    "tpu.region"() ({
      %run_scoped3A_241 = tpu.sem_alloc : memref<!tpu.dma_semaphore, #tpu.memory_space<semaphore_mem>>
      %dma_start3A_242 = arith.constant 0 : i32
      %dma_start3A_243 = arith.constant 0 : i32
      %dma_start3A_244 = tpu.memref_slice %arg14[%run_scoped3A_36, %dma_start3A_242, %dma_start3A_243] : memref<3x128x16xf32, #tpu.memory_space<vmem>> -> memref<1x128x16xf32, #tpu.memory_space<vmem>>
      %dma_start3A_245 = tpu.memref_squeeze %dma_start3A_244 : memref<1x128x16xf32, #tpu.memory_space<vmem>> -> memref<128x16xf32, #tpu.memory_space<vmem>>
      %dma_start3A_246 = arith.constant 0 : i32
      %dma_start3A_247 = tpu.memref_slice %arg20[%add3A_35, %dma_start3A_246] : memref<10240x16xf32, #tpu.memory_space<vmem_shared>> -> memref<128x16xf32, #tpu.memory_space<vmem_shared>>
      %dma_start3A_248 = arith.constant 0 : i32
      %dma_start3A_249 = tpu.memref_slice %arg20[%add3A_35, %dma_start3A_248] : memref<10240x16xf32, #tpu.memory_space<vmem_shared>> -> memref<128x16xf32, #tpu.memory_space<vmem_shared>>
      %dma_start3A_250 = arith.constant 0 : i32
      %dma_start3A_251 = arith.constant 0 : i32
      %dma_start3A_252 = tpu.memref_slice %arg14[%run_scoped3A_36, %dma_start3A_250, %dma_start3A_251] : memref<3x128x16xf32, #tpu.memory_space<vmem>> -> memref<1x128x16xf32, #tpu.memory_space<vmem>>
      %dma_start3A_253 = tpu.memref_squeeze %dma_start3A_252 : memref<1x128x16xf32, #tpu.memory_space<vmem>> -> memref<128x16xf32, #tpu.memory_space<vmem>>
      tpu.enqueue_dma source(%dma_start3A_253 : memref<128x16xf32, #tpu.memory_space<vmem>>) target(%dma_start3A_249 : memref<128x16xf32, #tpu.memory_space<vmem_shared>>) target_semaphore(%run_scoped3A_241 : memref<!tpu.dma_semaphore, #tpu.memory_space<semaphore_mem>>)
      %dma_wait3A_254 = arith.constant 0 : i32
      %dma_wait3A_255 = arith.constant 0 : i32
      %dma_wait3A_256 = tpu.memref_slice %arg14[%run_scoped3A_36, %dma_wait3A_254, %dma_wait3A_255] : memref<3x128x16xf32, #tpu.memory_space<vmem>> -> memref<1x128x16xf32, #tpu.memory_space<vmem>>
      %dma_wait3A_257 = tpu.memref_squeeze %dma_wait3A_256 : memref<1x128x16xf32, #tpu.memory_space<vmem>> -> memref<128x16xf32, #tpu.memory_space<vmem>>
      %dma_wait3A_258 = arith.constant 0 : i32
      %dma_wait3A_259 = tpu.memref_slice %arg20[%add3A_35, %dma_wait3A_258] : memref<10240x16xf32, #tpu.memory_space<vmem_shared>> -> memref<128x16xf32, #tpu.memory_space<vmem_shared>>
      %dma_wait3A_260 = arith.constant 0 : i32
      %dma_wait3A_261 = tpu.memref_slice %arg20[%add3A_35, %dma_wait3A_260] : memref<10240x16xf32, #tpu.memory_space<vmem_shared>> -> memref<128x16xf32, #tpu.memory_space<vmem_shared>>
      %dma_wait3A_262 = arith.constant 0 : i32
      %dma_wait3A_263 = arith.constant 0 : i32
      %dma_wait3A_264 = tpu.memref_slice %arg14[%run_scoped3A_36, %dma_wait3A_262, %dma_wait3A_263] : memref<3x128x16xf32, #tpu.memory_space<vmem>> -> memref<1x128x16xf32, #tpu.memory_space<vmem>>
      %dma_wait3A_265 = tpu.memref_squeeze %dma_wait3A_264 : memref<1x128x16xf32, #tpu.memory_space<vmem>> -> memref<128x16xf32, #tpu.memory_space<vmem>>
      tpu.wait_dma2 semaphore(%run_scoped3A_241 : memref<!tpu.dma_semaphore, #tpu.memory_space<semaphore_mem>>) src(%dma_wait3A_265 : memref<128x16xf32, #tpu.memory_space<vmem>>) dst(%dma_wait3A_261 : memref<128x16xf32, #tpu.memory_space<vmem_shared>>)
      tpu.yield
    }) : () -> ()
    %add3A_37 = arith.constant 384 : i32
    %add3A_38 = arith.addi %mul3A_4, %add3A_37 : i32
    %run_scoped3A_39 = arith.constant 0 : i32
    "tpu.region"() ({
      %run_scoped3A_241 = tpu.sem_alloc : memref<!tpu.dma_semaphore, #tpu.memory_space<semaphore_mem>>
      %dma_start3A_242 = arith.constant 0 : i32
      %dma_start3A_243 = arith.constant 0 : i32
      %dma_start3A_244 = tpu.memref_slice %arg14[%run_scoped3A_39, %dma_start3A_242, %dma_start3A_243] : memref<3x128x16xf32, #tpu.memory_space<vmem>> -> memref<1x128x16xf32, #tpu.memory_space<vmem>>
      %dma_start3A_245 = tpu.memref_squeeze %dma_start3A_244 : memref<1x128x16xf32, #tpu.memory_space<vmem>> -> memref<128x16xf32, #tpu.memory_space<vmem>>
      %dma_start3A_246 = arith.constant 0 : i32
      %dma_start3A_247 = tpu.memref_slice %arg20[%add3A_38, %dma_start3A_246] : memref<10240x16xf32, #tpu.memory_space<vmem_shared>> -> memref<128x16xf32, #tpu.memory_space<vmem_shared>>
      %dma_start3A_248 = arith.constant 0 : i32
      %dma_start3A_249 = tpu.memref_slice %arg20[%add3A_38, %dma_start3A_248] : memref<10240x16xf32, #tpu.memory_space<vmem_shared>> -> memref<128x16xf32, #tpu.memory_space<vmem_shared>>
      %dma_start3A_250 = arith.constant 0 : i32
      %dma_start3A_251 = arith.constant 0 : i32
      %dma_start3A_252 = tpu.memref_slice %arg14[%run_scoped3A_39, %dma_start3A_250, %dma_start3A_251] : memref<3x128x16xf32, #tpu.memory_space<vmem>> -> memref<1x128x16xf32, #tpu.memory_space<vmem>>
      %dma_start3A_253 = tpu.memref_squeeze %dma_start3A_252 : memref<1x128x16xf32, #tpu.memory_space<vmem>> -> memref<128x16xf32, #tpu.memory_space<vmem>>
      tpu.enqueue_dma source(%dma_start3A_253 : memref<128x16xf32, #tpu.memory_space<vmem>>) target(%dma_start3A_249 : memref<128x16xf32, #tpu.memory_space<vmem_shared>>) target_semaphore(%run_scoped3A_241 : memref<!tpu.dma_semaphore, #tpu.memory_space<semaphore_mem>>)
      %dma_wait3A_254 = arith.constant 0 : i32
      %dma_wait3A_255 = arith.constant 0 : i32
      %dma_wait3A_256 = tpu.memref_slice %arg14[%run_scoped3A_39, %dma_wait3A_254, %dma_wait3A_255] : memref<3x128x16xf32, #tpu.memory_space<vmem>> -> memref<1x128x16xf32, #tpu.memory_space<vmem>>
      %dma_wait3A_257 = tpu.memref_squeeze %dma_wait3A_256 : memref<1x128x16xf32, #tpu.memory_space<vmem>> -> memref<128x16xf32, #tpu.memory_space<vmem>>
      %dma_wait3A_258 = arith.constant 0 : i32
      %dma_wait3A_259 = tpu.memref_slice %arg20[%add3A_38, %dma_wait3A_258] : memref<10240x16xf32, #tpu.memory_space<vmem_shared>> -> memref<128x16xf32, #tpu.memory_space<vmem_shared>>
      %dma_wait3A_260 = arith.constant 0 : i32
      %dma_wait3A_261 = tpu.memref_slice %arg20[%add3A_38, %dma_wait3A_260] : memref<10240x16xf32, #tpu.memory_space<vmem_shared>> -> memref<128x16xf32, #tpu.memory_space<vmem_shared>>
      %dma_wait3A_262 = arith.constant 0 : i32
      %dma_wait3A_263 = arith.constant 0 : i32
      %dma_wait3A_264 = tpu.memref_slice %arg14[%run_scoped3A_39, %dma_wait3A_262, %dma_wait3A_263] : memref<3x128x16xf32, #tpu.memory_space<vmem>> -> memref<1x128x16xf32, #tpu.memory_space<vmem>>
      %dma_wait3A_265 = tpu.memref_squeeze %dma_wait3A_264 : memref<1x128x16xf32, #tpu.memory_space<vmem>> -> memref<128x16xf32, #tpu.memory_space<vmem>>
      tpu.wait_dma2 semaphore(%run_scoped3A_241 : memref<!tpu.dma_semaphore, #tpu.memory_space<semaphore_mem>>) src(%dma_wait3A_265 : memref<128x16xf32, #tpu.memory_space<vmem>>) dst(%dma_wait3A_261 : memref<128x16xf32, #tpu.memory_space<vmem_shared>>)
      tpu.yield
    }) : () -> ()
    %add3A_40 = arith.constant 512 : i32
    %add3A_41 = arith.addi %mul3A_4, %add3A_40 : i32
    %run_scoped3A_42 = arith.constant 0 : i32
    "tpu.region"() ({
      %run_scoped3A_241 = tpu.sem_alloc : memref<!tpu.dma_semaphore, #tpu.memory_space<semaphore_mem>>
      %dma_start3A_242 = arith.constant 0 : i32
      %dma_start3A_243 = arith.constant 0 : i32
      %dma_start3A_244 = tpu.memref_slice %arg14[%run_scoped3A_42, %dma_start3A_242, %dma_start3A_243] : memref<3x128x16xf32, #tpu.memory_space<vmem>> -> memref<1x128x16xf32, #tpu.memory_space<vmem>>
      %dma_start3A_245 = tpu.memref_squeeze %dma_start3A_244 : memref<1x128x16xf32, #tpu.memory_space<vmem>> -> memref<128x16xf32, #tpu.memory_space<vmem>>
      %dma_start3A_246 = arith.constant 0 : i32
      %dma_start3A_247 = tpu.memref_slice %arg20[%add3A_41, %dma_start3A_246] : memref<10240x16xf32, #tpu.memory_space<vmem_shared>> -> memref<128x16xf32, #tpu.memory_space<vmem_shared>>
      %dma_start3A_248 = arith.constant 0 : i32
      %dma_start3A_249 = tpu.memref_slice %arg20[%add3A_41, %dma_start3A_248] : memref<10240x16xf32, #tpu.memory_space<vmem_shared>> -> memref<128x16xf32, #tpu.memory_space<vmem_shared>>
      %dma_start3A_250 = arith.constant 0 : i32
      %dma_start3A_251 = arith.constant 0 : i32
      %dma_start3A_252 = tpu.memref_slice %arg14[%run_scoped3A_42, %dma_start3A_250, %dma_start3A_251] : memref<3x128x16xf32, #tpu.memory_space<vmem>> -> memref<1x128x16xf32, #tpu.memory_space<vmem>>
      %dma_start3A_253 = tpu.memref_squeeze %dma_start3A_252 : memref<1x128x16xf32, #tpu.memory_space<vmem>> -> memref<128x16xf32, #tpu.memory_space<vmem>>
      tpu.enqueue_dma source(%dma_start3A_253 : memref<128x16xf32, #tpu.memory_space<vmem>>) target(%dma_start3A_249 : memref<128x16xf32, #tpu.memory_space<vmem_shared>>) target_semaphore(%run_scoped3A_241 : memref<!tpu.dma_semaphore, #tpu.memory_space<semaphore_mem>>)
      %dma_wait3A_254 = arith.constant 0 : i32
      %dma_wait3A_255 = arith.constant 0 : i32
      %dma_wait3A_256 = tpu.memref_slice %arg14[%run_scoped3A_42, %dma_wait3A_254, %dma_wait3A_255] : memref<3x128x16xf32, #tpu.memory_space<vmem>> -> memref<1x128x16xf32, #tpu.memory_space<vmem>>
      %dma_wait3A_257 = tpu.memref_squeeze %dma_wait3A_256 : memref<1x128x16xf32, #tpu.memory_space<vmem>> -> memref<128x16xf32, #tpu.memory_space<vmem>>
      %dma_wait3A_258 = arith.constant 0 : i32
      %dma_wait3A_259 = tpu.memref_slice %arg20[%add3A_41, %dma_wait3A_258] : memref<10240x16xf32, #tpu.memory_space<vmem_shared>> -> memref<128x16xf32, #tpu.memory_space<vmem_shared>>
      %dma_wait3A_260 = arith.constant 0 : i32
      %dma_wait3A_261 = tpu.memref_slice %arg20[%add3A_41, %dma_wait3A_260] : memref<10240x16xf32, #tpu.memory_space<vmem_shared>> -> memref<128x16xf32, #tpu.memory_space<vmem_shared>>
      %dma_wait3A_262 = arith.constant 0 : i32
      %dma_wait3A_263 = arith.constant 0 : i32
      %dma_wait3A_264 = tpu.memref_slice %arg14[%run_scoped3A_42, %dma_wait3A_262, %dma_wait3A_263] : memref<3x128x16xf32, #tpu.memory_space<vmem>> -> memref<1x128x16xf32, #tpu.memory_space<vmem>>
      %dma_wait3A_265 = tpu.memref_squeeze %dma_wait3A_264 : memref<1x128x16xf32, #tpu.memory_space<vmem>> -> memref<128x16xf32, #tpu.memory_space<vmem>>
      tpu.wait_dma2 semaphore(%run_scoped3A_241 : memref<!tpu.dma_semaphore, #tpu.memory_space<semaphore_mem>>) src(%dma_wait3A_265 : memref<128x16xf32, #tpu.memory_space<vmem>>) dst(%dma_wait3A_261 : memref<128x16xf32, #tpu.memory_space<vmem_shared>>)
      tpu.yield
    }) : () -> ()
    %barrier3A = arith.constant 0 : index
    tpu.barrier barrier_id(%barrier3A)
    %get3A = arith.constant 0 : index
    %get3A_43 = tpu.vector_load %arg17[%get3A] {strides = array<i32>} : memref<16xf32, #tpu.memory_space<vmem>>, vector<16xf32>,
    %run_scoped3A_44 = arith.constant 0 : i32
    %run_scoped3A_45 = arith.constant 0 : i32
    "tpu.region"() ({
      %run_scoped3A_241 = tpu.sem_alloc : memref<!tpu.dma_semaphore, #tpu.memory_space<semaphore_mem>>
      %dma_start3A_242 = arith.constant 0 : i32
      %dma_start3A_243 = arith.constant 0 : i32
      %dma_start3A_244 = tpu.memref_slice %arg11[%run_scoped3A_45, %dma_start3A_242, %dma_start3A_243] : memref<2x28x128xi32, #tpu.memory_space<vmem>> -> memref<1x28x128xi32, #tpu.memory_space<vmem>>
      %dma_start3A_245 = tpu.memref_squeeze %dma_start3A_244 : memref<1x28x128xi32, #tpu.memory_space<vmem>> -> memref<28x128xi32, #tpu.memory_space<vmem>>
      %dma_start3A_246 = arith.constant 0 : i32
      %dma_start3A_247 = arith.constant 0 : i32
      %dma_start3A_248 = tpu.memref_slice %arg2[%add3A, %run_scoped3A_44, %dma_start3A_246, %dma_start3A_247] : memref<32x3x28x128xi32, #tpu.memory_space<hbm>> -> memref<1x1x28x128xi32, #tpu.memory_space<hbm>>
      %dma_start3A_249 = tpu.memref_squeeze %dma_start3A_248 : memref<1x1x28x128xi32, #tpu.memory_space<hbm>> -> memref<28x128xi32, #tpu.memory_space<hbm>>
      %dma_start3A_250 = arith.constant 0 : i32
      %dma_start3A_251 = arith.constant 0 : i32
      %dma_start3A_252 = tpu.memref_slice %arg11[%run_scoped3A_45, %dma_start3A_250, %dma_start3A_251] : memref<2x28x128xi32, #tpu.memory_space<vmem>> -> memref<1x28x128xi32, #tpu.memory_space<vmem>>
      %dma_start3A_253 = tpu.memref_squeeze %dma_start3A_252 : memref<1x28x128xi32, #tpu.memory_space<vmem>> -> memref<28x128xi32, #tpu.memory_space<vmem>>
      %dma_start3A_254 = arith.constant 0 : i32
      %dma_start3A_255 = arith.constant 0 : i32
      %dma_start3A_256 = tpu.memref_slice %arg2[%add3A, %run_scoped3A_44, %dma_start3A_254, %dma_start3A_255] : memref<32x3x28x128xi32, #tpu.memory_space<hbm>> -> memref<1x1x28x128xi32, #tpu.memory_space<hbm>>
      %dma_start3A_257 = tpu.memref_squeeze %dma_start3A_256 : memref<1x1x28x128xi32, #tpu.memory_space<hbm>> -> memref<28x128xi32, #tpu.memory_space<hbm>>
      tpu.enqueue_dma source(%dma_start3A_257 : memref<28x128xi32, #tpu.memory_space<hbm>>) target(%dma_start3A_253 : memref<28x128xi32, #tpu.memory_space<vmem>>) target_semaphore(%run_scoped3A_241 : memref<!tpu.dma_semaphore, #tpu.memory_space<semaphore_mem>>)
      %dma_wait3A_258 = arith.constant 0 : i32
      %dma_wait3A_259 = arith.constant 0 : i32
      %dma_wait3A_260 = tpu.memref_slice %arg11[%run_scoped3A_45, %dma_wait3A_258, %dma_wait3A_259] : memref<2x28x128xi32, #tpu.memory_space<vmem>> -> memref<1x28x128xi32, #tpu.memory_space<vmem>>
      %dma_wait3A_261 = tpu.memref_squeeze %dma_wait3A_260 : memref<1x28x128xi32, #tpu.memory_space<vmem>> -> memref<28x128xi32, #tpu.memory_space<vmem>>
      %dma_wait3A_262 = arith.constant 0 : i32
      %dma_wait3A_263 = arith.constant 0 : i32
      %dma_wait3A_264 = tpu.memref_slice %arg2[%add3A, %run_scoped3A_44, %dma_wait3A_262, %dma_wait3A_263] : memref<32x3x28x128xi32, #tpu.memory_space<hbm>> -> memref<1x1x28x128xi32, #tpu.memory_space<hbm>>
      %dma_wait3A_265 = tpu.memref_squeeze %dma_wait3A_264 : memref<1x1x28x128xi32, #tpu.memory_space<hbm>> -> memref<28x128xi32, #tpu.memory_space<hbm>>
      %dma_wait3A_266 = arith.constant 0 : i32
      %dma_wait3A_267 = arith.constant 0 : i32
      %dma_wait3A_268 = tpu.memref_slice %arg11[%run_scoped3A_45, %dma_wait3A_266, %dma_wait3A_267] : memref<2x28x128xi32, #tpu.memory_space<vmem>> -> memref<1x28x128xi32, #tpu.memory_space<vmem>>
      %dma_wait3A_269 = tpu.memref_squeeze %dma_wait3A_268 : memref<1x28x128xi32, #tpu.memory_space<vmem>> -> memref<28x128xi32, #tpu.memory_space<vmem>>
      %dma_wait3A_270 = arith.constant 0 : i32
      %dma_wait3A_271 = arith.constant 0 : i32
      %dma_wait3A_272 = tpu.memref_slice %arg2[%add3A, %run_scoped3A_44, %dma_wait3A_270, %dma_wait3A_271] : memref<32x3x28x128xi32, #tpu.memory_space<hbm>> -> memref<1x1x28x128xi32, #tpu.memory_space<hbm>>
      %dma_wait3A_273 = tpu.memref_squeeze %dma_wait3A_272 : memref<1x1x28x128xi32, #tpu.memory_space<hbm>> -> memref<28x128xi32, #tpu.memory_space<hbm>>
      tpu.wait_dma2 semaphore(%run_scoped3A_241 : memref<!tpu.dma_semaphore, #tpu.memory_space<semaphore_mem>>) src(%dma_wait3A_273 : memref<28x128xi32, #tpu.memory_space<hbm>>) dst(%dma_wait3A_269 : memref<28x128xi32, #tpu.memory_space<vmem>>)
      tpu.yield
    }) : () -> ()
    %run_scoped3A_46 = arith.constant 0 : i32
    %run_scoped3A_47 = arith.constant 0 : i32
    "tpu.region"() ({
      %run_scoped3A_241 = tpu.sem_alloc : memref<!tpu.dma_semaphore, #tpu.memory_space<semaphore_mem>>
      %dma_start3A_242 = arith.constant 0 : i32
      %dma_start3A_243 = arith.constant 0 : i32
      %dma_start3A_244 = tpu.memref_slice %arg12[%run_scoped3A_47, %dma_start3A_242, %dma_start3A_243] : memref<2x28x128xi32, #tpu.memory_space<vmem>> -> memref<1x28x128xi32, #tpu.memory_space<vmem>>
      %dma_start3A_245 = tpu.memref_squeeze %dma_start3A_244 : memref<1x28x128xi32, #tpu.memory_space<vmem>> -> memref<28x128xi32, #tpu.memory_space<vmem>>
      %dma_start3A_246 = arith.constant 0 : i32
      %dma_start3A_247 = arith.constant 0 : i32
      %dma_start3A_248 = tpu.memref_slice %arg3[%add3A, %run_scoped3A_46, %dma_start3A_246, %dma_start3A_247] : memref<32x3x28x128xi32, #tpu.memory_space<hbm>> -> memref<1x1x28x128xi32, #tpu.memory_space<hbm>>
      %dma_start3A_249 = tpu.memref_squeeze %dma_start3A_248 : memref<1x1x28x128xi32, #tpu.memory_space<hbm>> -> memref<28x128xi32, #tpu.memory_space<hbm>>
      %dma_start3A_250 = arith.constant 0 : i32
      %dma_start3A_251 = arith.constant 0 : i32
      %dma_start3A_252 = tpu.memref_slice %arg12[%run_scoped3A_47, %dma_start3A_250, %dma_start3A_251] : memref<2x28x128xi32, #tpu.memory_space<vmem>> -> memref<1x28x128xi32, #tpu.memory_space<vmem>>
      %dma_start3A_253 = tpu.memref_squeeze %dma_start3A_252 : memref<1x28x128xi32, #tpu.memory_space<vmem>> -> memref<28x128xi32, #tpu.memory_space<vmem>>
      %dma_start3A_254 = arith.constant 0 : i32
      %dma_start3A_255 = arith.constant 0 : i32
      %dma_start3A_256 = tpu.memref_slice %arg3[%add3A, %run_scoped3A_46, %dma_start3A_254, %dma_start3A_255] : memref<32x3x28x128xi32, #tpu.memory_space<hbm>> -> memref<1x1x28x128xi32, #tpu.memory_space<hbm>>
      %dma_start3A_257 = tpu.memref_squeeze %dma_start3A_256 : memref<1x1x28x128xi32, #tpu.memory_space<hbm>> -> memref<28x128xi32, #tpu.memory_space<hbm>>
      tpu.enqueue_dma source(%dma_start3A_257 : memref<28x128xi32, #tpu.memory_space<hbm>>) target(%dma_start3A_253 : memref<28x128xi32, #tpu.memory_space<vmem>>) target_semaphore(%run_scoped3A_241 : memref<!tpu.dma_semaphore, #tpu.memory_space<semaphore_mem>>)
      %dma_wait3A_258 = arith.constant 0 : i32
      %dma_wait3A_259 = arith.constant 0 : i32
      %dma_wait3A_260 = tpu.memref_slice %arg12[%run_scoped3A_47, %dma_wait3A_258, %dma_wait3A_259] : memref<2x28x128xi32, #tpu.memory_space<vmem>> -> memref<1x28x128xi32, #tpu.memory_space<vmem>>
      %dma_wait3A_261 = tpu.memref_squeeze %dma_wait3A_260 : memref<1x28x128xi32, #tpu.memory_space<vmem>> -> memref<28x128xi32, #tpu.memory_space<vmem>>
      %dma_wait3A_262 = arith.constant 0 : i32
      %dma_wait3A_263 = arith.constant 0 : i32
      %dma_wait3A_264 = tpu.memref_slice %arg3[%add3A, %run_scoped3A_46, %dma_wait3A_262, %dma_wait3A_263] : memref<32x3x28x128xi32, #tpu.memory_space<hbm>> -> memref<1x1x28x128xi32, #tpu.memory_space<hbm>>
      %dma_wait3A_265 = tpu.memref_squeeze %dma_wait3A_264 : memref<1x1x28x128xi32, #tpu.memory_space<hbm>> -> memref<28x128xi32, #tpu.memory_space<hbm>>
      %dma_wait3A_266 = arith.constant 0 : i32
      %dma_wait3A_267 = arith.constant 0 : i32
      %dma_wait3A_268 = tpu.memref_slice %arg12[%run_scoped3A_47, %dma_wait3A_266, %dma_wait3A_267] : memref<2x28x128xi32, #tpu.memory_space<vmem>> -> memref<1x28x128xi32, #tpu.memory_space<vmem>>
      %dma_wait3A_269 = tpu.memref_squeeze %dma_wait3A_268 : memref<1x28x128xi32, #tpu.memory_space<vmem>> -> memref<28x128xi32, #tpu.memory_space<vmem>>
      %dma_wait3A_270 = arith.constant 0 : i32
      %dma_wait3A_271 = arith.constant 0 : i32
      %dma_wait3A_272 = tpu.memref_slice %arg3[%add3A, %run_scoped3A_46, %dma_wait3A_270, %dma_wait3A_271] : memref<32x3x28x128xi32, #tpu.memory_space<hbm>> -> memref<1x1x28x128xi32, #tpu.memory_space<hbm>>
      %dma_wait3A_273 = tpu.memref_squeeze %dma_wait3A_272 : memref<1x1x28x128xi32, #tpu.memory_space<hbm>> -> memref<28x128xi32, #tpu.memory_space<hbm>>
      tpu.wait_dma2 semaphore(%run_scoped3A_241 : memref<!tpu.dma_semaphore, #tpu.memory_space<semaphore_mem>>) src(%dma_wait3A_273 : memref<28x128xi32, #tpu.memory_space<hbm>>) dst(%dma_wait3A_269 : memref<28x128xi32, #tpu.memory_space<vmem>>)
      tpu.yield
    }) : () -> ()
    %div3A = arith.constant 0 : i32
    %div3A_48 = arith.constant 28 : i32
    %div3A_49 = arith.divsi %div3A, %div3A_48 : i32
    %rem3A = arith.constant 2 : i32
    %rem3A_50 = arith.remsi %div3A_49, %rem3A : i32
    %rem3A_51 = arith.constant 0 : i32
    %rem3A_52 = arith.constant 28 : i32
    %rem3A_53 = arith.remsi %rem3A_51, %rem3A_52 : i32
    %dma_start3A = arith.constant 0 : i32
    %dma_start3A_54 = arith.constant 0 : i32
    %dma_start3A_55 = arith.constant 0 : i32
    %dma_start3A_56 = tpu.memref_slice %arg15[%dma_start3A, %dma_start3A_54, %dma_start3A_55] : memref<3x128x16xf32, #tpu.memory_space<vmem>> -> memref<1x128x16xf32, #tpu.memory_space<vmem>>
    %dma_start3A_57 = tpu.memref_squeeze %dma_start3A_56 : memref<1x128x16xf32, #tpu.memory_space<vmem>> -> memref<128x16xf32, #tpu.memory_space<vmem>>
    %dma_start3A_58 = arith.constant 0 : i32
    %dma_start3A_59 = tpu.memref_slice %arg11[%rem3A_50, %rem3A_53, %dma_start3A_58] : memref<2x28x128xi32, #tpu.memory_space<vmem>> -> memref<1x1x128xi32, #tpu.memory_space<vmem>>
    %dma_start3A_60 = tpu.memref_squeeze %dma_start3A_59 : memref<1x1x128xi32, #tpu.memory_space<vmem>> -> memref<128xi32, #tpu.memory_space<vmem>>
    %dma_start3A_61 = arith.constant 0 : i32
    %dma_start3A_62 = arith.constant 0 : i32
    %dma_start3A_63 = tpu.memref_slice %arg4[%dma_start3A_61, %dma_start3A_62] : memref<10000x16xf32, #tpu.memory_space<hbm>> -> memref<10000x16xf32, #tpu.memory_space<hbm>>
    tpu.enqueue_indirect_dma source(%dma_start3A_63 : memref<10000x16xf32, #tpu.memory_space<hbm>>) target(%dma_start3A_57 : memref<128x16xf32, #tpu.memory_space<vmem>>) offsets(%dma_start3A_60 : memref<128xi32, #tpu.memory_space<vmem>>) semaphore(%arg21 : memref<!tpu.dma_semaphore, #tpu.memory_space<semaphore_mem>>)
    %dma_start3A_64 = arith.constant 0 : i32
    %dma_start3A_65 = arith.constant 0 : i32
    %dma_start3A_66 = arith.constant 0 : i32
    %dma_start3A_67 = tpu.memref_slice %arg16[%dma_start3A_64, %dma_start3A_65, %dma_start3A_66] : memref<3x128x16xf32, #tpu.memory_space<vmem>> -> memref<1x128x16xf32, #tpu.memory_space<vmem>>
    %dma_start3A_68 = tpu.memref_squeeze %dma_start3A_67 : memref<1x128x16xf32, #tpu.memory_space<vmem>> -> memref<128x16xf32, #tpu.memory_space<vmem>>
    %dma_start3A_69 = arith.constant 0 : i32
    %dma_start3A_70 = tpu.memref_slice %arg12[%rem3A_50, %rem3A_53, %dma_start3A_69] : memref<2x28x128xi32, #tpu.memory_space<vmem>> -> memref<1x1x128xi32, #tpu.memory_space<vmem>>
    %dma_start3A_71 = tpu.memref_squeeze %dma_start3A_70 : memref<1x1x128xi32, #tpu.memory_space<vmem>> -> memref<128xi32, #tpu.memory_space<vmem>>
    %dma_start3A_72 = arith.constant 0 : i32
    %dma_start3A_73 = arith.constant 0 : i32
    %dma_start3A_74 = tpu.memref_slice %arg5[%dma_start3A_72, %dma_start3A_73] : memref<10000x16xf32, #tpu.memory_space<hbm>> -> memref<10000x16xf32, #tpu.memory_space<hbm>>
    tpu.enqueue_indirect_dma source(%dma_start3A_74 : memref<10000x16xf32, #tpu.memory_space<hbm>>) target(%dma_start3A_68 : memref<128x16xf32, #tpu.memory_space<vmem>>) offsets(%dma_start3A_71 : memref<128xi32, #tpu.memory_space<vmem>>) semaphore(%arg21 : memref<!tpu.dma_semaphore, #tpu.memory_space<semaphore_mem>>)
    %dma_start3A_75 = arith.constant 0 : i32
    %dma_start3A_76 = arith.constant 0 : i32
    %dma_start3A_77 = arith.constant 0 : i32
    %dma_start3A_78 = tpu.memref_slice %arg13[%dma_start3A_75, %dma_start3A_76, %dma_start3A_77] : memref<3x128x64xf32, #tpu.memory_space<vmem>> -> memref<1x128x64xf32, #tpu.memory_space<vmem>>
    %dma_start3A_79 = tpu.memref_squeeze %dma_start3A_78 : memref<1x128x64xf32, #tpu.memory_space<vmem>> -> memref<128x64xf32, #tpu.memory_space<vmem>>
    %dma_start3A_80 = arith.constant 0 : i32
    %dma_start3A_81 = tpu.memref_slice %arg12[%rem3A_50, %rem3A_53, %dma_start3A_80] : memref<2x28x128xi32, #tpu.memory_space<vmem>> -> memref<1x1x128xi32, #tpu.memory_space<vmem>>
    %dma_start3A_82 = tpu.memref_squeeze %dma_start3A_81 : memref<1x1x128xi32, #tpu.memory_space<vmem>> -> memref<128xi32, #tpu.memory_space<vmem>>
    %dma_start3A_83 = arith.constant 0 : i32
    %dma_start3A_84 = arith.constant 0 : i32
    %dma_start3A_85 = tpu.memref_slice %arg6[%dma_start3A_83, %dma_start3A_84] : memref<10000x64xf32, #tpu.memory_space<hbm>> -> memref<10000x64xf32, #tpu.memory_space<hbm>>
    tpu.enqueue_indirect_dma source(%dma_start3A_85 : memref<10000x64xf32, #tpu.memory_space<hbm>>) target(%dma_start3A_79 : memref<128x64xf32, #tpu.memory_space<vmem>>) offsets(%dma_start3A_82 : memref<128xi32, #tpu.memory_space<vmem>>) semaphore(%arg21 : memref<!tpu.dma_semaphore, #tpu.memory_space<semaphore_mem>>)
    %scan3A_86 = arith.constant 0 : i32
    %scan3A_87 = arith.constant 0 : i32
    %scan3A_88 = arith.constant 28 : i32
    %scan3A_89 = arith.addi %scan3A_87, %scan3A_88 : i32
    %scan3A_90 = arith.constant 1 : i32
    %scan3A_91 = scf.for %scan3A_241 = %scan3A_87 to %scan3A_89 step %scan3A_90 iter_args(%scan3A_242 = %scan3A_86) -> (i32)  : i32 {
      %mul3A_243 = arith.constant 3 : i32
      %mul3A_244 = arith.muli %scan3A_241, %mul3A_243 : i32
      %add3A_245 = arith.constant 1 : i32
      %add3A_246 = arith.addi %mul3A_244, %add3A_245 : i32
      %rem3A_247 = arith.constant 28 : i32
      %rem3A_248 = arith.remsi %add3A_246, %rem3A_247 : i32
      %eq3A = arith.constant 0 : i32
      %eq3A_249 = arith.cmpi eq, %rem3A_248, %eq3A : i32
      %add3A_250 = arith.constant 1 : i32
      %add3A_251 = arith.addi %mul3A_244, %add3A_250 : i32
      %lt3A = arith.constant 84 : i32
      %lt3A_252 = arith.cmpi slt, %add3A_251, %lt3A : i32
      %and3A = arith.andi %eq3A_249, %lt3A_252 : i1
      %convert_element_type3A = arith.extui %and3A : i1 to i32
      %cond3A = arith.constant 0 : i32
      %cond3A_253 = arith.cmpi ne, %convert_element_type3A, %cond3A : i32
      scf.if %cond3A_253 {
        %add3A_1662 = arith.constant 1 : i32
        %add3A_1663 = arith.addi %mul3A_244, %add3A_1662 : i32
        %div3A_1664 = arith.constant 28 : i32
        %div3A_1665 = arith.divsi %add3A_1663, %div3A_1664 : i32
        %rem3A_1666 = arith.constant 2 : i32
        %rem3A_1667 = arith.remsi %div3A_1665, %rem3A_1666 : i32
        "tpu.region"() ({
          %run_scoped3A_1668 = tpu.sem_alloc : memref<!tpu.dma_semaphore, #tpu.memory_space<semaphore_mem>>
          %dma_start3A_1669 = arith.constant 0 : i32
          %dma_start3A_1670 = arith.constant 0 : i32
          %dma_start3A_1671 = tpu.memref_slice %arg11[%rem3A_1667, %dma_start3A_1669, %dma_start3A_1670] : memref<2x28x128xi32, #tpu.memory_space<vmem>> -> memref<1x28x128xi32, #tpu.memory_space<vmem>>
          %dma_start3A_1672 = tpu.memref_squeeze %dma_start3A_1671 : memref<1x28x128xi32, #tpu.memory_space<vmem>> -> memref<28x128xi32, #tpu.memory_space<vmem>>
          %dma_start3A_1673 = arith.constant 0 : i32
          %dma_start3A_1674 = arith.constant 0 : i32
          %dma_start3A_1675 = tpu.memref_slice %arg2[%add3A, %div3A_1665, %dma_start3A_1673, %dma_start3A_1674] : memref<32x3x28x128xi32, #tpu.memory_space<hbm>> -> memref<1x1x28x128xi32, #tpu.memory_space<hbm>>
          %dma_start3A_1676 = tpu.memref_squeeze %dma_start3A_1675 : memref<1x1x28x128xi32, #tpu.memory_space<hbm>> -> memref<28x128xi32, #tpu.memory_space<hbm>>
          %dma_start3A_1677 = arith.constant 0 : i32
          %dma_start3A_1678 = arith.constant 0 : i32
          %dma_start3A_1679 = tpu.memref_slice %arg11[%rem3A_1667, %dma_start3A_1677, %dma_start3A_1678] : memref<2x28x128xi32, #tpu.memory_space<vmem>> -> memref<1x28x128xi32, #tpu.memory_space<vmem>>
          %dma_start3A_1680 = tpu.memref_squeeze %dma_start3A_1679 : memref<1x28x128xi32, #tpu.memory_space<vmem>> -> memref<28x128xi32, #tpu.memory_space<vmem>>
          %dma_start3A_1681 = arith.constant 0 : i32
          %dma_start3A_1682 = arith.constant 0 : i32
          %dma_start3A_1683 = tpu.memref_slice %arg2[%add3A, %div3A_1665, %dma_start3A_1681, %dma_start3A_1682] : memref<32x3x28x128xi32, #tpu.memory_space<hbm>> -> memref<1x1x28x128xi32, #tpu.memory_space<hbm>>
          %dma_start3A_1684 = tpu.memref_squeeze %dma_start3A_1683 : memref<1x1x28x128xi32, #tpu.memory_space<hbm>> -> memref<28x128xi32, #tpu.memory_space<hbm>>
          tpu.enqueue_dma source(%dma_start3A_1684 : memref<28x128xi32, #tpu.memory_space<hbm>>) target(%dma_start3A_1680 : memref<28x128xi32, #tpu.memory_space<vmem>>) target_semaphore(%run_scoped3A_1668 : memref<!tpu.dma_semaphore, #tpu.memory_space<semaphore_mem>>)
          %dma_wait3A_1685 = arith.constant 0 : i32
          %dma_wait3A_1686 = arith.constant 0 : i32
          %dma_wait3A_1687 = tpu.memref_slice %arg11[%rem3A_1667, %dma_wait3A_1685, %dma_wait3A_1686] : memref<2x28x128xi32, #tpu.memory_space<vmem>> -> memref<1x28x128xi32, #tpu.memory_space<vmem>>
          %dma_wait3A_1688 = tpu.memref_squeeze %dma_wait3A_1687 : memref<1x28x128xi32, #tpu.memory_space<vmem>> -> memref<28x128xi32, #tpu.memory_space<vmem>>
          %dma_wait3A_1689 = arith.constant 0 : i32
          %dma_wait3A_1690 = arith.constant 0 : i32
          %dma_wait3A_1691 = tpu.memref_slice %arg2[%add3A, %div3A_1665, %dma_wait3A_1689, %dma_wait3A_1690] : memref<32x3x28x128xi32, #tpu.memory_space<hbm>> -> memref<1x1x28x128xi32, #tpu.memory_space<hbm>>
          %dma_wait3A_1692 = tpu.memref_squeeze %dma_wait3A_1691 : memref<1x1x28x128xi32, #tpu.memory_space<hbm>> -> memref<28x128xi32, #tpu.memory_space<hbm>>
          %dma_wait3A_1693 = arith.constant 0 : i32
          %dma_wait3A_1694 = arith.constant 0 : i32
          %dma_wait3A_1695 = tpu.memref_slice %arg11[%rem3A_1667, %dma_wait3A_1693, %dma_wait3A_1694] : memref<2x28x128xi32, #tpu.memory_space<vmem>> -> memref<1x28x128xi32, #tpu.memory_space<vmem>>
          %dma_wait3A_1696 = tpu.memref_squeeze %dma_wait3A_1695 : memref<1x28x128xi32, #tpu.memory_space<vmem>> -> memref<28x128xi32, #tpu.memory_space<vmem>>
          %dma_wait3A_1697 = arith.constant 0 : i32
          %dma_wait3A_1698 = arith.constant 0 : i32
          %dma_wait3A_1699 = tpu.memref_slice %arg2[%add3A, %div3A_1665, %dma_wait3A_1697, %dma_wait3A_1698] : memref<32x3x28x128xi32, #tpu.memory_space<hbm>> -> memref<1x1x28x128xi32, #tpu.memory_space<hbm>>
          %dma_wait3A_1700 = tpu.memref_squeeze %dma_wait3A_1699 : memref<1x1x28x128xi32, #tpu.memory_space<hbm>> -> memref<28x128xi32, #tpu.memory_space<hbm>>
          tpu.wait_dma2 semaphore(%run_scoped3A_1668 : memref<!tpu.dma_semaphore, #tpu.memory_space<semaphore_mem>>) src(%dma_wait3A_1700 : memref<28x128xi32, #tpu.memory_space<hbm>>) dst(%dma_wait3A_1696 : memref<28x128xi32, #tpu.memory_space<vmem>>)
          tpu.yield
        }) : () -> ()
        "tpu.region"() ({
          %run_scoped3A_1668 = tpu.sem_alloc : memref<!tpu.dma_semaphore, #tpu.memory_space<semaphore_mem>>
          %dma_start3A_1669 = arith.constant 0 : i32
          %dma_start3A_1670 = arith.constant 0 : i32
          %dma_start3A_1671 = tpu.memref_slice %arg12[%rem3A_1667, %dma_start3A_1669, %dma_start3A_1670] : memref<2x28x128xi32, #tpu.memory_space<vmem>> -> memref<1x28x128xi32, #tpu.memory_space<vmem>>
          %dma_start3A_1672 = tpu.memref_squeeze %dma_start3A_1671 : memref<1x28x128xi32, #tpu.memory_space<vmem>> -> memref<28x128xi32, #tpu.memory_space<vmem>>
          %dma_start3A_1673 = arith.constant 0 : i32
          %dma_start3A_1674 = arith.constant 0 : i32
          %dma_start3A_1675 = tpu.memref_slice %arg3[%add3A, %div3A_1665, %dma_start3A_1673, %dma_start3A_1674] : memref<32x3x28x128xi32, #tpu.memory_space<hbm>> -> memref<1x1x28x128xi32, #tpu.memory_space<hbm>>
          %dma_start3A_1676 = tpu.memref_squeeze %dma_start3A_1675 : memref<1x1x28x128xi32, #tpu.memory_space<hbm>> -> memref<28x128xi32, #tpu.memory_space<hbm>>
          %dma_start3A_1677 = arith.constant 0 : i32
          %dma_start3A_1678 = arith.constant 0 : i32
          %dma_start3A_1679 = tpu.memref_slice %arg12[%rem3A_1667, %dma_start3A_1677, %dma_start3A_1678] : memref<2x28x128xi32, #tpu.memory_space<vmem>> -> memref<1x28x128xi32, #tpu.memory_space<vmem>>
          %dma_start3A_1680 = tpu.memref_squeeze %dma_start3A_1679 : memref<1x28x128xi32, #tpu.memory_space<vmem>> -> memref<28x128xi32, #tpu.memory_space<vmem>>
          %dma_start3A_1681 = arith.constant 0 : i32
          %dma_start3A_1682 = arith.constant 0 : i32
          %dma_start3A_1683 = tpu.memref_slice %arg3[%add3A, %div3A_1665, %dma_start3A_1681, %dma_start3A_1682] : memref<32x3x28x128xi32, #tpu.memory_space<hbm>> -> memref<1x1x28x128xi32, #tpu.memory_space<hbm>>
          %dma_start3A_1684 = tpu.memref_squeeze %dma_start3A_1683 : memref<1x1x28x128xi32, #tpu.memory_space<hbm>> -> memref<28x128xi32, #tpu.memory_space<hbm>>
          tpu.enqueue_dma source(%dma_start3A_1684 : memref<28x128xi32, #tpu.memory_space<hbm>>) target(%dma_start3A_1680 : memref<28x128xi32, #tpu.memory_space<vmem>>) target_semaphore(%run_scoped3A_1668 : memref<!tpu.dma_semaphore, #tpu.memory_space<semaphore_mem>>)
          %dma_wait3A_1685 = arith.constant 0 : i32
          %dma_wait3A_1686 = arith.constant 0 : i32
          %dma_wait3A_1687 = tpu.memref_slice %arg12[%rem3A_1667, %dma_wait3A_1685, %dma_wait3A_1686] : memref<2x28x128xi32, #tpu.memory_space<vmem>> -> memref<1x28x128xi32, #tpu.memory_space<vmem>>
          %dma_wait3A_1688 = tpu.memref_squeeze %dma_wait3A_1687 : memref<1x28x128xi32, #tpu.memory_space<vmem>> -> memref<28x128xi32, #tpu.memory_space<vmem>>
          %dma_wait3A_1689 = arith.constant 0 : i32
          %dma_wait3A_1690 = arith.constant 0 : i32
          %dma_wait3A_1691 = tpu.memref_slice %arg3[%add3A, %div3A_1665, %dma_wait3A_1689, %dma_wait3A_1690] : memref<32x3x28x128xi32, #tpu.memory_space<hbm>> -> memref<1x1x28x128xi32, #tpu.memory_space<hbm>>
          %dma_wait3A_1692 = tpu.memref_squeeze %dma_wait3A_1691 : memref<1x1x28x128xi32, #tpu.memory_space<hbm>> -> memref<28x128xi32, #tpu.memory_space<hbm>>
          %dma_wait3A_1693 = arith.constant 0 : i32
          %dma_wait3A_1694 = arith.constant 0 : i32
          %dma_wait3A_1695 = tpu.memref_slice %arg12[%rem3A_1667, %dma_wait3A_1693, %dma_wait3A_1694] : memref<2x28x128xi32, #tpu.memory_space<vmem>> -> memref<1x28x128xi32, #tpu.memory_space<vmem>>
          %dma_wait3A_1696 = tpu.memref_squeeze %dma_wait3A_1695 : memref<1x28x128xi32, #tpu.memory_space<vmem>> -> memref<28x128xi32, #tpu.memory_space<vmem>>
          %dma_wait3A_1697 = arith.constant 0 : i32
          %dma_wait3A_1698 = arith.constant 0 : i32
          %dma_wait3A_1699 = tpu.memref_slice %arg3[%add3A, %div3A_1665, %dma_wait3A_1697, %dma_wait3A_1698] : memref<32x3x28x128xi32, #tpu.memory_space<hbm>> -> memref<1x1x28x128xi32, #tpu.memory_space<hbm>>
          %dma_wait3A_1700 = tpu.memref_squeeze %dma_wait3A_1699 : memref<1x1x28x128xi32, #tpu.memory_space<hbm>> -> memref<28x128xi32, #tpu.memory_space<hbm>>
          tpu.wait_dma2 semaphore(%run_scoped3A_1668 : memref<!tpu.dma_semaphore, #tpu.memory_space<semaphore_mem>>) src(%dma_wait3A_1700 : memref<28x128xi32, #tpu.memory_space<hbm>>) dst(%dma_wait3A_1696 : memref<28x128xi32, #tpu.memory_space<vmem>>)
          tpu.yield
        }) : () -> ()
      } else {
      }
      %ge3A = arith.constant 2 : i32
      %ge3A_254 = arith.cmpi sge, %mul3A_244, %ge3A : i32
      %convert_element_type3A_255 = arith.extui %ge3A_254 : i1 to i32
      %cond3A_256 = arith.constant 0 : i32
      %cond3A_257 = arith.cmpi ne, %convert_element_type3A_255, %cond3A_256 : i32
      scf.if %cond3A_257 {
        %dma_wait3A_1662 = arith.constant 1 : i32
        %dma_wait3A_1663 = arith.constant 0 : i32
        %dma_wait3A_1664 = arith.constant 0 : i32
        %dma_wait3A_1665 = tpu.memref_slice %arg13[%dma_wait3A_1662, %dma_wait3A_1663, %dma_wait3A_1664] : memref<3x128x64xf32, #tpu.memory_space<vmem>> -> memref<1x128x64xf32, #tpu.memory_space<vmem>>
        %dma_wait3A_1666 = tpu.memref_squeeze %dma_wait3A_1665 : memref<1x128x64xf32, #tpu.memory_space<vmem>> -> memref<128x64xf32, #tpu.memory_space<vmem>>
        %dma_wait3A_1667 = arith.constant 0 : i32
        %dma_wait3A_1668 = arith.constant 0 : i32
        %dma_wait3A_1669 = tpu.memref_slice %arg6[%dma_wait3A_1667, %dma_wait3A_1668] : memref<10000x64xf32, #tpu.memory_space<hbm>> -> memref<128x64xf32, #tpu.memory_space<hbm>>
        %dma_wait3A_1670 = arith.constant 0 : i32
        %dma_wait3A_1671 = arith.constant 0 : i32
        %dma_wait3A_1672 = tpu.memref_slice %arg13[%dma_wait3A_1662, %dma_wait3A_1670, %dma_wait3A_1671] : memref<3x128x64xf32, #tpu.memory_space<vmem>> -> memref<1x128x64xf32, #tpu.memory_space<vmem>>
        %dma_wait3A_1673 = tpu.memref_squeeze %dma_wait3A_1672 : memref<1x128x64xf32, #tpu.memory_space<vmem>> -> memref<128x64xf32, #tpu.memory_space<vmem>>
        %dma_wait3A_1674 = arith.constant 0 : i32
        %dma_wait3A_1675 = arith.constant 0 : i32
        %dma_wait3A_1676 = tpu.memref_slice %arg6[%dma_wait3A_1674, %dma_wait3A_1675] : memref<10000x64xf32, #tpu.memory_space<hbm>> -> memref<128x64xf32, #tpu.memory_space<hbm>>
        tpu.wait_dma2 semaphore(%arg25 : memref<!tpu.dma_semaphore, #tpu.memory_space<semaphore_mem>>) src(%dma_wait3A_1676 : memref<128x64xf32, #tpu.memory_space<hbm>>) dst(%dma_wait3A_1673 : memref<128x64xf32, #tpu.memory_space<vmem>>)
        %dma_wait3A_1677 = arith.constant 1 : i32
        %dma_wait3A_1678 = arith.constant 0 : i32
        %dma_wait3A_1679 = arith.constant 0 : i32
        %dma_wait3A_1680 = tpu.memref_slice %arg14[%dma_wait3A_1677, %dma_wait3A_1678, %dma_wait3A_1679] : memref<3x128x16xf32, #tpu.memory_space<vmem>> -> memref<1x128x16xf32, #tpu.memory_space<vmem>>
        %dma_wait3A_1681 = tpu.memref_squeeze %dma_wait3A_1680 : memref<1x128x16xf32, #tpu.memory_space<vmem>> -> memref<128x16xf32, #tpu.memory_space<vmem>>
        %dma_wait3A_1682 = arith.constant 0 : i32
        %dma_wait3A_1683 = arith.constant 0 : i32
        %dma_wait3A_1684 = tpu.memref_slice %arg4[%dma_wait3A_1682, %dma_wait3A_1683] : memref<10000x16xf32, #tpu.memory_space<hbm>> -> memref<128x16xf32, #tpu.memory_space<hbm>>
        %dma_wait3A_1685 = arith.constant 0 : i32
        %dma_wait3A_1686 = arith.constant 0 : i32
        %dma_wait3A_1687 = tpu.memref_slice %arg14[%dma_wait3A_1677, %dma_wait3A_1685, %dma_wait3A_1686] : memref<3x128x16xf32, #tpu.memory_space<vmem>> -> memref<1x128x16xf32, #tpu.memory_space<vmem>>
        %dma_wait3A_1688 = tpu.memref_squeeze %dma_wait3A_1687 : memref<1x128x16xf32, #tpu.memory_space<vmem>> -> memref<128x16xf32, #tpu.memory_space<vmem>>
        %dma_wait3A_1689 = arith.constant 0 : i32
        %dma_wait3A_1690 = arith.constant 0 : i32
        %dma_wait3A_1691 = tpu.memref_slice %arg4[%dma_wait3A_1689, %dma_wait3A_1690] : memref<10000x16xf32, #tpu.memory_space<hbm>> -> memref<128x16xf32, #tpu.memory_space<hbm>>
        tpu.wait_dma2 semaphore(%arg25 : memref<!tpu.dma_semaphore, #tpu.memory_space<semaphore_mem>>) src(%dma_wait3A_1691 : memref<128x16xf32, #tpu.memory_space<hbm>>) dst(%dma_wait3A_1688 : memref<128x16xf32, #tpu.memory_space<vmem>>)
      } else {
      }
      %add3A_258 = arith.constant 1 : i32
      %add3A_259 = arith.addi %mul3A_244, %add3A_258 : i32
      %lt3A_260 = arith.constant 84 : i32
      %lt3A_261 = arith.cmpi slt, %add3A_259, %lt3A_260 : i32
      %convert_element_type3A_262 = arith.extui %lt3A_261 : i1 to i32
      %cond3A_263 = arith.constant 0 : i32
      %cond3A_264 = arith.cmpi ne, %convert_element_type3A_262, %cond3A_263 : i32
      scf.if %cond3A_264 {
        %add3A_1662 = arith.constant 1 : i32
        %add3A_1663 = arith.addi %mul3A_244, %add3A_1662 : i32
        %div3A_1664 = arith.constant 28 : i32
        %div3A_1665 = arith.divsi %add3A_1663, %div3A_1664 : i32
        %rem3A_1666 = arith.constant 2 : i32
        %rem3A_1667 = arith.remsi %div3A_1665, %rem3A_1666 : i32
        %rem3A_1668 = arith.constant 28 : i32
        %rem3A_1669 = arith.remsi %add3A_1663, %rem3A_1668 : i32
        %dma_start3A_1670 = arith.constant 1 : i32
        %dma_start3A_1671 = arith.constant 0 : i32
        %dma_start3A_1672 = arith.constant 0 : i32
        %dma_start3A_1673 = tpu.memref_slice %arg15[%dma_start3A_1670, %dma_start3A_1671, %dma_start3A_1672] : memref<3x128x16xf32, #tpu.memory_space<vmem>> -> memref<1x128x16xf32, #tpu.memory_space<vmem>>
        %dma_start3A_1674 = tpu.memref_squeeze %dma_start3A_1673 : memref<1x128x16xf32, #tpu.memory_space<vmem>> -> memref<128x16xf32, #tpu.memory_space<vmem>>
        %dma_start3A_1675 = arith.constant 0 : i32
        %dma_start3A_1676 = tpu.memref_slice %arg11[%rem3A_1667, %rem3A_1669, %dma_start3A_1675] : memref<2x28x128xi32, #tpu.memory_space<vmem>> -> memref<1x1x128xi32, #tpu.memory_space<vmem>>
        %dma_start3A_1677 = tpu.memref_squeeze %dma_start3A_1676 : memref<1x1x128xi32, #tpu.memory_space<vmem>> -> memref<128xi32, #tpu.memory_space<vmem>>
        %dma_start3A_1678 = arith.constant 0 : i32
        %dma_start3A_1679 = arith.constant 0 : i32
        %dma_start3A_1680 = tpu.memref_slice %arg4[%dma_start3A_1678, %dma_start3A_1679] : memref<10000x16xf32, #tpu.memory_space<hbm>> -> memref<10000x16xf32, #tpu.memory_space<hbm>>
        tpu.enqueue_indirect_dma source(%dma_start3A_1680 : memref<10000x16xf32, #tpu.memory_space<hbm>>) target(%dma_start3A_1674 : memref<128x16xf32, #tpu.memory_space<vmem>>) offsets(%dma_start3A_1677 : memref<128xi32, #tpu.memory_space<vmem>>) semaphore(%arg22 : memref<!tpu.dma_semaphore, #tpu.memory_space<semaphore_mem>>)
        %dma_start3A_1681 = arith.constant 1 : i32
        %dma_start3A_1682 = arith.constant 0 : i32
        %dma_start3A_1683 = arith.constant 0 : i32
        %dma_start3A_1684 = tpu.memref_slice %arg16[%dma_start3A_1681, %dma_start3A_1682, %dma_start3A_1683] : memref<3x128x16xf32, #tpu.memory_space<vmem>> -> memref<1x128x16xf32, #tpu.memory_space<vmem>>
        %dma_start3A_1685 = tpu.memref_squeeze %dma_start3A_1684 : memref<1x128x16xf32, #tpu.memory_space<vmem>> -> memref<128x16xf32, #tpu.memory_space<vmem>>
        %dma_start3A_1686 = arith.constant 0 : i32
        %dma_start3A_1687 = tpu.memref_slice %arg12[%rem3A_1667, %rem3A_1669, %dma_start3A_1686] : memref<2x28x128xi32, #tpu.memory_space<vmem>> -> memref<1x1x128xi32, #tpu.memory_space<vmem>>
        %dma_start3A_1688 = tpu.memref_squeeze %dma_start3A_1687 : memref<1x1x128xi32, #tpu.memory_space<vmem>> -> memref<128xi32, #tpu.memory_space<vmem>>
        %dma_start3A_1689 = arith.constant 0 : i32
        %dma_start3A_1690 = arith.constant 0 : i32
        %dma_start3A_1691 = tpu.memref_slice %arg5[%dma_start3A_1689, %dma_start3A_1690] : memref<10000x16xf32, #tpu.memory_space<hbm>> -> memref<10000x16xf32, #tpu.memory_space<hbm>>
        tpu.enqueue_indirect_dma source(%dma_start3A_1691 : memref<10000x16xf32, #tpu.memory_space<hbm>>) target(%dma_start3A_1685 : memref<128x16xf32, #tpu.memory_space<vmem>>) offsets(%dma_start3A_1688 : memref<128xi32, #tpu.memory_space<vmem>>) semaphore(%arg22 : memref<!tpu.dma_semaphore, #tpu.memory_space<semaphore_mem>>)
        %dma_start3A_1692 = arith.constant 1 : i32
        %dma_start3A_1693 = arith.constant 0 : i32
        %dma_start3A_1694 = arith.constant 0 : i32
        %dma_start3A_1695 = tpu.memref_slice %arg13[%dma_start3A_1692, %dma_start3A_1693, %dma_start3A_1694] : memref<3x128x64xf32, #tpu.memory_space<vmem>> -> memref<1x128x64xf32, #tpu.memory_space<vmem>>
        %dma_start3A_1696 = tpu.memref_squeeze %dma_start3A_1695 : memref<1x128x64xf32, #tpu.memory_space<vmem>> -> memref<128x64xf32, #tpu.memory_space<vmem>>
        %dma_start3A_1697 = arith.constant 0 : i32
        %dma_start3A_1698 = tpu.memref_slice %arg12[%rem3A_1667, %rem3A_1669, %dma_start3A_1697] : memref<2x28x128xi32, #tpu.memory_space<vmem>> -> memref<1x1x128xi32, #tpu.memory_space<vmem>>
        %dma_start3A_1699 = tpu.memref_squeeze %dma_start3A_1698 : memref<1x1x128xi32, #tpu.memory_space<vmem>> -> memref<128xi32, #tpu.memory_space<vmem>>
        %dma_start3A_1700 = arith.constant 0 : i32
        %dma_start3A_1701 = arith.constant 0 : i32
        %dma_start3A_1702 = tpu.memref_slice %arg6[%dma_start3A_1700, %dma_start3A_1701] : memref<10000x64xf32, #tpu.memory_space<hbm>> -> memref<10000x64xf32, #tpu.memory_space<hbm>>
        tpu.enqueue_indirect_dma source(%dma_start3A_1702 : memref<10000x64xf32, #tpu.memory_space<hbm>>) target(%dma_start3A_1696 : memref<128x64xf32, #tpu.memory_space<vmem>>) offsets(%dma_start3A_1699 : memref<128xi32, #tpu.memory_space<vmem>>) semaphore(%arg22 : memref<!tpu.dma_semaphore, #tpu.memory_space<semaphore_mem>>)
      } else {
      }
      %dma_wait3A_265 = arith.constant 0 : i32
      %dma_wait3A_266 = arith.constant 0 : i32
      %dma_wait3A_267 = arith.constant 0 : i32
      %dma_wait3A_268 = tpu.memref_slice %arg15[%dma_wait3A_265, %dma_wait3A_266, %dma_wait3A_267] : memref<3x128x16xf32, #tpu.memory_space<vmem>> -> memref<1x128x16xf32, #tpu.memory_space<vmem>>
      %dma_wait3A_269 = tpu.memref_squeeze %dma_wait3A_268 : memref<1x128x16xf32, #tpu.memory_space<vmem>> -> memref<128x16xf32, #tpu.memory_space<vmem>>
      %dma_wait3A_270 = arith.constant 0 : i32
      %dma_wait3A_271 = arith.constant 0 : i32
      %dma_wait3A_272 = tpu.memref_slice %arg4[%dma_wait3A_270, %dma_wait3A_271] : memref<10000x16xf32, #tpu.memory_space<hbm>> -> memref<128x16xf32, #tpu.memory_space<hbm>>
      %dma_wait3A_273 = arith.constant 0 : i32
      %dma_wait3A_274 = arith.constant 0 : i32
      %dma_wait3A_275 = tpu.memref_slice %arg15[%dma_wait3A_265, %dma_wait3A_273, %dma_wait3A_274] : memref<3x128x16xf32, #tpu.memory_space<vmem>> -> memref<1x128x16xf32, #tpu.memory_space<vmem>>
      %dma_wait3A_276 = tpu.memref_squeeze %dma_wait3A_275 : memref<1x128x16xf32, #tpu.memory_space<vmem>> -> memref<128x16xf32, #tpu.memory_space<vmem>>
      %dma_wait3A_277 = arith.constant 0 : i32
      %dma_wait3A_278 = arith.constant 0 : i32
      %dma_wait3A_279 = tpu.memref_slice %arg4[%dma_wait3A_277, %dma_wait3A_278] : memref<10000x16xf32, #tpu.memory_space<hbm>> -> memref<128x16xf32, #tpu.memory_space<hbm>>
      tpu.wait_dma2 semaphore(%arg21 : memref<!tpu.dma_semaphore, #tpu.memory_space<semaphore_mem>>) src(%dma_wait3A_279 : memref<128x16xf32, #tpu.memory_space<hbm>>) dst(%dma_wait3A_276 : memref<128x16xf32, #tpu.memory_space<vmem>>)
      %dma_wait3A_280 = arith.constant 0 : i32
      %dma_wait3A_281 = arith.constant 0 : i32
      %dma_wait3A_282 = arith.constant 0 : i32
      %dma_wait3A_283 = tpu.memref_slice %arg16[%dma_wait3A_280, %dma_wait3A_281, %dma_wait3A_282] : memref<3x128x16xf32, #tpu.memory_space<vmem>> -> memref<1x128x16xf32, #tpu.memory_space<vmem>>
      %dma_wait3A_284 = tpu.memref_squeeze %dma_wait3A_283 : memref<1x128x16xf32, #tpu.memory_space<vmem>> -> memref<128x16xf32, #tpu.memory_space<vmem>>
      %dma_wait3A_285 = arith.constant 0 : i32
      %dma_wait3A_286 = arith.constant 0 : i32
      %dma_wait3A_287 = tpu.memref_slice %arg4[%dma_wait3A_285, %dma_wait3A_286] : memref<10000x16xf32, #tpu.memory_space<hbm>> -> memref<128x16xf32, #tpu.memory_space<hbm>>
      %dma_wait3A_288 = arith.constant 0 : i32
      %dma_wait3A_289 = arith.constant 0 : i32
      %dma_wait3A_290 = tpu.memref_slice %arg16[%dma_wait3A_280, %dma_wait3A_288, %dma_wait3A_289] : memref<3x128x16xf32, #tpu.memory_space<vmem>> -> memref<1x128x16xf32, #tpu.memory_space<vmem>>
      %dma_wait3A_291 = tpu.memref_squeeze %dma_wait3A_290 : memref<1x128x16xf32, #tpu.memory_space<vmem>> -> memref<128x16xf32, #tpu.memory_space<vmem>>
      %dma_wait3A_292 = arith.constant 0 : i32
      %dma_wait3A_293 = arith.constant 0 : i32
      %dma_wait3A_294 = tpu.memref_slice %arg4[%dma_wait3A_292, %dma_wait3A_293] : memref<10000x16xf32, #tpu.memory_space<hbm>> -> memref<128x16xf32, #tpu.memory_space<hbm>>
      tpu.wait_dma2 semaphore(%arg21 : memref<!tpu.dma_semaphore, #tpu.memory_space<semaphore_mem>>) src(%dma_wait3A_294 : memref<128x16xf32, #tpu.memory_space<hbm>>) dst(%dma_wait3A_291 : memref<128x16xf32, #tpu.memory_space<vmem>>)
      %dma_wait3A_295 = arith.constant 0 : i32
      %dma_wait3A_296 = arith.constant 0 : i32
      %dma_wait3A_297 = arith.constant 0 : i32
      %dma_wait3A_298 = tpu.memref_slice %arg13[%dma_wait3A_295, %dma_wait3A_296, %dma_wait3A_297] : memref<3x128x64xf32, #tpu.memory_space<vmem>> -> memref<1x128x64xf32, #tpu.memory_space<vmem>>
      %dma_wait3A_299 = tpu.memref_squeeze %dma_wait3A_298 : memref<1x128x64xf32, #tpu.memory_space<vmem>> -> memref<128x64xf32, #tpu.memory_space<vmem>>
      %dma_wait3A_300 = arith.constant 0 : i32
      %dma_wait3A_301 = arith.constant 0 : i32
      %dma_wait3A_302 = tpu.memref_slice %arg6[%dma_wait3A_300, %dma_wait3A_301] : memref<10000x64xf32, #tpu.memory_space<hbm>> -> memref<128x64xf32, #tpu.memory_space<hbm>>
      %dma_wait3A_303 = arith.constant 0 : i32
      %dma_wait3A_304 = arith.constant 0 : i32
      %dma_wait3A_305 = tpu.memref_slice %arg13[%dma_wait3A_295, %dma_wait3A_303, %dma_wait3A_304] : memref<3x128x64xf32, #tpu.memory_space<vmem>> -> memref<1x128x64xf32, #tpu.memory_space<vmem>>
      %dma_wait3A_306 = tpu.memref_squeeze %dma_wait3A_305 : memref<1x128x64xf32, #tpu.memory_space<vmem>> -> memref<128x64xf32, #tpu.memory_space<vmem>>
      %dma_wait3A_307 = arith.constant 0 : i32
      %dma_wait3A_308 = arith.constant 0 : i32
      %dma_wait3A_309 = tpu.memref_slice %arg6[%dma_wait3A_307, %dma_wait3A_308] : memref<10000x64xf32, #tpu.memory_space<hbm>> -> memref<128x64xf32, #tpu.memory_space<hbm>>
      tpu.wait_dma2 semaphore(%arg21 : memref<!tpu.dma_semaphore, #tpu.memory_space<semaphore_mem>>) src(%dma_wait3A_309 : memref<128x64xf32, #tpu.memory_space<hbm>>) dst(%dma_wait3A_306 : memref<128x64xf32, #tpu.memory_space<vmem>>)
      %broadcast_in_dim3A_310 = arith.constant 0 : i32
      %broadcast_in_dim3A_311 = vector.broadcast %broadcast_in_dim3A_310 : i32 to vector<16xi32>
      %add3A_312 = arith.constant 0 : i32
      %add3A_313 = vector.broadcast %add3A_312 : i32 to vector<16xi32>
      %add3A_314 = arith.addi %add3A_313, %iota3A : vector<16xi32>
      %gather3A = tpu.vector_load_idx %arg15[%broadcast_in_dim3A_311, %add3A_314, %broadcast_in_dim3A_7] : memref<3x128x16xf32, #tpu.memory_space<vmem>>[vector<16xi32>, vector<16xi32>, vector<16xi32>], vector<16xf32>,
      %broadcast_in_dim3A_315 = arith.constant 0 : i32
      %broadcast_in_dim3A_316 = vector.broadcast %broadcast_in_dim3A_315 : i32 to vector<16xi32>
      %add3A_317 = arith.constant 0 : i32
      %add3A_318 = vector.broadcast %add3A_317 : i32 to vector<16xi32>
      %add3A_319 = arith.addi %add3A_318, %iota3A : vector<16xi32>
      %gather3A_320 = tpu.vector_load_idx %arg16[%broadcast_in_dim3A_316, %add3A_319, %broadcast_in_dim3A_7] : memref<3x128x16xf32, #tpu.memory_space<vmem>>[vector<16xi32>, vector<16xi32>, vector<16xi32>], vector<16xf32>,
      %add3A_321 = arith.addf %gather3A, %gather3A_320 : vector<16xf32>
      %gt3A = arith.constant 0.000000e+00 : f32
      %gt3A_322 = vector.broadcast %gt3A : f32 to vector<16xf32>
      %gt3A_323 = arith.cmpf ogt, %add3A_321, %gt3A_322 : vector<16xf32>
      %mul3A_324 = arith.constant 2.000000e-01 : f32
      %mul3A_325 = vector.broadcast %mul3A_324 : f32 to vector<16xf32>
      %mul3A_326 = arith.mulf %add3A_321, %mul3A_325 : vector<16xf32>
      %select_n3A = arith.select %gt3A_323, %add3A_321, %mul3A_326 : vector<16xi1>, vector<16xf32>
      %mul3A_327 = arith.constant 128 : i32
      %mul3A_328 = arith.muli %mul3A_244, %mul3A_327 : i32
      %add3A_329 = arith.addi %mul3A_2, %mul3A_328 : i32
      %add3A_330 = arith.constant 0 : i32
      %add3A_331 = arith.addi %add3A_329, %add3A_330 : i32
      %add3A_332 = vector.broadcast %add3A_331 : i32 to vector<16xi32>
      %add3A_333 = arith.addi %add3A_332, %iota3A : vector<16xi32>
      %lt3A_334 = arith.constant 330000 : i32
      %lt3A_335 = vector.broadcast %lt3A_334 : i32 to vector<16xi32>
      %lt3A_336 = arith.cmpi slt, %add3A_333, %lt3A_335 : vector<16xi32>
      %sub3A = arith.subf %select_n3A, %get3A_43 : vector<16xf32>
      %exp3A = math.exp %sub3A : vector<16xf32>
      %jit3A = arith.constant 0.000000e+00 : f32
      %broadcast_in_dim3A_337 = vector.broadcast %jit3A : f32 to vector<16xf32>
      %select_n3A_338 = arith.select %lt3A_336, %exp3A, %broadcast_in_dim3A_337 : vector<16xi1>, vector<16xf32>
      %add3A_339 = arith.constant 0 : i32
      %add3A_340 = vector.broadcast %add3A_339 : i32 to vector<16xi32>
      %add3A_341 = arith.addi %add3A_340, %iota3A : vector<16xi32>
      %scatter3A = arith.constant 0 : i32
      %scatter3A_342 = arith.constant 0 : i32
      %scatter3A_343 = arith.constant 0 : i32
      %scatter3A_344 = tpu.memref_slice %arg14[%scatter3A, %scatter3A_342, %scatter3A_343] : memref<3x128x16xf32, #tpu.memory_space<vmem>> -> memref<1x128x16xf32, #tpu.memory_space<vmem>>
      %scatter3A_345 = tpu.memref_squeeze %scatter3A_344 : memref<1x128x16xf32, #tpu.memory_space<vmem>> -> memref<128x16xf32, #tpu.memory_space<vmem>>
      tpu.vector_store_idx %scatter3A_345[%add3A_341, %broadcast_in_dim3A_7], %select_n3A_338 : memref<128x16xf32, #tpu.memory_space<vmem>>[vector<16xi32>, vector<16xi32>], vector<16xf32>,
      %swap3A = arith.index_cast %mul3A_244 : i32 to index
      %swap3A_346 = arith.constant 0 : index
      %swap3A_347 = tpu.vector_load %arg18[%swap3A, %swap3A_346] {strides = array<i32>} : memref<84x128xf32, #tpu.memory_space<vmem>>, vector<16xf32>,
      tpu.vector_store %arg18[%swap3A, %swap3A_346], %select_n3A_338 {strides = array<i32>} : memref<84x128xf32, #tpu.memory_space<vmem>>, vector<16xf32>,
      %broadcast_in_dim3A_348 = arith.constant 0 : i32
      %broadcast_in_dim3A_349 = vector.broadcast %broadcast_in_dim3A_348 : i32 to vector<16xi32>
      %add3A_350 = arith.constant 16 : i32
      %add3A_351 = vector.broadcast %add3A_350 : i32 to vector<16xi32>
      %add3A_352 = arith.addi %add3A_351, %iota3A : vector<16xi32>
      %gather3A_353 = tpu.vector_load_idx %arg15[%broadcast_in_dim3A_349, %add3A_352, %broadcast_in_dim3A_7] : memref<3x128x16xf32, #tpu.memory_space<vmem>>[vector<16xi32>, vector<16xi32>, vector<16xi32>], vector<16xf32>,
      %broadcast_in_dim3A_354 = arith.constant 0 : i32
      %broadcast_in_dim3A_355 = vector.broadcast %broadcast_in_dim3A_354 : i32 to vector<16xi32>
      %add3A_356 = arith.constant 16 : i32
      %add3A_357 = vector.broadcast %add3A_356 : i32 to vector<16xi32>
      %add3A_358 = arith.addi %add3A_357, %iota3A : vector<16xi32>
      %gather3A_359 = tpu.vector_load_idx %arg16[%broadcast_in_dim3A_355, %add3A_358, %broadcast_in_dim3A_7] : memref<3x128x16xf32, #tpu.memory_space<vmem>>[vector<16xi32>, vector<16xi32>, vector<16xi32>], vector<16xf32>,
      %add3A_360 = arith.addf %gather3A_353, %gather3A_359 : vector<16xf32>
      %gt3A_361 = arith.constant 0.000000e+00 : f32
      %gt3A_362 = vector.broadcast %gt3A_361 : f32 to vector<16xf32>
      %gt3A_363 = arith.cmpf ogt, %add3A_360, %gt3A_362 : vector<16xf32>
      %mul3A_364 = arith.constant 2.000000e-01 : f32
      %mul3A_365 = vector.broadcast %mul3A_364 : f32 to vector<16xf32>
      %mul3A_366 = arith.mulf %add3A_360, %mul3A_365 : vector<16xf32>
      %select_n3A_367 = arith.select %gt3A_363, %add3A_360, %mul3A_366 : vector<16xi1>, vector<16xf32>
      %mul3A_368 = arith.constant 128 : i32
      %mul3A_369 = arith.muli %mul3A_244, %mul3A_368 : i32
      %add3A_370 = arith.addi %mul3A_2, %mul3A_369 : i32
      %add3A_371 = arith.constant 16 : i32
      %add3A_372 = arith.addi %add3A_370, %add3A_371 : i32
      %add3A_373 = vector.broadcast %add3A_372 : i32 to vector<16xi32>
      %add3A_374 = arith.addi %add3A_373, %iota3A : vector<16xi32>
      %lt3A_375 = arith.constant 330000 : i32
      %lt3A_376 = vector.broadcast %lt3A_375 : i32 to vector<16xi32>
      %lt3A_377 = arith.cmpi slt, %add3A_374, %lt3A_376 : vector<16xi32>
      %sub3A_378 = arith.subf %select_n3A_367, %get3A_43 : vector<16xf32>
      %exp3A_379 = math.exp %sub3A_378 : vector<16xf32>
      %jit3A_380 = arith.constant 0.000000e+00 : f32
      %broadcast_in_dim3A_381 = vector.broadcast %jit3A_380 : f32 to vector<16xf32>
      %select_n3A_382 = arith.select %lt3A_377, %exp3A_379, %broadcast_in_dim3A_381 : vector<16xi1>, vector<16xf32>
      %add3A_383 = arith.constant 16 : i32
      %add3A_384 = vector.broadcast %add3A_383 : i32 to vector<16xi32>
      %add3A_385 = arith.addi %add3A_384, %iota3A : vector<16xi32>
      %scatter3A_386 = arith.constant 0 : i32
      %scatter3A_387 = arith.constant 0 : i32
      %scatter3A_388 = arith.constant 0 : i32
      %scatter3A_389 = tpu.memref_slice %arg14[%scatter3A_386, %scatter3A_387, %scatter3A_388] : memref<3x128x16xf32, #tpu.memory_space<vmem>> -> memref<1x128x16xf32, #tpu.memory_space<vmem>>
      %scatter3A_390 = tpu.memref_squeeze %scatter3A_389 : memref<1x128x16xf32, #tpu.memory_space<vmem>> -> memref<128x16xf32, #tpu.memory_space<vmem>>
      tpu.vector_store_idx %scatter3A_390[%add3A_385, %broadcast_in_dim3A_7], %select_n3A_382 : memref<128x16xf32, #tpu.memory_space<vmem>>[vector<16xi32>, vector<16xi32>], vector<16xf32>,
      %swap3A_391 = arith.index_cast %mul3A_244 : i32 to index
      %swap3A_392 = arith.constant 16 : index
      %swap3A_393 = tpu.vector_load %arg18[%swap3A_391, %swap3A_392] {strides = array<i32>} : memref<84x128xf32, #tpu.memory_space<vmem>>, vector<16xf32>,
      tpu.vector_store %arg18[%swap3A_391, %swap3A_392], %select_n3A_382 {strides = array<i32>} : memref<84x128xf32, #tpu.memory_space<vmem>>, vector<16xf32>,
      %broadcast_in_dim3A_394 = arith.constant 0 : i32
      %broadcast_in_dim3A_395 = vector.broadcast %broadcast_in_dim3A_394 : i32 to vector<16xi32>
      %add3A_396 = arith.constant 32 : i32
      %add3A_397 = vector.broadcast %add3A_396 : i32 to vector<16xi32>
      %add3A_398 = arith.addi %add3A_397, %iota3A : vector<16xi32>
      %gather3A_399 = tpu.vector_load_idx %arg15[%broadcast_in_dim3A_395, %add3A_398, %broadcast_in_dim3A_7] : memref<3x128x16xf32, #tpu.memory_space<vmem>>[vector<16xi32>, vector<16xi32>, vector<16xi32>], vector<16xf32>,
      %broadcast_in_dim3A_400 = arith.constant 0 : i32
      %broadcast_in_dim3A_401 = vector.broadcast %broadcast_in_dim3A_400 : i32 to vector<16xi32>
      %add3A_402 = arith.constant 32 : i32
      %add3A_403 = vector.broadcast %add3A_402 : i32 to vector<16xi32>
      %add3A_404 = arith.addi %add3A_403, %iota3A : vector<16xi32>
      %gather3A_405 = tpu.vector_load_idx %arg16[%broadcast_in_dim3A_401, %add3A_404, %broadcast_in_dim3A_7] : memref<3x128x16xf32, #tpu.memory_space<vmem>>[vector<16xi32>, vector<16xi32>, vector<16xi32>], vector<16xf32>,
      %add3A_406 = arith.addf %gather3A_399, %gather3A_405 : vector<16xf32>
      %gt3A_407 = arith.constant 0.000000e+00 : f32
      %gt3A_408 = vector.broadcast %gt3A_407 : f32 to vector<16xf32>
      %gt3A_409 = arith.cmpf ogt, %add3A_406, %gt3A_408 : vector<16xf32>
      %mul3A_410 = arith.constant 2.000000e-01 : f32
      %mul3A_411 = vector.broadcast %mul3A_410 : f32 to vector<16xf32>
      %mul3A_412 = arith.mulf %add3A_406, %mul3A_411 : vector<16xf32>
      %select_n3A_413 = arith.select %gt3A_409, %add3A_406, %mul3A_412 : vector<16xi1>, vector<16xf32>
      %mul3A_414 = arith.constant 128 : i32
      %mul3A_415 = arith.muli %mul3A_244, %mul3A_414 : i32
      %add3A_416 = arith.addi %mul3A_2, %mul3A_415 : i32
      %add3A_417 = arith.constant 32 : i32
      %add3A_418 = arith.addi %add3A_416, %add3A_417 : i32
      %add3A_419 = vector.broadcast %add3A_418 : i32 to vector<16xi32>
      %add3A_420 = arith.addi %add3A_419, %iota3A : vector<16xi32>
      %lt3A_421 = arith.constant 330000 : i32
      %lt3A_422 = vector.broadcast %lt3A_421 : i32 to vector<16xi32>
      %lt3A_423 = arith.cmpi slt, %add3A_420, %lt3A_422 : vector<16xi32>
      %sub3A_424 = arith.subf %select_n3A_413, %get3A_43 : vector<16xf32>
      %exp3A_425 = math.exp %sub3A_424 : vector<16xf32>
      %jit3A_426 = arith.constant 0.000000e+00 : f32
      %broadcast_in_dim3A_427 = vector.broadcast %jit3A_426 : f32 to vector<16xf32>
      %select_n3A_428 = arith.select %lt3A_423, %exp3A_425, %broadcast_in_dim3A_427 : vector<16xi1>, vector<16xf32>
      %add3A_429 = arith.constant 32 : i32
      %add3A_430 = vector.broadcast %add3A_429 : i32 to vector<16xi32>
      %add3A_431 = arith.addi %add3A_430, %iota3A : vector<16xi32>
      %scatter3A_432 = arith.constant 0 : i32
      %scatter3A_433 = arith.constant 0 : i32
      %scatter3A_434 = arith.constant 0 : i32
      %scatter3A_435 = tpu.memref_slice %arg14[%scatter3A_432, %scatter3A_433, %scatter3A_434] : memref<3x128x16xf32, #tpu.memory_space<vmem>> -> memref<1x128x16xf32, #tpu.memory_space<vmem>>
      %scatter3A_436 = tpu.memref_squeeze %scatter3A_435 : memref<1x128x16xf32, #tpu.memory_space<vmem>> -> memref<128x16xf32, #tpu.memory_space<vmem>>
      tpu.vector_store_idx %scatter3A_436[%add3A_431, %broadcast_in_dim3A_7], %select_n3A_428 : memref<128x16xf32, #tpu.memory_space<vmem>>[vector<16xi32>, vector<16xi32>], vector<16xf32>,
      %swap3A_437 = arith.index_cast %mul3A_244 : i32 to index
      %swap3A_438 = arith.constant 32 : index
      %swap3A_439 = tpu.vector_load %arg18[%swap3A_437, %swap3A_438] {strides = array<i32>} : memref<84x128xf32, #tpu.memory_space<vmem>>, vector<16xf32>,
      tpu.vector_store %arg18[%swap3A_437, %swap3A_438], %select_n3A_428 {strides = array<i32>} : memref<84x128xf32, #tpu.memory_space<vmem>>, vector<16xf32>,
      %broadcast_in_dim3A_440 = arith.constant 0 : i32
      %broadcast_in_dim3A_441 = vector.broadcast %broadcast_in_dim3A_440 : i32 to vector<16xi32>
      %add3A_442 = arith.constant 48 : i32
      %add3A_443 = vector.broadcast %add3A_442 : i32 to vector<16xi32>
      %add3A_444 = arith.addi %add3A_443, %iota3A : vector<16xi32>
      %gather3A_445 = tpu.vector_load_idx %arg15[%broadcast_in_dim3A_441, %add3A_444, %broadcast_in_dim3A_7] : memref<3x128x16xf32, #tpu.memory_space<vmem>>[vector<16xi32>, vector<16xi32>, vector<16xi32>], vector<16xf32>,
      %broadcast_in_dim3A_446 = arith.constant 0 : i32
      %broadcast_in_dim3A_447 = vector.broadcast %broadcast_in_dim3A_446 : i32 to vector<16xi32>
      %add3A_448 = arith.constant 48 : i32
      %add3A_449 = vector.broadcast %add3A_448 : i32 to vector<16xi32>
      %add3A_450 = arith.addi %add3A_449, %iota3A : vector<16xi32>
      %gather3A_451 = tpu.vector_load_idx %arg16[%broadcast_in_dim3A_447, %add3A_450, %broadcast_in_dim3A_7] : memref<3x128x16xf32, #tpu.memory_space<vmem>>[vector<16xi32>, vector<16xi32>, vector<16xi32>], vector<16xf32>,
      %add3A_452 = arith.addf %gather3A_445, %gather3A_451 : vector<16xf32>
      %gt3A_453 = arith.constant 0.000000e+00 : f32
      %gt3A_454 = vector.broadcast %gt3A_453 : f32 to vector<16xf32>
      %gt3A_455 = arith.cmpf ogt, %add3A_452, %gt3A_454 : vector<16xf32>
      %mul3A_456 = arith.constant 2.000000e-01 : f32
      %mul3A_457 = vector.broadcast %mul3A_456 : f32 to vector<16xf32>
      %mul3A_458 = arith.mulf %add3A_452, %mul3A_457 : vector<16xf32>
      %select_n3A_459 = arith.select %gt3A_455, %add3A_452, %mul3A_458 : vector<16xi1>, vector<16xf32>
      %mul3A_460 = arith.constant 128 : i32
      %mul3A_461 = arith.muli %mul3A_244, %mul3A_460 : i32
      %add3A_462 = arith.addi %mul3A_2, %mul3A_461 : i32
      %add3A_463 = arith.constant 48 : i32
      %add3A_464 = arith.addi %add3A_462, %add3A_463 : i32
      %add3A_465 = vector.broadcast %add3A_464 : i32 to vector<16xi32>
      %add3A_466 = arith.addi %add3A_465, %iota3A : vector<16xi32>
      %lt3A_467 = arith.constant 330000 : i32
      %lt3A_468 = vector.broadcast %lt3A_467 : i32 to vector<16xi32>
      %lt3A_469 = arith.cmpi slt, %add3A_466, %lt3A_468 : vector<16xi32>
      %sub3A_470 = arith.subf %select_n3A_459, %get3A_43 : vector<16xf32>
      %exp3A_471 = math.exp %sub3A_470 : vector<16xf32>
      %jit3A_472 = arith.constant 0.000000e+00 : f32
      %broadcast_in_dim3A_473 = vector.broadcast %jit3A_472 : f32 to vector<16xf32>
      %select_n3A_474 = arith.select %lt3A_469, %exp3A_471, %broadcast_in_dim3A_473 : vector<16xi1>, vector<16xf32>
      %add3A_475 = arith.constant 48 : i32
      %add3A_476 = vector.broadcast %add3A_475 : i32 to vector<16xi32>
      %add3A_477 = arith.addi %add3A_476, %iota3A : vector<16xi32>
      %scatter3A_478 = arith.constant 0 : i32
      %scatter3A_479 = arith.constant 0 : i32
      %scatter3A_480 = arith.constant 0 : i32
      %scatter3A_481 = tpu.memref_slice %arg14[%scatter3A_478, %scatter3A_479, %scatter3A_480] : memref<3x128x16xf32, #tpu.memory_space<vmem>> -> memref<1x128x16xf32, #tpu.memory_space<vmem>>
      %scatter3A_482 = tpu.memref_squeeze %scatter3A_481 : memref<1x128x16xf32, #tpu.memory_space<vmem>> -> memref<128x16xf32, #tpu.memory_space<vmem>>
      tpu.vector_store_idx %scatter3A_482[%add3A_477, %broadcast_in_dim3A_7], %select_n3A_474 : memref<128x16xf32, #tpu.memory_space<vmem>>[vector<16xi32>, vector<16xi32>], vector<16xf32>,
      %swap3A_483 = arith.index_cast %mul3A_244 : i32 to index
      %swap3A_484 = arith.constant 48 : index
      %swap3A_485 = tpu.vector_load %arg18[%swap3A_483, %swap3A_484] {strides = array<i32>} : memref<84x128xf32, #tpu.memory_space<vmem>>, vector<16xf32>,
      tpu.vector_store %arg18[%swap3A_483, %swap3A_484], %select_n3A_474 {strides = array<i32>} : memref<84x128xf32, #tpu.memory_space<vmem>>, vector<16xf32>,
      %broadcast_in_dim3A_486 = arith.constant 0 : i32
      %broadcast_in_dim3A_487 = vector.broadcast %broadcast_in_dim3A_486 : i32 to vector<16xi32>
      %add3A_488 = arith.constant 64 : i32
      %add3A_489 = vector.broadcast %add3A_488 : i32 to vector<16xi32>
      %add3A_490 = arith.addi %add3A_489, %iota3A : vector<16xi32>
      %gather3A_491 = tpu.vector_load_idx %arg15[%broadcast_in_dim3A_487, %add3A_490, %broadcast_in_dim3A_7] : memref<3x128x16xf32, #tpu.memory_space<vmem>>[vector<16xi32>, vector<16xi32>, vector<16xi32>], vector<16xf32>,
      %broadcast_in_dim3A_492 = arith.constant 0 : i32
      %broadcast_in_dim3A_493 = vector.broadcast %broadcast_in_dim3A_492 : i32 to vector<16xi32>
      %add3A_494 = arith.constant 64 : i32
      %add3A_495 = vector.broadcast %add3A_494 : i32 to vector<16xi32>
      %add3A_496 = arith.addi %add3A_495, %iota3A : vector<16xi32>
      %gather3A_497 = tpu.vector_load_idx %arg16[%broadcast_in_dim3A_493, %add3A_496, %broadcast_in_dim3A_7] : memref<3x128x16xf32, #tpu.memory_space<vmem>>[vector<16xi32>, vector<16xi32>, vector<16xi32>], vector<16xf32>,
      %add3A_498 = arith.addf %gather3A_491, %gather3A_497 : vector<16xf32>
      %gt3A_499 = arith.constant 0.000000e+00 : f32
      %gt3A_500 = vector.broadcast %gt3A_499 : f32 to vector<16xf32>
      %gt3A_501 = arith.cmpf ogt, %add3A_498, %gt3A_500 : vector<16xf32>
      %mul3A_502 = arith.constant 2.000000e-01 : f32
      %mul3A_503 = vector.broadcast %mul3A_502 : f32 to vector<16xf32>
      %mul3A_504 = arith.mulf %add3A_498, %mul3A_503 : vector<16xf32>
      %select_n3A_505 = arith.select %gt3A_501, %add3A_498, %mul3A_504 : vector<16xi1>, vector<16xf32>
      %mul3A_506 = arith.constant 128 : i32
      %mul3A_507 = arith.muli %mul3A_244, %mul3A_506 : i32
      %add3A_508 = arith.addi %mul3A_2, %mul3A_507 : i32
      %add3A_509 = arith.constant 64 : i32
      %add3A_510 = arith.addi %add3A_508, %add3A_509 : i32
      %add3A_511 = vector.broadcast %add3A_510 : i32 to vector<16xi32>
      %add3A_512 = arith.addi %add3A_511, %iota3A : vector<16xi32>
      %lt3A_513 = arith.constant 330000 : i32
      %lt3A_514 = vector.broadcast %lt3A_513 : i32 to vector<16xi32>
      %lt3A_515 = arith.cmpi slt, %add3A_512, %lt3A_514 : vector<16xi32>
      %sub3A_516 = arith.subf %select_n3A_505, %get3A_43 : vector<16xf32>
      %exp3A_517 = math.exp %sub3A_516 : vector<16xf32>
      %jit3A_518 = arith.constant 0.000000e+00 : f32
      %broadcast_in_dim3A_519 = vector.broadcast %jit3A_518 : f32 to vector<16xf32>
      %select_n3A_520 = arith.select %lt3A_515, %exp3A_517, %broadcast_in_dim3A_519 : vector<16xi1>, vector<16xf32>
      %add3A_521 = arith.constant 64 : i32
      %add3A_522 = vector.broadcast %add3A_521 : i32 to vector<16xi32>
      %add3A_523 = arith.addi %add3A_522, %iota3A : vector<16xi32>
      %scatter3A_524 = arith.constant 0 : i32
      %scatter3A_525 = arith.constant 0 : i32
      %scatter3A_526 = arith.constant 0 : i32
      %scatter3A_527 = tpu.memref_slice %arg14[%scatter3A_524, %scatter3A_525, %scatter3A_526] : memref<3x128x16xf32, #tpu.memory_space<vmem>> -> memref<1x128x16xf32, #tpu.memory_space<vmem>>
      %scatter3A_528 = tpu.memref_squeeze %scatter3A_527 : memref<1x128x16xf32, #tpu.memory_space<vmem>> -> memref<128x16xf32, #tpu.memory_space<vmem>>
      tpu.vector_store_idx %scatter3A_528[%add3A_523, %broadcast_in_dim3A_7], %select_n3A_520 : memref<128x16xf32, #tpu.memory_space<vmem>>[vector<16xi32>, vector<16xi32>], vector<16xf32>,
      %swap3A_529 = arith.index_cast %mul3A_244 : i32 to index
      %swap3A_530 = arith.constant 64 : index
      %swap3A_531 = tpu.vector_load %arg18[%swap3A_529, %swap3A_530] {strides = array<i32>} : memref<84x128xf32, #tpu.memory_space<vmem>>, vector<16xf32>,
      tpu.vector_store %arg18[%swap3A_529, %swap3A_530], %select_n3A_520 {strides = array<i32>} : memref<84x128xf32, #tpu.memory_space<vmem>>, vector<16xf32>,
      %broadcast_in_dim3A_532 = arith.constant 0 : i32
      %broadcast_in_dim3A_533 = vector.broadcast %broadcast_in_dim3A_532 : i32 to vector<16xi32>
      %add3A_534 = arith.constant 80 : i32
      %add3A_535 = vector.broadcast %add3A_534 : i32 to vector<16xi32>
      %add3A_536 = arith.addi %add3A_535, %iota3A : vector<16xi32>
      %gather3A_537 = tpu.vector_load_idx %arg15[%broadcast_in_dim3A_533, %add3A_536, %broadcast_in_dim3A_7] : memref<3x128x16xf32, #tpu.memory_space<vmem>>[vector<16xi32>, vector<16xi32>, vector<16xi32>], vector<16xf32>,
      %broadcast_in_dim3A_538 = arith.constant 0 : i32
      %broadcast_in_dim3A_539 = vector.broadcast %broadcast_in_dim3A_538 : i32 to vector<16xi32>
      %add3A_540 = arith.constant 80 : i32
      %add3A_541 = vector.broadcast %add3A_540 : i32 to vector<16xi32>
      %add3A_542 = arith.addi %add3A_541, %iota3A : vector<16xi32>
      %gather3A_543 = tpu.vector_load_idx %arg16[%broadcast_in_dim3A_539, %add3A_542, %broadcast_in_dim3A_7] : memref<3x128x16xf32, #tpu.memory_space<vmem>>[vector<16xi32>, vector<16xi32>, vector<16xi32>], vector<16xf32>,
      %add3A_544 = arith.addf %gather3A_537, %gather3A_543 : vector<16xf32>
      %gt3A_545 = arith.constant 0.000000e+00 : f32
      %gt3A_546 = vector.broadcast %gt3A_545 : f32 to vector<16xf32>
      %gt3A_547 = arith.cmpf ogt, %add3A_544, %gt3A_546 : vector<16xf32>
      %mul3A_548 = arith.constant 2.000000e-01 : f32
      %mul3A_549 = vector.broadcast %mul3A_548 : f32 to vector<16xf32>
      %mul3A_550 = arith.mulf %add3A_544, %mul3A_549 : vector<16xf32>
      %select_n3A_551 = arith.select %gt3A_547, %add3A_544, %mul3A_550 : vector<16xi1>, vector<16xf32>
      %mul3A_552 = arith.constant 128 : i32
      %mul3A_553 = arith.muli %mul3A_244, %mul3A_552 : i32
      %add3A_554 = arith.addi %mul3A_2, %mul3A_553 : i32
      %add3A_555 = arith.constant 80 : i32
      %add3A_556 = arith.addi %add3A_554, %add3A_555 : i32
      %add3A_557 = vector.broadcast %add3A_556 : i32 to vector<16xi32>
      %add3A_558 = arith.addi %add3A_557, %iota3A : vector<16xi32>
      %lt3A_559 = arith.constant 330000 : i32
      %lt3A_560 = vector.broadcast %lt3A_559 : i32 to vector<16xi32>
      %lt3A_561 = arith.cmpi slt, %add3A_558, %lt3A_560 : vector<16xi32>
      %sub3A_562 = arith.subf %select_n3A_551, %get3A_43 : vector<16xf32>
      %exp3A_563 = math.exp %sub3A_562 : vector<16xf32>
      %jit3A_564 = arith.constant 0.000000e+00 : f32
      %broadcast_in_dim3A_565 = vector.broadcast %jit3A_564 : f32 to vector<16xf32>
      %select_n3A_566 = arith.select %lt3A_561, %exp3A_563, %broadcast_in_dim3A_565 : vector<16xi1>, vector<16xf32>
      %add3A_567 = arith.constant 80 : i32
      %add3A_568 = vector.broadcast %add3A_567 : i32 to vector<16xi32>
      %add3A_569 = arith.addi %add3A_568, %iota3A : vector<16xi32>
      %scatter3A_570 = arith.constant 0 : i32
      %scatter3A_571 = arith.constant 0 : i32
      %scatter3A_572 = arith.constant 0 : i32
      %scatter3A_573 = tpu.memref_slice %arg14[%scatter3A_570, %scatter3A_571, %scatter3A_572] : memref<3x128x16xf32, #tpu.memory_space<vmem>> -> memref<1x128x16xf32, #tpu.memory_space<vmem>>
      %scatter3A_574 = tpu.memref_squeeze %scatter3A_573 : memref<1x128x16xf32, #tpu.memory_space<vmem>> -> memref<128x16xf32, #tpu.memory_space<vmem>>
      tpu.vector_store_idx %scatter3A_574[%add3A_569, %broadcast_in_dim3A_7], %select_n3A_566 : memref<128x16xf32, #tpu.memory_space<vmem>>[vector<16xi32>, vector<16xi32>], vector<16xf32>,
      %swap3A_575 = arith.index_cast %mul3A_244 : i32 to index
      %swap3A_576 = arith.constant 80 : index
      %swap3A_577 = tpu.vector_load %arg18[%swap3A_575, %swap3A_576] {strides = array<i32>} : memref<84x128xf32, #tpu.memory_space<vmem>>, vector<16xf32>,
      tpu.vector_store %arg18[%swap3A_575, %swap3A_576], %select_n3A_566 {strides = array<i32>} : memref<84x128xf32, #tpu.memory_space<vmem>>, vector<16xf32>,
      %broadcast_in_dim3A_578 = arith.constant 0 : i32
      %broadcast_in_dim3A_579 = vector.broadcast %broadcast_in_dim3A_578 : i32 to vector<16xi32>
      %add3A_580 = arith.constant 96 : i32
      %add3A_581 = vector.broadcast %add3A_580 : i32 to vector<16xi32>
      %add3A_582 = arith.addi %add3A_581, %iota3A : vector<16xi32>
      %gather3A_583 = tpu.vector_load_idx %arg15[%broadcast_in_dim3A_579, %add3A_582, %broadcast_in_dim3A_7] : memref<3x128x16xf32, #tpu.memory_space<vmem>>[vector<16xi32>, vector<16xi32>, vector<16xi32>], vector<16xf32>,
      %broadcast_in_dim3A_584 = arith.constant 0 : i32
      %broadcast_in_dim3A_585 = vector.broadcast %broadcast_in_dim3A_584 : i32 to vector<16xi32>
      %add3A_586 = arith.constant 96 : i32
      %add3A_587 = vector.broadcast %add3A_586 : i32 to vector<16xi32>
      %add3A_588 = arith.addi %add3A_587, %iota3A : vector<16xi32>
      %gather3A_589 = tpu.vector_load_idx %arg16[%broadcast_in_dim3A_585, %add3A_588, %broadcast_in_dim3A_7] : memref<3x128x16xf32, #tpu.memory_space<vmem>>[vector<16xi32>, vector<16xi32>, vector<16xi32>], vector<16xf32>,
      %add3A_590 = arith.addf %gather3A_583, %gather3A_589 : vector<16xf32>
      %gt3A_591 = arith.constant 0.000000e+00 : f32
      %gt3A_592 = vector.broadcast %gt3A_591 : f32 to vector<16xf32>
      %gt3A_593 = arith.cmpf ogt, %add3A_590, %gt3A_592 : vector<16xf32>
      %mul3A_594 = arith.constant 2.000000e-01 : f32
      %mul3A_595 = vector.broadcast %mul3A_594 : f32 to vector<16xf32>
      %mul3A_596 = arith.mulf %add3A_590, %mul3A_595 : vector<16xf32>
      %select_n3A_597 = arith.select %gt3A_593, %add3A_590, %mul3A_596 : vector<16xi1>, vector<16xf32>
      %mul3A_598 = arith.constant 128 : i32
      %mul3A_599 = arith.muli %mul3A_244, %mul3A_598 : i32
      %add3A_600 = arith.addi %mul3A_2, %mul3A_599 : i32
      %add3A_601 = arith.constant 96 : i32
      %add3A_602 = arith.addi %add3A_600, %add3A_601 : i32
      %add3A_603 = vector.broadcast %add3A_602 : i32 to vector<16xi32>
      %add3A_604 = arith.addi %add3A_603, %iota3A : vector<16xi32>
      %lt3A_605 = arith.constant 330000 : i32
      %lt3A_606 = vector.broadcast %lt3A_605 : i32 to vector<16xi32>
      %lt3A_607 = arith.cmpi slt, %add3A_604, %lt3A_606 : vector<16xi32>
      %sub3A_608 = arith.subf %select_n3A_597, %get3A_43 : vector<16xf32>
      %exp3A_609 = math.exp %sub3A_608 : vector<16xf32>
      %jit3A_610 = arith.constant 0.000000e+00 : f32
      %broadcast_in_dim3A_611 = vector.broadcast %jit3A_610 : f32 to vector<16xf32>
      %select_n3A_612 = arith.select %lt3A_607, %exp3A_609, %broadcast_in_dim3A_611 : vector<16xi1>, vector<16xf32>
      %add3A_613 = arith.constant 96 : i32
      %add3A_614 = vector.broadcast %add3A_613 : i32 to vector<16xi32>
      %add3A_615 = arith.addi %add3A_614, %iota3A : vector<16xi32>
      %scatter3A_616 = arith.constant 0 : i32
      %scatter3A_617 = arith.constant 0 : i32
      %scatter3A_618 = arith.constant 0 : i32
      %scatter3A_619 = tpu.memref_slice %arg14[%scatter3A_616, %scatter3A_617, %scatter3A_618] : memref<3x128x16xf32, #tpu.memory_space<vmem>> -> memref<1x128x16xf32, #tpu.memory_space<vmem>>
      %scatter3A_620 = tpu.memref_squeeze %scatter3A_619 : memref<1x128x16xf32, #tpu.memory_space<vmem>> -> memref<128x16xf32, #tpu.memory_space<vmem>>
      tpu.vector_store_idx %scatter3A_620[%add3A_615, %broadcast_in_dim3A_7], %select_n3A_612 : memref<128x16xf32, #tpu.memory_space<vmem>>[vector<16xi32>, vector<16xi32>], vector<16xf32>,
      %swap3A_621 = arith.index_cast %mul3A_244 : i32 to index
      %swap3A_622 = arith.constant 96 : index
      %swap3A_623 = tpu.vector_load %arg18[%swap3A_621, %swap3A_622] {strides = array<i32>} : memref<84x128xf32, #tpu.memory_space<vmem>>, vector<16xf32>,
      tpu.vector_store %arg18[%swap3A_621, %swap3A_622], %select_n3A_612 {strides = array<i32>} : memref<84x128xf32, #tpu.memory_space<vmem>>, vector<16xf32>,
      %broadcast_in_dim3A_624 = arith.constant 0 : i32
      %broadcast_in_dim3A_625 = vector.broadcast %broadcast_in_dim3A_624 : i32 to vector<16xi32>
      %add3A_626 = arith.constant 112 : i32
      %add3A_627 = vector.broadcast %add3A_626 : i32 to vector<16xi32>
      %add3A_628 = arith.addi %add3A_627, %iota3A : vector<16xi32>
      %gather3A_629 = tpu.vector_load_idx %arg15[%broadcast_in_dim3A_625, %add3A_628, %broadcast_in_dim3A_7] : memref<3x128x16xf32, #tpu.memory_space<vmem>>[vector<16xi32>, vector<16xi32>, vector<16xi32>], vector<16xf32>,
      %broadcast_in_dim3A_630 = arith.constant 0 : i32
      %broadcast_in_dim3A_631 = vector.broadcast %broadcast_in_dim3A_630 : i32 to vector<16xi32>
      %add3A_632 = arith.constant 112 : i32
      %add3A_633 = vector.broadcast %add3A_632 : i32 to vector<16xi32>
      %add3A_634 = arith.addi %add3A_633, %iota3A : vector<16xi32>
      %gather3A_635 = tpu.vector_load_idx %arg16[%broadcast_in_dim3A_631, %add3A_634, %broadcast_in_dim3A_7] : memref<3x128x16xf32, #tpu.memory_space<vmem>>[vector<16xi32>, vector<16xi32>, vector<16xi32>], vector<16xf32>,
      %add3A_636 = arith.addf %gather3A_629, %gather3A_635 : vector<16xf32>
      %gt3A_637 = arith.constant 0.000000e+00 : f32
      %gt3A_638 = vector.broadcast %gt3A_637 : f32 to vector<16xf32>
      %gt3A_639 = arith.cmpf ogt, %add3A_636, %gt3A_638 : vector<16xf32>
      %mul3A_640 = arith.constant 2.000000e-01 : f32
      %mul3A_641 = vector.broadcast %mul3A_640 : f32 to vector<16xf32>
      %mul3A_642 = arith.mulf %add3A_636, %mul3A_641 : vector<16xf32>
      %select_n3A_643 = arith.select %gt3A_639, %add3A_636, %mul3A_642 : vector<16xi1>, vector<16xf32>
      %mul3A_644 = arith.constant 128 : i32
      %mul3A_645 = arith.muli %mul3A_244, %mul3A_644 : i32
      %add3A_646 = arith.addi %mul3A_2, %mul3A_645 : i32
      %add3A_647 = arith.constant 112 : i32
      %add3A_648 = arith.addi %add3A_646, %add3A_647 : i32
      %add3A_649 = vector.broadcast %add3A_648 : i32 to vector<16xi32>
      %add3A_650 = arith.addi %add3A_649, %iota3A : vector<16xi32>
      %lt3A_651 = arith.constant 330000 : i32
      %lt3A_652 = vector.broadcast %lt3A_651 : i32 to vector<16xi32>
      %lt3A_653 = arith.cmpi slt, %add3A_650, %lt3A_652 : vector<16xi32>
      %sub3A_654 = arith.subf %select_n3A_643, %get3A_43 : vector<16xf32>
      %exp3A_655 = math.exp %sub3A_654 : vector<16xf32>
      %jit3A_656 = arith.constant 0.000000e+00 : f32
      %broadcast_in_dim3A_657 = vector.broadcast %jit3A_656 : f32 to vector<16xf32>
      %select_n3A_658 = arith.select %lt3A_653, %exp3A_655, %broadcast_in_dim3A_657 : vector<16xi1>, vector<16xf32>
      %add3A_659 = arith.constant 112 : i32
      %add3A_660 = vector.broadcast %add3A_659 : i32 to vector<16xi32>
      %add3A_661 = arith.addi %add3A_660, %iota3A : vector<16xi32>
      %scatter3A_662 = arith.constant 0 : i32
      %scatter3A_663 = arith.constant 0 : i32
      %scatter3A_664 = arith.constant 0 : i32
      %scatter3A_665 = tpu.memref_slice %arg14[%scatter3A_662, %scatter3A_663, %scatter3A_664] : memref<3x128x16xf32, #tpu.memory_space<vmem>> -> memref<1x128x16xf32, #tpu.memory_space<vmem>>
      %scatter3A_666 = tpu.memref_squeeze %scatter3A_665 : memref<1x128x16xf32, #tpu.memory_space<vmem>> -> memref<128x16xf32, #tpu.memory_space<vmem>>
      tpu.vector_store_idx %scatter3A_666[%add3A_661, %broadcast_in_dim3A_7], %select_n3A_658 : memref<128x16xf32, #tpu.memory_space<vmem>>[vector<16xi32>, vector<16xi32>], vector<16xf32>,
      %swap3A_667 = arith.index_cast %mul3A_244 : i32 to index
      %swap3A_668 = arith.constant 112 : index
      %swap3A_669 = tpu.vector_load %arg18[%swap3A_667, %swap3A_668] {strides = array<i32>} : memref<84x128xf32, #tpu.memory_space<vmem>>, vector<16xf32>,
      tpu.vector_store %arg18[%swap3A_667, %swap3A_668], %select_n3A_658 {strides = array<i32>} : memref<84x128xf32, #tpu.memory_space<vmem>>, vector<16xf32>,
      %scan3A_670 = arith.constant 0 : i32
      %scan3A_671 = arith.constant 0 : i32
      %scan3A_672 = arith.constant 64 : i32
      %scan3A_673 = arith.addi %scan3A_671, %scan3A_672 : i32
      %scan3A_674 = arith.constant 1 : i32
      %scan3A_675 = scf.for %scan3A_1662 = %scan3A_671 to %scan3A_673 step %scan3A_674 iter_args(%scan3A_1663 = %scan3A_670) -> (i32)  : i32 {
        %mul3A_1664 = arith.constant 2 : i32
        %mul3A_1665 = arith.muli %scan3A_1662, %mul3A_1664 : i32
        %add3A_1666 = arith.constant 0 : i32
        %add3A_1667 = arith.addi %mul3A_1665, %add3A_1666 : i32
        %broadcast_in_dim3A_1668 = arith.constant 0 : i32
        %broadcast_in_dim3A_1669 = vector.broadcast %broadcast_in_dim3A_1668 : i32 to vector<16xi32>
        %broadcast_in_dim3A_1670 = vector.broadcast %add3A_1667 : i32 to vector<16xi32>
        %gather3A_1671 = tpu.vector_load_idx %arg14[%broadcast_in_dim3A_1669, %broadcast_in_dim3A_1670, %broadcast_in_dim3A_7] : memref<3x128x16xf32, #tpu.memory_space<vmem>>[vector<16xi32>, vector<16xi32>, vector<16xi32>], vector<16xf32>,
        %get3A_1672 = arith.constant 0 : i32
        %get3A_1673 = arith.index_cast %get3A_1672 : i32 to index
        %get3A_1674 = arith.index_cast %add3A_1667 : i32 to index
        %get3A_1675 = arith.constant 0 : index
        %get3A_1676 = tpu.vector_load %arg13[%get3A_1673, %get3A_1674, %get3A_1675] {strides = array<i32>} : memref<3x128x64xf32, #tpu.memory_space<vmem>>, vector<16xf32>,
        %mul3A_1677 = arith.mulf %get3A_1676, %gather3A_1671 : vector<16xf32>
        %swap3A_1678 = arith.constant 0 : i32
        %swap3A_1679 = arith.index_cast %swap3A_1678 : i32 to index
        %swap3A_1680 = arith.index_cast %add3A_1667 : i32 to index
        %swap3A_1681 = arith.constant 0 : index
        %swap3A_1682 = tpu.vector_load %arg13[%swap3A_1679, %swap3A_1680, %swap3A_1681] {strides = array<i32>} : memref<3x128x64xf32, #tpu.memory_space<vmem>>, vector<16xf32>,
        tpu.vector_store %arg13[%swap3A_1679, %swap3A_1680, %swap3A_1681], %mul3A_1677 {strides = array<i32>} : memref<3x128x64xf32, #tpu.memory_space<vmem>>, vector<16xf32>,
        %get3A_1683 = arith.constant 0 : i32
        %get3A_1684 = arith.index_cast %get3A_1683 : i32 to index
        %get3A_1685 = arith.index_cast %add3A_1667 : i32 to index
        %get3A_1686 = arith.constant 16 : index
        %get3A_1687 = tpu.vector_load %arg13[%get3A_1684, %get3A_1685, %get3A_1686] {strides = array<i32>} : memref<3x128x64xf32, #tpu.memory_space<vmem>>, vector<16xf32>,
        %mul3A_1688 = arith.mulf %get3A_1687, %gather3A_1671 : vector<16xf32>
        %swap3A_1689 = arith.constant 0 : i32
        %swap3A_1690 = arith.index_cast %swap3A_1689 : i32 to index
        %swap3A_1691 = arith.index_cast %add3A_1667 : i32 to index
        %swap3A_1692 = arith.constant 16 : index
        %swap3A_1693 = tpu.vector_load %arg13[%swap3A_1690, %swap3A_1691, %swap3A_1692] {strides = array<i32>} : memref<3x128x64xf32, #tpu.memory_space<vmem>>, vector<16xf32>,
        tpu.vector_store %arg13[%swap3A_1690, %swap3A_1691, %swap3A_1692], %mul3A_1688 {strides = array<i32>} : memref<3x128x64xf32, #tpu.memory_space<vmem>>, vector<16xf32>,
        %get3A_1694 = arith.constant 0 : i32
        %get3A_1695 = arith.index_cast %get3A_1694 : i32 to index
        %get3A_1696 = arith.index_cast %add3A_1667 : i32 to index
        %get3A_1697 = arith.constant 32 : index
        %get3A_1698 = tpu.vector_load %arg13[%get3A_1695, %get3A_1696, %get3A_1697] {strides = array<i32>} : memref<3x128x64xf32, #tpu.memory_space<vmem>>, vector<16xf32>,
        %mul3A_1699 = arith.mulf %get3A_1698, %gather3A_1671 : vector<16xf32>
        %swap3A_1700 = arith.constant 0 : i32
        %swap3A_1701 = arith.index_cast %swap3A_1700 : i32 to index
        %swap3A_1702 = arith.index_cast %add3A_1667 : i32 to index
        %swap3A_1703 = arith.constant 32 : index
        %swap3A_1704 = tpu.vector_load %arg13[%swap3A_1701, %swap3A_1702, %swap3A_1703] {strides = array<i32>} : memref<3x128x64xf32, #tpu.memory_space<vmem>>, vector<16xf32>,
        tpu.vector_store %arg13[%swap3A_1701, %swap3A_1702, %swap3A_1703], %mul3A_1699 {strides = array<i32>} : memref<3x128x64xf32, #tpu.memory_space<vmem>>, vector<16xf32>,
        %get3A_1705 = arith.constant 0 : i32
        %get3A_1706 = arith.index_cast %get3A_1705 : i32 to index
        %get3A_1707 = arith.index_cast %add3A_1667 : i32 to index
        %get3A_1708 = arith.constant 48 : index
        %get3A_1709 = tpu.vector_load %arg13[%get3A_1706, %get3A_1707, %get3A_1708] {strides = array<i32>} : memref<3x128x64xf32, #tpu.memory_space<vmem>>, vector<16xf32>,
        %mul3A_1710 = arith.mulf %get3A_1709, %gather3A_1671 : vector<16xf32>
        %swap3A_1711 = arith.constant 0 : i32
        %swap3A_1712 = arith.index_cast %swap3A_1711 : i32 to index
        %swap3A_1713 = arith.index_cast %add3A_1667 : i32 to index
        %swap3A_1714 = arith.constant 48 : index
        %swap3A_1715 = tpu.vector_load %arg13[%swap3A_1712, %swap3A_1713, %swap3A_1714] {strides = array<i32>} : memref<3x128x64xf32, #tpu.memory_space<vmem>>, vector<16xf32>,
        tpu.vector_store %arg13[%swap3A_1712, %swap3A_1713, %swap3A_1714], %mul3A_1710 {strides = array<i32>} : memref<3x128x64xf32, #tpu.memory_space<vmem>>, vector<16xf32>,
        %mul3A_1716 = arith.constant 2 : i32
        %mul3A_1717 = arith.muli %scan3A_1662, %mul3A_1716 : i32
        %add3A_1718 = arith.constant 1 : i32
        %add3A_1719 = arith.addi %mul3A_1717, %add3A_1718 : i32
        %broadcast_in_dim3A_1720 = arith.constant 0 : i32
        %broadcast_in_dim3A_1721 = vector.broadcast %broadcast_in_dim3A_1720 : i32 to vector<16xi32>
        %broadcast_in_dim3A_1722 = vector.broadcast %add3A_1719 : i32 to vector<16xi32>
        %gather3A_1723 = tpu.vector_load_idx %arg14[%broadcast_in_dim3A_1721, %broadcast_in_dim3A_1722, %broadcast_in_dim3A_7] : memref<3x128x16xf32, #tpu.memory_space<vmem>>[vector<16xi32>, vector<16xi32>, vector<16xi32>], vector<16xf32>,
        %get3A_1724 = arith.constant 0 : i32
        %get3A_1725 = arith.index_cast %get3A_1724 : i32 to index
        %get3A_1726 = arith.index_cast %add3A_1719 : i32 to index
        %get3A_1727 = arith.constant 0 : index
        %get3A_1728 = tpu.vector_load %arg13[%get3A_1725, %get3A_1726, %get3A_1727] {strides = array<i32>} : memref<3x128x64xf32, #tpu.memory_space<vmem>>, vector<16xf32>,
        %mul3A_1729 = arith.mulf %get3A_1728, %gather3A_1723 : vector<16xf32>
        %swap3A_1730 = arith.constant 0 : i32
        %swap3A_1731 = arith.index_cast %swap3A_1730 : i32 to index
        %swap3A_1732 = arith.index_cast %add3A_1719 : i32 to index
        %swap3A_1733 = arith.constant 0 : index
        %swap3A_1734 = tpu.vector_load %arg13[%swap3A_1731, %swap3A_1732, %swap3A_1733] {strides = array<i32>} : memref<3x128x64xf32, #tpu.memory_space<vmem>>, vector<16xf32>,
        tpu.vector_store %arg13[%swap3A_1731, %swap3A_1732, %swap3A_1733], %mul3A_1729 {strides = array<i32>} : memref<3x128x64xf32, #tpu.memory_space<vmem>>, vector<16xf32>,
        %get3A_1735 = arith.constant 0 : i32
        %get3A_1736 = arith.index_cast %get3A_1735 : i32 to index
        %get3A_1737 = arith.index_cast %add3A_1719 : i32 to index
        %get3A_1738 = arith.constant 16 : index
        %get3A_1739 = tpu.vector_load %arg13[%get3A_1736, %get3A_1737, %get3A_1738] {strides = array<i32>} : memref<3x128x64xf32, #tpu.memory_space<vmem>>, vector<16xf32>,
        %mul3A_1740 = arith.mulf %get3A_1739, %gather3A_1723 : vector<16xf32>
        %swap3A_1741 = arith.constant 0 : i32
        %swap3A_1742 = arith.index_cast %swap3A_1741 : i32 to index
        %swap3A_1743 = arith.index_cast %add3A_1719 : i32 to index
        %swap3A_1744 = arith.constant 16 : index
        %swap3A_1745 = tpu.vector_load %arg13[%swap3A_1742, %swap3A_1743, %swap3A_1744] {strides = array<i32>} : memref<3x128x64xf32, #tpu.memory_space<vmem>>, vector<16xf32>,
        tpu.vector_store %arg13[%swap3A_1742, %swap3A_1743, %swap3A_1744], %mul3A_1740 {strides = array<i32>} : memref<3x128x64xf32, #tpu.memory_space<vmem>>, vector<16xf32>,
        %get3A_1746 = arith.constant 0 : i32
        %get3A_1747 = arith.index_cast %get3A_1746 : i32 to index
        %get3A_1748 = arith.index_cast %add3A_1719 : i32 to index
        %get3A_1749 = arith.constant 32 : index
        %get3A_1750 = tpu.vector_load %arg13[%get3A_1747, %get3A_1748, %get3A_1749] {strides = array<i32>} : memref<3x128x64xf32, #tpu.memory_space<vmem>>, vector<16xf32>,
        %mul3A_1751 = arith.mulf %get3A_1750, %gather3A_1723 : vector<16xf32>
        %swap3A_1752 = arith.constant 0 : i32
        %swap3A_1753 = arith.index_cast %swap3A_1752 : i32 to index
        %swap3A_1754 = arith.index_cast %add3A_1719 : i32 to index
        %swap3A_1755 = arith.constant 32 : index
        %swap3A_1756 = tpu.vector_load %arg13[%swap3A_1753, %swap3A_1754, %swap3A_1755] {strides = array<i32>} : memref<3x128x64xf32, #tpu.memory_space<vmem>>, vector<16xf32>,
        tpu.vector_store %arg13[%swap3A_1753, %swap3A_1754, %swap3A_1755], %mul3A_1751 {strides = array<i32>} : memref<3x128x64xf32, #tpu.memory_space<vmem>>, vector<16xf32>,
        %get3A_1757 = arith.constant 0 : i32
        %get3A_1758 = arith.index_cast %get3A_1757 : i32 to index
        %get3A_1759 = arith.index_cast %add3A_1719 : i32 to index
        %get3A_1760 = arith.constant 48 : index
        %get3A_1761 = tpu.vector_load %arg13[%get3A_1758, %get3A_1759, %get3A_1760] {strides = array<i32>} : memref<3x128x64xf32, #tpu.memory_space<vmem>>, vector<16xf32>,
        %mul3A_1762 = arith.mulf %get3A_1761, %gather3A_1723 : vector<16xf32>
        %swap3A_1763 = arith.constant 0 : i32
        %swap3A_1764 = arith.index_cast %swap3A_1763 : i32 to index
        %swap3A_1765 = arith.index_cast %add3A_1719 : i32 to index
        %swap3A_1766 = arith.constant 48 : index
        %swap3A_1767 = tpu.vector_load %arg13[%swap3A_1764, %swap3A_1765, %swap3A_1766] {strides = array<i32>} : memref<3x128x64xf32, #tpu.memory_space<vmem>>, vector<16xf32>,
        tpu.vector_store %arg13[%swap3A_1764, %swap3A_1765, %swap3A_1766], %mul3A_1762 {strides = array<i32>} : memref<3x128x64xf32, #tpu.memory_space<vmem>>, vector<16xf32>,
        %scan3A_1768 = arith.constant 0 : i32
        scf.yield %scan3A_1768 : i32
      }
      %scan3A_676 = arith.constant 64 : i32
      %div3A_677 = arith.constant 28 : i32
      %div3A_678 = arith.divsi %mul3A_244, %div3A_677 : i32
      %rem3A_679 = arith.constant 2 : i32
      %rem3A_680 = arith.remsi %div3A_678, %rem3A_679 : i32
      %rem3A_681 = arith.constant 28 : i32
      %rem3A_682 = arith.remsi %mul3A_244, %rem3A_681 : i32
      %dma_start3A_683 = arith.constant 0 : i32
      %dma_start3A_684 = arith.constant 0 : i32
      %dma_start3A_685 = arith.constant 0 : i32
      %dma_start3A_686 = tpu.memref_slice %arg13[%dma_start3A_683, %dma_start3A_684, %dma_start3A_685] : memref<3x128x64xf32, #tpu.memory_space<vmem>> -> memref<1x128x64xf32, #tpu.memory_space<vmem>>
      %dma_start3A_687 = tpu.memref_squeeze %dma_start3A_686 : memref<1x128x64xf32, #tpu.memory_space<vmem>> -> memref<128x64xf32, #tpu.memory_space<vmem>>
      %dma_start3A_688 = arith.constant 0 : i32
      %dma_start3A_689 = tpu.memref_slice %arg11[%rem3A_680, %rem3A_682, %dma_start3A_688] : memref<2x28x128xi32, #tpu.memory_space<vmem>> -> memref<1x1x128xi32, #tpu.memory_space<vmem>>
      %dma_start3A_690 = tpu.memref_squeeze %dma_start3A_689 : memref<1x1x128xi32, #tpu.memory_space<vmem>> -> memref<128xi32, #tpu.memory_space<vmem>>
      %dma_start3A_691 = arith.constant 0 : i32
      %dma_start3A_692 = arith.constant 0 : i32
      %dma_start3A_693 = tpu.memref_slice %arg19[%dma_start3A_691, %dma_start3A_692] : memref<10240x64xf32, #tpu.memory_space<vmem_shared>> -> memref<10240x64xf32, #tpu.memory_space<vmem_shared>>
      tpu.enqueue_indirect_dma source(%dma_start3A_687 : memref<128x64xf32, #tpu.memory_space<vmem>>) target(%dma_start3A_693 : memref<10240x64xf32, #tpu.memory_space<vmem_shared>>) offsets(%dma_start3A_690 : memref<128xi32, #tpu.memory_space<vmem>>) semaphore(%arg24 : memref<!tpu.dma_semaphore, #tpu.memory_space<semaphore_mem>>) {add = true}
      %dma_start3A_694 = arith.constant 0 : i32
      %dma_start3A_695 = arith.constant 0 : i32
      %dma_start3A_696 = arith.constant 0 : i32
      %dma_start3A_697 = tpu.memref_slice %arg14[%dma_start3A_694, %dma_start3A_695, %dma_start3A_696] : memref<3x128x16xf32, #tpu.memory_space<vmem>> -> memref<1x128x16xf32, #tpu.memory_space<vmem>>
      %dma_start3A_698 = tpu.memref_squeeze %dma_start3A_697 : memref<1x128x16xf32, #tpu.memory_space<vmem>> -> memref<128x16xf32, #tpu.memory_space<vmem>>
      %dma_start3A_699 = arith.constant 0 : i32
      %dma_start3A_700 = tpu.memref_slice %arg11[%rem3A_680, %rem3A_682, %dma_start3A_699] : memref<2x28x128xi32, #tpu.memory_space<vmem>> -> memref<1x1x128xi32, #tpu.memory_space<vmem>>
      %dma_start3A_701 = tpu.memref_squeeze %dma_start3A_700 : memref<1x1x128xi32, #tpu.memory_space<vmem>> -> memref<128xi32, #tpu.memory_space<vmem>>
      %dma_start3A_702 = arith.constant 0 : i32
      %dma_start3A_703 = arith.constant 0 : i32
      %dma_start3A_704 = tpu.memref_slice %arg20[%dma_start3A_702, %dma_start3A_703] : memref<10240x16xf32, #tpu.memory_space<vmem_shared>> -> memref<10240x16xf32, #tpu.memory_space<vmem_shared>>
      tpu.enqueue_indirect_dma source(%dma_start3A_698 : memref<128x16xf32, #tpu.memory_space<vmem>>) target(%dma_start3A_704 : memref<10240x16xf32, #tpu.memory_space<vmem_shared>>) offsets(%dma_start3A_701 : memref<128xi32, #tpu.memory_space<vmem>>) semaphore(%arg24 : memref<!tpu.dma_semaphore, #tpu.memory_space<semaphore_mem>>) {add = true}
      %mul3A_705 = arith.constant 3 : i32
      %mul3A_706 = arith.muli %scan3A_241, %mul3A_705 : i32
      %add3A_707 = arith.constant 1 : i32
      %add3A_708 = arith.addi %mul3A_706, %add3A_707 : i32
      %add3A_709 = arith.constant 1 : i32
      %add3A_710 = arith.addi %add3A_708, %add3A_709 : i32
      %rem3A_711 = arith.constant 28 : i32
      %rem3A_712 = arith.remsi %add3A_710, %rem3A_711 : i32
      %eq3A_713 = arith.constant 0 : i32
      %eq3A_714 = arith.cmpi eq, %rem3A_712, %eq3A_713 : i32
      %add3A_715 = arith.constant 1 : i32
      %add3A_716 = arith.addi %add3A_708, %add3A_715 : i32
      %lt3A_717 = arith.constant 84 : i32
      %lt3A_718 = arith.cmpi slt, %add3A_716, %lt3A_717 : i32
      %and3A_719 = arith.andi %eq3A_714, %lt3A_718 : i1
      %convert_element_type3A_720 = arith.extui %and3A_719 : i1 to i32
      %cond3A_721 = arith.constant 0 : i32
      %cond3A_722 = arith.cmpi ne, %convert_element_type3A_720, %cond3A_721 : i32
      scf.if %cond3A_722 {
        %add3A_1662 = arith.constant 1 : i32
        %add3A_1663 = arith.addi %add3A_708, %add3A_1662 : i32
        %div3A_1664 = arith.constant 28 : i32
        %div3A_1665 = arith.divsi %add3A_1663, %div3A_1664 : i32
        %rem3A_1666 = arith.constant 2 : i32
        %rem3A_1667 = arith.remsi %div3A_1665, %rem3A_1666 : i32
        "tpu.region"() ({
          %run_scoped3A_1668 = tpu.sem_alloc : memref<!tpu.dma_semaphore, #tpu.memory_space<semaphore_mem>>
          %dma_start3A_1669 = arith.constant 0 : i32
          %dma_start3A_1670 = arith.constant 0 : i32
          %dma_start3A_1671 = tpu.memref_slice %arg11[%rem3A_1667, %dma_start3A_1669, %dma_start3A_1670] : memref<2x28x128xi32, #tpu.memory_space<vmem>> -> memref<1x28x128xi32, #tpu.memory_space<vmem>>
          %dma_start3A_1672 = tpu.memref_squeeze %dma_start3A_1671 : memref<1x28x128xi32, #tpu.memory_space<vmem>> -> memref<28x128xi32, #tpu.memory_space<vmem>>
          %dma_start3A_1673 = arith.constant 0 : i32
          %dma_start3A_1674 = arith.constant 0 : i32
          %dma_start3A_1675 = tpu.memref_slice %arg2[%add3A, %div3A_1665, %dma_start3A_1673, %dma_start3A_1674] : memref<32x3x28x128xi32, #tpu.memory_space<hbm>> -> memref<1x1x28x128xi32, #tpu.memory_space<hbm>>
          %dma_start3A_1676 = tpu.memref_squeeze %dma_start3A_1675 : memref<1x1x28x128xi32, #tpu.memory_space<hbm>> -> memref<28x128xi32, #tpu.memory_space<hbm>>
          %dma_start3A_1677 = arith.constant 0 : i32
          %dma_start3A_1678 = arith.constant 0 : i32
          %dma_start3A_1679 = tpu.memref_slice %arg11[%rem3A_1667, %dma_start3A_1677, %dma_start3A_1678] : memref<2x28x128xi32, #tpu.memory_space<vmem>> -> memref<1x28x128xi32, #tpu.memory_space<vmem>>
          %dma_start3A_1680 = tpu.memref_squeeze %dma_start3A_1679 : memref<1x28x128xi32, #tpu.memory_space<vmem>> -> memref<28x128xi32, #tpu.memory_space<vmem>>
          %dma_start3A_1681 = arith.constant 0 : i32
          %dma_start3A_1682 = arith.constant 0 : i32
          %dma_start3A_1683 = tpu.memref_slice %arg2[%add3A, %div3A_1665, %dma_start3A_1681, %dma_start3A_1682] : memref<32x3x28x128xi32, #tpu.memory_space<hbm>> -> memref<1x1x28x128xi32, #tpu.memory_space<hbm>>
          %dma_start3A_1684 = tpu.memref_squeeze %dma_start3A_1683 : memref<1x1x28x128xi32, #tpu.memory_space<hbm>> -> memref<28x128xi32, #tpu.memory_space<hbm>>
          tpu.enqueue_dma source(%dma_start3A_1684 : memref<28x128xi32, #tpu.memory_space<hbm>>) target(%dma_start3A_1680 : memref<28x128xi32, #tpu.memory_space<vmem>>) target_semaphore(%run_scoped3A_1668 : memref<!tpu.dma_semaphore, #tpu.memory_space<semaphore_mem>>)
          %dma_wait3A_1685 = arith.constant 0 : i32
          %dma_wait3A_1686 = arith.constant 0 : i32
          %dma_wait3A_1687 = tpu.memref_slice %arg11[%rem3A_1667, %dma_wait3A_1685, %dma_wait3A_1686] : memref<2x28x128xi32, #tpu.memory_space<vmem>> -> memref<1x28x128xi32, #tpu.memory_space<vmem>>
          %dma_wait3A_1688 = tpu.memref_squeeze %dma_wait3A_1687 : memref<1x28x128xi32, #tpu.memory_space<vmem>> -> memref<28x128xi32, #tpu.memory_space<vmem>>
          %dma_wait3A_1689 = arith.constant 0 : i32
          %dma_wait3A_1690 = arith.constant 0 : i32
          %dma_wait3A_1691 = tpu.memref_slice %arg2[%add3A, %div3A_1665, %dma_wait3A_1689, %dma_wait3A_1690] : memref<32x3x28x128xi32, #tpu.memory_space<hbm>> -> memref<1x1x28x128xi32, #tpu.memory_space<hbm>>
          %dma_wait3A_1692 = tpu.memref_squeeze %dma_wait3A_1691 : memref<1x1x28x128xi32, #tpu.memory_space<hbm>> -> memref<28x128xi32, #tpu.memory_space<hbm>>
          %dma_wait3A_1693 = arith.constant 0 : i32
          %dma_wait3A_1694 = arith.constant 0 : i32
          %dma_wait3A_1695 = tpu.memref_slice %arg11[%rem3A_1667, %dma_wait3A_1693, %dma_wait3A_1694] : memref<2x28x128xi32, #tpu.memory_space<vmem>> -> memref<1x28x128xi32, #tpu.memory_space<vmem>>
          %dma_wait3A_1696 = tpu.memref_squeeze %dma_wait3A_1695 : memref<1x28x128xi32, #tpu.memory_space<vmem>> -> memref<28x128xi32, #tpu.memory_space<vmem>>
          %dma_wait3A_1697 = arith.constant 0 : i32
          %dma_wait3A_1698 = arith.constant 0 : i32
          %dma_wait3A_1699 = tpu.memref_slice %arg2[%add3A, %div3A_1665, %dma_wait3A_1697, %dma_wait3A_1698] : memref<32x3x28x128xi32, #tpu.memory_space<hbm>> -> memref<1x1x28x128xi32, #tpu.memory_space<hbm>>
          %dma_wait3A_1700 = tpu.memref_squeeze %dma_wait3A_1699 : memref<1x1x28x128xi32, #tpu.memory_space<hbm>> -> memref<28x128xi32, #tpu.memory_space<hbm>>
          tpu.wait_dma2 semaphore(%run_scoped3A_1668 : memref<!tpu.dma_semaphore, #tpu.memory_space<semaphore_mem>>) src(%dma_wait3A_1700 : memref<28x128xi32, #tpu.memory_space<hbm>>) dst(%dma_wait3A_1696 : memref<28x128xi32, #tpu.memory_space<vmem>>)
          tpu.yield
        }) : () -> ()
        "tpu.region"() ({
          %run_scoped3A_1668 = tpu.sem_alloc : memref<!tpu.dma_semaphore, #tpu.memory_space<semaphore_mem>>
          %dma_start3A_1669 = arith.constant 0 : i32
          %dma_start3A_1670 = arith.constant 0 : i32
          %dma_start3A_1671 = tpu.memref_slice %arg12[%rem3A_1667, %dma_start3A_1669, %dma_start3A_1670] : memref<2x28x128xi32, #tpu.memory_space<vmem>> -> memref<1x28x128xi32, #tpu.memory_space<vmem>>
          %dma_start3A_1672 = tpu.memref_squeeze %dma_start3A_1671 : memref<1x28x128xi32, #tpu.memory_space<vmem>> -> memref<28x128xi32, #tpu.memory_space<vmem>>
          %dma_start3A_1673 = arith.constant 0 : i32
          %dma_start3A_1674 = arith.constant 0 : i32
          %dma_start3A_1675 = tpu.memref_slice %arg3[%add3A, %div3A_1665, %dma_start3A_1673, %dma_start3A_1674] : memref<32x3x28x128xi32, #tpu.memory_space<hbm>> -> memref<1x1x28x128xi32, #tpu.memory_space<hbm>>
          %dma_start3A_1676 = tpu.memref_squeeze %dma_start3A_1675 : memref<1x1x28x128xi32, #tpu.memory_space<hbm>> -> memref<28x128xi32, #tpu.memory_space<hbm>>
          %dma_start3A_1677 = arith.constant 0 : i32
          %dma_start3A_1678 = arith.constant 0 : i32
          %dma_start3A_1679 = tpu.memref_slice %arg12[%rem3A_1667, %dma_start3A_1677, %dma_start3A_1678] : memref<2x28x128xi32, #tpu.memory_space<vmem>> -> memref<1x28x128xi32, #tpu.memory_space<vmem>>
          %dma_start3A_1680 = tpu.memref_squeeze %dma_start3A_1679 : memref<1x28x128xi32, #tpu.memory_space<vmem>> -> memref<28x128xi32, #tpu.memory_space<vmem>>
          %dma_start3A_1681 = arith.constant 0 : i32
          %dma_start3A_1682 = arith.constant 0 : i32
          %dma_start3A_1683 = tpu.memref_slice %arg3[%add3A, %div3A_1665, %dma_start3A_1681, %dma_start3A_1682] : memref<32x3x28x128xi32, #tpu.memory_space<hbm>> -> memref<1x1x28x128xi32, #tpu.memory_space<hbm>>
          %dma_start3A_1684 = tpu.memref_squeeze %dma_start3A_1683 : memref<1x1x28x128xi32, #tpu.memory_space<hbm>> -> memref<28x128xi32, #tpu.memory_space<hbm>>
          tpu.enqueue_dma source(%dma_start3A_1684 : memref<28x128xi32, #tpu.memory_space<hbm>>) target(%dma_start3A_1680 : memref<28x128xi32, #tpu.memory_space<vmem>>) target_semaphore(%run_scoped3A_1668 : memref<!tpu.dma_semaphore, #tpu.memory_space<semaphore_mem>>)
          %dma_wait3A_1685 = arith.constant 0 : i32
          %dma_wait3A_1686 = arith.constant 0 : i32
          %dma_wait3A_1687 = tpu.memref_slice %arg12[%rem3A_1667, %dma_wait3A_1685, %dma_wait3A_1686] : memref<2x28x128xi32, #tpu.memory_space<vmem>> -> memref<1x28x128xi32, #tpu.memory_space<vmem>>
          %dma_wait3A_1688 = tpu.memref_squeeze %dma_wait3A_1687 : memref<1x28x128xi32, #tpu.memory_space<vmem>> -> memref<28x128xi32, #tpu.memory_space<vmem>>
          %dma_wait3A_1689 = arith.constant 0 : i32
          %dma_wait3A_1690 = arith.constant 0 : i32
          %dma_wait3A_1691 = tpu.memref_slice %arg3[%add3A, %div3A_1665, %dma_wait3A_1689, %dma_wait3A_1690] : memref<32x3x28x128xi32, #tpu.memory_space<hbm>> -> memref<1x1x28x128xi32, #tpu.memory_space<hbm>>
          %dma_wait3A_1692 = tpu.memref_squeeze %dma_wait3A_1691 : memref<1x1x28x128xi32, #tpu.memory_space<hbm>> -> memref<28x128xi32, #tpu.memory_space<hbm>>
          %dma_wait3A_1693 = arith.constant 0 : i32
          %dma_wait3A_1694 = arith.constant 0 : i32
          %dma_wait3A_1695 = tpu.memref_slice %arg12[%rem3A_1667, %dma_wait3A_1693, %dma_wait3A_1694] : memref<2x28x128xi32, #tpu.memory_space<vmem>> -> memref<1x28x128xi32, #tpu.memory_space<vmem>>
          %dma_wait3A_1696 = tpu.memref_squeeze %dma_wait3A_1695 : memref<1x28x128xi32, #tpu.memory_space<vmem>> -> memref<28x128xi32, #tpu.memory_space<vmem>>
          %dma_wait3A_1697 = arith.constant 0 : i32
          %dma_wait3A_1698 = arith.constant 0 : i32
          %dma_wait3A_1699 = tpu.memref_slice %arg3[%add3A, %div3A_1665, %dma_wait3A_1697, %dma_wait3A_1698] : memref<32x3x28x128xi32, #tpu.memory_space<hbm>> -> memref<1x1x28x128xi32, #tpu.memory_space<hbm>>
          %dma_wait3A_1700 = tpu.memref_squeeze %dma_wait3A_1699 : memref<1x1x28x128xi32, #tpu.memory_space<hbm>> -> memref<28x128xi32, #tpu.memory_space<hbm>>
          tpu.wait_dma2 semaphore(%run_scoped3A_1668 : memref<!tpu.dma_semaphore, #tpu.memory_space<semaphore_mem>>) src(%dma_wait3A_1700 : memref<28x128xi32, #tpu.memory_space<hbm>>) dst(%dma_wait3A_1696 : memref<28x128xi32, #tpu.memory_space<vmem>>)
          tpu.yield
        }) : () -> ()
      } else {
      }
      %ge3A_723 = arith.constant 2 : i32
      %ge3A_724 = arith.cmpi sge, %add3A_708, %ge3A_723 : i32
      %convert_element_type3A_725 = arith.extui %ge3A_724 : i1 to i32
      %cond3A_726 = arith.constant 0 : i32
      %cond3A_727 = arith.cmpi ne, %convert_element_type3A_725, %cond3A_726 : i32
      scf.if %cond3A_727 {
        %dma_wait3A_1662 = arith.constant 2 : i32
        %dma_wait3A_1663 = arith.constant 0 : i32
        %dma_wait3A_1664 = arith.constant 0 : i32
        %dma_wait3A_1665 = tpu.memref_slice %arg13[%dma_wait3A_1662, %dma_wait3A_1663, %dma_wait3A_1664] : memref<3x128x64xf32, #tpu.memory_space<vmem>> -> memref<1x128x64xf32, #tpu.memory_space<vmem>>
        %dma_wait3A_1666 = tpu.memref_squeeze %dma_wait3A_1665 : memref<1x128x64xf32, #tpu.memory_space<vmem>> -> memref<128x64xf32, #tpu.memory_space<vmem>>
        %dma_wait3A_1667 = arith.constant 0 : i32
        %dma_wait3A_1668 = arith.constant 0 : i32
        %dma_wait3A_1669 = tpu.memref_slice %arg6[%dma_wait3A_1667, %dma_wait3A_1668] : memref<10000x64xf32, #tpu.memory_space<hbm>> -> memref<128x64xf32, #tpu.memory_space<hbm>>
        %dma_wait3A_1670 = arith.constant 0 : i32
        %dma_wait3A_1671 = arith.constant 0 : i32
        %dma_wait3A_1672 = tpu.memref_slice %arg13[%dma_wait3A_1662, %dma_wait3A_1670, %dma_wait3A_1671] : memref<3x128x64xf32, #tpu.memory_space<vmem>> -> memref<1x128x64xf32, #tpu.memory_space<vmem>>
        %dma_wait3A_1673 = tpu.memref_squeeze %dma_wait3A_1672 : memref<1x128x64xf32, #tpu.memory_space<vmem>> -> memref<128x64xf32, #tpu.memory_space<vmem>>
        %dma_wait3A_1674 = arith.constant 0 : i32
        %dma_wait3A_1675 = arith.constant 0 : i32
        %dma_wait3A_1676 = tpu.memref_slice %arg6[%dma_wait3A_1674, %dma_wait3A_1675] : memref<10000x64xf32, #tpu.memory_space<hbm>> -> memref<128x64xf32, #tpu.memory_space<hbm>>
        tpu.wait_dma2 semaphore(%arg26 : memref<!tpu.dma_semaphore, #tpu.memory_space<semaphore_mem>>) src(%dma_wait3A_1676 : memref<128x64xf32, #tpu.memory_space<hbm>>) dst(%dma_wait3A_1673 : memref<128x64xf32, #tpu.memory_space<vmem>>)
        %dma_wait3A_1677 = arith.constant 2 : i32
        %dma_wait3A_1678 = arith.constant 0 : i32
        %dma_wait3A_1679 = arith.constant 0 : i32
        %dma_wait3A_1680 = tpu.memref_slice %arg14[%dma_wait3A_1677, %dma_wait3A_1678, %dma_wait3A_1679] : memref<3x128x16xf32, #tpu.memory_space<vmem>> -> memref<1x128x16xf32, #tpu.memory_space<vmem>>
        %dma_wait3A_1681 = tpu.memref_squeeze %dma_wait3A_1680 : memref<1x128x16xf32, #tpu.memory_space<vmem>> -> memref<128x16xf32, #tpu.memory_space<vmem>>
        %dma_wait3A_1682 = arith.constant 0 : i32
        %dma_wait3A_1683 = arith.constant 0 : i32
        %dma_wait3A_1684 = tpu.memref_slice %arg4[%dma_wait3A_1682, %dma_wait3A_1683] : memref<10000x16xf32, #tpu.memory_space<hbm>> -> memref<128x16xf32, #tpu.memory_space<hbm>>
        %dma_wait3A_1685 = arith.constant 0 : i32
        %dma_wait3A_1686 = arith.constant 0 : i32
        %dma_wait3A_1687 = tpu.memref_slice %arg14[%dma_wait3A_1677, %dma_wait3A_1685, %dma_wait3A_1686] : memref<3x128x16xf32, #tpu.memory_space<vmem>> -> memref<1x128x16xf32, #tpu.memory_space<vmem>>
        %dma_wait3A_1688 = tpu.memref_squeeze %dma_wait3A_1687 : memref<1x128x16xf32, #tpu.memory_space<vmem>> -> memref<128x16xf32, #tpu.memory_space<vmem>>
        %dma_wait3A_1689 = arith.constant 0 : i32
        %dma_wait3A_1690 = arith.constant 0 : i32
        %dma_wait3A_1691 = tpu.memref_slice %arg4[%dma_wait3A_1689, %dma_wait3A_1690] : memref<10000x16xf32, #tpu.memory_space<hbm>> -> memref<128x16xf32, #tpu.memory_space<hbm>>
        tpu.wait_dma2 semaphore(%arg26 : memref<!tpu.dma_semaphore, #tpu.memory_space<semaphore_mem>>) src(%dma_wait3A_1691 : memref<128x16xf32, #tpu.memory_space<hbm>>) dst(%dma_wait3A_1688 : memref<128x16xf32, #tpu.memory_space<vmem>>)
      } else {
      }
      %add3A_728 = arith.constant 1 : i32
      %add3A_729 = arith.addi %add3A_708, %add3A_728 : i32
      %lt3A_730 = arith.constant 84 : i32
      %lt3A_731 = arith.cmpi slt, %add3A_729, %lt3A_730 : i32
      %convert_element_type3A_732 = arith.extui %lt3A_731 : i1 to i32
      %cond3A_733 = arith.constant 0 : i32
      %cond3A_734 = arith.cmpi ne, %convert_element_type3A_732, %cond3A_733 : i32
      scf.if %cond3A_734 {
        %add3A_1662 = arith.constant 1 : i32
        %add3A_1663 = arith.addi %add3A_708, %add3A_1662 : i32
        %div3A_1664 = arith.constant 28 : i32
        %div3A_1665 = arith.divsi %add3A_1663, %div3A_1664 : i32
        %rem3A_1666 = arith.constant 2 : i32
        %rem3A_1667 = arith.remsi %div3A_1665, %rem3A_1666 : i32
        %rem3A_1668 = arith.constant 28 : i32
        %rem3A_1669 = arith.remsi %add3A_1663, %rem3A_1668 : i32
        %dma_start3A_1670 = arith.constant 2 : i32
        %dma_start3A_1671 = arith.constant 0 : i32
        %dma_start3A_1672 = arith.constant 0 : i32
        %dma_start3A_1673 = tpu.memref_slice %arg15[%dma_start3A_1670, %dma_start3A_1671, %dma_start3A_1672] : memref<3x128x16xf32, #tpu.memory_space<vmem>> -> memref<1x128x16xf32, #tpu.memory_space<vmem>>
        %dma_start3A_1674 = tpu.memref_squeeze %dma_start3A_1673 : memref<1x128x16xf32, #tpu.memory_space<vmem>> -> memref<128x16xf32, #tpu.memory_space<vmem>>
        %dma_start3A_1675 = arith.constant 0 : i32
        %dma_start3A_1676 = tpu.memref_slice %arg11[%rem3A_1667, %rem3A_1669, %dma_start3A_1675] : memref<2x28x128xi32, #tpu.memory_space<vmem>> -> memref<1x1x128xi32, #tpu.memory_space<vmem>>
        %dma_start3A_1677 = tpu.memref_squeeze %dma_start3A_1676 : memref<1x1x128xi32, #tpu.memory_space<vmem>> -> memref<128xi32, #tpu.memory_space<vmem>>
        %dma_start3A_1678 = arith.constant 0 : i32
        %dma_start3A_1679 = arith.constant 0 : i32
        %dma_start3A_1680 = tpu.memref_slice %arg4[%dma_start3A_1678, %dma_start3A_1679] : memref<10000x16xf32, #tpu.memory_space<hbm>> -> memref<10000x16xf32, #tpu.memory_space<hbm>>
        tpu.enqueue_indirect_dma source(%dma_start3A_1680 : memref<10000x16xf32, #tpu.memory_space<hbm>>) target(%dma_start3A_1674 : memref<128x16xf32, #tpu.memory_space<vmem>>) offsets(%dma_start3A_1677 : memref<128xi32, #tpu.memory_space<vmem>>) semaphore(%arg23 : memref<!tpu.dma_semaphore, #tpu.memory_space<semaphore_mem>>)
        %dma_start3A_1681 = arith.constant 2 : i32
        %dma_start3A_1682 = arith.constant 0 : i32
        %dma_start3A_1683 = arith.constant 0 : i32
        %dma_start3A_1684 = tpu.memref_slice %arg16[%dma_start3A_1681, %dma_start3A_1682, %dma_start3A_1683] : memref<3x128x16xf32, #tpu.memory_space<vmem>> -> memref<1x128x16xf32, #tpu.memory_space<vmem>>
        %dma_start3A_1685 = tpu.memref_squeeze %dma_start3A_1684 : memref<1x128x16xf32, #tpu.memory_space<vmem>> -> memref<128x16xf32, #tpu.memory_space<vmem>>
        %dma_start3A_1686 = arith.constant 0 : i32
        %dma_start3A_1687 = tpu.memref_slice %arg12[%rem3A_1667, %rem3A_1669, %dma_start3A_1686] : memref<2x28x128xi32, #tpu.memory_space<vmem>> -> memref<1x1x128xi32, #tpu.memory_space<vmem>>
        %dma_start3A_1688 = tpu.memref_squeeze %dma_start3A_1687 : memref<1x1x128xi32, #tpu.memory_space<vmem>> -> memref<128xi32, #tpu.memory_space<vmem>>
        %dma_start3A_1689 = arith.constant 0 : i32
        %dma_start3A_1690 = arith.constant 0 : i32
        %dma_start3A_1691 = tpu.memref_slice %arg5[%dma_start3A_1689, %dma_start3A_1690] : memref<10000x16xf32, #tpu.memory_space<hbm>> -> memref<10000x16xf32, #tpu.memory_space<hbm>>
        tpu.enqueue_indirect_dma source(%dma_start3A_1691 : memref<10000x16xf32, #tpu.memory_space<hbm>>) target(%dma_start3A_1685 : memref<128x16xf32, #tpu.memory_space<vmem>>) offsets(%dma_start3A_1688 : memref<128xi32, #tpu.memory_space<vmem>>) semaphore(%arg23 : memref<!tpu.dma_semaphore, #tpu.memory_space<semaphore_mem>>)
        %dma_start3A_1692 = arith.constant 2 : i32
        %dma_start3A_1693 = arith.constant 0 : i32
        %dma_start3A_1694 = arith.constant 0 : i32
        %dma_start3A_1695 = tpu.memref_slice %arg13[%dma_start3A_1692, %dma_start3A_1693, %dma_start3A_1694] : memref<3x128x64xf32, #tpu.memory_space<vmem>> -> memref<1x128x64xf32, #tpu.memory_space<vmem>>
        %dma_start3A_1696 = tpu.memref_squeeze %dma_start3A_1695 : memref<1x128x64xf32, #tpu.memory_space<vmem>> -> memref<128x64xf32, #tpu.memory_space<vmem>>
        %dma_start3A_1697 = arith.constant 0 : i32
        %dma_start3A_1698 = tpu.memref_slice %arg12[%rem3A_1667, %rem3A_1669, %dma_start3A_1697] : memref<2x28x128xi32, #tpu.memory_space<vmem>> -> memref<1x1x128xi32, #tpu.memory_space<vmem>>
        %dma_start3A_1699 = tpu.memref_squeeze %dma_start3A_1698 : memref<1x1x128xi32, #tpu.memory_space<vmem>> -> memref<128xi32, #tpu.memory_space<vmem>>
        %dma_start3A_1700 = arith.constant 0 : i32
        %dma_start3A_1701 = arith.constant 0 : i32
        %dma_start3A_1702 = tpu.memref_slice %arg6[%dma_start3A_1700, %dma_start3A_1701] : memref<10000x64xf32, #tpu.memory_space<hbm>> -> memref<10000x64xf32, #tpu.memory_space<hbm>>
        tpu.enqueue_indirect_dma source(%dma_start3A_1702 : memref<10000x64xf32, #tpu.memory_space<hbm>>) target(%dma_start3A_1696 : memref<128x64xf32, #tpu.memory_space<vmem>>) offsets(%dma_start3A_1699 : memref<128xi32, #tpu.memory_space<vmem>>) semaphore(%arg23 : memref<!tpu.dma_semaphore, #tpu.memory_space<semaphore_mem>>)
      } else {
      }
      %dma_wait3A_735 = arith.constant 1 : i32
      %dma_wait3A_736 = arith.constant 0 : i32
      %dma_wait3A_737 = arith.constant 0 : i32
      %dma_wait3A_738 = tpu.memref_slice %arg15[%dma_wait3A_735, %dma_wait3A_736, %dma_wait3A_737] : memref<3x128x16xf32, #tpu.memory_space<vmem>> -> memref<1x128x16xf32, #tpu.memory_space<vmem>>
      %dma_wait3A_739 = tpu.memref_squeeze %dma_wait3A_738 : memref<1x128x16xf32, #tpu.memory_space<vmem>> -> memref<128x16xf32, #tpu.memory_space<vmem>>
      %dma_wait3A_740 = arith.constant 0 : i32
      %dma_wait3A_741 = arith.constant 0 : i32
      %dma_wait3A_742 = tpu.memref_slice %arg4[%dma_wait3A_740, %dma_wait3A_741] : memref<10000x16xf32, #tpu.memory_space<hbm>> -> memref<128x16xf32, #tpu.memory_space<hbm>>
      %dma_wait3A_743 = arith.constant 0 : i32
      %dma_wait3A_744 = arith.constant 0 : i32
      %dma_wait3A_745 = tpu.memref_slice %arg15[%dma_wait3A_735, %dma_wait3A_743, %dma_wait3A_744] : memref<3x128x16xf32, #tpu.memory_space<vmem>> -> memref<1x128x16xf32, #tpu.memory_space<vmem>>
      %dma_wait3A_746 = tpu.memref_squeeze %dma_wait3A_745 : memref<1x128x16xf32, #tpu.memory_space<vmem>> -> memref<128x16xf32, #tpu.memory_space<vmem>>
      %dma_wait3A_747 = arith.constant 0 : i32
      %dma_wait3A_748 = arith.constant 0 : i32
      %dma_wait3A_749 = tpu.memref_slice %arg4[%dma_wait3A_747, %dma_wait3A_748] : memref<10000x16xf32, #tpu.memory_space<hbm>> -> memref<128x16xf32, #tpu.memory_space<hbm>>
      tpu.wait_dma2 semaphore(%arg22 : memref<!tpu.dma_semaphore, #tpu.memory_space<semaphore_mem>>) src(%dma_wait3A_749 : memref<128x16xf32, #tpu.memory_space<hbm>>) dst(%dma_wait3A_746 : memref<128x16xf32, #tpu.memory_space<vmem>>)
      %dma_wait3A_750 = arith.constant 1 : i32
      %dma_wait3A_751 = arith.constant 0 : i32
      %dma_wait3A_752 = arith.constant 0 : i32
      %dma_wait3A_753 = tpu.memref_slice %arg16[%dma_wait3A_750, %dma_wait3A_751, %dma_wait3A_752] : memref<3x128x16xf32, #tpu.memory_space<vmem>> -> memref<1x128x16xf32, #tpu.memory_space<vmem>>
      %dma_wait3A_754 = tpu.memref_squeeze %dma_wait3A_753 : memref<1x128x16xf32, #tpu.memory_space<vmem>> -> memref<128x16xf32, #tpu.memory_space<vmem>>
      %dma_wait3A_755 = arith.constant 0 : i32
      %dma_wait3A_756 = arith.constant 0 : i32
      %dma_wait3A_757 = tpu.memref_slice %arg4[%dma_wait3A_755, %dma_wait3A_756] : memref<10000x16xf32, #tpu.memory_space<hbm>> -> memref<128x16xf32, #tpu.memory_space<hbm>>
      %dma_wait3A_758 = arith.constant 0 : i32
      %dma_wait3A_759 = arith.constant 0 : i32
      %dma_wait3A_760 = tpu.memref_slice %arg16[%dma_wait3A_750, %dma_wait3A_758, %dma_wait3A_759] : memref<3x128x16xf32, #tpu.memory_space<vmem>> -> memref<1x128x16xf32, #tpu.memory_space<vmem>>
      %dma_wait3A_761 = tpu.memref_squeeze %dma_wait3A_760 : memref<1x128x16xf32, #tpu.memory_space<vmem>> -> memref<128x16xf32, #tpu.memory_space<vmem>>
      %dma_wait3A_762 = arith.constant 0 : i32
      %dma_wait3A_763 = arith.constant 0 : i32
      %dma_wait3A_764 = tpu.memref_slice %arg4[%dma_wait3A_762, %dma_wait3A_763] : memref<10000x16xf32, #tpu.memory_space<hbm>> -> memref<128x16xf32, #tpu.memory_space<hbm>>
      tpu.wait_dma2 semaphore(%arg22 : memref<!tpu.dma_semaphore, #tpu.memory_space<semaphore_mem>>) src(%dma_wait3A_764 : memref<128x16xf32, #tpu.memory_space<hbm>>) dst(%dma_wait3A_761 : memref<128x16xf32, #tpu.memory_space<vmem>>)
      %dma_wait3A_765 = arith.constant 1 : i32
      %dma_wait3A_766 = arith.constant 0 : i32
      %dma_wait3A_767 = arith.constant 0 : i32
      %dma_wait3A_768 = tpu.memref_slice %arg13[%dma_wait3A_765, %dma_wait3A_766, %dma_wait3A_767] : memref<3x128x64xf32, #tpu.memory_space<vmem>> -> memref<1x128x64xf32, #tpu.memory_space<vmem>>
      %dma_wait3A_769 = tpu.memref_squeeze %dma_wait3A_768 : memref<1x128x64xf32, #tpu.memory_space<vmem>> -> memref<128x64xf32, #tpu.memory_space<vmem>>
      %dma_wait3A_770 = arith.constant 0 : i32
      %dma_wait3A_771 = arith.constant 0 : i32
      %dma_wait3A_772 = tpu.memref_slice %arg6[%dma_wait3A_770, %dma_wait3A_771] : memref<10000x64xf32, #tpu.memory_space<hbm>> -> memref<128x64xf32, #tpu.memory_space<hbm>>
      %dma_wait3A_773 = arith.constant 0 : i32
      %dma_wait3A_774 = arith.constant 0 : i32
      %dma_wait3A_775 = tpu.memref_slice %arg13[%dma_wait3A_765, %dma_wait3A_773, %dma_wait3A_774] : memref<3x128x64xf32, #tpu.memory_space<vmem>> -> memref<1x128x64xf32, #tpu.memory_space<vmem>>
      %dma_wait3A_776 = tpu.memref_squeeze %dma_wait3A_775 : memref<1x128x64xf32, #tpu.memory_space<vmem>> -> memref<128x64xf32, #tpu.memory_space<vmem>>
      %dma_wait3A_777 = arith.constant 0 : i32
      %dma_wait3A_778 = arith.constant 0 : i32
      %dma_wait3A_779 = tpu.memref_slice %arg6[%dma_wait3A_777, %dma_wait3A_778] : memref<10000x64xf32, #tpu.memory_space<hbm>> -> memref<128x64xf32, #tpu.memory_space<hbm>>
      tpu.wait_dma2 semaphore(%arg22 : memref<!tpu.dma_semaphore, #tpu.memory_space<semaphore_mem>>) src(%dma_wait3A_779 : memref<128x64xf32, #tpu.memory_space<hbm>>) dst(%dma_wait3A_776 : memref<128x64xf32, #tpu.memory_space<vmem>>)
      %broadcast_in_dim3A_780 = arith.constant 1 : i32
      %broadcast_in_dim3A_781 = vector.broadcast %broadcast_in_dim3A_780 : i32 to vector<16xi32>
      %add3A_782 = arith.constant 0 : i32
      %add3A_783 = vector.broadcast %add3A_782 : i32 to vector<16xi32>
      %add3A_784 = arith.addi %add3A_783, %iota3A : vector<16xi32>
      %gather3A_785 = tpu.vector_load_idx %arg15[%broadcast_in_dim3A_781, %add3A_784, %broadcast_in_dim3A_7] : memref<3x128x16xf32, #tpu.memory_space<vmem>>[vector<16xi32>, vector<16xi32>, vector<16xi32>], vector<16xf32>,
      %broadcast_in_dim3A_786 = arith.constant 1 : i32
      %broadcast_in_dim3A_787 = vector.broadcast %broadcast_in_dim3A_786 : i32 to vector<16xi32>
      %add3A_788 = arith.constant 0 : i32
      %add3A_789 = vector.broadcast %add3A_788 : i32 to vector<16xi32>
      %add3A_790 = arith.addi %add3A_789, %iota3A : vector<16xi32>
      %gather3A_791 = tpu.vector_load_idx %arg16[%broadcast_in_dim3A_787, %add3A_790, %broadcast_in_dim3A_7] : memref<3x128x16xf32, #tpu.memory_space<vmem>>[vector<16xi32>, vector<16xi32>, vector<16xi32>], vector<16xf32>,
      %add3A_792 = arith.addf %gather3A_785, %gather3A_791 : vector<16xf32>
      %gt3A_793 = arith.constant 0.000000e+00 : f32
      %gt3A_794 = vector.broadcast %gt3A_793 : f32 to vector<16xf32>
      %gt3A_795 = arith.cmpf ogt, %add3A_792, %gt3A_794 : vector<16xf32>
      %mul3A_796 = arith.constant 2.000000e-01 : f32
      %mul3A_797 = vector.broadcast %mul3A_796 : f32 to vector<16xf32>
      %mul3A_798 = arith.mulf %add3A_792, %mul3A_797 : vector<16xf32>
      %select_n3A_799 = arith.select %gt3A_795, %add3A_792, %mul3A_798 : vector<16xi1>, vector<16xf32>
      %mul3A_800 = arith.constant 128 : i32
      %mul3A_801 = arith.muli %add3A_708, %mul3A_800 : i32
      %add3A_802 = arith.addi %mul3A_2, %mul3A_801 : i32
      %add3A_803 = arith.constant 0 : i32
      %add3A_804 = arith.addi %add3A_802, %add3A_803 : i32
      %add3A_805 = vector.broadcast %add3A_804 : i32 to vector<16xi32>
      %add3A_806 = arith.addi %add3A_805, %iota3A : vector<16xi32>
      %lt3A_807 = arith.constant 330000 : i32
      %lt3A_808 = vector.broadcast %lt3A_807 : i32 to vector<16xi32>
      %lt3A_809 = arith.cmpi slt, %add3A_806, %lt3A_808 : vector<16xi32>
      %sub3A_810 = arith.subf %select_n3A_799, %get3A_43 : vector<16xf32>
      %exp3A_811 = math.exp %sub3A_810 : vector<16xf32>
      %jit3A_812 = arith.constant 0.000000e+00 : f32
      %broadcast_in_dim3A_813 = vector.broadcast %jit3A_812 : f32 to vector<16xf32>
      %select_n3A_814 = arith.select %lt3A_809, %exp3A_811, %broadcast_in_dim3A_813 : vector<16xi1>, vector<16xf32>
      %add3A_815 = arith.constant 0 : i32
      %add3A_816 = vector.broadcast %add3A_815 : i32 to vector<16xi32>
      %add3A_817 = arith.addi %add3A_816, %iota3A : vector<16xi32>
      %scatter3A_818 = arith.constant 1 : i32
      %scatter3A_819 = arith.constant 0 : i32
      %scatter3A_820 = arith.constant 0 : i32
      %scatter3A_821 = tpu.memref_slice %arg14[%scatter3A_818, %scatter3A_819, %scatter3A_820] : memref<3x128x16xf32, #tpu.memory_space<vmem>> -> memref<1x128x16xf32, #tpu.memory_space<vmem>>
      %scatter3A_822 = tpu.memref_squeeze %scatter3A_821 : memref<1x128x16xf32, #tpu.memory_space<vmem>> -> memref<128x16xf32, #tpu.memory_space<vmem>>
      tpu.vector_store_idx %scatter3A_822[%add3A_817, %broadcast_in_dim3A_7], %select_n3A_814 : memref<128x16xf32, #tpu.memory_space<vmem>>[vector<16xi32>, vector<16xi32>], vector<16xf32>,
      %swap3A_823 = arith.index_cast %add3A_708 : i32 to index
      %swap3A_824 = arith.constant 0 : index
      %swap3A_825 = tpu.vector_load %arg18[%swap3A_823, %swap3A_824] {strides = array<i32>} : memref<84x128xf32, #tpu.memory_space<vmem>>, vector<16xf32>,
      tpu.vector_store %arg18[%swap3A_823, %swap3A_824], %select_n3A_814 {strides = array<i32>} : memref<84x128xf32, #tpu.memory_space<vmem>>, vector<16xf32>,
      %broadcast_in_dim3A_826 = arith.constant 1 : i32
      %broadcast_in_dim3A_827 = vector.broadcast %broadcast_in_dim3A_826 : i32 to vector<16xi32>
      %add3A_828 = arith.constant 16 : i32
      %add3A_829 = vector.broadcast %add3A_828 : i32 to vector<16xi32>
      %add3A_830 = arith.addi %add3A_829, %iota3A : vector<16xi32>
      %gather3A_831 = tpu.vector_load_idx %arg15[%broadcast_in_dim3A_827, %add3A_830, %broadcast_in_dim3A_7] : memref<3x128x16xf32, #tpu.memory_space<vmem>>[vector<16xi32>, vector<16xi32>, vector<16xi32>], vector<16xf32>,
      %broadcast_in_dim3A_832 = arith.constant 1 : i32
      %broadcast_in_dim3A_833 = vector.broadcast %broadcast_in_dim3A_832 : i32 to vector<16xi32>
      %add3A_834 = arith.constant 16 : i32
      %add3A_835 = vector.broadcast %add3A_834 : i32 to vector<16xi32>
      %add3A_836 = arith.addi %add3A_835, %iota3A : vector<16xi32>
      %gather3A_837 = tpu.vector_load_idx %arg16[%broadcast_in_dim3A_833, %add3A_836, %broadcast_in_dim3A_7] : memref<3x128x16xf32, #tpu.memory_space<vmem>>[vector<16xi32>, vector<16xi32>, vector<16xi32>], vector<16xf32>,
      %add3A_838 = arith.addf %gather3A_831, %gather3A_837 : vector<16xf32>
      %gt3A_839 = arith.constant 0.000000e+00 : f32
      %gt3A_840 = vector.broadcast %gt3A_839 : f32 to vector<16xf32>
      %gt3A_841 = arith.cmpf ogt, %add3A_838, %gt3A_840 : vector<16xf32>
      %mul3A_842 = arith.constant 2.000000e-01 : f32
      %mul3A_843 = vector.broadcast %mul3A_842 : f32 to vector<16xf32>
      %mul3A_844 = arith.mulf %add3A_838, %mul3A_843 : vector<16xf32>
      %select_n3A_845 = arith.select %gt3A_841, %add3A_838, %mul3A_844 : vector<16xi1>, vector<16xf32>
      %mul3A_846 = arith.constant 128 : i32
      %mul3A_847 = arith.muli %add3A_708, %mul3A_846 : i32
      %add3A_848 = arith.addi %mul3A_2, %mul3A_847 : i32
      %add3A_849 = arith.constant 16 : i32
      %add3A_850 = arith.addi %add3A_848, %add3A_849 : i32
      %add3A_851 = vector.broadcast %add3A_850 : i32 to vector<16xi32>
      %add3A_852 = arith.addi %add3A_851, %iota3A : vector<16xi32>
      %lt3A_853 = arith.constant 330000 : i32
      %lt3A_854 = vector.broadcast %lt3A_853 : i32 to vector<16xi32>
      %lt3A_855 = arith.cmpi slt, %add3A_852, %lt3A_854 : vector<16xi32>
      %sub3A_856 = arith.subf %select_n3A_845, %get3A_43 : vector<16xf32>
      %exp3A_857 = math.exp %sub3A_856 : vector<16xf32>
      %jit3A_858 = arith.constant 0.000000e+00 : f32
      %broadcast_in_dim3A_859 = vector.broadcast %jit3A_858 : f32 to vector<16xf32>
      %select_n3A_860 = arith.select %lt3A_855, %exp3A_857, %broadcast_in_dim3A_859 : vector<16xi1>, vector<16xf32>
      %add3A_861 = arith.constant 16 : i32
      %add3A_862 = vector.broadcast %add3A_861 : i32 to vector<16xi32>
      %add3A_863 = arith.addi %add3A_862, %iota3A : vector<16xi32>
      %scatter3A_864 = arith.constant 1 : i32
      %scatter3A_865 = arith.constant 0 : i32
      %scatter3A_866 = arith.constant 0 : i32
      %scatter3A_867 = tpu.memref_slice %arg14[%scatter3A_864, %scatter3A_865, %scatter3A_866] : memref<3x128x16xf32, #tpu.memory_space<vmem>> -> memref<1x128x16xf32, #tpu.memory_space<vmem>>
      %scatter3A_868 = tpu.memref_squeeze %scatter3A_867 : memref<1x128x16xf32, #tpu.memory_space<vmem>> -> memref<128x16xf32, #tpu.memory_space<vmem>>
      tpu.vector_store_idx %scatter3A_868[%add3A_863, %broadcast_in_dim3A_7], %select_n3A_860 : memref<128x16xf32, #tpu.memory_space<vmem>>[vector<16xi32>, vector<16xi32>], vector<16xf32>,
      %swap3A_869 = arith.index_cast %add3A_708 : i32 to index
      %swap3A_870 = arith.constant 16 : index
      %swap3A_871 = tpu.vector_load %arg18[%swap3A_869, %swap3A_870] {strides = array<i32>} : memref<84x128xf32, #tpu.memory_space<vmem>>, vector<16xf32>,
      tpu.vector_store %arg18[%swap3A_869, %swap3A_870], %select_n3A_860 {strides = array<i32>} : memref<84x128xf32, #tpu.memory_space<vmem>>, vector<16xf32>,
      %broadcast_in_dim3A_872 = arith.constant 1 : i32
      %broadcast_in_dim3A_873 = vector.broadcast %broadcast_in_dim3A_872 : i32 to vector<16xi32>
      %add3A_874 = arith.constant 32 : i32
      %add3A_875 = vector.broadcast %add3A_874 : i32 to vector<16xi32>
      %add3A_876 = arith.addi %add3A_875, %iota3A : vector<16xi32>
      %gather3A_877 = tpu.vector_load_idx %arg15[%broadcast_in_dim3A_873, %add3A_876, %broadcast_in_dim3A_7] : memref<3x128x16xf32, #tpu.memory_space<vmem>>[vector<16xi32>, vector<16xi32>, vector<16xi32>], vector<16xf32>,
      %broadcast_in_dim3A_878 = arith.constant 1 : i32
      %broadcast_in_dim3A_879 = vector.broadcast %broadcast_in_dim3A_878 : i32 to vector<16xi32>
      %add3A_880 = arith.constant 32 : i32
      %add3A_881 = vector.broadcast %add3A_880 : i32 to vector<16xi32>
      %add3A_882 = arith.addi %add3A_881, %iota3A : vector<16xi32>
      %gather3A_883 = tpu.vector_load_idx %arg16[%broadcast_in_dim3A_879, %add3A_882, %broadcast_in_dim3A_7] : memref<3x128x16xf32, #tpu.memory_space<vmem>>[vector<16xi32>, vector<16xi32>, vector<16xi32>], vector<16xf32>,
      %add3A_884 = arith.addf %gather3A_877, %gather3A_883 : vector<16xf32>
      %gt3A_885 = arith.constant 0.000000e+00 : f32
      %gt3A_886 = vector.broadcast %gt3A_885 : f32 to vector<16xf32>
      %gt3A_887 = arith.cmpf ogt, %add3A_884, %gt3A_886 : vector<16xf32>
      %mul3A_888 = arith.constant 2.000000e-01 : f32
      %mul3A_889 = vector.broadcast %mul3A_888 : f32 to vector<16xf32>
      %mul3A_890 = arith.mulf %add3A_884, %mul3A_889 : vector<16xf32>
      %select_n3A_891 = arith.select %gt3A_887, %add3A_884, %mul3A_890 : vector<16xi1>, vector<16xf32>
      %mul3A_892 = arith.constant 128 : i32
      %mul3A_893 = arith.muli %add3A_708, %mul3A_892 : i32
      %add3A_894 = arith.addi %mul3A_2, %mul3A_893 : i32
      %add3A_895 = arith.constant 32 : i32
      %add3A_896 = arith.addi %add3A_894, %add3A_895 : i32
      %add3A_897 = vector.broadcast %add3A_896 : i32 to vector<16xi32>
      %add3A_898 = arith.addi %add3A_897, %iota3A : vector<16xi32>
      %lt3A_899 = arith.constant 330000 : i32
      %lt3A_900 = vector.broadcast %lt3A_899 : i32 to vector<16xi32>
      %lt3A_901 = arith.cmpi slt, %add3A_898, %lt3A_900 : vector<16xi32>
      %sub3A_902 = arith.subf %select_n3A_891, %get3A_43 : vector<16xf32>
      %exp3A_903 = math.exp %sub3A_902 : vector<16xf32>
      %jit3A_904 = arith.constant 0.000000e+00 : f32
      %broadcast_in_dim3A_905 = vector.broadcast %jit3A_904 : f32 to vector<16xf32>
      %select_n3A_906 = arith.select %lt3A_901, %exp3A_903, %broadcast_in_dim3A_905 : vector<16xi1>, vector<16xf32>
      %add3A_907 = arith.constant 32 : i32
      %add3A_908 = vector.broadcast %add3A_907 : i32 to vector<16xi32>
      %add3A_909 = arith.addi %add3A_908, %iota3A : vector<16xi32>
      %scatter3A_910 = arith.constant 1 : i32
      %scatter3A_911 = arith.constant 0 : i32
      %scatter3A_912 = arith.constant 0 : i32
      %scatter3A_913 = tpu.memref_slice %arg14[%scatter3A_910, %scatter3A_911, %scatter3A_912] : memref<3x128x16xf32, #tpu.memory_space<vmem>> -> memref<1x128x16xf32, #tpu.memory_space<vmem>>
      %scatter3A_914 = tpu.memref_squeeze %scatter3A_913 : memref<1x128x16xf32, #tpu.memory_space<vmem>> -> memref<128x16xf32, #tpu.memory_space<vmem>>
      tpu.vector_store_idx %scatter3A_914[%add3A_909, %broadcast_in_dim3A_7], %select_n3A_906 : memref<128x16xf32, #tpu.memory_space<vmem>>[vector<16xi32>, vector<16xi32>], vector<16xf32>,
      %swap3A_915 = arith.index_cast %add3A_708 : i32 to index
      %swap3A_916 = arith.constant 32 : index
      %swap3A_917 = tpu.vector_load %arg18[%swap3A_915, %swap3A_916] {strides = array<i32>} : memref<84x128xf32, #tpu.memory_space<vmem>>, vector<16xf32>,
      tpu.vector_store %arg18[%swap3A_915, %swap3A_916], %select_n3A_906 {strides = array<i32>} : memref<84x128xf32, #tpu.memory_space<vmem>>, vector<16xf32>,
      %broadcast_in_dim3A_918 = arith.constant 1 : i32
      %broadcast_in_dim3A_919 = vector.broadcast %broadcast_in_dim3A_918 : i32 to vector<16xi32>
      %add3A_920 = arith.constant 48 : i32
      %add3A_921 = vector.broadcast %add3A_920 : i32 to vector<16xi32>
      %add3A_922 = arith.addi %add3A_921, %iota3A : vector<16xi32>
      %gather3A_923 = tpu.vector_load_idx %arg15[%broadcast_in_dim3A_919, %add3A_922, %broadcast_in_dim3A_7] : memref<3x128x16xf32, #tpu.memory_space<vmem>>[vector<16xi32>, vector<16xi32>, vector<16xi32>], vector<16xf32>,
      %broadcast_in_dim3A_924 = arith.constant 1 : i32
      %broadcast_in_dim3A_925 = vector.broadcast %broadcast_in_dim3A_924 : i32 to vector<16xi32>
      %add3A_926 = arith.constant 48 : i32
      %add3A_927 = vector.broadcast %add3A_926 : i32 to vector<16xi32>
      %add3A_928 = arith.addi %add3A_927, %iota3A : vector<16xi32>
      %gather3A_929 = tpu.vector_load_idx %arg16[%broadcast_in_dim3A_925, %add3A_928, %broadcast_in_dim3A_7] : memref<3x128x16xf32, #tpu.memory_space<vmem>>[vector<16xi32>, vector<16xi32>, vector<16xi32>], vector<16xf32>,
      %add3A_930 = arith.addf %gather3A_923, %gather3A_929 : vector<16xf32>
      %gt3A_931 = arith.constant 0.000000e+00 : f32
      %gt3A_932 = vector.broadcast %gt3A_931 : f32 to vector<16xf32>
      %gt3A_933 = arith.cmpf ogt, %add3A_930, %gt3A_932 : vector<16xf32>
      %mul3A_934 = arith.constant 2.000000e-01 : f32
      %mul3A_935 = vector.broadcast %mul3A_934 : f32 to vector<16xf32>
      %mul3A_936 = arith.mulf %add3A_930, %mul3A_935 : vector<16xf32>
      %select_n3A_937 = arith.select %gt3A_933, %add3A_930, %mul3A_936 : vector<16xi1>, vector<16xf32>
      %mul3A_938 = arith.constant 128 : i32
      %mul3A_939 = arith.muli %add3A_708, %mul3A_938 : i32
      %add3A_940 = arith.addi %mul3A_2, %mul3A_939 : i32
      %add3A_941 = arith.constant 48 : i32
      %add3A_942 = arith.addi %add3A_940, %add3A_941 : i32
      %add3A_943 = vector.broadcast %add3A_942 : i32 to vector<16xi32>
      %add3A_944 = arith.addi %add3A_943, %iota3A : vector<16xi32>
      %lt3A_945 = arith.constant 330000 : i32
      %lt3A_946 = vector.broadcast %lt3A_945 : i32 to vector<16xi32>
      %lt3A_947 = arith.cmpi slt, %add3A_944, %lt3A_946 : vector<16xi32>
      %sub3A_948 = arith.subf %select_n3A_937, %get3A_43 : vector<16xf32>
      %exp3A_949 = math.exp %sub3A_948 : vector<16xf32>
      %jit3A_950 = arith.constant 0.000000e+00 : f32
      %broadcast_in_dim3A_951 = vector.broadcast %jit3A_950 : f32 to vector<16xf32>
      %select_n3A_952 = arith.select %lt3A_947, %exp3A_949, %broadcast_in_dim3A_951 : vector<16xi1>, vector<16xf32>
      %add3A_953 = arith.constant 48 : i32
      %add3A_954 = vector.broadcast %add3A_953 : i32 to vector<16xi32>
      %add3A_955 = arith.addi %add3A_954, %iota3A : vector<16xi32>
      %scatter3A_956 = arith.constant 1 : i32
      %scatter3A_957 = arith.constant 0 : i32
      %scatter3A_958 = arith.constant 0 : i32
      %scatter3A_959 = tpu.memref_slice %arg14[%scatter3A_956, %scatter3A_957, %scatter3A_958] : memref<3x128x16xf32, #tpu.memory_space<vmem>> -> memref<1x128x16xf32, #tpu.memory_space<vmem>>
      %scatter3A_960 = tpu.memref_squeeze %scatter3A_959 : memref<1x128x16xf32, #tpu.memory_space<vmem>> -> memref<128x16xf32, #tpu.memory_space<vmem>>
      tpu.vector_store_idx %scatter3A_960[%add3A_955, %broadcast_in_dim3A_7], %select_n3A_952 : memref<128x16xf32, #tpu.memory_space<vmem>>[vector<16xi32>, vector<16xi32>], vector<16xf32>,
      %swap3A_961 = arith.index_cast %add3A_708 : i32 to index
      %swap3A_962 = arith.constant 48 : index
      %swap3A_963 = tpu.vector_load %arg18[%swap3A_961, %swap3A_962] {strides = array<i32>} : memref<84x128xf32, #tpu.memory_space<vmem>>, vector<16xf32>,
      tpu.vector_store %arg18[%swap3A_961, %swap3A_962], %select_n3A_952 {strides = array<i32>} : memref<84x128xf32, #tpu.memory_space<vmem>>, vector<16xf32>,
      %broadcast_in_dim3A_964 = arith.constant 1 : i32
      %broadcast_in_dim3A_965 = vector.broadcast %broadcast_in_dim3A_964 : i32 to vector<16xi32>
      %add3A_966 = arith.constant 64 : i32
      %add3A_967 = vector.broadcast %add3A_966 : i32 to vector<16xi32>
      %add3A_968 = arith.addi %add3A_967, %iota3A : vector<16xi32>
      %gather3A_969 = tpu.vector_load_idx %arg15[%broadcast_in_dim3A_965, %add3A_968, %broadcast_in_dim3A_7] : memref<3x128x16xf32, #tpu.memory_space<vmem>>[vector<16xi32>, vector<16xi32>, vector<16xi32>], vector<16xf32>,
      %broadcast_in_dim3A_970 = arith.constant 1 : i32
      %broadcast_in_dim3A_971 = vector.broadcast %broadcast_in_dim3A_970 : i32 to vector<16xi32>
      %add3A_972 = arith.constant 64 : i32
      %add3A_973 = vector.broadcast %add3A_972 : i32 to vector<16xi32>
      %add3A_974 = arith.addi %add3A_973, %iota3A : vector<16xi32>
      %gather3A_975 = tpu.vector_load_idx %arg16[%broadcast_in_dim3A_971, %add3A_974, %broadcast_in_dim3A_7] : memref<3x128x16xf32, #tpu.memory_space<vmem>>[vector<16xi32>, vector<16xi32>, vector<16xi32>], vector<16xf32>,
      %add3A_976 = arith.addf %gather3A_969, %gather3A_975 : vector<16xf32>
      %gt3A_977 = arith.constant 0.000000e+00 : f32
      %gt3A_978 = vector.broadcast %gt3A_977 : f32 to vector<16xf32>
      %gt3A_979 = arith.cmpf ogt, %add3A_976, %gt3A_978 : vector<16xf32>
      %mul3A_980 = arith.constant 2.000000e-01 : f32
      %mul3A_981 = vector.broadcast %mul3A_980 : f32 to vector<16xf32>
      %mul3A_982 = arith.mulf %add3A_976, %mul3A_981 : vector<16xf32>
      %select_n3A_983 = arith.select %gt3A_979, %add3A_976, %mul3A_982 : vector<16xi1>, vector<16xf32>
      %mul3A_984 = arith.constant 128 : i32
      %mul3A_985 = arith.muli %add3A_708, %mul3A_984 : i32
      %add3A_986 = arith.addi %mul3A_2, %mul3A_985 : i32
      %add3A_987 = arith.constant 64 : i32
      %add3A_988 = arith.addi %add3A_986, %add3A_987 : i32
      %add3A_989 = vector.broadcast %add3A_988 : i32 to vector<16xi32>
      %add3A_990 = arith.addi %add3A_989, %iota3A : vector<16xi32>
      %lt3A_991 = arith.constant 330000 : i32
      %lt3A_992 = vector.broadcast %lt3A_991 : i32 to vector<16xi32>
      %lt3A_993 = arith.cmpi slt, %add3A_990, %lt3A_992 : vector<16xi32>
      %sub3A_994 = arith.subf %select_n3A_983, %get3A_43 : vector<16xf32>
      %exp3A_995 = math.exp %sub3A_994 : vector<16xf32>
      %jit3A_996 = arith.constant 0.000000e+00 : f32
      %broadcast_in_dim3A_997 = vector.broadcast %jit3A_996 : f32 to vector<16xf32>
      %select_n3A_998 = arith.select %lt3A_993, %exp3A_995, %broadcast_in_dim3A_997 : vector<16xi1>, vector<16xf32>
      %add3A_999 = arith.constant 64 : i32
      %add3A_1000 = vector.broadcast %add3A_999 : i32 to vector<16xi32>
      %add3A_1001 = arith.addi %add3A_1000, %iota3A : vector<16xi32>
      %scatter3A_1002 = arith.constant 1 : i32
      %scatter3A_1003 = arith.constant 0 : i32
      %scatter3A_1004 = arith.constant 0 : i32
      %scatter3A_1005 = tpu.memref_slice %arg14[%scatter3A_1002, %scatter3A_1003, %scatter3A_1004] : memref<3x128x16xf32, #tpu.memory_space<vmem>> -> memref<1x128x16xf32, #tpu.memory_space<vmem>>
      %scatter3A_1006 = tpu.memref_squeeze %scatter3A_1005 : memref<1x128x16xf32, #tpu.memory_space<vmem>> -> memref<128x16xf32, #tpu.memory_space<vmem>>
      tpu.vector_store_idx %scatter3A_1006[%add3A_1001, %broadcast_in_dim3A_7], %select_n3A_998 : memref<128x16xf32, #tpu.memory_space<vmem>>[vector<16xi32>, vector<16xi32>], vector<16xf32>,
      %swap3A_1007 = arith.index_cast %add3A_708 : i32 to index
      %swap3A_1008 = arith.constant 64 : index
      %swap3A_1009 = tpu.vector_load %arg18[%swap3A_1007, %swap3A_1008] {strides = array<i32>} : memref<84x128xf32, #tpu.memory_space<vmem>>, vector<16xf32>,
      tpu.vector_store %arg18[%swap3A_1007, %swap3A_1008], %select_n3A_998 {strides = array<i32>} : memref<84x128xf32, #tpu.memory_space<vmem>>, vector<16xf32>,
      %broadcast_in_dim3A_1010 = arith.constant 1 : i32
      %broadcast_in_dim3A_1011 = vector.broadcast %broadcast_in_dim3A_1010 : i32 to vector<16xi32>
      %add3A_1012 = arith.constant 80 : i32
      %add3A_1013 = vector.broadcast %add3A_1012 : i32 to vector<16xi32>
      %add3A_1014 = arith.addi %add3A_1013, %iota3A : vector<16xi32>
      %gather3A_1015 = tpu.vector_load_idx %arg15[%broadcast_in_dim3A_1011, %add3A_1014, %broadcast_in_dim3A_7] : memref<3x128x16xf32, #tpu.memory_space<vmem>>[vector<16xi32>, vector<16xi32>, vector<16xi32>], vector<16xf32>,
      %broadcast_in_dim3A_1016 = arith.constant 1 : i32
      %broadcast_in_dim3A_1017 = vector.broadcast %broadcast_in_dim3A_1016 : i32 to vector<16xi32>
      %add3A_1018 = arith.constant 80 : i32
      %add3A_1019 = vector.broadcast %add3A_1018 : i32 to vector<16xi32>
      %add3A_1020 = arith.addi %add3A_1019, %iota3A : vector<16xi32>
      %gather3A_1021 = tpu.vector_load_idx %arg16[%broadcast_in_dim3A_1017, %add3A_1020, %broadcast_in_dim3A_7] : memref<3x128x16xf32, #tpu.memory_space<vmem>>[vector<16xi32>, vector<16xi32>, vector<16xi32>], vector<16xf32>,
      %add3A_1022 = arith.addf %gather3A_1015, %gather3A_1021 : vector<16xf32>
      %gt3A_1023 = arith.constant 0.000000e+00 : f32
      %gt3A_1024 = vector.broadcast %gt3A_1023 : f32 to vector<16xf32>
      %gt3A_1025 = arith.cmpf ogt, %add3A_1022, %gt3A_1024 : vector<16xf32>
      %mul3A_1026 = arith.constant 2.000000e-01 : f32
      %mul3A_1027 = vector.broadcast %mul3A_1026 : f32 to vector<16xf32>
      %mul3A_1028 = arith.mulf %add3A_1022, %mul3A_1027 : vector<16xf32>
      %select_n3A_1029 = arith.select %gt3A_1025, %add3A_1022, %mul3A_1028 : vector<16xi1>, vector<16xf32>
      %mul3A_1030 = arith.constant 128 : i32
      %mul3A_1031 = arith.muli %add3A_708, %mul3A_1030 : i32
      %add3A_1032 = arith.addi %mul3A_2, %mul3A_1031 : i32
      %add3A_1033 = arith.constant 80 : i32
      %add3A_1034 = arith.addi %add3A_1032, %add3A_1033 : i32
      %add3A_1035 = vector.broadcast %add3A_1034 : i32 to vector<16xi32>
      %add3A_1036 = arith.addi %add3A_1035, %iota3A : vector<16xi32>
      %lt3A_1037 = arith.constant 330000 : i32
      %lt3A_1038 = vector.broadcast %lt3A_1037 : i32 to vector<16xi32>
      %lt3A_1039 = arith.cmpi slt, %add3A_1036, %lt3A_1038 : vector<16xi32>
      %sub3A_1040 = arith.subf %select_n3A_1029, %get3A_43 : vector<16xf32>
      %exp3A_1041 = math.exp %sub3A_1040 : vector<16xf32>
      %jit3A_1042 = arith.constant 0.000000e+00 : f32
      %broadcast_in_dim3A_1043 = vector.broadcast %jit3A_1042 : f32 to vector<16xf32>
      %select_n3A_1044 = arith.select %lt3A_1039, %exp3A_1041, %broadcast_in_dim3A_1043 : vector<16xi1>, vector<16xf32>
      %add3A_1045 = arith.constant 80 : i32
      %add3A_1046 = vector.broadcast %add3A_1045 : i32 to vector<16xi32>
      %add3A_1047 = arith.addi %add3A_1046, %iota3A : vector<16xi32>
      %scatter3A_1048 = arith.constant 1 : i32
      %scatter3A_1049 = arith.constant 0 : i32
      %scatter3A_1050 = arith.constant 0 : i32
      %scatter3A_1051 = tpu.memref_slice %arg14[%scatter3A_1048, %scatter3A_1049, %scatter3A_1050] : memref<3x128x16xf32, #tpu.memory_space<vmem>> -> memref<1x128x16xf32, #tpu.memory_space<vmem>>
      %scatter3A_1052 = tpu.memref_squeeze %scatter3A_1051 : memref<1x128x16xf32, #tpu.memory_space<vmem>> -> memref<128x16xf32, #tpu.memory_space<vmem>>
      tpu.vector_store_idx %scatter3A_1052[%add3A_1047, %broadcast_in_dim3A_7], %select_n3A_1044 : memref<128x16xf32, #tpu.memory_space<vmem>>[vector<16xi32>, vector<16xi32>], vector<16xf32>,
      %swap3A_1053 = arith.index_cast %add3A_708 : i32 to index
      %swap3A_1054 = arith.constant 80 : index
      %swap3A_1055 = tpu.vector_load %arg18[%swap3A_1053, %swap3A_1054] {strides = array<i32>} : memref<84x128xf32, #tpu.memory_space<vmem>>, vector<16xf32>,
      tpu.vector_store %arg18[%swap3A_1053, %swap3A_1054], %select_n3A_1044 {strides = array<i32>} : memref<84x128xf32, #tpu.memory_space<vmem>>, vector<16xf32>,
      %broadcast_in_dim3A_1056 = arith.constant 1 : i32
      %broadcast_in_dim3A_1057 = vector.broadcast %broadcast_in_dim3A_1056 : i32 to vector<16xi32>
      %add3A_1058 = arith.constant 96 : i32
      %add3A_1059 = vector.broadcast %add3A_1058 : i32 to vector<16xi32>
      %add3A_1060 = arith.addi %add3A_1059, %iota3A : vector<16xi32>
      %gather3A_1061 = tpu.vector_load_idx %arg15[%broadcast_in_dim3A_1057, %add3A_1060, %broadcast_in_dim3A_7] : memref<3x128x16xf32, #tpu.memory_space<vmem>>[vector<16xi32>, vector<16xi32>, vector<16xi32>], vector<16xf32>,
      %broadcast_in_dim3A_1062 = arith.constant 1 : i32
      %broadcast_in_dim3A_1063 = vector.broadcast %broadcast_in_dim3A_1062 : i32 to vector<16xi32>
      %add3A_1064 = arith.constant 96 : i32
      %add3A_1065 = vector.broadcast %add3A_1064 : i32 to vector<16xi32>
      %add3A_1066 = arith.addi %add3A_1065, %iota3A : vector<16xi32>
      %gather3A_1067 = tpu.vector_load_idx %arg16[%broadcast_in_dim3A_1063, %add3A_1066, %broadcast_in_dim3A_7] : memref<3x128x16xf32, #tpu.memory_space<vmem>>[vector<16xi32>, vector<16xi32>, vector<16xi32>], vector<16xf32>,
      %add3A_1068 = arith.addf %gather3A_1061, %gather3A_1067 : vector<16xf32>
      %gt3A_1069 = arith.constant 0.000000e+00 : f32
      %gt3A_1070 = vector.broadcast %gt3A_1069 : f32 to vector<16xf32>
      %gt3A_1071 = arith.cmpf ogt, %add3A_1068, %gt3A_1070 : vector<16xf32>
      %mul3A_1072 = arith.constant 2.000000e-01 : f32
      %mul3A_1073 = vector.broadcast %mul3A_1072 : f32 to vector<16xf32>
      %mul3A_1074 = arith.mulf %add3A_1068, %mul3A_1073 : vector<16xf32>
      %select_n3A_1075 = arith.select %gt3A_1071, %add3A_1068, %mul3A_1074 : vector<16xi1>, vector<16xf32>
      %mul3A_1076 = arith.constant 128 : i32
      %mul3A_1077 = arith.muli %add3A_708, %mul3A_1076 : i32
      %add3A_1078 = arith.addi %mul3A_2, %mul3A_1077 : i32
      %add3A_1079 = arith.constant 96 : i32
      %add3A_1080 = arith.addi %add3A_1078, %add3A_1079 : i32
      %add3A_1081 = vector.broadcast %add3A_1080 : i32 to vector<16xi32>
      %add3A_1082 = arith.addi %add3A_1081, %iota3A : vector<16xi32>
      %lt3A_1083 = arith.constant 330000 : i32
      %lt3A_1084 = vector.broadcast %lt3A_1083 : i32 to vector<16xi32>
      %lt3A_1085 = arith.cmpi slt, %add3A_1082, %lt3A_1084 : vector<16xi32>
      %sub3A_1086 = arith.subf %select_n3A_1075, %get3A_43 : vector<16xf32>
      %exp3A_1087 = math.exp %sub3A_1086 : vector<16xf32>
      %jit3A_1088 = arith.constant 0.000000e+00 : f32
      %broadcast_in_dim3A_1089 = vector.broadcast %jit3A_1088 : f32 to vector<16xf32>
      %select_n3A_1090 = arith.select %lt3A_1085, %exp3A_1087, %broadcast_in_dim3A_1089 : vector<16xi1>, vector<16xf32>
      %add3A_1091 = arith.constant 96 : i32
      %add3A_1092 = vector.broadcast %add3A_1091 : i32 to vector<16xi32>
      %add3A_1093 = arith.addi %add3A_1092, %iota3A : vector<16xi32>
      %scatter3A_1094 = arith.constant 1 : i32
      %scatter3A_1095 = arith.constant 0 : i32
      %scatter3A_1096 = arith.constant 0 : i32
      %scatter3A_1097 = tpu.memref_slice %arg14[%scatter3A_1094, %scatter3A_1095, %scatter3A_1096] : memref<3x128x16xf32, #tpu.memory_space<vmem>> -> memref<1x128x16xf32, #tpu.memory_space<vmem>>
      %scatter3A_1098 = tpu.memref_squeeze %scatter3A_1097 : memref<1x128x16xf32, #tpu.memory_space<vmem>> -> memref<128x16xf32, #tpu.memory_space<vmem>>
      tpu.vector_store_idx %scatter3A_1098[%add3A_1093, %broadcast_in_dim3A_7], %select_n3A_1090 : memref<128x16xf32, #tpu.memory_space<vmem>>[vector<16xi32>, vector<16xi32>], vector<16xf32>,
      %swap3A_1099 = arith.index_cast %add3A_708 : i32 to index
      %swap3A_1100 = arith.constant 96 : index
      %swap3A_1101 = tpu.vector_load %arg18[%swap3A_1099, %swap3A_1100] {strides = array<i32>} : memref<84x128xf32, #tpu.memory_space<vmem>>, vector<16xf32>,
      tpu.vector_store %arg18[%swap3A_1099, %swap3A_1100], %select_n3A_1090 {strides = array<i32>} : memref<84x128xf32, #tpu.memory_space<vmem>>, vector<16xf32>,
      %broadcast_in_dim3A_1102 = arith.constant 1 : i32
      %broadcast_in_dim3A_1103 = vector.broadcast %broadcast_in_dim3A_1102 : i32 to vector<16xi32>
      %add3A_1104 = arith.constant 112 : i32
      %add3A_1105 = vector.broadcast %add3A_1104 : i32 to vector<16xi32>
      %add3A_1106 = arith.addi %add3A_1105, %iota3A : vector<16xi32>
      %gather3A_1107 = tpu.vector_load_idx %arg15[%broadcast_in_dim3A_1103, %add3A_1106, %broadcast_in_dim3A_7] : memref<3x128x16xf32, #tpu.memory_space<vmem>>[vector<16xi32>, vector<16xi32>, vector<16xi32>], vector<16xf32>,
      %broadcast_in_dim3A_1108 = arith.constant 1 : i32
      %broadcast_in_dim3A_1109 = vector.broadcast %broadcast_in_dim3A_1108 : i32 to vector<16xi32>
      %add3A_1110 = arith.constant 112 : i32
      %add3A_1111 = vector.broadcast %add3A_1110 : i32 to vector<16xi32>
      %add3A_1112 = arith.addi %add3A_1111, %iota3A : vector<16xi32>
      %gather3A_1113 = tpu.vector_load_idx %arg16[%broadcast_in_dim3A_1109, %add3A_1112, %broadcast_in_dim3A_7] : memref<3x128x16xf32, #tpu.memory_space<vmem>>[vector<16xi32>, vector<16xi32>, vector<16xi32>], vector<16xf32>,
      %add3A_1114 = arith.addf %gather3A_1107, %gather3A_1113 : vector<16xf32>
      %gt3A_1115 = arith.constant 0.000000e+00 : f32
      %gt3A_1116 = vector.broadcast %gt3A_1115 : f32 to vector<16xf32>
      %gt3A_1117 = arith.cmpf ogt, %add3A_1114, %gt3A_1116 : vector<16xf32>
      %mul3A_1118 = arith.constant 2.000000e-01 : f32
      %mul3A_1119 = vector.broadcast %mul3A_1118 : f32 to vector<16xf32>
      %mul3A_1120 = arith.mulf %add3A_1114, %mul3A_1119 : vector<16xf32>
      %select_n3A_1121 = arith.select %gt3A_1117, %add3A_1114, %mul3A_1120 : vector<16xi1>, vector<16xf32>
      %mul3A_1122 = arith.constant 128 : i32
      %mul3A_1123 = arith.muli %add3A_708, %mul3A_1122 : i32
      %add3A_1124 = arith.addi %mul3A_2, %mul3A_1123 : i32
      %add3A_1125 = arith.constant 112 : i32
      %add3A_1126 = arith.addi %add3A_1124, %add3A_1125 : i32
      %add3A_1127 = vector.broadcast %add3A_1126 : i32 to vector<16xi32>
      %add3A_1128 = arith.addi %add3A_1127, %iota3A : vector<16xi32>
      %lt3A_1129 = arith.constant 330000 : i32
      %lt3A_1130 = vector.broadcast %lt3A_1129 : i32 to vector<16xi32>
      %lt3A_1131 = arith.cmpi slt, %add3A_1128, %lt3A_1130 : vector<16xi32>
      %sub3A_1132 = arith.subf %select_n3A_1121, %get3A_43 : vector<16xf32>
      %exp3A_1133 = math.exp %sub3A_1132 : vector<16xf32>
      %jit3A_1134 = arith.constant 0.000000e+00 : f32
      %broadcast_in_dim3A_1135 = vector.broadcast %jit3A_1134 : f32 to vector<16xf32>
      %select_n3A_1136 = arith.select %lt3A_1131, %exp3A_1133, %broadcast_in_dim3A_1135 : vector<16xi1>, vector<16xf32>
      %add3A_1137 = arith.constant 112 : i32
      %add3A_1138 = vector.broadcast %add3A_1137 : i32 to vector<16xi32>
      %add3A_1139 = arith.addi %add3A_1138, %iota3A : vector<16xi32>
      %scatter3A_1140 = arith.constant 1 : i32
      %scatter3A_1141 = arith.constant 0 : i32
      %scatter3A_1142 = arith.constant 0 : i32
      %scatter3A_1143 = tpu.memref_slice %arg14[%scatter3A_1140, %scatter3A_1141, %scatter3A_1142] : memref<3x128x16xf32, #tpu.memory_space<vmem>> -> memref<1x128x16xf32, #tpu.memory_space<vmem>>
      %scatter3A_1144 = tpu.memref_squeeze %scatter3A_1143 : memref<1x128x16xf32, #tpu.memory_space<vmem>> -> memref<128x16xf32, #tpu.memory_space<vmem>>
      tpu.vector_store_idx %scatter3A_1144[%add3A_1139, %broadcast_in_dim3A_7], %select_n3A_1136 : memref<128x16xf32, #tpu.memory_space<vmem>>[vector<16xi32>, vector<16xi32>], vector<16xf32>,
      %swap3A_1145 = arith.index_cast %add3A_708 : i32 to index
      %swap3A_1146 = arith.constant 112 : index
      %swap3A_1147 = tpu.vector_load %arg18[%swap3A_1145, %swap3A_1146] {strides = array<i32>} : memref<84x128xf32, #tpu.memory_space<vmem>>, vector<16xf32>,
      tpu.vector_store %arg18[%swap3A_1145, %swap3A_1146], %select_n3A_1136 {strides = array<i32>} : memref<84x128xf32, #tpu.memory_space<vmem>>, vector<16xf32>,
      %scan3A_1148 = arith.constant 0 : i32
      %scan3A_1149 = arith.constant 0 : i32
      %scan3A_1150 = arith.constant 64 : i32
      %scan3A_1151 = arith.addi %scan3A_1149, %scan3A_1150 : i32
      %scan3A_1152 = arith.constant 1 : i32
      %scan3A_1153 = scf.for %scan3A_1662 = %scan3A_1149 to %scan3A_1151 step %scan3A_1152 iter_args(%scan3A_1663 = %scan3A_1148) -> (i32)  : i32 {
        %mul3A_1664 = arith.constant 2 : i32
        %mul3A_1665 = arith.muli %scan3A_1662, %mul3A_1664 : i32
        %add3A_1666 = arith.constant 0 : i32
        %add3A_1667 = arith.addi %mul3A_1665, %add3A_1666 : i32
        %broadcast_in_dim3A_1668 = arith.constant 1 : i32
        %broadcast_in_dim3A_1669 = vector.broadcast %broadcast_in_dim3A_1668 : i32 to vector<16xi32>
        %broadcast_in_dim3A_1670 = vector.broadcast %add3A_1667 : i32 to vector<16xi32>
        %gather3A_1671 = tpu.vector_load_idx %arg14[%broadcast_in_dim3A_1669, %broadcast_in_dim3A_1670, %broadcast_in_dim3A_7] : memref<3x128x16xf32, #tpu.memory_space<vmem>>[vector<16xi32>, vector<16xi32>, vector<16xi32>], vector<16xf32>,
        %get3A_1672 = arith.constant 1 : i32
        %get3A_1673 = arith.index_cast %get3A_1672 : i32 to index
        %get3A_1674 = arith.index_cast %add3A_1667 : i32 to index
        %get3A_1675 = arith.constant 0 : index
        %get3A_1676 = tpu.vector_load %arg13[%get3A_1673, %get3A_1674, %get3A_1675] {strides = array<i32>} : memref<3x128x64xf32, #tpu.memory_space<vmem>>, vector<16xf32>,
        %mul3A_1677 = arith.mulf %get3A_1676, %gather3A_1671 : vector<16xf32>
        %swap3A_1678 = arith.constant 1 : i32
        %swap3A_1679 = arith.index_cast %swap3A_1678 : i32 to index
        %swap3A_1680 = arith.index_cast %add3A_1667 : i32 to index
        %swap3A_1681 = arith.constant 0 : index
        %swap3A_1682 = tpu.vector_load %arg13[%swap3A_1679, %swap3A_1680, %swap3A_1681] {strides = array<i32>} : memref<3x128x64xf32, #tpu.memory_space<vmem>>, vector<16xf32>,
        tpu.vector_store %arg13[%swap3A_1679, %swap3A_1680, %swap3A_1681], %mul3A_1677 {strides = array<i32>} : memref<3x128x64xf32, #tpu.memory_space<vmem>>, vector<16xf32>,
        %get3A_1683 = arith.constant 1 : i32
        %get3A_1684 = arith.index_cast %get3A_1683 : i32 to index
        %get3A_1685 = arith.index_cast %add3A_1667 : i32 to index
        %get3A_1686 = arith.constant 16 : index
        %get3A_1687 = tpu.vector_load %arg13[%get3A_1684, %get3A_1685, %get3A_1686] {strides = array<i32>} : memref<3x128x64xf32, #tpu.memory_space<vmem>>, vector<16xf32>,
        %mul3A_1688 = arith.mulf %get3A_1687, %gather3A_1671 : vector<16xf32>
        %swap3A_1689 = arith.constant 1 : i32
        %swap3A_1690 = arith.index_cast %swap3A_1689 : i32 to index
        %swap3A_1691 = arith.index_cast %add3A_1667 : i32 to index
        %swap3A_1692 = arith.constant 16 : index
        %swap3A_1693 = tpu.vector_load %arg13[%swap3A_1690, %swap3A_1691, %swap3A_1692] {strides = array<i32>} : memref<3x128x64xf32, #tpu.memory_space<vmem>>, vector<16xf32>,
        tpu.vector_store %arg13[%swap3A_1690, %swap3A_1691, %swap3A_1692], %mul3A_1688 {strides = array<i32>} : memref<3x128x64xf32, #tpu.memory_space<vmem>>, vector<16xf32>,
        %get3A_1694 = arith.constant 1 : i32
        %get3A_1695 = arith.index_cast %get3A_1694 : i32 to index
        %get3A_1696 = arith.index_cast %add3A_1667 : i32 to index
        %get3A_1697 = arith.constant 32 : index
        %get3A_1698 = tpu.vector_load %arg13[%get3A_1695, %get3A_1696, %get3A_1697] {strides = array<i32>} : memref<3x128x64xf32, #tpu.memory_space<vmem>>, vector<16xf32>,
        %mul3A_1699 = arith.mulf %get3A_1698, %gather3A_1671 : vector<16xf32>
        %swap3A_1700 = arith.constant 1 : i32
        %swap3A_1701 = arith.index_cast %swap3A_1700 : i32 to index
        %swap3A_1702 = arith.index_cast %add3A_1667 : i32 to index
        %swap3A_1703 = arith.constant 32 : index
        %swap3A_1704 = tpu.vector_load %arg13[%swap3A_1701, %swap3A_1702, %swap3A_1703] {strides = array<i32>} : memref<3x128x64xf32, #tpu.memory_space<vmem>>, vector<16xf32>,
        tpu.vector_store %arg13[%swap3A_1701, %swap3A_1702, %swap3A_1703], %mul3A_1699 {strides = array<i32>} : memref<3x128x64xf32, #tpu.memory_space<vmem>>, vector<16xf32>,
        %get3A_1705 = arith.constant 1 : i32
        %get3A_1706 = arith.index_cast %get3A_1705 : i32 to index
        %get3A_1707 = arith.index_cast %add3A_1667 : i32 to index
        %get3A_1708 = arith.constant 48 : index
        %get3A_1709 = tpu.vector_load %arg13[%get3A_1706, %get3A_1707, %get3A_1708] {strides = array<i32>} : memref<3x128x64xf32, #tpu.memory_space<vmem>>, vector<16xf32>,
        %mul3A_1710 = arith.mulf %get3A_1709, %gather3A_1671 : vector<16xf32>
        %swap3A_1711 = arith.constant 1 : i32
        %swap3A_1712 = arith.index_cast %swap3A_1711 : i32 to index
        %swap3A_1713 = arith.index_cast %add3A_1667 : i32 to index
        %swap3A_1714 = arith.constant 48 : index
        %swap3A_1715 = tpu.vector_load %arg13[%swap3A_1712, %swap3A_1713, %swap3A_1714] {strides = array<i32>} : memref<3x128x64xf32, #tpu.memory_space<vmem>>, vector<16xf32>,
        tpu.vector_store %arg13[%swap3A_1712, %swap3A_1713, %swap3A_1714], %mul3A_1710 {strides = array<i32>} : memref<3x128x64xf32, #tpu.memory_space<vmem>>, vector<16xf32>,
        %mul3A_1716 = arith.constant 2 : i32
        %mul3A_1717 = arith.muli %scan3A_1662, %mul3A_1716 : i32
        %add3A_1718 = arith.constant 1 : i32
        %add3A_1719 = arith.addi %mul3A_1717, %add3A_1718 : i32
        %broadcast_in_dim3A_1720 = arith.constant 1 : i32
        %broadcast_in_dim3A_1721 = vector.broadcast %broadcast_in_dim3A_1720 : i32 to vector<16xi32>
        %broadcast_in_dim3A_1722 = vector.broadcast %add3A_1719 : i32 to vector<16xi32>
        %gather3A_1723 = tpu.vector_load_idx %arg14[%broadcast_in_dim3A_1721, %broadcast_in_dim3A_1722, %broadcast_in_dim3A_7] : memref<3x128x16xf32, #tpu.memory_space<vmem>>[vector<16xi32>, vector<16xi32>, vector<16xi32>], vector<16xf32>,
        %get3A_1724 = arith.constant 1 : i32
        %get3A_1725 = arith.index_cast %get3A_1724 : i32 to index
        %get3A_1726 = arith.index_cast %add3A_1719 : i32 to index
        %get3A_1727 = arith.constant 0 : index
        %get3A_1728 = tpu.vector_load %arg13[%get3A_1725, %get3A_1726, %get3A_1727] {strides = array<i32>} : memref<3x128x64xf32, #tpu.memory_space<vmem>>, vector<16xf32>,
        %mul3A_1729 = arith.mulf %get3A_1728, %gather3A_1723 : vector<16xf32>
        %swap3A_1730 = arith.constant 1 : i32
        %swap3A_1731 = arith.index_cast %swap3A_1730 : i32 to index
        %swap3A_1732 = arith.index_cast %add3A_1719 : i32 to index
        %swap3A_1733 = arith.constant 0 : index
        %swap3A_1734 = tpu.vector_load %arg13[%swap3A_1731, %swap3A_1732, %swap3A_1733] {strides = array<i32>} : memref<3x128x64xf32, #tpu.memory_space<vmem>>, vector<16xf32>,
        tpu.vector_store %arg13[%swap3A_1731, %swap3A_1732, %swap3A_1733], %mul3A_1729 {strides = array<i32>} : memref<3x128x64xf32, #tpu.memory_space<vmem>>, vector<16xf32>,
        %get3A_1735 = arith.constant 1 : i32
        %get3A_1736 = arith.index_cast %get3A_1735 : i32 to index
        %get3A_1737 = arith.index_cast %add3A_1719 : i32 to index
        %get3A_1738 = arith.constant 16 : index
        %get3A_1739 = tpu.vector_load %arg13[%get3A_1736, %get3A_1737, %get3A_1738] {strides = array<i32>} : memref<3x128x64xf32, #tpu.memory_space<vmem>>, vector<16xf32>,
        %mul3A_1740 = arith.mulf %get3A_1739, %gather3A_1723 : vector<16xf32>
        %swap3A_1741 = arith.constant 1 : i32
        %swap3A_1742 = arith.index_cast %swap3A_1741 : i32 to index
        %swap3A_1743 = arith.index_cast %add3A_1719 : i32 to index
        %swap3A_1744 = arith.constant 16 : index
        %swap3A_1745 = tpu.vector_load %arg13[%swap3A_1742, %swap3A_1743, %swap3A_1744] {strides = array<i32>} : memref<3x128x64xf32, #tpu.memory_space<vmem>>, vector<16xf32>,
        tpu.vector_store %arg13[%swap3A_1742, %swap3A_1743, %swap3A_1744], %mul3A_1740 {strides = array<i32>} : memref<3x128x64xf32, #tpu.memory_space<vmem>>, vector<16xf32>,
        %get3A_1746 = arith.constant 1 : i32
        %get3A_1747 = arith.index_cast %get3A_1746 : i32 to index
        %get3A_1748 = arith.index_cast %add3A_1719 : i32 to index
        %get3A_1749 = arith.constant 32 : index
        %get3A_1750 = tpu.vector_load %arg13[%get3A_1747, %get3A_1748, %get3A_1749] {strides = array<i32>} : memref<3x128x64xf32, #tpu.memory_space<vmem>>, vector<16xf32>,
        %mul3A_1751 = arith.mulf %get3A_1750, %gather3A_1723 : vector<16xf32>
        %swap3A_1752 = arith.constant 1 : i32
        %swap3A_1753 = arith.index_cast %swap3A_1752 : i32 to index
        %swap3A_1754 = arith.index_cast %add3A_1719 : i32 to index
        %swap3A_1755 = arith.constant 32 : index
        %swap3A_1756 = tpu.vector_load %arg13[%swap3A_1753, %swap3A_1754, %swap3A_1755] {strides = array<i32>} : memref<3x128x64xf32, #tpu.memory_space<vmem>>, vector<16xf32>,
        tpu.vector_store %arg13[%swap3A_1753, %swap3A_1754, %swap3A_1755], %mul3A_1751 {strides = array<i32>} : memref<3x128x64xf32, #tpu.memory_space<vmem>>, vector<16xf32>,
        %get3A_1757 = arith.constant 1 : i32
        %get3A_1758 = arith.index_cast %get3A_1757 : i32 to index
        %get3A_1759 = arith.index_cast %add3A_1719 : i32 to index
        %get3A_1760 = arith.constant 48 : index
        %get3A_1761 = tpu.vector_load %arg13[%get3A_1758, %get3A_1759, %get3A_1760] {strides = array<i32>} : memref<3x128x64xf32, #tpu.memory_space<vmem>>, vector<16xf32>,
        %mul3A_1762 = arith.mulf %get3A_1761, %gather3A_1723 : vector<16xf32>
        %swap3A_1763 = arith.constant 1 : i32
        %swap3A_1764 = arith.index_cast %swap3A_1763 : i32 to index
        %swap3A_1765 = arith.index_cast %add3A_1719 : i32 to index
        %swap3A_1766 = arith.constant 48 : index
        %swap3A_1767 = tpu.vector_load %arg13[%swap3A_1764, %swap3A_1765, %swap3A_1766] {strides = array<i32>} : memref<3x128x64xf32, #tpu.memory_space<vmem>>, vector<16xf32>,
        tpu.vector_store %arg13[%swap3A_1764, %swap3A_1765, %swap3A_1766], %mul3A_1762 {strides = array<i32>} : memref<3x128x64xf32, #tpu.memory_space<vmem>>, vector<16xf32>,
        %scan3A_1768 = arith.constant 0 : i32
        scf.yield %scan3A_1768 : i32
      }
      %scan3A_1154 = arith.constant 64 : i32
      %div3A_1155 = arith.constant 28 : i32
      %div3A_1156 = arith.divsi %add3A_708, %div3A_1155 : i32
      %rem3A_1157 = arith.constant 2 : i32
      %rem3A_1158 = arith.remsi %div3A_1156, %rem3A_1157 : i32
      %rem3A_1159 = arith.constant 28 : i32
      %rem3A_1160 = arith.remsi %add3A_708, %rem3A_1159 : i32
      %dma_start3A_1161 = arith.constant 1 : i32
      %dma_start3A_1162 = arith.constant 0 : i32
      %dma_start3A_1163 = arith.constant 0 : i32
      %dma_start3A_1164 = tpu.memref_slice %arg13[%dma_start3A_1161, %dma_start3A_1162, %dma_start3A_1163] : memref<3x128x64xf32, #tpu.memory_space<vmem>> -> memref<1x128x64xf32, #tpu.memory_space<vmem>>
      %dma_start3A_1165 = tpu.memref_squeeze %dma_start3A_1164 : memref<1x128x64xf32, #tpu.memory_space<vmem>> -> memref<128x64xf32, #tpu.memory_space<vmem>>
      %dma_start3A_1166 = arith.constant 0 : i32
      %dma_start3A_1167 = tpu.memref_slice %arg11[%rem3A_1158, %rem3A_1160, %dma_start3A_1166] : memref<2x28x128xi32, #tpu.memory_space<vmem>> -> memref<1x1x128xi32, #tpu.memory_space<vmem>>
      %dma_start3A_1168 = tpu.memref_squeeze %dma_start3A_1167 : memref<1x1x128xi32, #tpu.memory_space<vmem>> -> memref<128xi32, #tpu.memory_space<vmem>>
      %dma_start3A_1169 = arith.constant 0 : i32
      %dma_start3A_1170 = arith.constant 0 : i32
      %dma_start3A_1171 = tpu.memref_slice %arg19[%dma_start3A_1169, %dma_start3A_1170] : memref<10240x64xf32, #tpu.memory_space<vmem_shared>> -> memref<10240x64xf32, #tpu.memory_space<vmem_shared>>
      tpu.enqueue_indirect_dma source(%dma_start3A_1165 : memref<128x64xf32, #tpu.memory_space<vmem>>) target(%dma_start3A_1171 : memref<10240x64xf32, #tpu.memory_space<vmem_shared>>) offsets(%dma_start3A_1168 : memref<128xi32, #tpu.memory_space<vmem>>) semaphore(%arg25 : memref<!tpu.dma_semaphore, #tpu.memory_space<semaphore_mem>>) {add = true}
      %dma_start3A_1172 = arith.constant 1 : i32
      %dma_start3A_1173 = arith.constant 0 : i32
      %dma_start3A_1174 = arith.constant 0 : i32
      %dma_start3A_1175 = tpu.memref_slice %arg14[%dma_start3A_1172, %dma_start3A_1173, %dma_start3A_1174] : memref<3x128x16xf32, #tpu.memory_space<vmem>> -> memref<1x128x16xf32, #tpu.memory_space<vmem>>
      %dma_start3A_1176 = tpu.memref_squeeze %dma_start3A_1175 : memref<1x128x16xf32, #tpu.memory_space<vmem>> -> memref<128x16xf32, #tpu.memory_space<vmem>>
      %dma_start3A_1177 = arith.constant 0 : i32
      %dma_start3A_1178 = tpu.memref_slice %arg11[%rem3A_1158, %rem3A_1160, %dma_start3A_1177] : memref<2x28x128xi32, #tpu.memory_space<vmem>> -> memref<1x1x128xi32, #tpu.memory_space<vmem>>
      %dma_start3A_1179 = tpu.memref_squeeze %dma_start3A_1178 : memref<1x1x128xi32, #tpu.memory_space<vmem>> -> memref<128xi32, #tpu.memory_space<vmem>>
      %dma_start3A_1180 = arith.constant 0 : i32
      %dma_start3A_1181 = arith.constant 0 : i32
      %dma_start3A_1182 = tpu.memref_slice %arg20[%dma_start3A_1180, %dma_start3A_1181] : memref<10240x16xf32, #tpu.memory_space<vmem_shared>> -> memref<10240x16xf32, #tpu.memory_space<vmem_shared>>
      tpu.enqueue_indirect_dma source(%dma_start3A_1176 : memref<128x16xf32, #tpu.memory_space<vmem>>) target(%dma_start3A_1182 : memref<10240x16xf32, #tpu.memory_space<vmem_shared>>) offsets(%dma_start3A_1179 : memref<128xi32, #tpu.memory_space<vmem>>) semaphore(%arg25 : memref<!tpu.dma_semaphore, #tpu.memory_space<semaphore_mem>>) {add = true}
      %mul3A_1183 = arith.constant 3 : i32
      %mul3A_1184 = arith.muli %scan3A_241, %mul3A_1183 : i32
      %add3A_1185 = arith.constant 2 : i32
      %add3A_1186 = arith.addi %mul3A_1184, %add3A_1185 : i32
      %add3A_1187 = arith.constant 1 : i32
      %add3A_1188 = arith.addi %add3A_1186, %add3A_1187 : i32
      %rem3A_1189 = arith.constant 28 : i32
      %rem3A_1190 = arith.remsi %add3A_1188, %rem3A_1189 : i32
      %eq3A_1191 = arith.constant 0 : i32
      %eq3A_1192 = arith.cmpi eq, %rem3A_1190, %eq3A_1191 : i32
      %add3A_1193 = arith.constant 1 : i32
      %add3A_1194 = arith.addi %add3A_1186, %add3A_1193 : i32
      %lt3A_1195 = arith.constant 84 : i32
      %lt3A_1196 = arith.cmpi slt, %add3A_1194, %lt3A_1195 : i32
      %and3A_1197 = arith.andi %eq3A_1192, %lt3A_1196 : i1
      %convert_element_type3A_1198 = arith.extui %and3A_1197 : i1 to i32
      %cond3A_1199 = arith.constant 0 : i32
      %cond3A_1200 = arith.cmpi ne, %convert_element_type3A_1198, %cond3A_1199 : i32
      scf.if %cond3A_1200 {
        %add3A_1662 = arith.constant 1 : i32
        %add3A_1663 = arith.addi %add3A_1186, %add3A_1662 : i32
        %div3A_1664 = arith.constant 28 : i32
        %div3A_1665 = arith.divsi %add3A_1663, %div3A_1664 : i32
        %rem3A_1666 = arith.constant 2 : i32
        %rem3A_1667 = arith.remsi %div3A_1665, %rem3A_1666 : i32
        "tpu.region"() ({
          %run_scoped3A_1668 = tpu.sem_alloc : memref<!tpu.dma_semaphore, #tpu.memory_space<semaphore_mem>>
          %dma_start3A_1669 = arith.constant 0 : i32
          %dma_start3A_1670 = arith.constant 0 : i32
          %dma_start3A_1671 = tpu.memref_slice %arg11[%rem3A_1667, %dma_start3A_1669, %dma_start3A_1670] : memref<2x28x128xi32, #tpu.memory_space<vmem>> -> memref<1x28x128xi32, #tpu.memory_space<vmem>>
          %dma_start3A_1672 = tpu.memref_squeeze %dma_start3A_1671 : memref<1x28x128xi32, #tpu.memory_space<vmem>> -> memref<28x128xi32, #tpu.memory_space<vmem>>
          %dma_start3A_1673 = arith.constant 0 : i32
          %dma_start3A_1674 = arith.constant 0 : i32
          %dma_start3A_1675 = tpu.memref_slice %arg2[%add3A, %div3A_1665, %dma_start3A_1673, %dma_start3A_1674] : memref<32x3x28x128xi32, #tpu.memory_space<hbm>> -> memref<1x1x28x128xi32, #tpu.memory_space<hbm>>
          %dma_start3A_1676 = tpu.memref_squeeze %dma_start3A_1675 : memref<1x1x28x128xi32, #tpu.memory_space<hbm>> -> memref<28x128xi32, #tpu.memory_space<hbm>>
          %dma_start3A_1677 = arith.constant 0 : i32
          %dma_start3A_1678 = arith.constant 0 : i32
          %dma_start3A_1679 = tpu.memref_slice %arg11[%rem3A_1667, %dma_start3A_1677, %dma_start3A_1678] : memref<2x28x128xi32, #tpu.memory_space<vmem>> -> memref<1x28x128xi32, #tpu.memory_space<vmem>>
          %dma_start3A_1680 = tpu.memref_squeeze %dma_start3A_1679 : memref<1x28x128xi32, #tpu.memory_space<vmem>> -> memref<28x128xi32, #tpu.memory_space<vmem>>
          %dma_start3A_1681 = arith.constant 0 : i32
          %dma_start3A_1682 = arith.constant 0 : i32
          %dma_start3A_1683 = tpu.memref_slice %arg2[%add3A, %div3A_1665, %dma_start3A_1681, %dma_start3A_1682] : memref<32x3x28x128xi32, #tpu.memory_space<hbm>> -> memref<1x1x28x128xi32, #tpu.memory_space<hbm>>
          %dma_start3A_1684 = tpu.memref_squeeze %dma_start3A_1683 : memref<1x1x28x128xi32, #tpu.memory_space<hbm>> -> memref<28x128xi32, #tpu.memory_space<hbm>>
          tpu.enqueue_dma source(%dma_start3A_1684 : memref<28x128xi32, #tpu.memory_space<hbm>>) target(%dma_start3A_1680 : memref<28x128xi32, #tpu.memory_space<vmem>>) target_semaphore(%run_scoped3A_1668 : memref<!tpu.dma_semaphore, #tpu.memory_space<semaphore_mem>>)
          %dma_wait3A_1685 = arith.constant 0 : i32
          %dma_wait3A_1686 = arith.constant 0 : i32
          %dma_wait3A_1687 = tpu.memref_slice %arg11[%rem3A_1667, %dma_wait3A_1685, %dma_wait3A_1686] : memref<2x28x128xi32, #tpu.memory_space<vmem>> -> memref<1x28x128xi32, #tpu.memory_space<vmem>>
          %dma_wait3A_1688 = tpu.memref_squeeze %dma_wait3A_1687 : memref<1x28x128xi32, #tpu.memory_space<vmem>> -> memref<28x128xi32, #tpu.memory_space<vmem>>
          %dma_wait3A_1689 = arith.constant 0 : i32
          %dma_wait3A_1690 = arith.constant 0 : i32
          %dma_wait3A_1691 = tpu.memref_slice %arg2[%add3A, %div3A_1665, %dma_wait3A_1689, %dma_wait3A_1690] : memref<32x3x28x128xi32, #tpu.memory_space<hbm>> -> memref<1x1x28x128xi32, #tpu.memory_space<hbm>>
          %dma_wait3A_1692 = tpu.memref_squeeze %dma_wait3A_1691 : memref<1x1x28x128xi32, #tpu.memory_space<hbm>> -> memref<28x128xi32, #tpu.memory_space<hbm>>
          %dma_wait3A_1693 = arith.constant 0 : i32
          %dma_wait3A_1694 = arith.constant 0 : i32
          %dma_wait3A_1695 = tpu.memref_slice %arg11[%rem3A_1667, %dma_wait3A_1693, %dma_wait3A_1694] : memref<2x28x128xi32, #tpu.memory_space<vmem>> -> memref<1x28x128xi32, #tpu.memory_space<vmem>>
          %dma_wait3A_1696 = tpu.memref_squeeze %dma_wait3A_1695 : memref<1x28x128xi32, #tpu.memory_space<vmem>> -> memref<28x128xi32, #tpu.memory_space<vmem>>
          %dma_wait3A_1697 = arith.constant 0 : i32
          %dma_wait3A_1698 = arith.constant 0 : i32
          %dma_wait3A_1699 = tpu.memref_slice %arg2[%add3A, %div3A_1665, %dma_wait3A_1697, %dma_wait3A_1698] : memref<32x3x28x128xi32, #tpu.memory_space<hbm>> -> memref<1x1x28x128xi32, #tpu.memory_space<hbm>>
          %dma_wait3A_1700 = tpu.memref_squeeze %dma_wait3A_1699 : memref<1x1x28x128xi32, #tpu.memory_space<hbm>> -> memref<28x128xi32, #tpu.memory_space<hbm>>
          tpu.wait_dma2 semaphore(%run_scoped3A_1668 : memref<!tpu.dma_semaphore, #tpu.memory_space<semaphore_mem>>) src(%dma_wait3A_1700 : memref<28x128xi32, #tpu.memory_space<hbm>>) dst(%dma_wait3A_1696 : memref<28x128xi32, #tpu.memory_space<vmem>>)
          tpu.yield
        }) : () -> ()
        "tpu.region"() ({
          %run_scoped3A_1668 = tpu.sem_alloc : memref<!tpu.dma_semaphore, #tpu.memory_space<semaphore_mem>>
          %dma_start3A_1669 = arith.constant 0 : i32
          %dma_start3A_1670 = arith.constant 0 : i32
          %dma_start3A_1671 = tpu.memref_slice %arg12[%rem3A_1667, %dma_start3A_1669, %dma_start3A_1670] : memref<2x28x128xi32, #tpu.memory_space<vmem>> -> memref<1x28x128xi32, #tpu.memory_space<vmem>>
          %dma_start3A_1672 = tpu.memref_squeeze %dma_start3A_1671 : memref<1x28x128xi32, #tpu.memory_space<vmem>> -> memref<28x128xi32, #tpu.memory_space<vmem>>
          %dma_start3A_1673 = arith.constant 0 : i32
          %dma_start3A_1674 = arith.constant 0 : i32
          %dma_start3A_1675 = tpu.memref_slice %arg3[%add3A, %div3A_1665, %dma_start3A_1673, %dma_start3A_1674] : memref<32x3x28x128xi32, #tpu.memory_space<hbm>> -> memref<1x1x28x128xi32, #tpu.memory_space<hbm>>
          %dma_start3A_1676 = tpu.memref_squeeze %dma_start3A_1675 : memref<1x1x28x128xi32, #tpu.memory_space<hbm>> -> memref<28x128xi32, #tpu.memory_space<hbm>>
          %dma_start3A_1677 = arith.constant 0 : i32
          %dma_start3A_1678 = arith.constant 0 : i32
          %dma_start3A_1679 = tpu.memref_slice %arg12[%rem3A_1667, %dma_start3A_1677, %dma_start3A_1678] : memref<2x28x128xi32, #tpu.memory_space<vmem>> -> memref<1x28x128xi32, #tpu.memory_space<vmem>>
          %dma_start3A_1680 = tpu.memref_squeeze %dma_start3A_1679 : memref<1x28x128xi32, #tpu.memory_space<vmem>> -> memref<28x128xi32, #tpu.memory_space<vmem>>
          %dma_start3A_1681 = arith.constant 0 : i32
          %dma_start3A_1682 = arith.constant 0 : i32
          %dma_start3A_1683 = tpu.memref_slice %arg3[%add3A, %div3A_1665, %dma_start3A_1681, %dma_start3A_1682] : memref<32x3x28x128xi32, #tpu.memory_space<hbm>> -> memref<1x1x28x128xi32, #tpu.memory_space<hbm>>
          %dma_start3A_1684 = tpu.memref_squeeze %dma_start3A_1683 : memref<1x1x28x128xi32, #tpu.memory_space<hbm>> -> memref<28x128xi32, #tpu.memory_space<hbm>>
          tpu.enqueue_dma source(%dma_start3A_1684 : memref<28x128xi32, #tpu.memory_space<hbm>>) target(%dma_start3A_1680 : memref<28x128xi32, #tpu.memory_space<vmem>>) target_semaphore(%run_scoped3A_1668 : memref<!tpu.dma_semaphore, #tpu.memory_space<semaphore_mem>>)
          %dma_wait3A_1685 = arith.constant 0 : i32
          %dma_wait3A_1686 = arith.constant 0 : i32
          %dma_wait3A_1687 = tpu.memref_slice %arg12[%rem3A_1667, %dma_wait3A_1685, %dma_wait3A_1686] : memref<2x28x128xi32, #tpu.memory_space<vmem>> -> memref<1x28x128xi32, #tpu.memory_space<vmem>>
          %dma_wait3A_1688 = tpu.memref_squeeze %dma_wait3A_1687 : memref<1x28x128xi32, #tpu.memory_space<vmem>> -> memref<28x128xi32, #tpu.memory_space<vmem>>
          %dma_wait3A_1689 = arith.constant 0 : i32
          %dma_wait3A_1690 = arith.constant 0 : i32
          %dma_wait3A_1691 = tpu.memref_slice %arg3[%add3A, %div3A_1665, %dma_wait3A_1689, %dma_wait3A_1690] : memref<32x3x28x128xi32, #tpu.memory_space<hbm>> -> memref<1x1x28x128xi32, #tpu.memory_space<hbm>>
          %dma_wait3A_1692 = tpu.memref_squeeze %dma_wait3A_1691 : memref<1x1x28x128xi32, #tpu.memory_space<hbm>> -> memref<28x128xi32, #tpu.memory_space<hbm>>
          %dma_wait3A_1693 = arith.constant 0 : i32
          %dma_wait3A_1694 = arith.constant 0 : i32
          %dma_wait3A_1695 = tpu.memref_slice %arg12[%rem3A_1667, %dma_wait3A_1693, %dma_wait3A_1694] : memref<2x28x128xi32, #tpu.memory_space<vmem>> -> memref<1x28x128xi32, #tpu.memory_space<vmem>>
          %dma_wait3A_1696 = tpu.memref_squeeze %dma_wait3A_1695 : memref<1x28x128xi32, #tpu.memory_space<vmem>> -> memref<28x128xi32, #tpu.memory_space<vmem>>
          %dma_wait3A_1697 = arith.constant 0 : i32
          %dma_wait3A_1698 = arith.constant 0 : i32
          %dma_wait3A_1699 = tpu.memref_slice %arg3[%add3A, %div3A_1665, %dma_wait3A_1697, %dma_wait3A_1698] : memref<32x3x28x128xi32, #tpu.memory_space<hbm>> -> memref<1x1x28x128xi32, #tpu.memory_space<hbm>>
          %dma_wait3A_1700 = tpu.memref_squeeze %dma_wait3A_1699 : memref<1x1x28x128xi32, #tpu.memory_space<hbm>> -> memref<28x128xi32, #tpu.memory_space<hbm>>
          tpu.wait_dma2 semaphore(%run_scoped3A_1668 : memref<!tpu.dma_semaphore, #tpu.memory_space<semaphore_mem>>) src(%dma_wait3A_1700 : memref<28x128xi32, #tpu.memory_space<hbm>>) dst(%dma_wait3A_1696 : memref<28x128xi32, #tpu.memory_space<vmem>>)
          tpu.yield
        }) : () -> ()
      } else {
      }
      %ge3A_1201 = arith.constant 2 : i32
      %ge3A_1202 = arith.cmpi sge, %add3A_1186, %ge3A_1201 : i32
      %convert_element_type3A_1203 = arith.extui %ge3A_1202 : i1 to i32
      %cond3A_1204 = arith.constant 0 : i32
      %cond3A_1205 = arith.cmpi ne, %convert_element_type3A_1203, %cond3A_1204 : i32
      scf.if %cond3A_1205 {
        %dma_wait3A_1662 = arith.constant 0 : i32
        %dma_wait3A_1663 = arith.constant 0 : i32
        %dma_wait3A_1664 = arith.constant 0 : i32
        %dma_wait3A_1665 = tpu.memref_slice %arg13[%dma_wait3A_1662, %dma_wait3A_1663, %dma_wait3A_1664] : memref<3x128x64xf32, #tpu.memory_space<vmem>> -> memref<1x128x64xf32, #tpu.memory_space<vmem>>
        %dma_wait3A_1666 = tpu.memref_squeeze %dma_wait3A_1665 : memref<1x128x64xf32, #tpu.memory_space<vmem>> -> memref<128x64xf32, #tpu.memory_space<vmem>>
        %dma_wait3A_1667 = arith.constant 0 : i32
        %dma_wait3A_1668 = arith.constant 0 : i32
        %dma_wait3A_1669 = tpu.memref_slice %arg6[%dma_wait3A_1667, %dma_wait3A_1668] : memref<10000x64xf32, #tpu.memory_space<hbm>> -> memref<128x64xf32, #tpu.memory_space<hbm>>
        %dma_wait3A_1670 = arith.constant 0 : i32
        %dma_wait3A_1671 = arith.constant 0 : i32
        %dma_wait3A_1672 = tpu.memref_slice %arg13[%dma_wait3A_1662, %dma_wait3A_1670, %dma_wait3A_1671] : memref<3x128x64xf32, #tpu.memory_space<vmem>> -> memref<1x128x64xf32, #tpu.memory_space<vmem>>
        %dma_wait3A_1673 = tpu.memref_squeeze %dma_wait3A_1672 : memref<1x128x64xf32, #tpu.memory_space<vmem>> -> memref<128x64xf32, #tpu.memory_space<vmem>>
        %dma_wait3A_1674 = arith.constant 0 : i32
        %dma_wait3A_1675 = arith.constant 0 : i32
        %dma_wait3A_1676 = tpu.memref_slice %arg6[%dma_wait3A_1674, %dma_wait3A_1675] : memref<10000x64xf32, #tpu.memory_space<hbm>> -> memref<128x64xf32, #tpu.memory_space<hbm>>
        tpu.wait_dma2 semaphore(%arg24 : memref<!tpu.dma_semaphore, #tpu.memory_space<semaphore_mem>>) src(%dma_wait3A_1676 : memref<128x64xf32, #tpu.memory_space<hbm>>) dst(%dma_wait3A_1673 : memref<128x64xf32, #tpu.memory_space<vmem>>)
        %dma_wait3A_1677 = arith.constant 0 : i32
        %dma_wait3A_1678 = arith.constant 0 : i32
        %dma_wait3A_1679 = arith.constant 0 : i32
        %dma_wait3A_1680 = tpu.memref_slice %arg14[%dma_wait3A_1677, %dma_wait3A_1678, %dma_wait3A_1679] : memref<3x128x16xf32, #tpu.memory_space<vmem>> -> memref<1x128x16xf32, #tpu.memory_space<vmem>>
        %dma_wait3A_1681 = tpu.memref_squeeze %dma_wait3A_1680 : memref<1x128x16xf32, #tpu.memory_space<vmem>> -> memref<128x16xf32, #tpu.memory_space<vmem>>
        %dma_wait3A_1682 = arith.constant 0 : i32
        %dma_wait3A_1683 = arith.constant 0 : i32
        %dma_wait3A_1684 = tpu.memref_slice %arg4[%dma_wait3A_1682, %dma_wait3A_1683] : memref<10000x16xf32, #tpu.memory_space<hbm>> -> memref<128x16xf32, #tpu.memory_space<hbm>>
        %dma_wait3A_1685 = arith.constant 0 : i32
        %dma_wait3A_1686 = arith.constant 0 : i32
        %dma_wait3A_1687 = tpu.memref_slice %arg14[%dma_wait3A_1677, %dma_wait3A_1685, %dma_wait3A_1686] : memref<3x128x16xf32, #tpu.memory_space<vmem>> -> memref<1x128x16xf32, #tpu.memory_space<vmem>>
        %dma_wait3A_1688 = tpu.memref_squeeze %dma_wait3A_1687 : memref<1x128x16xf32, #tpu.memory_space<vmem>> -> memref<128x16xf32, #tpu.memory_space<vmem>>
        %dma_wait3A_1689 = arith.constant 0 : i32
        %dma_wait3A_1690 = arith.constant 0 : i32
        %dma_wait3A_1691 = tpu.memref_slice %arg4[%dma_wait3A_1689, %dma_wait3A_1690] : memref<10000x16xf32, #tpu.memory_space<hbm>> -> memref<128x16xf32, #tpu.memory_space<hbm>>
        tpu.wait_dma2 semaphore(%arg24 : memref<!tpu.dma_semaphore, #tpu.memory_space<semaphore_mem>>) src(%dma_wait3A_1691 : memref<128x16xf32, #tpu.memory_space<hbm>>) dst(%dma_wait3A_1688 : memref<128x16xf32, #tpu.memory_space<vmem>>)
      } else {
      }
      %add3A_1206 = arith.constant 1 : i32
      %add3A_1207 = arith.addi %add3A_1186, %add3A_1206 : i32
      %lt3A_1208 = arith.constant 84 : i32
      %lt3A_1209 = arith.cmpi slt, %add3A_1207, %lt3A_1208 : i32
      %convert_element_type3A_1210 = arith.extui %lt3A_1209 : i1 to i32
      %cond3A_1211 = arith.constant 0 : i32
      %cond3A_1212 = arith.cmpi ne, %convert_element_type3A_1210, %cond3A_1211 : i32
      scf.if %cond3A_1212 {
        %add3A_1662 = arith.constant 1 : i32
        %add3A_1663 = arith.addi %add3A_1186, %add3A_1662 : i32
        %div3A_1664 = arith.constant 28 : i32
        %div3A_1665 = arith.divsi %add3A_1663, %div3A_1664 : i32
        %rem3A_1666 = arith.constant 2 : i32
        %rem3A_1667 = arith.remsi %div3A_1665, %rem3A_1666 : i32
        %rem3A_1668 = arith.constant 28 : i32
        %rem3A_1669 = arith.remsi %add3A_1663, %rem3A_1668 : i32
        %dma_start3A_1670 = arith.constant 0 : i32
        %dma_start3A_1671 = arith.constant 0 : i32
        %dma_start3A_1672 = arith.constant 0 : i32
        %dma_start3A_1673 = tpu.memref_slice %arg15[%dma_start3A_1670, %dma_start3A_1671, %dma_start3A_1672] : memref<3x128x16xf32, #tpu.memory_space<vmem>> -> memref<1x128x16xf32, #tpu.memory_space<vmem>>
        %dma_start3A_1674 = tpu.memref_squeeze %dma_start3A_1673 : memref<1x128x16xf32, #tpu.memory_space<vmem>> -> memref<128x16xf32, #tpu.memory_space<vmem>>
        %dma_start3A_1675 = arith.constant 0 : i32
        %dma_start3A_1676 = tpu.memref_slice %arg11[%rem3A_1667, %rem3A_1669, %dma_start3A_1675] : memref<2x28x128xi32, #tpu.memory_space<vmem>> -> memref<1x1x128xi32, #tpu.memory_space<vmem>>
        %dma_start3A_1677 = tpu.memref_squeeze %dma_start3A_1676 : memref<1x1x128xi32, #tpu.memory_space<vmem>> -> memref<128xi32, #tpu.memory_space<vmem>>
        %dma_start3A_1678 = arith.constant 0 : i32
        %dma_start3A_1679 = arith.constant 0 : i32
        %dma_start3A_1680 = tpu.memref_slice %arg4[%dma_start3A_1678, %dma_start3A_1679] : memref<10000x16xf32, #tpu.memory_space<hbm>> -> memref<10000x16xf32, #tpu.memory_space<hbm>>
        tpu.enqueue_indirect_dma source(%dma_start3A_1680 : memref<10000x16xf32, #tpu.memory_space<hbm>>) target(%dma_start3A_1674 : memref<128x16xf32, #tpu.memory_space<vmem>>) offsets(%dma_start3A_1677 : memref<128xi32, #tpu.memory_space<vmem>>) semaphore(%arg21 : memref<!tpu.dma_semaphore, #tpu.memory_space<semaphore_mem>>)
        %dma_start3A_1681 = arith.constant 0 : i32
        %dma_start3A_1682 = arith.constant 0 : i32
        %dma_start3A_1683 = arith.constant 0 : i32
        %dma_start3A_1684 = tpu.memref_slice %arg16[%dma_start3A_1681, %dma_start3A_1682, %dma_start3A_1683] : memref<3x128x16xf32, #tpu.memory_space<vmem>> -> memref<1x128x16xf32, #tpu.memory_space<vmem>>
        %dma_start3A_1685 = tpu.memref_squeeze %dma_start3A_1684 : memref<1x128x16xf32, #tpu.memory_space<vmem>> -> memref<128x16xf32, #tpu.memory_space<vmem>>
        %dma_start3A_1686 = arith.constant 0 : i32
        %dma_start3A_1687 = tpu.memref_slice %arg12[%rem3A_1667, %rem3A_1669, %dma_start3A_1686] : memref<2x28x128xi32, #tpu.memory_space<vmem>> -> memref<1x1x128xi32, #tpu.memory_space<vmem>>
        %dma_start3A_1688 = tpu.memref_squeeze %dma_start3A_1687 : memref<1x1x128xi32, #tpu.memory_space<vmem>> -> memref<128xi32, #tpu.memory_space<vmem>>
        %dma_start3A_1689 = arith.constant 0 : i32
        %dma_start3A_1690 = arith.constant 0 : i32
        %dma_start3A_1691 = tpu.memref_slice %arg5[%dma_start3A_1689, %dma_start3A_1690] : memref<10000x16xf32, #tpu.memory_space<hbm>> -> memref<10000x16xf32, #tpu.memory_space<hbm>>
        tpu.enqueue_indirect_dma source(%dma_start3A_1691 : memref<10000x16xf32, #tpu.memory_space<hbm>>) target(%dma_start3A_1685 : memref<128x16xf32, #tpu.memory_space<vmem>>) offsets(%dma_start3A_1688 : memref<128xi32, #tpu.memory_space<vmem>>) semaphore(%arg21 : memref<!tpu.dma_semaphore, #tpu.memory_space<semaphore_mem>>)
        %dma_start3A_1692 = arith.constant 0 : i32
        %dma_start3A_1693 = arith.constant 0 : i32
        %dma_start3A_1694 = arith.constant 0 : i32
        %dma_start3A_1695 = tpu.memref_slice %arg13[%dma_start3A_1692, %dma_start3A_1693, %dma_start3A_1694] : memref<3x128x64xf32, #tpu.memory_space<vmem>> -> memref<1x128x64xf32, #tpu.memory_space<vmem>>
        %dma_start3A_1696 = tpu.memref_squeeze %dma_start3A_1695 : memref<1x128x64xf32, #tpu.memory_space<vmem>> -> memref<128x64xf32, #tpu.memory_space<vmem>>
        %dma_start3A_1697 = arith.constant 0 : i32
        %dma_start3A_1698 = tpu.memref_slice %arg12[%rem3A_1667, %rem3A_1669, %dma_start3A_1697] : memref<2x28x128xi32, #tpu.memory_space<vmem>> -> memref<1x1x128xi32, #tpu.memory_space<vmem>>
        %dma_start3A_1699 = tpu.memref_squeeze %dma_start3A_1698 : memref<1x1x128xi32, #tpu.memory_space<vmem>> -> memref<128xi32, #tpu.memory_space<vmem>>
        %dma_start3A_1700 = arith.constant 0 : i32
        %dma_start3A_1701 = arith.constant 0 : i32
        %dma_start3A_1702 = tpu.memref_slice %arg6[%dma_start3A_1700, %dma_start3A_1701] : memref<10000x64xf32, #tpu.memory_space<hbm>> -> memref<10000x64xf32, #tpu.memory_space<hbm>>
        tpu.enqueue_indirect_dma source(%dma_start3A_1702 : memref<10000x64xf32, #tpu.memory_space<hbm>>) target(%dma_start3A_1696 : memref<128x64xf32, #tpu.memory_space<vmem>>) offsets(%dma_start3A_1699 : memref<128xi32, #tpu.memory_space<vmem>>) semaphore(%arg21 : memref<!tpu.dma_semaphore, #tpu.memory_space<semaphore_mem>>)
      } else {
      }
      %dma_wait3A_1213 = arith.constant 2 : i32
      %dma_wait3A_1214 = arith.constant 0 : i32
      %dma_wait3A_1215 = arith.constant 0 : i32
      %dma_wait3A_1216 = tpu.memref_slice %arg15[%dma_wait3A_1213, %dma_wait3A_1214, %dma_wait3A_1215] : memref<3x128x16xf32, #tpu.memory_space<vmem>> -> memref<1x128x16xf32, #tpu.memory_space<vmem>>
      %dma_wait3A_1217 = tpu.memref_squeeze %dma_wait3A_1216 : memref<1x128x16xf32, #tpu.memory_space<vmem>> -> memref<128x16xf32, #tpu.memory_space<vmem>>
      %dma_wait3A_1218 = arith.constant 0 : i32
      %dma_wait3A_1219 = arith.constant 0 : i32
      %dma_wait3A_1220 = tpu.memref_slice %arg4[%dma_wait3A_1218, %dma_wait3A_1219] : memref<10000x16xf32, #tpu.memory_space<hbm>> -> memref<128x16xf32, #tpu.memory_space<hbm>>
      %dma_wait3A_1221 = arith.constant 0 : i32
      %dma_wait3A_1222 = arith.constant 0 : i32
      %dma_wait3A_1223 = tpu.memref_slice %arg15[%dma_wait3A_1213, %dma_wait3A_1221, %dma_wait3A_1222] : memref<3x128x16xf32, #tpu.memory_space<vmem>> -> memref<1x128x16xf32, #tpu.memory_space<vmem>>
      %dma_wait3A_1224 = tpu.memref_squeeze %dma_wait3A_1223 : memref<1x128x16xf32, #tpu.memory_space<vmem>> -> memref<128x16xf32, #tpu.memory_space<vmem>>
      %dma_wait3A_1225 = arith.constant 0 : i32
      %dma_wait3A_1226 = arith.constant 0 : i32
      %dma_wait3A_1227 = tpu.memref_slice %arg4[%dma_wait3A_1225, %dma_wait3A_1226] : memref<10000x16xf32, #tpu.memory_space<hbm>> -> memref<128x16xf32, #tpu.memory_space<hbm>>
      tpu.wait_dma2 semaphore(%arg23 : memref<!tpu.dma_semaphore, #tpu.memory_space<semaphore_mem>>) src(%dma_wait3A_1227 : memref<128x16xf32, #tpu.memory_space<hbm>>) dst(%dma_wait3A_1224 : memref<128x16xf32, #tpu.memory_space<vmem>>)
      %dma_wait3A_1228 = arith.constant 2 : i32
      %dma_wait3A_1229 = arith.constant 0 : i32
      %dma_wait3A_1230 = arith.constant 0 : i32
      %dma_wait3A_1231 = tpu.memref_slice %arg16[%dma_wait3A_1228, %dma_wait3A_1229, %dma_wait3A_1230] : memref<3x128x16xf32, #tpu.memory_space<vmem>> -> memref<1x128x16xf32, #tpu.memory_space<vmem>>
      %dma_wait3A_1232 = tpu.memref_squeeze %dma_wait3A_1231 : memref<1x128x16xf32, #tpu.memory_space<vmem>> -> memref<128x16xf32, #tpu.memory_space<vmem>>
      %dma_wait3A_1233 = arith.constant 0 : i32
      %dma_wait3A_1234 = arith.constant 0 : i32
      %dma_wait3A_1235 = tpu.memref_slice %arg4[%dma_wait3A_1233, %dma_wait3A_1234] : memref<10000x16xf32, #tpu.memory_space<hbm>> -> memref<128x16xf32, #tpu.memory_space<hbm>>
      %dma_wait3A_1236 = arith.constant 0 : i32
      %dma_wait3A_1237 = arith.constant 0 : i32
      %dma_wait3A_1238 = tpu.memref_slice %arg16[%dma_wait3A_1228, %dma_wait3A_1236, %dma_wait3A_1237] : memref<3x128x16xf32, #tpu.memory_space<vmem>> -> memref<1x128x16xf32, #tpu.memory_space<vmem>>
      %dma_wait3A_1239 = tpu.memref_squeeze %dma_wait3A_1238 : memref<1x128x16xf32, #tpu.memory_space<vmem>> -> memref<128x16xf32, #tpu.memory_space<vmem>>
      %dma_wait3A_1240 = arith.constant 0 : i32
      %dma_wait3A_1241 = arith.constant 0 : i32
      %dma_wait3A_1242 = tpu.memref_slice %arg4[%dma_wait3A_1240, %dma_wait3A_1241] : memref<10000x16xf32, #tpu.memory_space<hbm>> -> memref<128x16xf32, #tpu.memory_space<hbm>>
      tpu.wait_dma2 semaphore(%arg23 : memref<!tpu.dma_semaphore, #tpu.memory_space<semaphore_mem>>) src(%dma_wait3A_1242 : memref<128x16xf32, #tpu.memory_space<hbm>>) dst(%dma_wait3A_1239 : memref<128x16xf32, #tpu.memory_space<vmem>>)
      %dma_wait3A_1243 = arith.constant 2 : i32
      %dma_wait3A_1244 = arith.constant 0 : i32
      %dma_wait3A_1245 = arith.constant 0 : i32
      %dma_wait3A_1246 = tpu.memref_slice %arg13[%dma_wait3A_1243, %dma_wait3A_1244, %dma_wait3A_1245] : memref<3x128x64xf32, #tpu.memory_space<vmem>> -> memref<1x128x64xf32, #tpu.memory_space<vmem>>
      %dma_wait3A_1247 = tpu.memref_squeeze %dma_wait3A_1246 : memref<1x128x64xf32, #tpu.memory_space<vmem>> -> memref<128x64xf32, #tpu.memory_space<vmem>>
      %dma_wait3A_1248 = arith.constant 0 : i32
      %dma_wait3A_1249 = arith.constant 0 : i32
      %dma_wait3A_1250 = tpu.memref_slice %arg6[%dma_wait3A_1248, %dma_wait3A_1249] : memref<10000x64xf32, #tpu.memory_space<hbm>> -> memref<128x64xf32, #tpu.memory_space<hbm>>
      %dma_wait3A_1251 = arith.constant 0 : i32
      %dma_wait3A_1252 = arith.constant 0 : i32
      %dma_wait3A_1253 = tpu.memref_slice %arg13[%dma_wait3A_1243, %dma_wait3A_1251, %dma_wait3A_1252] : memref<3x128x64xf32, #tpu.memory_space<vmem>> -> memref<1x128x64xf32, #tpu.memory_space<vmem>>
      %dma_wait3A_1254 = tpu.memref_squeeze %dma_wait3A_1253 : memref<1x128x64xf32, #tpu.memory_space<vmem>> -> memref<128x64xf32, #tpu.memory_space<vmem>>
      %dma_wait3A_1255 = arith.constant 0 : i32
      %dma_wait3A_1256 = arith.constant 0 : i32
      %dma_wait3A_1257 = tpu.memref_slice %arg6[%dma_wait3A_1255, %dma_wait3A_1256] : memref<10000x64xf32, #tpu.memory_space<hbm>> -> memref<128x64xf32, #tpu.memory_space<hbm>>
      tpu.wait_dma2 semaphore(%arg23 : memref<!tpu.dma_semaphore, #tpu.memory_space<semaphore_mem>>) src(%dma_wait3A_1257 : memref<128x64xf32, #tpu.memory_space<hbm>>) dst(%dma_wait3A_1254 : memref<128x64xf32, #tpu.memory_space<vmem>>)
      %broadcast_in_dim3A_1258 = arith.constant 2 : i32
      %broadcast_in_dim3A_1259 = vector.broadcast %broadcast_in_dim3A_1258 : i32 to vector<16xi32>
      %add3A_1260 = arith.constant 0 : i32
      %add3A_1261 = vector.broadcast %add3A_1260 : i32 to vector<16xi32>
      %add3A_1262 = arith.addi %add3A_1261, %iota3A : vector<16xi32>
      %gather3A_1263 = tpu.vector_load_idx %arg15[%broadcast_in_dim3A_1259, %add3A_1262, %broadcast_in_dim3A_7] : memref<3x128x16xf32, #tpu.memory_space<vmem>>[vector<16xi32>, vector<16xi32>, vector<16xi32>], vector<16xf32>,
      %broadcast_in_dim3A_1264 = arith.constant 2 : i32
      %broadcast_in_dim3A_1265 = vector.broadcast %broadcast_in_dim3A_1264 : i32 to vector<16xi32>
      %add3A_1266 = arith.constant 0 : i32
      %add3A_1267 = vector.broadcast %add3A_1266 : i32 to vector<16xi32>
      %add3A_1268 = arith.addi %add3A_1267, %iota3A : vector<16xi32>
      %gather3A_1269 = tpu.vector_load_idx %arg16[%broadcast_in_dim3A_1265, %add3A_1268, %broadcast_in_dim3A_7] : memref<3x128x16xf32, #tpu.memory_space<vmem>>[vector<16xi32>, vector<16xi32>, vector<16xi32>], vector<16xf32>,
      %add3A_1270 = arith.addf %gather3A_1263, %gather3A_1269 : vector<16xf32>
      %gt3A_1271 = arith.constant 0.000000e+00 : f32
      %gt3A_1272 = vector.broadcast %gt3A_1271 : f32 to vector<16xf32>
      %gt3A_1273 = arith.cmpf ogt, %add3A_1270, %gt3A_1272 : vector<16xf32>
      %mul3A_1274 = arith.constant 2.000000e-01 : f32
      %mul3A_1275 = vector.broadcast %mul3A_1274 : f32 to vector<16xf32>
      %mul3A_1276 = arith.mulf %add3A_1270, %mul3A_1275 : vector<16xf32>
      %select_n3A_1277 = arith.select %gt3A_1273, %add3A_1270, %mul3A_1276 : vector<16xi1>, vector<16xf32>
      %mul3A_1278 = arith.constant 128 : i32
      %mul3A_1279 = arith.muli %add3A_1186, %mul3A_1278 : i32
      %add3A_1280 = arith.addi %mul3A_2, %mul3A_1279 : i32
      %add3A_1281 = arith.constant 0 : i32
      %add3A_1282 = arith.addi %add3A_1280, %add3A_1281 : i32
      %add3A_1283 = vector.broadcast %add3A_1282 : i32 to vector<16xi32>
      %add3A_1284 = arith.addi %add3A_1283, %iota3A : vector<16xi32>
      %lt3A_1285 = arith.constant 330000 : i32
      %lt3A_1286 = vector.broadcast %lt3A_1285 : i32 to vector<16xi32>
      %lt3A_1287 = arith.cmpi slt, %add3A_1284, %lt3A_1286 : vector<16xi32>
      %sub3A_1288 = arith.subf %select_n3A_1277, %get3A_43 : vector<16xf32>
      %exp3A_1289 = math.exp %sub3A_1288 : vector<16xf32>
      %jit3A_1290 = arith.constant 0.000000e+00 : f32
      %broadcast_in_dim3A_1291 = vector.broadcast %jit3A_1290 : f32 to vector<16xf32>
      %select_n3A_1292 = arith.select %lt3A_1287, %exp3A_1289, %broadcast_in_dim3A_1291 : vector<16xi1>, vector<16xf32>
      %add3A_1293 = arith.constant 0 : i32
      %add3A_1294 = vector.broadcast %add3A_1293 : i32 to vector<16xi32>
      %add3A_1295 = arith.addi %add3A_1294, %iota3A : vector<16xi32>
      %scatter3A_1296 = arith.constant 2 : i32
      %scatter3A_1297 = arith.constant 0 : i32
      %scatter3A_1298 = arith.constant 0 : i32
      %scatter3A_1299 = tpu.memref_slice %arg14[%scatter3A_1296, %scatter3A_1297, %scatter3A_1298] : memref<3x128x16xf32, #tpu.memory_space<vmem>> -> memref<1x128x16xf32, #tpu.memory_space<vmem>>
      %scatter3A_1300 = tpu.memref_squeeze %scatter3A_1299 : memref<1x128x16xf32, #tpu.memory_space<vmem>> -> memref<128x16xf32, #tpu.memory_space<vmem>>
      tpu.vector_store_idx %scatter3A_1300[%add3A_1295, %broadcast_in_dim3A_7], %select_n3A_1292 : memref<128x16xf32, #tpu.memory_space<vmem>>[vector<16xi32>, vector<16xi32>], vector<16xf32>,
      %swap3A_1301 = arith.index_cast %add3A_1186 : i32 to index
      %swap3A_1302 = arith.constant 0 : index
      %swap3A_1303 = tpu.vector_load %arg18[%swap3A_1301, %swap3A_1302] {strides = array<i32>} : memref<84x128xf32, #tpu.memory_space<vmem>>, vector<16xf32>,
      tpu.vector_store %arg18[%swap3A_1301, %swap3A_1302], %select_n3A_1292 {strides = array<i32>} : memref<84x128xf32, #tpu.memory_space<vmem>>, vector<16xf32>,
      %broadcast_in_dim3A_1304 = arith.constant 2 : i32
      %broadcast_in_dim3A_1305 = vector.broadcast %broadcast_in_dim3A_1304 : i32 to vector<16xi32>
      %add3A_1306 = arith.constant 16 : i32
      %add3A_1307 = vector.broadcast %add3A_1306 : i32 to vector<16xi32>
      %add3A_1308 = arith.addi %add3A_1307, %iota3A : vector<16xi32>
      %gather3A_1309 = tpu.vector_load_idx %arg15[%broadcast_in_dim3A_1305, %add3A_1308, %broadcast_in_dim3A_7] : memref<3x128x16xf32, #tpu.memory_space<vmem>>[vector<16xi32>, vector<16xi32>, vector<16xi32>], vector<16xf32>,
      %broadcast_in_dim3A_1310 = arith.constant 2 : i32
      %broadcast_in_dim3A_1311 = vector.broadcast %broadcast_in_dim3A_1310 : i32 to vector<16xi32>
      %add3A_1312 = arith.constant 16 : i32
      %add3A_1313 = vector.broadcast %add3A_1312 : i32 to vector<16xi32>
      %add3A_1314 = arith.addi %add3A_1313, %iota3A : vector<16xi32>
      %gather3A_1315 = tpu.vector_load_idx %arg16[%broadcast_in_dim3A_1311, %add3A_1314, %broadcast_in_dim3A_7] : memref<3x128x16xf32, #tpu.memory_space<vmem>>[vector<16xi32>, vector<16xi32>, vector<16xi32>], vector<16xf32>,
      %add3A_1316 = arith.addf %gather3A_1309, %gather3A_1315 : vector<16xf32>
      %gt3A_1317 = arith.constant 0.000000e+00 : f32
      %gt3A_1318 = vector.broadcast %gt3A_1317 : f32 to vector<16xf32>
      %gt3A_1319 = arith.cmpf ogt, %add3A_1316, %gt3A_1318 : vector<16xf32>
      %mul3A_1320 = arith.constant 2.000000e-01 : f32
      %mul3A_1321 = vector.broadcast %mul3A_1320 : f32 to vector<16xf32>
      %mul3A_1322 = arith.mulf %add3A_1316, %mul3A_1321 : vector<16xf32>
      %select_n3A_1323 = arith.select %gt3A_1319, %add3A_1316, %mul3A_1322 : vector<16xi1>, vector<16xf32>
      %mul3A_1324 = arith.constant 128 : i32
      %mul3A_1325 = arith.muli %add3A_1186, %mul3A_1324 : i32
      %add3A_1326 = arith.addi %mul3A_2, %mul3A_1325 : i32
      %add3A_1327 = arith.constant 16 : i32
      %add3A_1328 = arith.addi %add3A_1326, %add3A_1327 : i32
      %add3A_1329 = vector.broadcast %add3A_1328 : i32 to vector<16xi32>
      %add3A_1330 = arith.addi %add3A_1329, %iota3A : vector<16xi32>
      %lt3A_1331 = arith.constant 330000 : i32
      %lt3A_1332 = vector.broadcast %lt3A_1331 : i32 to vector<16xi32>
      %lt3A_1333 = arith.cmpi slt, %add3A_1330, %lt3A_1332 : vector<16xi32>
      %sub3A_1334 = arith.subf %select_n3A_1323, %get3A_43 : vector<16xf32>
      %exp3A_1335 = math.exp %sub3A_1334 : vector<16xf32>
      %jit3A_1336 = arith.constant 0.000000e+00 : f32
      %broadcast_in_dim3A_1337 = vector.broadcast %jit3A_1336 : f32 to vector<16xf32>
      %select_n3A_1338 = arith.select %lt3A_1333, %exp3A_1335, %broadcast_in_dim3A_1337 : vector<16xi1>, vector<16xf32>
      %add3A_1339 = arith.constant 16 : i32
      %add3A_1340 = vector.broadcast %add3A_1339 : i32 to vector<16xi32>
      %add3A_1341 = arith.addi %add3A_1340, %iota3A : vector<16xi32>
      %scatter3A_1342 = arith.constant 2 : i32
      %scatter3A_1343 = arith.constant 0 : i32
      %scatter3A_1344 = arith.constant 0 : i32
      %scatter3A_1345 = tpu.memref_slice %arg14[%scatter3A_1342, %scatter3A_1343, %scatter3A_1344] : memref<3x128x16xf32, #tpu.memory_space<vmem>> -> memref<1x128x16xf32, #tpu.memory_space<vmem>>
      %scatter3A_1346 = tpu.memref_squeeze %scatter3A_1345 : memref<1x128x16xf32, #tpu.memory_space<vmem>> -> memref<128x16xf32, #tpu.memory_space<vmem>>
      tpu.vector_store_idx %scatter3A_1346[%add3A_1341, %broadcast_in_dim3A_7], %select_n3A_1338 : memref<128x16xf32, #tpu.memory_space<vmem>>[vector<16xi32>, vector<16xi32>], vector<16xf32>,
      %swap3A_1347 = arith.index_cast %add3A_1186 : i32 to index
      %swap3A_1348 = arith.constant 16 : index
      %swap3A_1349 = tpu.vector_load %arg18[%swap3A_1347, %swap3A_1348] {strides = array<i32>} : memref<84x128xf32, #tpu.memory_space<vmem>>, vector<16xf32>,
      tpu.vector_store %arg18[%swap3A_1347, %swap3A_1348], %select_n3A_1338 {strides = array<i32>} : memref<84x128xf32, #tpu.memory_space<vmem>>, vector<16xf32>,
      %broadcast_in_dim3A_1350 = arith.constant 2 : i32
      %broadcast_in_dim3A_1351 = vector.broadcast %broadcast_in_dim3A_1350 : i32 to vector<16xi32>
      %add3A_1352 = arith.constant 32 : i32
      %add3A_1353 = vector.broadcast %add3A_1352 : i32 to vector<16xi32>
      %add3A_1354 = arith.addi %add3A_1353, %iota3A : vector<16xi32>
      %gather3A_1355 = tpu.vector_load_idx %arg15[%broadcast_in_dim3A_1351, %add3A_1354, %broadcast_in_dim3A_7] : memref<3x128x16xf32, #tpu.memory_space<vmem>>[vector<16xi32>, vector<16xi32>, vector<16xi32>], vector<16xf32>,
      %broadcast_in_dim3A_1356 = arith.constant 2 : i32
      %broadcast_in_dim3A_1357 = vector.broadcast %broadcast_in_dim3A_1356 : i32 to vector<16xi32>
      %add3A_1358 = arith.constant 32 : i32
      %add3A_1359 = vector.broadcast %add3A_1358 : i32 to vector<16xi32>
      %add3A_1360 = arith.addi %add3A_1359, %iota3A : vector<16xi32>
      %gather3A_1361 = tpu.vector_load_idx %arg16[%broadcast_in_dim3A_1357, %add3A_1360, %broadcast_in_dim3A_7] : memref<3x128x16xf32, #tpu.memory_space<vmem>>[vector<16xi32>, vector<16xi32>, vector<16xi32>], vector<16xf32>,
      %add3A_1362 = arith.addf %gather3A_1355, %gather3A_1361 : vector<16xf32>
      %gt3A_1363 = arith.constant 0.000000e+00 : f32
      %gt3A_1364 = vector.broadcast %gt3A_1363 : f32 to vector<16xf32>
      %gt3A_1365 = arith.cmpf ogt, %add3A_1362, %gt3A_1364 : vector<16xf32>
      %mul3A_1366 = arith.constant 2.000000e-01 : f32
      %mul3A_1367 = vector.broadcast %mul3A_1366 : f32 to vector<16xf32>
      %mul3A_1368 = arith.mulf %add3A_1362, %mul3A_1367 : vector<16xf32>
      %select_n3A_1369 = arith.select %gt3A_1365, %add3A_1362, %mul3A_1368 : vector<16xi1>, vector<16xf32>
      %mul3A_1370 = arith.constant 128 : i32
      %mul3A_1371 = arith.muli %add3A_1186, %mul3A_1370 : i32
      %add3A_1372 = arith.addi %mul3A_2, %mul3A_1371 : i32
      %add3A_1373 = arith.constant 32 : i32
      %add3A_1374 = arith.addi %add3A_1372, %add3A_1373 : i32
      %add3A_1375 = vector.broadcast %add3A_1374 : i32 to vector<16xi32>
      %add3A_1376 = arith.addi %add3A_1375, %iota3A : vector<16xi32>
      %lt3A_1377 = arith.constant 330000 : i32
      %lt3A_1378 = vector.broadcast %lt3A_1377 : i32 to vector<16xi32>
      %lt3A_1379 = arith.cmpi slt, %add3A_1376, %lt3A_1378 : vector<16xi32>
      %sub3A_1380 = arith.subf %select_n3A_1369, %get3A_43 : vector<16xf32>
      %exp3A_1381 = math.exp %sub3A_1380 : vector<16xf32>
      %jit3A_1382 = arith.constant 0.000000e+00 : f32
      %broadcast_in_dim3A_1383 = vector.broadcast %jit3A_1382 : f32 to vector<16xf32>
      %select_n3A_1384 = arith.select %lt3A_1379, %exp3A_1381, %broadcast_in_dim3A_1383 : vector<16xi1>, vector<16xf32>
      %add3A_1385 = arith.constant 32 : i32
      %add3A_1386 = vector.broadcast %add3A_1385 : i32 to vector<16xi32>
      %add3A_1387 = arith.addi %add3A_1386, %iota3A : vector<16xi32>
      %scatter3A_1388 = arith.constant 2 : i32
      %scatter3A_1389 = arith.constant 0 : i32
      %scatter3A_1390 = arith.constant 0 : i32
      %scatter3A_1391 = tpu.memref_slice %arg14[%scatter3A_1388, %scatter3A_1389, %scatter3A_1390] : memref<3x128x16xf32, #tpu.memory_space<vmem>> -> memref<1x128x16xf32, #tpu.memory_space<vmem>>
      %scatter3A_1392 = tpu.memref_squeeze %scatter3A_1391 : memref<1x128x16xf32, #tpu.memory_space<vmem>> -> memref<128x16xf32, #tpu.memory_space<vmem>>
      tpu.vector_store_idx %scatter3A_1392[%add3A_1387, %broadcast_in_dim3A_7], %select_n3A_1384 : memref<128x16xf32, #tpu.memory_space<vmem>>[vector<16xi32>, vector<16xi32>], vector<16xf32>,
      %swap3A_1393 = arith.index_cast %add3A_1186 : i32 to index
      %swap3A_1394 = arith.constant 32 : index
      %swap3A_1395 = tpu.vector_load %arg18[%swap3A_1393, %swap3A_1394] {strides = array<i32>} : memref<84x128xf32, #tpu.memory_space<vmem>>, vector<16xf32>,
      tpu.vector_store %arg18[%swap3A_1393, %swap3A_1394], %select_n3A_1384 {strides = array<i32>} : memref<84x128xf32, #tpu.memory_space<vmem>>, vector<16xf32>,
      %broadcast_in_dim3A_1396 = arith.constant 2 : i32
      %broadcast_in_dim3A_1397 = vector.broadcast %broadcast_in_dim3A_1396 : i32 to vector<16xi32>
      %add3A_1398 = arith.constant 48 : i32
      %add3A_1399 = vector.broadcast %add3A_1398 : i32 to vector<16xi32>
      %add3A_1400 = arith.addi %add3A_1399, %iota3A : vector<16xi32>
      %gather3A_1401 = tpu.vector_load_idx %arg15[%broadcast_in_dim3A_1397, %add3A_1400, %broadcast_in_dim3A_7] : memref<3x128x16xf32, #tpu.memory_space<vmem>>[vector<16xi32>, vector<16xi32>, vector<16xi32>], vector<16xf32>,
      %broadcast_in_dim3A_1402 = arith.constant 2 : i32
      %broadcast_in_dim3A_1403 = vector.broadcast %broadcast_in_dim3A_1402 : i32 to vector<16xi32>
      %add3A_1404 = arith.constant 48 : i32
      %add3A_1405 = vector.broadcast %add3A_1404 : i32 to vector<16xi32>
      %add3A_1406 = arith.addi %add3A_1405, %iota3A : vector<16xi32>
      %gather3A_1407 = tpu.vector_load_idx %arg16[%broadcast_in_dim3A_1403, %add3A_1406, %broadcast_in_dim3A_7] : memref<3x128x16xf32, #tpu.memory_space<vmem>>[vector<16xi32>, vector<16xi32>, vector<16xi32>], vector<16xf32>,
      %add3A_1408 = arith.addf %gather3A_1401, %gather3A_1407 : vector<16xf32>
      %gt3A_1409 = arith.constant 0.000000e+00 : f32
      %gt3A_1410 = vector.broadcast %gt3A_1409 : f32 to vector<16xf32>
      %gt3A_1411 = arith.cmpf ogt, %add3A_1408, %gt3A_1410 : vector<16xf32>
      %mul3A_1412 = arith.constant 2.000000e-01 : f32
      %mul3A_1413 = vector.broadcast %mul3A_1412 : f32 to vector<16xf32>
      %mul3A_1414 = arith.mulf %add3A_1408, %mul3A_1413 : vector<16xf32>
      %select_n3A_1415 = arith.select %gt3A_1411, %add3A_1408, %mul3A_1414 : vector<16xi1>, vector<16xf32>
      %mul3A_1416 = arith.constant 128 : i32
      %mul3A_1417 = arith.muli %add3A_1186, %mul3A_1416 : i32
      %add3A_1418 = arith.addi %mul3A_2, %mul3A_1417 : i32
      %add3A_1419 = arith.constant 48 : i32
      %add3A_1420 = arith.addi %add3A_1418, %add3A_1419 : i32
      %add3A_1421 = vector.broadcast %add3A_1420 : i32 to vector<16xi32>
      %add3A_1422 = arith.addi %add3A_1421, %iota3A : vector<16xi32>
      %lt3A_1423 = arith.constant 330000 : i32
      %lt3A_1424 = vector.broadcast %lt3A_1423 : i32 to vector<16xi32>
      %lt3A_1425 = arith.cmpi slt, %add3A_1422, %lt3A_1424 : vector<16xi32>
      %sub3A_1426 = arith.subf %select_n3A_1415, %get3A_43 : vector<16xf32>
      %exp3A_1427 = math.exp %sub3A_1426 : vector<16xf32>
      %jit3A_1428 = arith.constant 0.000000e+00 : f32
      %broadcast_in_dim3A_1429 = vector.broadcast %jit3A_1428 : f32 to vector<16xf32>
      %select_n3A_1430 = arith.select %lt3A_1425, %exp3A_1427, %broadcast_in_dim3A_1429 : vector<16xi1>, vector<16xf32>
      %add3A_1431 = arith.constant 48 : i32
      %add3A_1432 = vector.broadcast %add3A_1431 : i32 to vector<16xi32>
      %add3A_1433 = arith.addi %add3A_1432, %iota3A : vector<16xi32>
      %scatter3A_1434 = arith.constant 2 : i32
      %scatter3A_1435 = arith.constant 0 : i32
      %scatter3A_1436 = arith.constant 0 : i32
      %scatter3A_1437 = tpu.memref_slice %arg14[%scatter3A_1434, %scatter3A_1435, %scatter3A_1436] : memref<3x128x16xf32, #tpu.memory_space<vmem>> -> memref<1x128x16xf32, #tpu.memory_space<vmem>>
      %scatter3A_1438 = tpu.memref_squeeze %scatter3A_1437 : memref<1x128x16xf32, #tpu.memory_space<vmem>> -> memref<128x16xf32, #tpu.memory_space<vmem>>
      tpu.vector_store_idx %scatter3A_1438[%add3A_1433, %broadcast_in_dim3A_7], %select_n3A_1430 : memref<128x16xf32, #tpu.memory_space<vmem>>[vector<16xi32>, vector<16xi32>], vector<16xf32>,
      %swap3A_1439 = arith.index_cast %add3A_1186 : i32 to index
      %swap3A_1440 = arith.constant 48 : index
      %swap3A_1441 = tpu.vector_load %arg18[%swap3A_1439, %swap3A_1440] {strides = array<i32>} : memref<84x128xf32, #tpu.memory_space<vmem>>, vector<16xf32>,
      tpu.vector_store %arg18[%swap3A_1439, %swap3A_1440], %select_n3A_1430 {strides = array<i32>} : memref<84x128xf32, #tpu.memory_space<vmem>>, vector<16xf32>,
      %broadcast_in_dim3A_1442 = arith.constant 2 : i32
      %broadcast_in_dim3A_1443 = vector.broadcast %broadcast_in_dim3A_1442 : i32 to vector<16xi32>
      %add3A_1444 = arith.constant 64 : i32
      %add3A_1445 = vector.broadcast %add3A_1444 : i32 to vector<16xi32>
      %add3A_1446 = arith.addi %add3A_1445, %iota3A : vector<16xi32>
      %gather3A_1447 = tpu.vector_load_idx %arg15[%broadcast_in_dim3A_1443, %add3A_1446, %broadcast_in_dim3A_7] : memref<3x128x16xf32, #tpu.memory_space<vmem>>[vector<16xi32>, vector<16xi32>, vector<16xi32>], vector<16xf32>,
      %broadcast_in_dim3A_1448 = arith.constant 2 : i32
      %broadcast_in_dim3A_1449 = vector.broadcast %broadcast_in_dim3A_1448 : i32 to vector<16xi32>
      %add3A_1450 = arith.constant 64 : i32
      %add3A_1451 = vector.broadcast %add3A_1450 : i32 to vector<16xi32>
      %add3A_1452 = arith.addi %add3A_1451, %iota3A : vector<16xi32>
      %gather3A_1453 = tpu.vector_load_idx %arg16[%broadcast_in_dim3A_1449, %add3A_1452, %broadcast_in_dim3A_7] : memref<3x128x16xf32, #tpu.memory_space<vmem>>[vector<16xi32>, vector<16xi32>, vector<16xi32>], vector<16xf32>,
      %add3A_1454 = arith.addf %gather3A_1447, %gather3A_1453 : vector<16xf32>
      %gt3A_1455 = arith.constant 0.000000e+00 : f32
      %gt3A_1456 = vector.broadcast %gt3A_1455 : f32 to vector<16xf32>
      %gt3A_1457 = arith.cmpf ogt, %add3A_1454, %gt3A_1456 : vector<16xf32>
      %mul3A_1458 = arith.constant 2.000000e-01 : f32
      %mul3A_1459 = vector.broadcast %mul3A_1458 : f32 to vector<16xf32>
      %mul3A_1460 = arith.mulf %add3A_1454, %mul3A_1459 : vector<16xf32>
      %select_n3A_1461 = arith.select %gt3A_1457, %add3A_1454, %mul3A_1460 : vector<16xi1>, vector<16xf32>
      %mul3A_1462 = arith.constant 128 : i32
      %mul3A_1463 = arith.muli %add3A_1186, %mul3A_1462 : i32
      %add3A_1464 = arith.addi %mul3A_2, %mul3A_1463 : i32
      %add3A_1465 = arith.constant 64 : i32
      %add3A_1466 = arith.addi %add3A_1464, %add3A_1465 : i32
      %add3A_1467 = vector.broadcast %add3A_1466 : i32 to vector<16xi32>
      %add3A_1468 = arith.addi %add3A_1467, %iota3A : vector<16xi32>
      %lt3A_1469 = arith.constant 330000 : i32
      %lt3A_1470 = vector.broadcast %lt3A_1469 : i32 to vector<16xi32>
      %lt3A_1471 = arith.cmpi slt, %add3A_1468, %lt3A_1470 : vector<16xi32>
      %sub3A_1472 = arith.subf %select_n3A_1461, %get3A_43 : vector<16xf32>
      %exp3A_1473 = math.exp %sub3A_1472 : vector<16xf32>
      %jit3A_1474 = arith.constant 0.000000e+00 : f32
      %broadcast_in_dim3A_1475 = vector.broadcast %jit3A_1474 : f32 to vector<16xf32>
      %select_n3A_1476 = arith.select %lt3A_1471, %exp3A_1473, %broadcast_in_dim3A_1475 : vector<16xi1>, vector<16xf32>
      %add3A_1477 = arith.constant 64 : i32
      %add3A_1478 = vector.broadcast %add3A_1477 : i32 to vector<16xi32>
      %add3A_1479 = arith.addi %add3A_1478, %iota3A : vector<16xi32>
      %scatter3A_1480 = arith.constant 2 : i32
      %scatter3A_1481 = arith.constant 0 : i32
      %scatter3A_1482 = arith.constant 0 : i32
      %scatter3A_1483 = tpu.memref_slice %arg14[%scatter3A_1480, %scatter3A_1481, %scatter3A_1482] : memref<3x128x16xf32, #tpu.memory_space<vmem>> -> memref<1x128x16xf32, #tpu.memory_space<vmem>>
      %scatter3A_1484 = tpu.memref_squeeze %scatter3A_1483 : memref<1x128x16xf32, #tpu.memory_space<vmem>> -> memref<128x16xf32, #tpu.memory_space<vmem>>
      tpu.vector_store_idx %scatter3A_1484[%add3A_1479, %broadcast_in_dim3A_7], %select_n3A_1476 : memref<128x16xf32, #tpu.memory_space<vmem>>[vector<16xi32>, vector<16xi32>], vector<16xf32>,
      %swap3A_1485 = arith.index_cast %add3A_1186 : i32 to index
      %swap3A_1486 = arith.constant 64 : index
      %swap3A_1487 = tpu.vector_load %arg18[%swap3A_1485, %swap3A_1486] {strides = array<i32>} : memref<84x128xf32, #tpu.memory_space<vmem>>, vector<16xf32>,
      tpu.vector_store %arg18[%swap3A_1485, %swap3A_1486], %select_n3A_1476 {strides = array<i32>} : memref<84x128xf32, #tpu.memory_space<vmem>>, vector<16xf32>,
      %broadcast_in_dim3A_1488 = arith.constant 2 : i32
      %broadcast_in_dim3A_1489 = vector.broadcast %broadcast_in_dim3A_1488 : i32 to vector<16xi32>
      %add3A_1490 = arith.constant 80 : i32
      %add3A_1491 = vector.broadcast %add3A_1490 : i32 to vector<16xi32>
      %add3A_1492 = arith.addi %add3A_1491, %iota3A : vector<16xi32>
      %gather3A_1493 = tpu.vector_load_idx %arg15[%broadcast_in_dim3A_1489, %add3A_1492, %broadcast_in_dim3A_7] : memref<3x128x16xf32, #tpu.memory_space<vmem>>[vector<16xi32>, vector<16xi32>, vector<16xi32>], vector<16xf32>,
      %broadcast_in_dim3A_1494 = arith.constant 2 : i32
      %broadcast_in_dim3A_1495 = vector.broadcast %broadcast_in_dim3A_1494 : i32 to vector<16xi32>
      %add3A_1496 = arith.constant 80 : i32
      %add3A_1497 = vector.broadcast %add3A_1496 : i32 to vector<16xi32>
      %add3A_1498 = arith.addi %add3A_1497, %iota3A : vector<16xi32>
      %gather3A_1499 = tpu.vector_load_idx %arg16[%broadcast_in_dim3A_1495, %add3A_1498, %broadcast_in_dim3A_7] : memref<3x128x16xf32, #tpu.memory_space<vmem>>[vector<16xi32>, vector<16xi32>, vector<16xi32>], vector<16xf32>,
      %add3A_1500 = arith.addf %gather3A_1493, %gather3A_1499 : vector<16xf32>
      %gt3A_1501 = arith.constant 0.000000e+00 : f32
      %gt3A_1502 = vector.broadcast %gt3A_1501 : f32 to vector<16xf32>
      %gt3A_1503 = arith.cmpf ogt, %add3A_1500, %gt3A_1502 : vector<16xf32>
      %mul3A_1504 = arith.constant 2.000000e-01 : f32
      %mul3A_1505 = vector.broadcast %mul3A_1504 : f32 to vector<16xf32>
      %mul3A_1506 = arith.mulf %add3A_1500, %mul3A_1505 : vector<16xf32>
      %select_n3A_1507 = arith.select %gt3A_1503, %add3A_1500, %mul3A_1506 : vector<16xi1>, vector<16xf32>
      %mul3A_1508 = arith.constant 128 : i32
      %mul3A_1509 = arith.muli %add3A_1186, %mul3A_1508 : i32
      %add3A_1510 = arith.addi %mul3A_2, %mul3A_1509 : i32
      %add3A_1511 = arith.constant 80 : i32
      %add3A_1512 = arith.addi %add3A_1510, %add3A_1511 : i32
      %add3A_1513 = vector.broadcast %add3A_1512 : i32 to vector<16xi32>
      %add3A_1514 = arith.addi %add3A_1513, %iota3A : vector<16xi32>
      %lt3A_1515 = arith.constant 330000 : i32
      %lt3A_1516 = vector.broadcast %lt3A_1515 : i32 to vector<16xi32>
      %lt3A_1517 = arith.cmpi slt, %add3A_1514, %lt3A_1516 : vector<16xi32>
      %sub3A_1518 = arith.subf %select_n3A_1507, %get3A_43 : vector<16xf32>
      %exp3A_1519 = math.exp %sub3A_1518 : vector<16xf32>
      %jit3A_1520 = arith.constant 0.000000e+00 : f32
      %broadcast_in_dim3A_1521 = vector.broadcast %jit3A_1520 : f32 to vector<16xf32>
      %select_n3A_1522 = arith.select %lt3A_1517, %exp3A_1519, %broadcast_in_dim3A_1521 : vector<16xi1>, vector<16xf32>
      %add3A_1523 = arith.constant 80 : i32
      %add3A_1524 = vector.broadcast %add3A_1523 : i32 to vector<16xi32>
      %add3A_1525 = arith.addi %add3A_1524, %iota3A : vector<16xi32>
      %scatter3A_1526 = arith.constant 2 : i32
      %scatter3A_1527 = arith.constant 0 : i32
      %scatter3A_1528 = arith.constant 0 : i32
      %scatter3A_1529 = tpu.memref_slice %arg14[%scatter3A_1526, %scatter3A_1527, %scatter3A_1528] : memref<3x128x16xf32, #tpu.memory_space<vmem>> -> memref<1x128x16xf32, #tpu.memory_space<vmem>>
      %scatter3A_1530 = tpu.memref_squeeze %scatter3A_1529 : memref<1x128x16xf32, #tpu.memory_space<vmem>> -> memref<128x16xf32, #tpu.memory_space<vmem>>
      tpu.vector_store_idx %scatter3A_1530[%add3A_1525, %broadcast_in_dim3A_7], %select_n3A_1522 : memref<128x16xf32, #tpu.memory_space<vmem>>[vector<16xi32>, vector<16xi32>], vector<16xf32>,
      %swap3A_1531 = arith.index_cast %add3A_1186 : i32 to index
      %swap3A_1532 = arith.constant 80 : index
      %swap3A_1533 = tpu.vector_load %arg18[%swap3A_1531, %swap3A_1532] {strides = array<i32>} : memref<84x128xf32, #tpu.memory_space<vmem>>, vector<16xf32>,
      tpu.vector_store %arg18[%swap3A_1531, %swap3A_1532], %select_n3A_1522 {strides = array<i32>} : memref<84x128xf32, #tpu.memory_space<vmem>>, vector<16xf32>,
      %broadcast_in_dim3A_1534 = arith.constant 2 : i32
      %broadcast_in_dim3A_1535 = vector.broadcast %broadcast_in_dim3A_1534 : i32 to vector<16xi32>
      %add3A_1536 = arith.constant 96 : i32
      %add3A_1537 = vector.broadcast %add3A_1536 : i32 to vector<16xi32>
      %add3A_1538 = arith.addi %add3A_1537, %iota3A : vector<16xi32>
      %gather3A_1539 = tpu.vector_load_idx %arg15[%broadcast_in_dim3A_1535, %add3A_1538, %broadcast_in_dim3A_7] : memref<3x128x16xf32, #tpu.memory_space<vmem>>[vector<16xi32>, vector<16xi32>, vector<16xi32>], vector<16xf32>,
      %broadcast_in_dim3A_1540 = arith.constant 2 : i32
      %broadcast_in_dim3A_1541 = vector.broadcast %broadcast_in_dim3A_1540 : i32 to vector<16xi32>
      %add3A_1542 = arith.constant 96 : i32
      %add3A_1543 = vector.broadcast %add3A_1542 : i32 to vector<16xi32>
      %add3A_1544 = arith.addi %add3A_1543, %iota3A : vector<16xi32>
      %gather3A_1545 = tpu.vector_load_idx %arg16[%broadcast_in_dim3A_1541, %add3A_1544, %broadcast_in_dim3A_7] : memref<3x128x16xf32, #tpu.memory_space<vmem>>[vector<16xi32>, vector<16xi32>, vector<16xi32>], vector<16xf32>,
      %add3A_1546 = arith.addf %gather3A_1539, %gather3A_1545 : vector<16xf32>
      %gt3A_1547 = arith.constant 0.000000e+00 : f32
      %gt3A_1548 = vector.broadcast %gt3A_1547 : f32 to vector<16xf32>
      %gt3A_1549 = arith.cmpf ogt, %add3A_1546, %gt3A_1548 : vector<16xf32>
      %mul3A_1550 = arith.constant 2.000000e-01 : f32
      %mul3A_1551 = vector.broadcast %mul3A_1550 : f32 to vector<16xf32>
      %mul3A_1552 = arith.mulf %add3A_1546, %mul3A_1551 : vector<16xf32>
      %select_n3A_1553 = arith.select %gt3A_1549, %add3A_1546, %mul3A_1552 : vector<16xi1>, vector<16xf32>
      %mul3A_1554 = arith.constant 128 : i32
      %mul3A_1555 = arith.muli %add3A_1186, %mul3A_1554 : i32
      %add3A_1556 = arith.addi %mul3A_2, %mul3A_1555 : i32
      %add3A_1557 = arith.constant 96 : i32
      %add3A_1558 = arith.addi %add3A_1556, %add3A_1557 : i32
      %add3A_1559 = vector.broadcast %add3A_1558 : i32 to vector<16xi32>
      %add3A_1560 = arith.addi %add3A_1559, %iota3A : vector<16xi32>
      %lt3A_1561 = arith.constant 330000 : i32
      %lt3A_1562 = vector.broadcast %lt3A_1561 : i32 to vector<16xi32>
      %lt3A_1563 = arith.cmpi slt, %add3A_1560, %lt3A_1562 : vector<16xi32>
      %sub3A_1564 = arith.subf %select_n3A_1553, %get3A_43 : vector<16xf32>
      %exp3A_1565 = math.exp %sub3A_1564 : vector<16xf32>
      %jit3A_1566 = arith.constant 0.000000e+00 : f32
      %broadcast_in_dim3A_1567 = vector.broadcast %jit3A_1566 : f32 to vector<16xf32>
      %select_n3A_1568 = arith.select %lt3A_1563, %exp3A_1565, %broadcast_in_dim3A_1567 : vector<16xi1>, vector<16xf32>
      %add3A_1569 = arith.constant 96 : i32
      %add3A_1570 = vector.broadcast %add3A_1569 : i32 to vector<16xi32>
      %add3A_1571 = arith.addi %add3A_1570, %iota3A : vector<16xi32>
      %scatter3A_1572 = arith.constant 2 : i32
      %scatter3A_1573 = arith.constant 0 : i32
      %scatter3A_1574 = arith.constant 0 : i32
      %scatter3A_1575 = tpu.memref_slice %arg14[%scatter3A_1572, %scatter3A_1573, %scatter3A_1574] : memref<3x128x16xf32, #tpu.memory_space<vmem>> -> memref<1x128x16xf32, #tpu.memory_space<vmem>>
      %scatter3A_1576 = tpu.memref_squeeze %scatter3A_1575 : memref<1x128x16xf32, #tpu.memory_space<vmem>> -> memref<128x16xf32, #tpu.memory_space<vmem>>
      tpu.vector_store_idx %scatter3A_1576[%add3A_1571, %broadcast_in_dim3A_7], %select_n3A_1568 : memref<128x16xf32, #tpu.memory_space<vmem>>[vector<16xi32>, vector<16xi32>], vector<16xf32>,
      %swap3A_1577 = arith.index_cast %add3A_1186 : i32 to index
      %swap3A_1578 = arith.constant 96 : index
      %swap3A_1579 = tpu.vector_load %arg18[%swap3A_1577, %swap3A_1578] {strides = array<i32>} : memref<84x128xf32, #tpu.memory_space<vmem>>, vector<16xf32>,
      tpu.vector_store %arg18[%swap3A_1577, %swap3A_1578], %select_n3A_1568 {strides = array<i32>} : memref<84x128xf32, #tpu.memory_space<vmem>>, vector<16xf32>,
      %broadcast_in_dim3A_1580 = arith.constant 2 : i32
      %broadcast_in_dim3A_1581 = vector.broadcast %broadcast_in_dim3A_1580 : i32 to vector<16xi32>
      %add3A_1582 = arith.constant 112 : i32
      %add3A_1583 = vector.broadcast %add3A_1582 : i32 to vector<16xi32>
      %add3A_1584 = arith.addi %add3A_1583, %iota3A : vector<16xi32>
      %gather3A_1585 = tpu.vector_load_idx %arg15[%broadcast_in_dim3A_1581, %add3A_1584, %broadcast_in_dim3A_7] : memref<3x128x16xf32, #tpu.memory_space<vmem>>[vector<16xi32>, vector<16xi32>, vector<16xi32>], vector<16xf32>,
      %broadcast_in_dim3A_1586 = arith.constant 2 : i32
      %broadcast_in_dim3A_1587 = vector.broadcast %broadcast_in_dim3A_1586 : i32 to vector<16xi32>
      %add3A_1588 = arith.constant 112 : i32
      %add3A_1589 = vector.broadcast %add3A_1588 : i32 to vector<16xi32>
      %add3A_1590 = arith.addi %add3A_1589, %iota3A : vector<16xi32>
      %gather3A_1591 = tpu.vector_load_idx %arg16[%broadcast_in_dim3A_1587, %add3A_1590, %broadcast_in_dim3A_7] : memref<3x128x16xf32, #tpu.memory_space<vmem>>[vector<16xi32>, vector<16xi32>, vector<16xi32>], vector<16xf32>,
      %add3A_1592 = arith.addf %gather3A_1585, %gather3A_1591 : vector<16xf32>
      %gt3A_1593 = arith.constant 0.000000e+00 : f32
      %gt3A_1594 = vector.broadcast %gt3A_1593 : f32 to vector<16xf32>
      %gt3A_1595 = arith.cmpf ogt, %add3A_1592, %gt3A_1594 : vector<16xf32>
      %mul3A_1596 = arith.constant 2.000000e-01 : f32
      %mul3A_1597 = vector.broadcast %mul3A_1596 : f32 to vector<16xf32>
      %mul3A_1598 = arith.mulf %add3A_1592, %mul3A_1597 : vector<16xf32>
      %select_n3A_1599 = arith.select %gt3A_1595, %add3A_1592, %mul3A_1598 : vector<16xi1>, vector<16xf32>
      %mul3A_1600 = arith.constant 128 : i32
      %mul3A_1601 = arith.muli %add3A_1186, %mul3A_1600 : i32
      %add3A_1602 = arith.addi %mul3A_2, %mul3A_1601 : i32
      %add3A_1603 = arith.constant 112 : i32
      %add3A_1604 = arith.addi %add3A_1602, %add3A_1603 : i32
      %add3A_1605 = vector.broadcast %add3A_1604 : i32 to vector<16xi32>
      %add3A_1606 = arith.addi %add3A_1605, %iota3A : vector<16xi32>
      %lt3A_1607 = arith.constant 330000 : i32
      %lt3A_1608 = vector.broadcast %lt3A_1607 : i32 to vector<16xi32>
      %lt3A_1609 = arith.cmpi slt, %add3A_1606, %lt3A_1608 : vector<16xi32>
      %sub3A_1610 = arith.subf %select_n3A_1599, %get3A_43 : vector<16xf32>
      %exp3A_1611 = math.exp %sub3A_1610 : vector<16xf32>
      %jit3A_1612 = arith.constant 0.000000e+00 : f32
      %broadcast_in_dim3A_1613 = vector.broadcast %jit3A_1612 : f32 to vector<16xf32>
      %select_n3A_1614 = arith.select %lt3A_1609, %exp3A_1611, %broadcast_in_dim3A_1613 : vector<16xi1>, vector<16xf32>
      %add3A_1615 = arith.constant 112 : i32
      %add3A_1616 = vector.broadcast %add3A_1615 : i32 to vector<16xi32>
      %add3A_1617 = arith.addi %add3A_1616, %iota3A : vector<16xi32>
      %scatter3A_1618 = arith.constant 2 : i32
      %scatter3A_1619 = arith.constant 0 : i32
      %scatter3A_1620 = arith.constant 0 : i32
      %scatter3A_1621 = tpu.memref_slice %arg14[%scatter3A_1618, %scatter3A_1619, %scatter3A_1620] : memref<3x128x16xf32, #tpu.memory_space<vmem>> -> memref<1x128x16xf32, #tpu.memory_space<vmem>>
      %scatter3A_1622 = tpu.memref_squeeze %scatter3A_1621 : memref<1x128x16xf32, #tpu.memory_space<vmem>> -> memref<128x16xf32, #tpu.memory_space<vmem>>
      tpu.vector_store_idx %scatter3A_1622[%add3A_1617, %broadcast_in_dim3A_7], %select_n3A_1614 : memref<128x16xf32, #tpu.memory_space<vmem>>[vector<16xi32>, vector<16xi32>], vector<16xf32>,
      %swap3A_1623 = arith.index_cast %add3A_1186 : i32 to index
      %swap3A_1624 = arith.constant 112 : index
      %swap3A_1625 = tpu.vector_load %arg18[%swap3A_1623, %swap3A_1624] {strides = array<i32>} : memref<84x128xf32, #tpu.memory_space<vmem>>, vector<16xf32>,
      tpu.vector_store %arg18[%swap3A_1623, %swap3A_1624], %select_n3A_1614 {strides = array<i32>} : memref<84x128xf32, #tpu.memory_space<vmem>>, vector<16xf32>,
      %scan3A_1626 = arith.constant 0 : i32
      %scan3A_1627 = arith.constant 0 : i32
      %scan3A_1628 = arith.constant 64 : i32
      %scan3A_1629 = arith.addi %scan3A_1627, %scan3A_1628 : i32
      %scan3A_1630 = arith.constant 1 : i32
      %scan3A_1631 = scf.for %scan3A_1662 = %scan3A_1627 to %scan3A_1629 step %scan3A_1630 iter_args(%scan3A_1663 = %scan3A_1626) -> (i32)  : i32 {
        %mul3A_1664 = arith.constant 2 : i32
        %mul3A_1665 = arith.muli %scan3A_1662, %mul3A_1664 : i32
        %add3A_1666 = arith.constant 0 : i32
        %add3A_1667 = arith.addi %mul3A_1665, %add3A_1666 : i32
        %broadcast_in_dim3A_1668 = arith.constant 2 : i32
        %broadcast_in_dim3A_1669 = vector.broadcast %broadcast_in_dim3A_1668 : i32 to vector<16xi32>
        %broadcast_in_dim3A_1670 = vector.broadcast %add3A_1667 : i32 to vector<16xi32>
        %gather3A_1671 = tpu.vector_load_idx %arg14[%broadcast_in_dim3A_1669, %broadcast_in_dim3A_1670, %broadcast_in_dim3A_7] : memref<3x128x16xf32, #tpu.memory_space<vmem>>[vector<16xi32>, vector<16xi32>, vector<16xi32>], vector<16xf32>,
        %get3A_1672 = arith.constant 2 : i32
        %get3A_1673 = arith.index_cast %get3A_1672 : i32 to index
        %get3A_1674 = arith.index_cast %add3A_1667 : i32 to index
        %get3A_1675 = arith.constant 0 : index
        %get3A_1676 = tpu.vector_load %arg13[%get3A_1673, %get3A_1674, %get3A_1675] {strides = array<i32>} : memref<3x128x64xf32, #tpu.memory_space<vmem>>, vector<16xf32>,
        %mul3A_1677 = arith.mulf %get3A_1676, %gather3A_1671 : vector<16xf32>
        %swap3A_1678 = arith.constant 2 : i32
        %swap3A_1679 = arith.index_cast %swap3A_1678 : i32 to index
        %swap3A_1680 = arith.index_cast %add3A_1667 : i32 to index
        %swap3A_1681 = arith.constant 0 : index
        %swap3A_1682 = tpu.vector_load %arg13[%swap3A_1679, %swap3A_1680, %swap3A_1681] {strides = array<i32>} : memref<3x128x64xf32, #tpu.memory_space<vmem>>, vector<16xf32>,
        tpu.vector_store %arg13[%swap3A_1679, %swap3A_1680, %swap3A_1681], %mul3A_1677 {strides = array<i32>} : memref<3x128x64xf32, #tpu.memory_space<vmem>>, vector<16xf32>,
        %get3A_1683 = arith.constant 2 : i32
        %get3A_1684 = arith.index_cast %get3A_1683 : i32 to index
        %get3A_1685 = arith.index_cast %add3A_1667 : i32 to index
        %get3A_1686 = arith.constant 16 : index
        %get3A_1687 = tpu.vector_load %arg13[%get3A_1684, %get3A_1685, %get3A_1686] {strides = array<i32>} : memref<3x128x64xf32, #tpu.memory_space<vmem>>, vector<16xf32>,
        %mul3A_1688 = arith.mulf %get3A_1687, %gather3A_1671 : vector<16xf32>
        %swap3A_1689 = arith.constant 2 : i32
        %swap3A_1690 = arith.index_cast %swap3A_1689 : i32 to index
        %swap3A_1691 = arith.index_cast %add3A_1667 : i32 to index
        %swap3A_1692 = arith.constant 16 : index
        %swap3A_1693 = tpu.vector_load %arg13[%swap3A_1690, %swap3A_1691, %swap3A_1692] {strides = array<i32>} : memref<3x128x64xf32, #tpu.memory_space<vmem>>, vector<16xf32>,
        tpu.vector_store %arg13[%swap3A_1690, %swap3A_1691, %swap3A_1692], %mul3A_1688 {strides = array<i32>} : memref<3x128x64xf32, #tpu.memory_space<vmem>>, vector<16xf32>,
        %get3A_1694 = arith.constant 2 : i32
        %get3A_1695 = arith.index_cast %get3A_1694 : i32 to index
        %get3A_1696 = arith.index_cast %add3A_1667 : i32 to index
        %get3A_1697 = arith.constant 32 : index
        %get3A_1698 = tpu.vector_load %arg13[%get3A_1695, %get3A_1696, %get3A_1697] {strides = array<i32>} : memref<3x128x64xf32, #tpu.memory_space<vmem>>, vector<16xf32>,
        %mul3A_1699 = arith.mulf %get3A_1698, %gather3A_1671 : vector<16xf32>
        %swap3A_1700 = arith.constant 2 : i32
        %swap3A_1701 = arith.index_cast %swap3A_1700 : i32 to index
        %swap3A_1702 = arith.index_cast %add3A_1667 : i32 to index
        %swap3A_1703 = arith.constant 32 : index
        %swap3A_1704 = tpu.vector_load %arg13[%swap3A_1701, %swap3A_1702, %swap3A_1703] {strides = array<i32>} : memref<3x128x64xf32, #tpu.memory_space<vmem>>, vector<16xf32>,
        tpu.vector_store %arg13[%swap3A_1701, %swap3A_1702, %swap3A_1703], %mul3A_1699 {strides = array<i32>} : memref<3x128x64xf32, #tpu.memory_space<vmem>>, vector<16xf32>,
        %get3A_1705 = arith.constant 2 : i32
        %get3A_1706 = arith.index_cast %get3A_1705 : i32 to index
        %get3A_1707 = arith.index_cast %add3A_1667 : i32 to index
        %get3A_1708 = arith.constant 48 : index
        %get3A_1709 = tpu.vector_load %arg13[%get3A_1706, %get3A_1707, %get3A_1708] {strides = array<i32>} : memref<3x128x64xf32, #tpu.memory_space<vmem>>, vector<16xf32>,
        %mul3A_1710 = arith.mulf %get3A_1709, %gather3A_1671 : vector<16xf32>
        %swap3A_1711 = arith.constant 2 : i32
        %swap3A_1712 = arith.index_cast %swap3A_1711 : i32 to index
        %swap3A_1713 = arith.index_cast %add3A_1667 : i32 to index
        %swap3A_1714 = arith.constant 48 : index
        %swap3A_1715 = tpu.vector_load %arg13[%swap3A_1712, %swap3A_1713, %swap3A_1714] {strides = array<i32>} : memref<3x128x64xf32, #tpu.memory_space<vmem>>, vector<16xf32>,
        tpu.vector_store %arg13[%swap3A_1712, %swap3A_1713, %swap3A_1714], %mul3A_1710 {strides = array<i32>} : memref<3x128x64xf32, #tpu.memory_space<vmem>>, vector<16xf32>,
        %mul3A_1716 = arith.constant 2 : i32
        %mul3A_1717 = arith.muli %scan3A_1662, %mul3A_1716 : i32
        %add3A_1718 = arith.constant 1 : i32
        %add3A_1719 = arith.addi %mul3A_1717, %add3A_1718 : i32
        %broadcast_in_dim3A_1720 = arith.constant 2 : i32
        %broadcast_in_dim3A_1721 = vector.broadcast %broadcast_in_dim3A_1720 : i32 to vector<16xi32>
        %broadcast_in_dim3A_1722 = vector.broadcast %add3A_1719 : i32 to vector<16xi32>
        %gather3A_1723 = tpu.vector_load_idx %arg14[%broadcast_in_dim3A_1721, %broadcast_in_dim3A_1722, %broadcast_in_dim3A_7] : memref<3x128x16xf32, #tpu.memory_space<vmem>>[vector<16xi32>, vector<16xi32>, vector<16xi32>], vector<16xf32>,
        %get3A_1724 = arith.constant 2 : i32
        %get3A_1725 = arith.index_cast %get3A_1724 : i32 to index
        %get3A_1726 = arith.index_cast %add3A_1719 : i32 to index
        %get3A_1727 = arith.constant 0 : index
        %get3A_1728 = tpu.vector_load %arg13[%get3A_1725, %get3A_1726, %get3A_1727] {strides = array<i32>} : memref<3x128x64xf32, #tpu.memory_space<vmem>>, vector<16xf32>,
        %mul3A_1729 = arith.mulf %get3A_1728, %gather3A_1723 : vector<16xf32>
        %swap3A_1730 = arith.constant 2 : i32
        %swap3A_1731 = arith.index_cast %swap3A_1730 : i32 to index
        %swap3A_1732 = arith.index_cast %add3A_1719 : i32 to index
        %swap3A_1733 = arith.constant 0 : index
        %swap3A_1734 = tpu.vector_load %arg13[%swap3A_1731, %swap3A_1732, %swap3A_1733] {strides = array<i32>} : memref<3x128x64xf32, #tpu.memory_space<vmem>>, vector<16xf32>,
        tpu.vector_store %arg13[%swap3A_1731, %swap3A_1732, %swap3A_1733], %mul3A_1729 {strides = array<i32>} : memref<3x128x64xf32, #tpu.memory_space<vmem>>, vector<16xf32>,
        %get3A_1735 = arith.constant 2 : i32
        %get3A_1736 = arith.index_cast %get3A_1735 : i32 to index
        %get3A_1737 = arith.index_cast %add3A_1719 : i32 to index
        %get3A_1738 = arith.constant 16 : index
        %get3A_1739 = tpu.vector_load %arg13[%get3A_1736, %get3A_1737, %get3A_1738] {strides = array<i32>} : memref<3x128x64xf32, #tpu.memory_space<vmem>>, vector<16xf32>,
        %mul3A_1740 = arith.mulf %get3A_1739, %gather3A_1723 : vector<16xf32>
        %swap3A_1741 = arith.constant 2 : i32
        %swap3A_1742 = arith.index_cast %swap3A_1741 : i32 to index
        %swap3A_1743 = arith.index_cast %add3A_1719 : i32 to index
        %swap3A_1744 = arith.constant 16 : index
        %swap3A_1745 = tpu.vector_load %arg13[%swap3A_1742, %swap3A_1743, %swap3A_1744] {strides = array<i32>} : memref<3x128x64xf32, #tpu.memory_space<vmem>>, vector<16xf32>,
        tpu.vector_store %arg13[%swap3A_1742, %swap3A_1743, %swap3A_1744], %mul3A_1740 {strides = array<i32>} : memref<3x128x64xf32, #tpu.memory_space<vmem>>, vector<16xf32>,
        %get3A_1746 = arith.constant 2 : i32
        %get3A_1747 = arith.index_cast %get3A_1746 : i32 to index
        %get3A_1748 = arith.index_cast %add3A_1719 : i32 to index
        %get3A_1749 = arith.constant 32 : index
        %get3A_1750 = tpu.vector_load %arg13[%get3A_1747, %get3A_1748, %get3A_1749] {strides = array<i32>} : memref<3x128x64xf32, #tpu.memory_space<vmem>>, vector<16xf32>,
        %mul3A_1751 = arith.mulf %get3A_1750, %gather3A_1723 : vector<16xf32>
        %swap3A_1752 = arith.constant 2 : i32
        %swap3A_1753 = arith.index_cast %swap3A_1752 : i32 to index
        %swap3A_1754 = arith.index_cast %add3A_1719 : i32 to index
        %swap3A_1755 = arith.constant 32 : index
        %swap3A_1756 = tpu.vector_load %arg13[%swap3A_1753, %swap3A_1754, %swap3A_1755] {strides = array<i32>} : memref<3x128x64xf32, #tpu.memory_space<vmem>>, vector<16xf32>,
        tpu.vector_store %arg13[%swap3A_1753, %swap3A_1754, %swap3A_1755], %mul3A_1751 {strides = array<i32>} : memref<3x128x64xf32, #tpu.memory_space<vmem>>, vector<16xf32>,
        %get3A_1757 = arith.constant 2 : i32
        %get3A_1758 = arith.index_cast %get3A_1757 : i32 to index
        %get3A_1759 = arith.index_cast %add3A_1719 : i32 to index
        %get3A_1760 = arith.constant 48 : index
        %get3A_1761 = tpu.vector_load %arg13[%get3A_1758, %get3A_1759, %get3A_1760] {strides = array<i32>} : memref<3x128x64xf32, #tpu.memory_space<vmem>>, vector<16xf32>,
        %mul3A_1762 = arith.mulf %get3A_1761, %gather3A_1723 : vector<16xf32>
        %swap3A_1763 = arith.constant 2 : i32
        %swap3A_1764 = arith.index_cast %swap3A_1763 : i32 to index
        %swap3A_1765 = arith.index_cast %add3A_1719 : i32 to index
        %swap3A_1766 = arith.constant 48 : index
        %swap3A_1767 = tpu.vector_load %arg13[%swap3A_1764, %swap3A_1765, %swap3A_1766] {strides = array<i32>} : memref<3x128x64xf32, #tpu.memory_space<vmem>>, vector<16xf32>,
        tpu.vector_store %arg13[%swap3A_1764, %swap3A_1765, %swap3A_1766], %mul3A_1762 {strides = array<i32>} : memref<3x128x64xf32, #tpu.memory_space<vmem>>, vector<16xf32>,
        %scan3A_1768 = arith.constant 0 : i32
        scf.yield %scan3A_1768 : i32
      }
      %scan3A_1632 = arith.constant 64 : i32
      %div3A_1633 = arith.constant 28 : i32
      %div3A_1634 = arith.divsi %add3A_1186, %div3A_1633 : i32
      %rem3A_1635 = arith.constant 2 : i32
      %rem3A_1636 = arith.remsi %div3A_1634, %rem3A_1635 : i32
      %rem3A_1637 = arith.constant 28 : i32
      %rem3A_1638 = arith.remsi %add3A_1186, %rem3A_1637 : i32
      %dma_start3A_1639 = arith.constant 2 : i32
      %dma_start3A_1640 = arith.constant 0 : i32
      %dma_start3A_1641 = arith.constant 0 : i32
      %dma_start3A_1642 = tpu.memref_slice %arg13[%dma_start3A_1639, %dma_start3A_1640, %dma_start3A_1641] : memref<3x128x64xf32, #tpu.memory_space<vmem>> -> memref<1x128x64xf32, #tpu.memory_space<vmem>>
      %dma_start3A_1643 = tpu.memref_squeeze %dma_start3A_1642 : memref<1x128x64xf32, #tpu.memory_space<vmem>> -> memref<128x64xf32, #tpu.memory_space<vmem>>
      %dma_start3A_1644 = arith.constant 0 : i32
      %dma_start3A_1645 = tpu.memref_slice %arg11[%rem3A_1636, %rem3A_1638, %dma_start3A_1644] : memref<2x28x128xi32, #tpu.memory_space<vmem>> -> memref<1x1x128xi32, #tpu.memory_space<vmem>>
      %dma_start3A_1646 = tpu.memref_squeeze %dma_start3A_1645 : memref<1x1x128xi32, #tpu.memory_space<vmem>> -> memref<128xi32, #tpu.memory_space<vmem>>
      %dma_start3A_1647 = arith.constant 0 : i32
      %dma_start3A_1648 = arith.constant 0 : i32
      %dma_start3A_1649 = tpu.memref_slice %arg19[%dma_start3A_1647, %dma_start3A_1648] : memref<10240x64xf32, #tpu.memory_space<vmem_shared>> -> memref<10240x64xf32, #tpu.memory_space<vmem_shared>>
      tpu.enqueue_indirect_dma source(%dma_start3A_1643 : memref<128x64xf32, #tpu.memory_space<vmem>>) target(%dma_start3A_1649 : memref<10240x64xf32, #tpu.memory_space<vmem_shared>>) offsets(%dma_start3A_1646 : memref<128xi32, #tpu.memory_space<vmem>>) semaphore(%arg26 : memref<!tpu.dma_semaphore, #tpu.memory_space<semaphore_mem>>) {add = true}
      %dma_start3A_1650 = arith.constant 2 : i32
      %dma_start3A_1651 = arith.constant 0 : i32
      %dma_start3A_1652 = arith.constant 0 : i32
      %dma_start3A_1653 = tpu.memref_slice %arg14[%dma_start3A_1650, %dma_start3A_1651, %dma_start3A_1652] : memref<3x128x16xf32, #tpu.memory_space<vmem>> -> memref<1x128x16xf32, #tpu.memory_space<vmem>>
      %dma_start3A_1654 = tpu.memref_squeeze %dma_start3A_1653 : memref<1x128x16xf32, #tpu.memory_space<vmem>> -> memref<128x16xf32, #tpu.memory_space<vmem>>
      %dma_start3A_1655 = arith.constant 0 : i32
      %dma_start3A_1656 = tpu.memref_slice %arg11[%rem3A_1636, %rem3A_1638, %dma_start3A_1655] : memref<2x28x128xi32, #tpu.memory_space<vmem>> -> memref<1x1x128xi32, #tpu.memory_space<vmem>>
      %dma_start3A_1657 = tpu.memref_squeeze %dma_start3A_1656 : memref<1x1x128xi32, #tpu.memory_space<vmem>> -> memref<128xi32, #tpu.memory_space<vmem>>
      %dma_start3A_1658 = arith.constant 0 : i32
      %dma_start3A_1659 = arith.constant 0 : i32
      %dma_start3A_1660 = tpu.memref_slice %arg20[%dma_start3A_1658, %dma_start3A_1659] : memref<10240x16xf32, #tpu.memory_space<vmem_shared>> -> memref<10240x16xf32, #tpu.memory_space<vmem_shared>>
      tpu.enqueue_indirect_dma source(%dma_start3A_1654 : memref<128x16xf32, #tpu.memory_space<vmem>>) target(%dma_start3A_1660 : memref<10240x16xf32, #tpu.memory_space<vmem_shared>>) offsets(%dma_start3A_1657 : memref<128xi32, #tpu.memory_space<vmem>>) semaphore(%arg26 : memref<!tpu.dma_semaphore, #tpu.memory_space<semaphore_mem>>) {add = true}
      %scan3A_1661 = arith.constant 0 : i32
      scf.yield %scan3A_1661 : i32
    }
    %scan3A_92 = arith.constant 28 : i32
    %dma_wait3A = arith.constant 1 : i32
    %dma_wait3A_93 = arith.constant 0 : i32
    %dma_wait3A_94 = arith.constant 0 : i32
    %dma_wait3A_95 = tpu.memref_slice %arg13[%dma_wait3A, %dma_wait3A_93, %dma_wait3A_94] : memref<3x128x64xf32, #tpu.memory_space<vmem>> -> memref<1x128x64xf32, #tpu.memory_space<vmem>>
    %dma_wait3A_96 = tpu.memref_squeeze %dma_wait3A_95 : memref<1x128x64xf32, #tpu.memory_space<vmem>> -> memref<128x64xf32, #tpu.memory_space<vmem>>
    %dma_wait3A_97 = arith.constant 0 : i32
    %dma_wait3A_98 = arith.constant 0 : i32
    %dma_wait3A_99 = tpu.memref_slice %arg6[%dma_wait3A_97, %dma_wait3A_98] : memref<10000x64xf32, #tpu.memory_space<hbm>> -> memref<128x64xf32, #tpu.memory_space<hbm>>
    %dma_wait3A_100 = arith.constant 0 : i32
    %dma_wait3A_101 = arith.constant 0 : i32
    %dma_wait3A_102 = tpu.memref_slice %arg13[%dma_wait3A, %dma_wait3A_100, %dma_wait3A_101] : memref<3x128x64xf32, #tpu.memory_space<vmem>> -> memref<1x128x64xf32, #tpu.memory_space<vmem>>
    %dma_wait3A_103 = tpu.memref_squeeze %dma_wait3A_102 : memref<1x128x64xf32, #tpu.memory_space<vmem>> -> memref<128x64xf32, #tpu.memory_space<vmem>>
    %dma_wait3A_104 = arith.constant 0 : i32
    %dma_wait3A_105 = arith.constant 0 : i32
    %dma_wait3A_106 = tpu.memref_slice %arg6[%dma_wait3A_104, %dma_wait3A_105] : memref<10000x64xf32, #tpu.memory_space<hbm>> -> memref<128x64xf32, #tpu.memory_space<hbm>>
    tpu.wait_dma2 semaphore(%arg25 : memref<!tpu.dma_semaphore, #tpu.memory_space<semaphore_mem>>) src(%dma_wait3A_106 : memref<128x64xf32, #tpu.memory_space<hbm>>) dst(%dma_wait3A_103 : memref<128x64xf32, #tpu.memory_space<vmem>>)
    %dma_wait3A_107 = arith.constant 1 : i32
    %dma_wait3A_108 = arith.constant 0 : i32
    %dma_wait3A_109 = arith.constant 0 : i32
    %dma_wait3A_110 = tpu.memref_slice %arg14[%dma_wait3A_107, %dma_wait3A_108, %dma_wait3A_109] : memref<3x128x16xf32, #tpu.memory_space<vmem>> -> memref<1x128x16xf32, #tpu.memory_space<vmem>>
    %dma_wait3A_111 = tpu.memref_squeeze %dma_wait3A_110 : memref<1x128x16xf32, #tpu.memory_space<vmem>> -> memref<128x16xf32, #tpu.memory_space<vmem>>
    %dma_wait3A_112 = arith.constant 0 : i32
    %dma_wait3A_113 = arith.constant 0 : i32
    %dma_wait3A_114 = tpu.memref_slice %arg4[%dma_wait3A_112, %dma_wait3A_113] : memref<10000x16xf32, #tpu.memory_space<hbm>> -> memref<128x16xf32, #tpu.memory_space<hbm>>
    %dma_wait3A_115 = arith.constant 0 : i32
    %dma_wait3A_116 = arith.constant 0 : i32
    %dma_wait3A_117 = tpu.memref_slice %arg14[%dma_wait3A_107, %dma_wait3A_115, %dma_wait3A_116] : memref<3x128x16xf32, #tpu.memory_space<vmem>> -> memref<1x128x16xf32, #tpu.memory_space<vmem>>
    %dma_wait3A_118 = tpu.memref_squeeze %dma_wait3A_117 : memref<1x128x16xf32, #tpu.memory_space<vmem>> -> memref<128x16xf32, #tpu.memory_space<vmem>>
    %dma_wait3A_119 = arith.constant 0 : i32
    %dma_wait3A_120 = arith.constant 0 : i32
    %dma_wait3A_121 = tpu.memref_slice %arg4[%dma_wait3A_119, %dma_wait3A_120] : memref<10000x16xf32, #tpu.memory_space<hbm>> -> memref<128x16xf32, #tpu.memory_space<hbm>>
    tpu.wait_dma2 semaphore(%arg25 : memref<!tpu.dma_semaphore, #tpu.memory_space<semaphore_mem>>) src(%dma_wait3A_121 : memref<128x16xf32, #tpu.memory_space<hbm>>) dst(%dma_wait3A_118 : memref<128x16xf32, #tpu.memory_space<vmem>>)
    %dma_wait3A_122 = arith.constant 2 : i32
    %dma_wait3A_123 = arith.constant 0 : i32
    %dma_wait3A_124 = arith.constant 0 : i32
    %dma_wait3A_125 = tpu.memref_slice %arg13[%dma_wait3A_122, %dma_wait3A_123, %dma_wait3A_124] : memref<3x128x64xf32, #tpu.memory_space<vmem>> -> memref<1x128x64xf32, #tpu.memory_space<vmem>>
    %dma_wait3A_126 = tpu.memref_squeeze %dma_wait3A_125 : memref<1x128x64xf32, #tpu.memory_space<vmem>> -> memref<128x64xf32, #tpu.memory_space<vmem>>
    %dma_wait3A_127 = arith.constant 0 : i32
    %dma_wait3A_128 = arith.constant 0 : i32
    %dma_wait3A_129 = tpu.memref_slice %arg6[%dma_wait3A_127, %dma_wait3A_128] : memref<10000x64xf32, #tpu.memory_space<hbm>> -> memref<128x64xf32, #tpu.memory_space<hbm>>
    %dma_wait3A_130 = arith.constant 0 : i32
    %dma_wait3A_131 = arith.constant 0 : i32
    %dma_wait3A_132 = tpu.memref_slice %arg13[%dma_wait3A_122, %dma_wait3A_130, %dma_wait3A_131] : memref<3x128x64xf32, #tpu.memory_space<vmem>> -> memref<1x128x64xf32, #tpu.memory_space<vmem>>
    %dma_wait3A_133 = tpu.memref_squeeze %dma_wait3A_132 : memref<1x128x64xf32, #tpu.memory_space<vmem>> -> memref<128x64xf32, #tpu.memory_space<vmem>>
    %dma_wait3A_134 = arith.constant 0 : i32
    %dma_wait3A_135 = arith.constant 0 : i32
    %dma_wait3A_136 = tpu.memref_slice %arg6[%dma_wait3A_134, %dma_wait3A_135] : memref<10000x64xf32, #tpu.memory_space<hbm>> -> memref<128x64xf32, #tpu.memory_space<hbm>>
    tpu.wait_dma2 semaphore(%arg26 : memref<!tpu.dma_semaphore, #tpu.memory_space<semaphore_mem>>) src(%dma_wait3A_136 : memref<128x64xf32, #tpu.memory_space<hbm>>) dst(%dma_wait3A_133 : memref<128x64xf32, #tpu.memory_space<vmem>>)
    %dma_wait3A_137 = arith.constant 2 : i32
    %dma_wait3A_138 = arith.constant 0 : i32
    %dma_wait3A_139 = arith.constant 0 : i32
    %dma_wait3A_140 = tpu.memref_slice %arg14[%dma_wait3A_137, %dma_wait3A_138, %dma_wait3A_139] : memref<3x128x16xf32, #tpu.memory_space<vmem>> -> memref<1x128x16xf32, #tpu.memory_space<vmem>>
    %dma_wait3A_141 = tpu.memref_squeeze %dma_wait3A_140 : memref<1x128x16xf32, #tpu.memory_space<vmem>> -> memref<128x16xf32, #tpu.memory_space<vmem>>
    %dma_wait3A_142 = arith.constant 0 : i32
    %dma_wait3A_143 = arith.constant 0 : i32
    %dma_wait3A_144 = tpu.memref_slice %arg4[%dma_wait3A_142, %dma_wait3A_143] : memref<10000x16xf32, #tpu.memory_space<hbm>> -> memref<128x16xf32, #tpu.memory_space<hbm>>
    %dma_wait3A_145 = arith.constant 0 : i32
    %dma_wait3A_146 = arith.constant 0 : i32
    %dma_wait3A_147 = tpu.memref_slice %arg14[%dma_wait3A_137, %dma_wait3A_145, %dma_wait3A_146] : memref<3x128x16xf32, #tpu.memory_space<vmem>> -> memref<1x128x16xf32, #tpu.memory_space<vmem>>
    %dma_wait3A_148 = tpu.memref_squeeze %dma_wait3A_147 : memref<1x128x16xf32, #tpu.memory_space<vmem>> -> memref<128x16xf32, #tpu.memory_space<vmem>>
    %dma_wait3A_149 = arith.constant 0 : i32
    %dma_wait3A_150 = arith.constant 0 : i32
    %dma_wait3A_151 = tpu.memref_slice %arg4[%dma_wait3A_149, %dma_wait3A_150] : memref<10000x16xf32, #tpu.memory_space<hbm>> -> memref<128x16xf32, #tpu.memory_space<hbm>>
    tpu.wait_dma2 semaphore(%arg26 : memref<!tpu.dma_semaphore, #tpu.memory_space<semaphore_mem>>) src(%dma_wait3A_151 : memref<128x16xf32, #tpu.memory_space<hbm>>) dst(%dma_wait3A_148 : memref<128x16xf32, #tpu.memory_space<vmem>>)
    %barrier3A_152 = arith.constant 0 : index
    tpu.barrier barrier_id(%barrier3A_152)
    %run_scoped3A_153 = arith.constant 0 : i32
    "tpu.region"() ({
      %run_scoped3A_241 = tpu.sem_alloc : memref<!tpu.dma_semaphore, #tpu.memory_space<semaphore_mem>>
      %dma_start3A_242 = arith.constant 0 : i32
      %dma_start3A_243 = tpu.memref_slice %arg9[%arg0, %run_scoped3A_153, %mul3A_4, %dma_start3A_242] : memref<2x2x10240x64xf32, #tpu.memory_space<hbm>> -> memref<1x1x640x64xf32, #tpu.memory_space<hbm>>
      %dma_start3A_244 = tpu.memref_squeeze %dma_start3A_243 : memref<1x1x640x64xf32, #tpu.memory_space<hbm>> -> memref<640x64xf32, #tpu.memory_space<hbm>>
      %dma_start3A_245 = arith.constant 0 : i32
      %dma_start3A_246 = tpu.memref_slice %arg19[%mul3A_4, %dma_start3A_245] : memref<10240x64xf32, #tpu.memory_space<vmem_shared>> -> memref<640x64xf32, #tpu.memory_space<vmem_shared>>
      tpu.enqueue_dma source(%dma_start3A_246 : memref<640x64xf32, #tpu.memory_space<vmem_shared>>) target(%dma_start3A_244 : memref<640x64xf32, #tpu.memory_space<hbm>>) target_semaphore(%run_scoped3A_241 : memref<!tpu.dma_semaphore, #tpu.memory_space<semaphore_mem>>)
      %dma_wait3A_247 = arith.constant 0 : i32
      %dma_wait3A_248 = tpu.memref_slice %arg9[%arg0, %run_scoped3A_153, %mul3A_4, %dma_wait3A_247] : memref<2x2x10240x64xf32, #tpu.memory_space<hbm>> -> memref<1x1x640x64xf32, #tpu.memory_space<hbm>>
      %dma_wait3A_249 = tpu.memref_squeeze %dma_wait3A_248 : memref<1x1x640x64xf32, #tpu.memory_space<hbm>> -> memref<640x64xf32, #tpu.memory_space<hbm>>
      %dma_wait3A_250 = arith.constant 0 : i32
      %dma_wait3A_251 = tpu.memref_slice %arg19[%mul3A_4, %dma_wait3A_250] : memref<10240x64xf32, #tpu.memory_space<vmem_shared>> -> memref<640x64xf32, #tpu.memory_space<vmem_shared>>
      tpu.wait_dma2 semaphore(%run_scoped3A_241 : memref<!tpu.dma_semaphore, #tpu.memory_space<semaphore_mem>>) src(%dma_wait3A_251 : memref<640x64xf32, #tpu.memory_space<vmem_shared>>) dst(%dma_wait3A_249 : memref<640x64xf32, #tpu.memory_space<hbm>>)
      tpu.yield
    }) : () -> ()
    "tpu.region"() ({
      %run_scoped3A_241 = tpu.sem_alloc : memref<!tpu.dma_semaphore, #tpu.memory_space<semaphore_mem>>
      %dma_start3A_242 = arith.constant 0 : i32
      %dma_start3A_243 = tpu.memref_slice %arg10[%arg0, %mul3A_4, %dma_start3A_242] : memref<2x10240x16xf32, #tpu.memory_space<hbm>> -> memref<1x640x16xf32, #tpu.memory_space<hbm>>
      %dma_start3A_244 = tpu.memref_squeeze %dma_start3A_243 : memref<1x640x16xf32, #tpu.memory_space<hbm>> -> memref<640x16xf32, #tpu.memory_space<hbm>>
      %dma_start3A_245 = arith.constant 0 : i32
      %dma_start3A_246 = tpu.memref_slice %arg20[%mul3A_4, %dma_start3A_245] : memref<10240x16xf32, #tpu.memory_space<vmem_shared>> -> memref<640x16xf32, #tpu.memory_space<vmem_shared>>
      tpu.enqueue_dma source(%dma_start3A_246 : memref<640x16xf32, #tpu.memory_space<vmem_shared>>) target(%dma_start3A_244 : memref<640x16xf32, #tpu.memory_space<hbm>>) target_semaphore(%run_scoped3A_241 : memref<!tpu.dma_semaphore, #tpu.memory_space<semaphore_mem>>)
      %dma_wait3A_247 = arith.constant 0 : i32
      %dma_wait3A_248 = tpu.memref_slice %arg10[%arg0, %mul3A_4, %dma_wait3A_247] : memref<2x10240x16xf32, #tpu.memory_space<hbm>> -> memref<1x640x16xf32, #tpu.memory_space<hbm>>
      %dma_wait3A_249 = tpu.memref_squeeze %dma_wait3A_248 : memref<1x640x16xf32, #tpu.memory_space<hbm>> -> memref<640x16xf32, #tpu.memory_space<hbm>>
      %dma_wait3A_250 = arith.constant 0 : i32
      %dma_wait3A_251 = tpu.memref_slice %arg20[%mul3A_4, %dma_wait3A_250] : memref<10240x16xf32, #tpu.memory_space<vmem_shared>> -> memref<640x16xf32, #tpu.memory_space<vmem_shared>>
      tpu.wait_dma2 semaphore(%run_scoped3A_241 : memref<!tpu.dma_semaphore, #tpu.memory_space<semaphore_mem>>) src(%dma_wait3A_251 : memref<640x16xf32, #tpu.memory_space<vmem_shared>>) dst(%dma_wait3A_249 : memref<640x16xf32, #tpu.memory_space<hbm>>)
      tpu.yield
    }) : () -> ()
    %scan3A_154 = arith.constant 0 : i32
    %scan3A_155 = arith.constant 0 : i32
    %scan3A_156 = arith.constant 128 : i32
    %scan3A_157 = arith.addi %scan3A_155, %scan3A_156 : i32
    %scan3A_158 = arith.constant 1 : i32
    %scan3A_159 = scf.for %scan3A_241 = %scan3A_155 to %scan3A_157 step %scan3A_158 iter_args(%scan3A_242 = %scan3A_154) -> (i32)  : i32 {
      %swap3A = arith.constant 0 : i32
      %swap3A_243 = arith.index_cast %swap3A : i32 to index
      %swap3A_244 = arith.index_cast %scan3A_241 : i32 to index
      %swap3A_245 = arith.constant 0 : index
      %swap3A_246 = tpu.vector_load %arg13[%swap3A_243, %swap3A_244, %swap3A_245] {strides = array<i32>} : memref<3x128x64xf32, #tpu.memory_space<vmem>>, vector<16xf32>,
      tpu.vector_store %arg13[%swap3A_243, %swap3A_244, %swap3A_245], %broadcast_in_dim3A_5 {strides = array<i32>} : memref<3x128x64xf32, #tpu.memory_space<vmem>>, vector<16xf32>,
      %swap3A_247 = arith.constant 0 : i32
      %swap3A_248 = arith.index_cast %swap3A_247 : i32 to index
      %swap3A_249 = arith.index_cast %scan3A_241 : i32 to index
      %swap3A_250 = arith.constant 16 : index
      %swap3A_251 = tpu.vector_load %arg13[%swap3A_248, %swap3A_249, %swap3A_250] {strides = array<i32>} : memref<3x128x64xf32, #tpu.memory_space<vmem>>, vector<16xf32>,
      tpu.vector_store %arg13[%swap3A_248, %swap3A_249, %swap3A_250], %broadcast_in_dim3A_5 {strides = array<i32>} : memref<3x128x64xf32, #tpu.memory_space<vmem>>, vector<16xf32>,
      %swap3A_252 = arith.constant 0 : i32
      %swap3A_253 = arith.index_cast %swap3A_252 : i32 to index
      %swap3A_254 = arith.index_cast %scan3A_241 : i32 to index
      %swap3A_255 = arith.constant 32 : index
      %swap3A_256 = tpu.vector_load %arg13[%swap3A_253, %swap3A_254, %swap3A_255] {strides = array<i32>} : memref<3x128x64xf32, #tpu.memory_space<vmem>>, vector<16xf32>,
      tpu.vector_store %arg13[%swap3A_253, %swap3A_254, %swap3A_255], %broadcast_in_dim3A_5 {strides = array<i32>} : memref<3x128x64xf32, #tpu.memory_space<vmem>>, vector<16xf32>,
      %swap3A_257 = arith.constant 0 : i32
      %swap3A_258 = arith.index_cast %swap3A_257 : i32 to index
      %swap3A_259 = arith.index_cast %scan3A_241 : i32 to index
      %swap3A_260 = arith.constant 48 : index
      %swap3A_261 = tpu.vector_load %arg13[%swap3A_258, %swap3A_259, %swap3A_260] {strides = array<i32>} : memref<3x128x64xf32, #tpu.memory_space<vmem>>, vector<16xf32>,
      tpu.vector_store %arg13[%swap3A_258, %swap3A_259, %swap3A_260], %broadcast_in_dim3A_5 {strides = array<i32>} : memref<3x128x64xf32, #tpu.memory_space<vmem>>, vector<16xf32>,
      %scan3A_262 = arith.constant 0 : i32
      scf.yield %scan3A_262 : i32
    }
    %scan3A_160 = arith.constant 128 : i32
    %add3A_161 = arith.constant 0 : i32
    %add3A_162 = arith.addi %mul3A_4, %add3A_161 : i32
    %run_scoped3A_163 = arith.constant 0 : i32
    "tpu.region"() ({
      %run_scoped3A_241 = tpu.sem_alloc : memref<!tpu.dma_semaphore, #tpu.memory_space<semaphore_mem>>
      %dma_start3A_242 = arith.constant 0 : i32
      %dma_start3A_243 = arith.constant 0 : i32
      %dma_start3A_244 = tpu.memref_slice %arg13[%run_scoped3A_163, %dma_start3A_242, %dma_start3A_243] : memref<3x128x64xf32, #tpu.memory_space<vmem>> -> memref<1x128x64xf32, #tpu.memory_space<vmem>>
      %dma_start3A_245 = tpu.memref_squeeze %dma_start3A_244 : memref<1x128x64xf32, #tpu.memory_space<vmem>> -> memref<128x64xf32, #tpu.memory_space<vmem>>
      %dma_start3A_246 = arith.constant 0 : i32
      %dma_start3A_247 = tpu.memref_slice %arg19[%add3A_162, %dma_start3A_246] : memref<10240x64xf32, #tpu.memory_space<vmem_shared>> -> memref<128x64xf32, #tpu.memory_space<vmem_shared>>
      %dma_start3A_248 = arith.constant 0 : i32
      %dma_start3A_249 = tpu.memref_slice %arg19[%add3A_162, %dma_start3A_248] : memref<10240x64xf32, #tpu.memory_space<vmem_shared>> -> memref<128x64xf32, #tpu.memory_space<vmem_shared>>
      %dma_start3A_250 = arith.constant 0 : i32
      %dma_start3A_251 = arith.constant 0 : i32
      %dma_start3A_252 = tpu.memref_slice %arg13[%run_scoped3A_163, %dma_start3A_250, %dma_start3A_251] : memref<3x128x64xf32, #tpu.memory_space<vmem>> -> memref<1x128x64xf32, #tpu.memory_space<vmem>>
      %dma_start3A_253 = tpu.memref_squeeze %dma_start3A_252 : memref<1x128x64xf32, #tpu.memory_space<vmem>> -> memref<128x64xf32, #tpu.memory_space<vmem>>
      tpu.enqueue_dma source(%dma_start3A_253 : memref<128x64xf32, #tpu.memory_space<vmem>>) target(%dma_start3A_249 : memref<128x64xf32, #tpu.memory_space<vmem_shared>>) target_semaphore(%run_scoped3A_241 : memref<!tpu.dma_semaphore, #tpu.memory_space<semaphore_mem>>)
      %dma_wait3A_254 = arith.constant 0 : i32
      %dma_wait3A_255 = arith.constant 0 : i32
      %dma_wait3A_256 = tpu.memref_slice %arg13[%run_scoped3A_163, %dma_wait3A_254, %dma_wait3A_255] : memref<3x128x64xf32, #tpu.memory_space<vmem>> -> memref<1x128x64xf32, #tpu.memory_space<vmem>>
      %dma_wait3A_257 = tpu.memref_squeeze %dma_wait3A_256 : memref<1x128x64xf32, #tpu.memory_space<vmem>> -> memref<128x64xf32, #tpu.memory_space<vmem>>
      %dma_wait3A_258 = arith.constant 0 : i32
      %dma_wait3A_259 = tpu.memref_slice %arg19[%add3A_162, %dma_wait3A_258] : memref<10240x64xf32, #tpu.memory_space<vmem_shared>> -> memref<128x64xf32, #tpu.memory_space<vmem_shared>>
      %dma_wait3A_260 = arith.constant 0 : i32
      %dma_wait3A_261 = tpu.memref_slice %arg19[%add3A_162, %dma_wait3A_260] : memref<10240x64xf32, #tpu.memory_space<vmem_shared>> -> memref<128x64xf32, #tpu.memory_space<vmem_shared>>
      %dma_wait3A_262 = arith.constant 0 : i32
      %dma_wait3A_263 = arith.constant 0 : i32
      %dma_wait3A_264 = tpu.memref_slice %arg13[%run_scoped3A_163, %dma_wait3A_262, %dma_wait3A_263] : memref<3x128x64xf32, #tpu.memory_space<vmem>> -> memref<1x128x64xf32, #tpu.memory_space<vmem>>
      %dma_wait3A_265 = tpu.memref_squeeze %dma_wait3A_264 : memref<1x128x64xf32, #tpu.memory_space<vmem>> -> memref<128x64xf32, #tpu.memory_space<vmem>>
      tpu.wait_dma2 semaphore(%run_scoped3A_241 : memref<!tpu.dma_semaphore, #tpu.memory_space<semaphore_mem>>) src(%dma_wait3A_265 : memref<128x64xf32, #tpu.memory_space<vmem>>) dst(%dma_wait3A_261 : memref<128x64xf32, #tpu.memory_space<vmem_shared>>)
      tpu.yield
    }) : () -> ()
    %add3A_164 = arith.constant 128 : i32
    %add3A_165 = arith.addi %mul3A_4, %add3A_164 : i32
    %run_scoped3A_166 = arith.constant 0 : i32
    "tpu.region"() ({
      %run_scoped3A_241 = tpu.sem_alloc : memref<!tpu.dma_semaphore, #tpu.memory_space<semaphore_mem>>
      %dma_start3A_242 = arith.constant 0 : i32
      %dma_start3A_243 = arith.constant 0 : i32
      %dma_start3A_244 = tpu.memref_slice %arg13[%run_scoped3A_166, %dma_start3A_242, %dma_start3A_243] : memref<3x128x64xf32, #tpu.memory_space<vmem>> -> memref<1x128x64xf32, #tpu.memory_space<vmem>>
      %dma_start3A_245 = tpu.memref_squeeze %dma_start3A_244 : memref<1x128x64xf32, #tpu.memory_space<vmem>> -> memref<128x64xf32, #tpu.memory_space<vmem>>
      %dma_start3A_246 = arith.constant 0 : i32
      %dma_start3A_247 = tpu.memref_slice %arg19[%add3A_165, %dma_start3A_246] : memref<10240x64xf32, #tpu.memory_space<vmem_shared>> -> memref<128x64xf32, #tpu.memory_space<vmem_shared>>
      %dma_start3A_248 = arith.constant 0 : i32
      %dma_start3A_249 = tpu.memref_slice %arg19[%add3A_165, %dma_start3A_248] : memref<10240x64xf32, #tpu.memory_space<vmem_shared>> -> memref<128x64xf32, #tpu.memory_space<vmem_shared>>
      %dma_start3A_250 = arith.constant 0 : i32
      %dma_start3A_251 = arith.constant 0 : i32
      %dma_start3A_252 = tpu.memref_slice %arg13[%run_scoped3A_166, %dma_start3A_250, %dma_start3A_251] : memref<3x128x64xf32, #tpu.memory_space<vmem>> -> memref<1x128x64xf32, #tpu.memory_space<vmem>>
      %dma_start3A_253 = tpu.memref_squeeze %dma_start3A_252 : memref<1x128x64xf32, #tpu.memory_space<vmem>> -> memref<128x64xf32, #tpu.memory_space<vmem>>
      tpu.enqueue_dma source(%dma_start3A_253 : memref<128x64xf32, #tpu.memory_space<vmem>>) target(%dma_start3A_249 : memref<128x64xf32, #tpu.memory_space<vmem_shared>>) target_semaphore(%run_scoped3A_241 : memref<!tpu.dma_semaphore, #tpu.memory_space<semaphore_mem>>)
      %dma_wait3A_254 = arith.constant 0 : i32
      %dma_wait3A_255 = arith.constant 0 : i32
      %dma_wait3A_256 = tpu.memref_slice %arg13[%run_scoped3A_166, %dma_wait3A_254, %dma_wait3A_255] : memref<3x128x64xf32, #tpu.memory_space<vmem>> -> memref<1x128x64xf32, #tpu.memory_space<vmem>>
      %dma_wait3A_257 = tpu.memref_squeeze %dma_wait3A_256 : memref<1x128x64xf32, #tpu.memory_space<vmem>> -> memref<128x64xf32, #tpu.memory_space<vmem>>
      %dma_wait3A_258 = arith.constant 0 : i32
      %dma_wait3A_259 = tpu.memref_slice %arg19[%add3A_165, %dma_wait3A_258] : memref<10240x64xf32, #tpu.memory_space<vmem_shared>> -> memref<128x64xf32, #tpu.memory_space<vmem_shared>>
      %dma_wait3A_260 = arith.constant 0 : i32
      %dma_wait3A_261 = tpu.memref_slice %arg19[%add3A_165, %dma_wait3A_260] : memref<10240x64xf32, #tpu.memory_space<vmem_shared>> -> memref<128x64xf32, #tpu.memory_space<vmem_shared>>
      %dma_wait3A_262 = arith.constant 0 : i32
      %dma_wait3A_263 = arith.constant 0 : i32
      %dma_wait3A_264 = tpu.memref_slice %arg13[%run_scoped3A_166, %dma_wait3A_262, %dma_wait3A_263] : memref<3x128x64xf32, #tpu.memory_space<vmem>> -> memref<1x128x64xf32, #tpu.memory_space<vmem>>
      %dma_wait3A_265 = tpu.memref_squeeze %dma_wait3A_264 : memref<1x128x64xf32, #tpu.memory_space<vmem>> -> memref<128x64xf32, #tpu.memory_space<vmem>>
      tpu.wait_dma2 semaphore(%run_scoped3A_241 : memref<!tpu.dma_semaphore, #tpu.memory_space<semaphore_mem>>) src(%dma_wait3A_265 : memref<128x64xf32, #tpu.memory_space<vmem>>) dst(%dma_wait3A_261 : memref<128x64xf32, #tpu.memory_space<vmem_shared>>)
      tpu.yield
    }) : () -> ()
    %add3A_167 = arith.constant 256 : i32
    %add3A_168 = arith.addi %mul3A_4, %add3A_167 : i32
    %run_scoped3A_169 = arith.constant 0 : i32
    "tpu.region"() ({
      %run_scoped3A_241 = tpu.sem_alloc : memref<!tpu.dma_semaphore, #tpu.memory_space<semaphore_mem>>
      %dma_start3A_242 = arith.constant 0 : i32
      %dma_start3A_243 = arith.constant 0 : i32
      %dma_start3A_244 = tpu.memref_slice %arg13[%run_scoped3A_169, %dma_start3A_242, %dma_start3A_243] : memref<3x128x64xf32, #tpu.memory_space<vmem>> -> memref<1x128x64xf32, #tpu.memory_space<vmem>>
      %dma_start3A_245 = tpu.memref_squeeze %dma_start3A_244 : memref<1x128x64xf32, #tpu.memory_space<vmem>> -> memref<128x64xf32, #tpu.memory_space<vmem>>
      %dma_start3A_246 = arith.constant 0 : i32
      %dma_start3A_247 = tpu.memref_slice %arg19[%add3A_168, %dma_start3A_246] : memref<10240x64xf32, #tpu.memory_space<vmem_shared>> -> memref<128x64xf32, #tpu.memory_space<vmem_shared>>
      %dma_start3A_248 = arith.constant 0 : i32
      %dma_start3A_249 = tpu.memref_slice %arg19[%add3A_168, %dma_start3A_248] : memref<10240x64xf32, #tpu.memory_space<vmem_shared>> -> memref<128x64xf32, #tpu.memory_space<vmem_shared>>
      %dma_start3A_250 = arith.constant 0 : i32
      %dma_start3A_251 = arith.constant 0 : i32
      %dma_start3A_252 = tpu.memref_slice %arg13[%run_scoped3A_169, %dma_start3A_250, %dma_start3A_251] : memref<3x128x64xf32, #tpu.memory_space<vmem>> -> memref<1x128x64xf32, #tpu.memory_space<vmem>>
      %dma_start3A_253 = tpu.memref_squeeze %dma_start3A_252 : memref<1x128x64xf32, #tpu.memory_space<vmem>> -> memref<128x64xf32, #tpu.memory_space<vmem>>
      tpu.enqueue_dma source(%dma_start3A_253 : memref<128x64xf32, #tpu.memory_space<vmem>>) target(%dma_start3A_249 : memref<128x64xf32, #tpu.memory_space<vmem_shared>>) target_semaphore(%run_scoped3A_241 : memref<!tpu.dma_semaphore, #tpu.memory_space<semaphore_mem>>)
      %dma_wait3A_254 = arith.constant 0 : i32
      %dma_wait3A_255 = arith.constant 0 : i32
      %dma_wait3A_256 = tpu.memref_slice %arg13[%run_scoped3A_169, %dma_wait3A_254, %dma_wait3A_255] : memref<3x128x64xf32, #tpu.memory_space<vmem>> -> memref<1x128x64xf32, #tpu.memory_space<vmem>>
      %dma_wait3A_257 = tpu.memref_squeeze %dma_wait3A_256 : memref<1x128x64xf32, #tpu.memory_space<vmem>> -> memref<128x64xf32, #tpu.memory_space<vmem>>
      %dma_wait3A_258 = arith.constant 0 : i32
      %dma_wait3A_259 = tpu.memref_slice %arg19[%add3A_168, %dma_wait3A_258] : memref<10240x64xf32, #tpu.memory_space<vmem_shared>> -> memref<128x64xf32, #tpu.memory_space<vmem_shared>>
      %dma_wait3A_260 = arith.constant 0 : i32
      %dma_wait3A_261 = tpu.memref_slice %arg19[%add3A_168, %dma_wait3A_260] : memref<10240x64xf32, #tpu.memory_space<vmem_shared>> -> memref<128x64xf32, #tpu.memory_space<vmem_shared>>
      %dma_wait3A_262 = arith.constant 0 : i32
      %dma_wait3A_263 = arith.constant 0 : i32
      %dma_wait3A_264 = tpu.memref_slice %arg13[%run_scoped3A_169, %dma_wait3A_262, %dma_wait3A_263] : memref<3x128x64xf32, #tpu.memory_space<vmem>> -> memref<1x128x64xf32, #tpu.memory_space<vmem>>
      %dma_wait3A_265 = tpu.memref_squeeze %dma_wait3A_264 : memref<1x128x64xf32, #tpu.memory_space<vmem>> -> memref<128x64xf32, #tpu.memory_space<vmem>>
      tpu.wait_dma2 semaphore(%run_scoped3A_241 : memref<!tpu.dma_semaphore, #tpu.memory_space<semaphore_mem>>) src(%dma_wait3A_265 : memref<128x64xf32, #tpu.memory_space<vmem>>) dst(%dma_wait3A_261 : memref<128x64xf32, #tpu.memory_space<vmem_shared>>)
      tpu.yield
    }) : () -> ()
    %add3A_170 = arith.constant 384 : i32
    %add3A_171 = arith.addi %mul3A_4, %add3A_170 : i32
    %run_scoped3A_172 = arith.constant 0 : i32
    "tpu.region"() ({
      %run_scoped3A_241 = tpu.sem_alloc : memref<!tpu.dma_semaphore, #tpu.memory_space<semaphore_mem>>
      %dma_start3A_242 = arith.constant 0 : i32
      %dma_start3A_243 = arith.constant 0 : i32
      %dma_start3A_244 = tpu.memref_slice %arg13[%run_scoped3A_172, %dma_start3A_242, %dma_start3A_243] : memref<3x128x64xf32, #tpu.memory_space<vmem>> -> memref<1x128x64xf32, #tpu.memory_space<vmem>>
      %dma_start3A_245 = tpu.memref_squeeze %dma_start3A_244 : memref<1x128x64xf32, #tpu.memory_space<vmem>> -> memref<128x64xf32, #tpu.memory_space<vmem>>
      %dma_start3A_246 = arith.constant 0 : i32
      %dma_start3A_247 = tpu.memref_slice %arg19[%add3A_171, %dma_start3A_246] : memref<10240x64xf32, #tpu.memory_space<vmem_shared>> -> memref<128x64xf32, #tpu.memory_space<vmem_shared>>
      %dma_start3A_248 = arith.constant 0 : i32
      %dma_start3A_249 = tpu.memref_slice %arg19[%add3A_171, %dma_start3A_248] : memref<10240x64xf32, #tpu.memory_space<vmem_shared>> -> memref<128x64xf32, #tpu.memory_space<vmem_shared>>
      %dma_start3A_250 = arith.constant 0 : i32
      %dma_start3A_251 = arith.constant 0 : i32
      %dma_start3A_252 = tpu.memref_slice %arg13[%run_scoped3A_172, %dma_start3A_250, %dma_start3A_251] : memref<3x128x64xf32, #tpu.memory_space<vmem>> -> memref<1x128x64xf32, #tpu.memory_space<vmem>>
      %dma_start3A_253 = tpu.memref_squeeze %dma_start3A_252 : memref<1x128x64xf32, #tpu.memory_space<vmem>> -> memref<128x64xf32, #tpu.memory_space<vmem>>
      tpu.enqueue_dma source(%dma_start3A_253 : memref<128x64xf32, #tpu.memory_space<vmem>>) target(%dma_start3A_249 : memref<128x64xf32, #tpu.memory_space<vmem_shared>>) target_semaphore(%run_scoped3A_241 : memref<!tpu.dma_semaphore, #tpu.memory_space<semaphore_mem>>)
      %dma_wait3A_254 = arith.constant 0 : i32
      %dma_wait3A_255 = arith.constant 0 : i32
      %dma_wait3A_256 = tpu.memref_slice %arg13[%run_scoped3A_172, %dma_wait3A_254, %dma_wait3A_255] : memref<3x128x64xf32, #tpu.memory_space<vmem>> -> memref<1x128x64xf32, #tpu.memory_space<vmem>>
      %dma_wait3A_257 = tpu.memref_squeeze %dma_wait3A_256 : memref<1x128x64xf32, #tpu.memory_space<vmem>> -> memref<128x64xf32, #tpu.memory_space<vmem>>
      %dma_wait3A_258 = arith.constant 0 : i32
      %dma_wait3A_259 = tpu.memref_slice %arg19[%add3A_171, %dma_wait3A_258] : memref<10240x64xf32, #tpu.memory_space<vmem_shared>> -> memref<128x64xf32, #tpu.memory_space<vmem_shared>>
      %dma_wait3A_260 = arith.constant 0 : i32
      %dma_wait3A_261 = tpu.memref_slice %arg19[%add3A_171, %dma_wait3A_260] : memref<10240x64xf32, #tpu.memory_space<vmem_shared>> -> memref<128x64xf32, #tpu.memory_space<vmem_shared>>
      %dma_wait3A_262 = arith.constant 0 : i32
      %dma_wait3A_263 = arith.constant 0 : i32
      %dma_wait3A_264 = tpu.memref_slice %arg13[%run_scoped3A_172, %dma_wait3A_262, %dma_wait3A_263] : memref<3x128x64xf32, #tpu.memory_space<vmem>> -> memref<1x128x64xf32, #tpu.memory_space<vmem>>
      %dma_wait3A_265 = tpu.memref_squeeze %dma_wait3A_264 : memref<1x128x64xf32, #tpu.memory_space<vmem>> -> memref<128x64xf32, #tpu.memory_space<vmem>>
      tpu.wait_dma2 semaphore(%run_scoped3A_241 : memref<!tpu.dma_semaphore, #tpu.memory_space<semaphore_mem>>) src(%dma_wait3A_265 : memref<128x64xf32, #tpu.memory_space<vmem>>) dst(%dma_wait3A_261 : memref<128x64xf32, #tpu.memory_space<vmem_shared>>)
      tpu.yield
    }) : () -> ()
    %add3A_173 = arith.constant 512 : i32
    %add3A_174 = arith.addi %mul3A_4, %add3A_173 : i32
    %run_scoped3A_175 = arith.constant 0 : i32
    "tpu.region"() ({
      %run_scoped3A_241 = tpu.sem_alloc : memref<!tpu.dma_semaphore, #tpu.memory_space<semaphore_mem>>
      %dma_start3A_242 = arith.constant 0 : i32
      %dma_start3A_243 = arith.constant 0 : i32
      %dma_start3A_244 = tpu.memref_slice %arg13[%run_scoped3A_175, %dma_start3A_242, %dma_start3A_243] : memref<3x128x64xf32, #tpu.memory_space<vmem>> -> memref<1x128x64xf32, #tpu.memory_space<vmem>>
      %dma_start3A_245 = tpu.memref_squeeze %dma_start3A_244 : memref<1x128x64xf32, #tpu.memory_space<vmem>> -> memref<128x64xf32, #tpu.memory_space<vmem>>
      %dma_start3A_246 = arith.constant 0 : i32
      %dma_start3A_247 = tpu.memref_slice %arg19[%add3A_174, %dma_start3A_246] : memref<10240x64xf32, #tpu.memory_space<vmem_shared>> -> memref<128x64xf32, #tpu.memory_space<vmem_shared>>
      %dma_start3A_248 = arith.constant 0 : i32
      %dma_start3A_249 = tpu.memref_slice %arg19[%add3A_174, %dma_start3A_248] : memref<10240x64xf32, #tpu.memory_space<vmem_shared>> -> memref<128x64xf32, #tpu.memory_space<vmem_shared>>
      %dma_start3A_250 = arith.constant 0 : i32
      %dma_start3A_251 = arith.constant 0 : i32
      %dma_start3A_252 = tpu.memref_slice %arg13[%run_scoped3A_175, %dma_start3A_250, %dma_start3A_251] : memref<3x128x64xf32, #tpu.memory_space<vmem>> -> memref<1x128x64xf32, #tpu.memory_space<vmem>>
      %dma_start3A_253 = tpu.memref_squeeze %dma_start3A_252 : memref<1x128x64xf32, #tpu.memory_space<vmem>> -> memref<128x64xf32, #tpu.memory_space<vmem>>
      tpu.enqueue_dma source(%dma_start3A_253 : memref<128x64xf32, #tpu.memory_space<vmem>>) target(%dma_start3A_249 : memref<128x64xf32, #tpu.memory_space<vmem_shared>>) target_semaphore(%run_scoped3A_241 : memref<!tpu.dma_semaphore, #tpu.memory_space<semaphore_mem>>)
      %dma_wait3A_254 = arith.constant 0 : i32
      %dma_wait3A_255 = arith.constant 0 : i32
      %dma_wait3A_256 = tpu.memref_slice %arg13[%run_scoped3A_175, %dma_wait3A_254, %dma_wait3A_255] : memref<3x128x64xf32, #tpu.memory_space<vmem>> -> memref<1x128x64xf32, #tpu.memory_space<vmem>>
      %dma_wait3A_257 = tpu.memref_squeeze %dma_wait3A_256 : memref<1x128x64xf32, #tpu.memory_space<vmem>> -> memref<128x64xf32, #tpu.memory_space<vmem>>
      %dma_wait3A_258 = arith.constant 0 : i32
      %dma_wait3A_259 = tpu.memref_slice %arg19[%add3A_174, %dma_wait3A_258] : memref<10240x64xf32, #tpu.memory_space<vmem_shared>> -> memref<128x64xf32, #tpu.memory_space<vmem_shared>>
      %dma_wait3A_260 = arith.constant 0 : i32
      %dma_wait3A_261 = tpu.memref_slice %arg19[%add3A_174, %dma_wait3A_260] : memref<10240x64xf32, #tpu.memory_space<vmem_shared>> -> memref<128x64xf32, #tpu.memory_space<vmem_shared>>
      %dma_wait3A_262 = arith.constant 0 : i32
      %dma_wait3A_263 = arith.constant 0 : i32
      %dma_wait3A_264 = tpu.memref_slice %arg13[%run_scoped3A_175, %dma_wait3A_262, %dma_wait3A_263] : memref<3x128x64xf32, #tpu.memory_space<vmem>> -> memref<1x128x64xf32, #tpu.memory_space<vmem>>
      %dma_wait3A_265 = tpu.memref_squeeze %dma_wait3A_264 : memref<1x128x64xf32, #tpu.memory_space<vmem>> -> memref<128x64xf32, #tpu.memory_space<vmem>>
      tpu.wait_dma2 semaphore(%run_scoped3A_241 : memref<!tpu.dma_semaphore, #tpu.memory_space<semaphore_mem>>) src(%dma_wait3A_265 : memref<128x64xf32, #tpu.memory_space<vmem>>) dst(%dma_wait3A_261 : memref<128x64xf32, #tpu.memory_space<vmem_shared>>)
      tpu.yield
    }) : () -> ()
    %barrier3A_176 = arith.constant 0 : index
    tpu.barrier barrier_id(%barrier3A_176)
    %get3A_177 = arith.constant 0 : index
    %get3A_178 = tpu.vector_load %arg17[%get3A_177] {strides = array<i32>} : memref<16xf32, #tpu.memory_space<vmem>>, vector<16xf32>,
    %run_scoped3A_179 = arith.constant 0 : i32
    %run_scoped3A_180 = arith.constant 0 : i32
    "tpu.region"() ({
      %run_scoped3A_241 = tpu.sem_alloc : memref<!tpu.dma_semaphore, #tpu.memory_space<semaphore_mem>>
      %dma_start3A_242 = arith.constant 0 : i32
      %dma_start3A_243 = arith.constant 0 : i32
      %dma_start3A_244 = tpu.memref_slice %arg11[%run_scoped3A_180, %dma_start3A_242, %dma_start3A_243] : memref<2x28x128xi32, #tpu.memory_space<vmem>> -> memref<1x28x128xi32, #tpu.memory_space<vmem>>
      %dma_start3A_245 = tpu.memref_squeeze %dma_start3A_244 : memref<1x28x128xi32, #tpu.memory_space<vmem>> -> memref<28x128xi32, #tpu.memory_space<vmem>>
      %dma_start3A_246 = arith.constant 0 : i32
      %dma_start3A_247 = arith.constant 0 : i32
      %dma_start3A_248 = tpu.memref_slice %arg2[%add3A, %run_scoped3A_179, %dma_start3A_246, %dma_start3A_247] : memref<32x3x28x128xi32, #tpu.memory_space<hbm>> -> memref<1x1x28x128xi32, #tpu.memory_space<hbm>>
      %dma_start3A_249 = tpu.memref_squeeze %dma_start3A_248 : memref<1x1x28x128xi32, #tpu.memory_space<hbm>> -> memref<28x128xi32, #tpu.memory_space<hbm>>
      %dma_start3A_250 = arith.constant 0 : i32
      %dma_start3A_251 = arith.constant 0 : i32
      %dma_start3A_252 = tpu.memref_slice %arg11[%run_scoped3A_180, %dma_start3A_250, %dma_start3A_251] : memref<2x28x128xi32, #tpu.memory_space<vmem>> -> memref<1x28x128xi32, #tpu.memory_space<vmem>>
      %dma_start3A_253 = tpu.memref_squeeze %dma_start3A_252 : memref<1x28x128xi32, #tpu.memory_space<vmem>> -> memref<28x128xi32, #tpu.memory_space<vmem>>
      %dma_start3A_254 = arith.constant 0 : i32
      %dma_start3A_255 = arith.constant 0 : i32
      %dma_start3A_256 = tpu.memref_slice %arg2[%add3A, %run_scoped3A_179, %dma_start3A_254, %dma_start3A_255] : memref<32x3x28x128xi32, #tpu.memory_space<hbm>> -> memref<1x1x28x128xi32, #tpu.memory_space<hbm>>
      %dma_start3A_257 = tpu.memref_squeeze %dma_start3A_256 : memref<1x1x28x128xi32, #tpu.memory_space<hbm>> -> memref<28x128xi32, #tpu.memory_space<hbm>>
      tpu.enqueue_dma source(%dma_start3A_257 : memref<28x128xi32, #tpu.memory_space<hbm>>) target(%dma_start3A_253 : memref<28x128xi32, #tpu.memory_space<vmem>>) target_semaphore(%run_scoped3A_241 : memref<!tpu.dma_semaphore, #tpu.memory_space<semaphore_mem>>)
      %dma_wait3A_258 = arith.constant 0 : i32
      %dma_wait3A_259 = arith.constant 0 : i32
      %dma_wait3A_260 = tpu.memref_slice %arg11[%run_scoped3A_180, %dma_wait3A_258, %dma_wait3A_259] : memref<2x28x128xi32, #tpu.memory_space<vmem>> -> memref<1x28x128xi32, #tpu.memory_space<vmem>>
      %dma_wait3A_261 = tpu.memref_squeeze %dma_wait3A_260 : memref<1x28x128xi32, #tpu.memory_space<vmem>> -> memref<28x128xi32, #tpu.memory_space<vmem>>
      %dma_wait3A_262 = arith.constant 0 : i32
      %dma_wait3A_263 = arith.constant 0 : i32
      %dma_wait3A_264 = tpu.memref_slice %arg2[%add3A, %run_scoped3A_179, %dma_wait3A_262, %dma_wait3A_263] : memref<32x3x28x128xi32, #tpu.memory_space<hbm>> -> memref<1x1x28x128xi32, #tpu.memory_space<hbm>>
      %dma_wait3A_265 = tpu.memref_squeeze %dma_wait3A_264 : memref<1x1x28x128xi32, #tpu.memory_space<hbm>> -> memref<28x128xi32, #tpu.memory_space<hbm>>
      %dma_wait3A_266 = arith.constant 0 : i32
      %dma_wait3A_267 = arith.constant 0 : i32
      %dma_wait3A_268 = tpu.memref_slice %arg11[%run_scoped3A_180, %dma_wait3A_266, %dma_wait3A_267] : memref<2x28x128xi32, #tpu.memory_space<vmem>> -> memref<1x28x128xi32, #tpu.memory_space<vmem>>
      %dma_wait3A_269 = tpu.memref_squeeze %dma_wait3A_268 : memref<1x28x128xi32, #tpu.memory_space<vmem>> -> memref<28x128xi32, #tpu.memory_space<vmem>>
      %dma_wait3A_270 = arith.constant 0 : i32
      %dma_wait3A_271 = arith.constant 0 : i32
      %dma_wait3A_272 = tpu.memref_slice %arg2[%add3A, %run_scoped3A_179, %dma_wait3A_270, %dma_wait3A_271] : memref<32x3x28x128xi32, #tpu.memory_space<hbm>> -> memref<1x1x28x128xi32, #tpu.memory_space<hbm>>
      %dma_wait3A_273 = tpu.memref_squeeze %dma_wait3A_272 : memref<1x1x28x128xi32, #tpu.memory_space<hbm>> -> memref<28x128xi32, #tpu.memory_space<hbm>>
      tpu.wait_dma2 semaphore(%run_scoped3A_241 : memref<!tpu.dma_semaphore, #tpu.memory_space<semaphore_mem>>) src(%dma_wait3A_273 : memref<28x128xi32, #tpu.memory_space<hbm>>) dst(%dma_wait3A_269 : memref<28x128xi32, #tpu.memory_space<vmem>>)
      tpu.yield
    }) : () -> ()
    %run_scoped3A_181 = arith.constant 0 : i32
    %run_scoped3A_182 = arith.constant 0 : i32
    "tpu.region"() ({
      %run_scoped3A_241 = tpu.sem_alloc : memref<!tpu.dma_semaphore, #tpu.memory_space<semaphore_mem>>
      %dma_start3A_242 = arith.constant 0 : i32
      %dma_start3A_243 = arith.constant 0 : i32
      %dma_start3A_244 = tpu.memref_slice %arg12[%run_scoped3A_182, %dma_start3A_242, %dma_start3A_243] : memref<2x28x128xi32, #tpu.memory_space<vmem>> -> memref<1x28x128xi32, #tpu.memory_space<vmem>>
      %dma_start3A_245 = tpu.memref_squeeze %dma_start3A_244 : memref<1x28x128xi32, #tpu.memory_space<vmem>> -> memref<28x128xi32, #tpu.memory_space<vmem>>
      %dma_start3A_246 = arith.constant 0 : i32
      %dma_start3A_247 = arith.constant 0 : i32
      %dma_start3A_248 = tpu.memref_slice %arg3[%add3A, %run_scoped3A_181, %dma_start3A_246, %dma_start3A_247] : memref<32x3x28x128xi32, #tpu.memory_space<hbm>> -> memref<1x1x28x128xi32, #tpu.memory_space<hbm>>
      %dma_start3A_249 = tpu.memref_squeeze %dma_start3A_248 : memref<1x1x28x128xi32, #tpu.memory_space<hbm>> -> memref<28x128xi32, #tpu.memory_space<hbm>>
      %dma_start3A_250 = arith.constant 0 : i32
      %dma_start3A_251 = arith.constant 0 : i32
      %dma_start3A_252 = tpu.memref_slice %arg12[%run_scoped3A_182, %dma_start3A_250, %dma_start3A_251] : memref<2x28x128xi32, #tpu.memory_space<vmem>> -> memref<1x28x128xi32, #tpu.memory_space<vmem>>
      %dma_start3A_253 = tpu.memref_squeeze %dma_start3A_252 : memref<1x28x128xi32, #tpu.memory_space<vmem>> -> memref<28x128xi32, #tpu.memory_space<vmem>>
      %dma_start3A_254 = arith.constant 0 : i32
      %dma_start3A_255 = arith.constant 0 : i32
      %dma_start3A_256 = tpu.memref_slice %arg3[%add3A, %run_scoped3A_181, %dma_start3A_254, %dma_start3A_255] : memref<32x3x28x128xi32, #tpu.memory_space<hbm>> -> memref<1x1x28x128xi32, #tpu.memory_space<hbm>>
      %dma_start3A_257 = tpu.memref_squeeze %dma_start3A_256 : memref<1x1x28x128xi32, #tpu.memory_space<hbm>> -> memref<28x128xi32, #tpu.memory_space<hbm>>
      tpu.enqueue_dma source(%dma_start3A_257 : memref<28x128xi32, #tpu.memory_space<hbm>>) target(%dma_start3A_253 : memref<28x128xi32, #tpu.memory_space<vmem>>) target_semaphore(%run_scoped3A_241 : memref<!tpu.dma_semaphore, #tpu.memory_space<semaphore_mem>>)
      %dma_wait3A_258 = arith.constant 0 : i32
      %dma_wait3A_259 = arith.constant 0 : i32
      %dma_wait3A_260 = tpu.memref_slice %arg12[%run_scoped3A_182, %dma_wait3A_258, %dma_wait3A_259] : memref<2x28x128xi32, #tpu.memory_space<vmem>> -> memref<1x28x128xi32, #tpu.memory_space<vmem>>
      %dma_wait3A_261 = tpu.memref_squeeze %dma_wait3A_260 : memref<1x28x128xi32, #tpu.memory_space<vmem>> -> memref<28x128xi32, #tpu.memory_space<vmem>>
      %dma_wait3A_262 = arith.constant 0 : i32
      %dma_wait3A_263 = arith.constant 0 : i32
      %dma_wait3A_264 = tpu.memref_slice %arg3[%add3A, %run_scoped3A_181, %dma_wait3A_262, %dma_wait3A_263] : memref<32x3x28x128xi32, #tpu.memory_space<hbm>> -> memref<1x1x28x128xi32, #tpu.memory_space<hbm>>
      %dma_wait3A_265 = tpu.memref_squeeze %dma_wait3A_264 : memref<1x1x28x128xi32, #tpu.memory_space<hbm>> -> memref<28x128xi32, #tpu.memory_space<hbm>>
      %dma_wait3A_266 = arith.constant 0 : i32
      %dma_wait3A_267 = arith.constant 0 : i32
      %dma_wait3A_268 = tpu.memref_slice %arg12[%run_scoped3A_182, %dma_wait3A_266, %dma_wait3A_267] : memref<2x28x128xi32, #tpu.memory_space<vmem>> -> memref<1x28x128xi32, #tpu.memory_space<vmem>>
      %dma_wait3A_269 = tpu.memref_squeeze %dma_wait3A_268 : memref<1x28x128xi32, #tpu.memory_space<vmem>> -> memref<28x128xi32, #tpu.memory_space<vmem>>
      %dma_wait3A_270 = arith.constant 0 : i32
      %dma_wait3A_271 = arith.constant 0 : i32
      %dma_wait3A_272 = tpu.memref_slice %arg3[%add3A, %run_scoped3A_181, %dma_wait3A_270, %dma_wait3A_271] : memref<32x3x28x128xi32, #tpu.memory_space<hbm>> -> memref<1x1x28x128xi32, #tpu.memory_space<hbm>>
      %dma_wait3A_273 = tpu.memref_squeeze %dma_wait3A_272 : memref<1x1x28x128xi32, #tpu.memory_space<hbm>> -> memref<28x128xi32, #tpu.memory_space<hbm>>
      tpu.wait_dma2 semaphore(%run_scoped3A_241 : memref<!tpu.dma_semaphore, #tpu.memory_space<semaphore_mem>>) src(%dma_wait3A_273 : memref<28x128xi32, #tpu.memory_space<hbm>>) dst(%dma_wait3A_269 : memref<28x128xi32, #tpu.memory_space<vmem>>)
      tpu.yield
    }) : () -> ()
    %div3A_183 = arith.constant 0 : i32
    %div3A_184 = arith.constant 28 : i32
    %div3A_185 = arith.divsi %div3A_183, %div3A_184 : i32
    %rem3A_186 = arith.constant 2 : i32
    %rem3A_187 = arith.remsi %div3A_185, %rem3A_186 : i32
    %rem3A_188 = arith.constant 0 : i32
    %rem3A_189 = arith.constant 28 : i32
    %rem3A_190 = arith.remsi %rem3A_188, %rem3A_189 : i32
    %dma_start3A_191 = arith.constant 0 : i32
    %dma_start3A_192 = arith.constant 0 : i32
    %dma_start3A_193 = arith.constant 0 : i32
    %dma_start3A_194 = tpu.memref_slice %arg13[%dma_start3A_191, %dma_start3A_192, %dma_start3A_193] : memref<3x128x64xf32, #tpu.memory_space<vmem>> -> memref<1x128x64xf32, #tpu.memory_space<vmem>>
    %dma_start3A_195 = tpu.memref_squeeze %dma_start3A_194 : memref<1x128x64xf32, #tpu.memory_space<vmem>> -> memref<128x64xf32, #tpu.memory_space<vmem>>
    %dma_start3A_196 = arith.constant 0 : i32
    %dma_start3A_197 = tpu.memref_slice %arg12[%rem3A_187, %rem3A_190, %dma_start3A_196] : memref<2x28x128xi32, #tpu.memory_space<vmem>> -> memref<1x1x128xi32, #tpu.memory_space<vmem>>
    %dma_start3A_198 = tpu.memref_squeeze %dma_start3A_197 : memref<1x1x128xi32, #tpu.memory_space<vmem>> -> memref<128xi32, #tpu.memory_space<vmem>>
    %dma_start3A_199 = arith.constant 0 : i32
    %dma_start3A_200 = arith.constant 0 : i32
    %dma_start3A_201 = tpu.memref_slice %arg7[%dma_start3A_199, %dma_start3A_200] : memref<10000x64xf32, #tpu.memory_space<hbm>> -> memref<10000x64xf32, #tpu.memory_space<hbm>>
    tpu.enqueue_indirect_dma source(%dma_start3A_201 : memref<10000x64xf32, #tpu.memory_space<hbm>>) target(%dma_start3A_195 : memref<128x64xf32, #tpu.memory_space<vmem>>) offsets(%dma_start3A_198 : memref<128xi32, #tpu.memory_space<vmem>>) semaphore(%arg21 : memref<!tpu.dma_semaphore, #tpu.memory_space<semaphore_mem>>)
    %scan3A_202 = arith.constant 0 : i32
    %scan3A_203 = arith.constant 0 : i32
    %scan3A_204 = arith.constant 28 : i32
    %scan3A_205 = arith.addi %scan3A_203, %scan3A_204 : i32
    %scan3A_206 = arith.constant 1 : i32
    %scan3A_207 = scf.for %scan3A_241 = %scan3A_203 to %scan3A_205 step %scan3A_206 iter_args(%scan3A_242 = %scan3A_202) -> (i32)  : i32 {
      %mul3A_243 = arith.constant 3 : i32
      %mul3A_244 = arith.muli %scan3A_241, %mul3A_243 : i32
      %add3A_245 = arith.constant 1 : i32
      %add3A_246 = arith.addi %mul3A_244, %add3A_245 : i32
      %rem3A_247 = arith.constant 28 : i32
      %rem3A_248 = arith.remsi %add3A_246, %rem3A_247 : i32
      %eq3A = arith.constant 0 : i32
      %eq3A_249 = arith.cmpi eq, %rem3A_248, %eq3A : i32
      %add3A_250 = arith.constant 1 : i32
      %add3A_251 = arith.addi %mul3A_244, %add3A_250 : i32
      %lt3A = arith.constant 84 : i32
      %lt3A_252 = arith.cmpi slt, %add3A_251, %lt3A : i32
      %and3A = arith.andi %eq3A_249, %lt3A_252 : i1
      %convert_element_type3A = arith.extui %and3A : i1 to i32
      %cond3A = arith.constant 0 : i32
      %cond3A_253 = arith.cmpi ne, %convert_element_type3A, %cond3A : i32
      scf.if %cond3A_253 {
        %add3A_443 = arith.constant 1 : i32
        %add3A_444 = arith.addi %mul3A_244, %add3A_443 : i32
        %div3A_445 = arith.constant 28 : i32
        %div3A_446 = arith.divsi %add3A_444, %div3A_445 : i32
        %rem3A_447 = arith.constant 2 : i32
        %rem3A_448 = arith.remsi %div3A_446, %rem3A_447 : i32
        "tpu.region"() ({
          %run_scoped3A_449 = tpu.sem_alloc : memref<!tpu.dma_semaphore, #tpu.memory_space<semaphore_mem>>
          %dma_start3A_450 = arith.constant 0 : i32
          %dma_start3A_451 = arith.constant 0 : i32
          %dma_start3A_452 = tpu.memref_slice %arg11[%rem3A_448, %dma_start3A_450, %dma_start3A_451] : memref<2x28x128xi32, #tpu.memory_space<vmem>> -> memref<1x28x128xi32, #tpu.memory_space<vmem>>
          %dma_start3A_453 = tpu.memref_squeeze %dma_start3A_452 : memref<1x28x128xi32, #tpu.memory_space<vmem>> -> memref<28x128xi32, #tpu.memory_space<vmem>>
          %dma_start3A_454 = arith.constant 0 : i32
          %dma_start3A_455 = arith.constant 0 : i32
          %dma_start3A_456 = tpu.memref_slice %arg2[%add3A, %div3A_446, %dma_start3A_454, %dma_start3A_455] : memref<32x3x28x128xi32, #tpu.memory_space<hbm>> -> memref<1x1x28x128xi32, #tpu.memory_space<hbm>>
          %dma_start3A_457 = tpu.memref_squeeze %dma_start3A_456 : memref<1x1x28x128xi32, #tpu.memory_space<hbm>> -> memref<28x128xi32, #tpu.memory_space<hbm>>
          %dma_start3A_458 = arith.constant 0 : i32
          %dma_start3A_459 = arith.constant 0 : i32
          %dma_start3A_460 = tpu.memref_slice %arg11[%rem3A_448, %dma_start3A_458, %dma_start3A_459] : memref<2x28x128xi32, #tpu.memory_space<vmem>> -> memref<1x28x128xi32, #tpu.memory_space<vmem>>
          %dma_start3A_461 = tpu.memref_squeeze %dma_start3A_460 : memref<1x28x128xi32, #tpu.memory_space<vmem>> -> memref<28x128xi32, #tpu.memory_space<vmem>>
          %dma_start3A_462 = arith.constant 0 : i32
          %dma_start3A_463 = arith.constant 0 : i32
          %dma_start3A_464 = tpu.memref_slice %arg2[%add3A, %div3A_446, %dma_start3A_462, %dma_start3A_463] : memref<32x3x28x128xi32, #tpu.memory_space<hbm>> -> memref<1x1x28x128xi32, #tpu.memory_space<hbm>>
          %dma_start3A_465 = tpu.memref_squeeze %dma_start3A_464 : memref<1x1x28x128xi32, #tpu.memory_space<hbm>> -> memref<28x128xi32, #tpu.memory_space<hbm>>
          tpu.enqueue_dma source(%dma_start3A_465 : memref<28x128xi32, #tpu.memory_space<hbm>>) target(%dma_start3A_461 : memref<28x128xi32, #tpu.memory_space<vmem>>) target_semaphore(%run_scoped3A_449 : memref<!tpu.dma_semaphore, #tpu.memory_space<semaphore_mem>>)
          %dma_wait3A_466 = arith.constant 0 : i32
          %dma_wait3A_467 = arith.constant 0 : i32
          %dma_wait3A_468 = tpu.memref_slice %arg11[%rem3A_448, %dma_wait3A_466, %dma_wait3A_467] : memref<2x28x128xi32, #tpu.memory_space<vmem>> -> memref<1x28x128xi32, #tpu.memory_space<vmem>>
          %dma_wait3A_469 = tpu.memref_squeeze %dma_wait3A_468 : memref<1x28x128xi32, #tpu.memory_space<vmem>> -> memref<28x128xi32, #tpu.memory_space<vmem>>
          %dma_wait3A_470 = arith.constant 0 : i32
          %dma_wait3A_471 = arith.constant 0 : i32
          %dma_wait3A_472 = tpu.memref_slice %arg2[%add3A, %div3A_446, %dma_wait3A_470, %dma_wait3A_471] : memref<32x3x28x128xi32, #tpu.memory_space<hbm>> -> memref<1x1x28x128xi32, #tpu.memory_space<hbm>>
          %dma_wait3A_473 = tpu.memref_squeeze %dma_wait3A_472 : memref<1x1x28x128xi32, #tpu.memory_space<hbm>> -> memref<28x128xi32, #tpu.memory_space<hbm>>
          %dma_wait3A_474 = arith.constant 0 : i32
          %dma_wait3A_475 = arith.constant 0 : i32
          %dma_wait3A_476 = tpu.memref_slice %arg11[%rem3A_448, %dma_wait3A_474, %dma_wait3A_475] : memref<2x28x128xi32, #tpu.memory_space<vmem>> -> memref<1x28x128xi32, #tpu.memory_space<vmem>>
          %dma_wait3A_477 = tpu.memref_squeeze %dma_wait3A_476 : memref<1x28x128xi32, #tpu.memory_space<vmem>> -> memref<28x128xi32, #tpu.memory_space<vmem>>
          %dma_wait3A_478 = arith.constant 0 : i32
          %dma_wait3A_479 = arith.constant 0 : i32
          %dma_wait3A_480 = tpu.memref_slice %arg2[%add3A, %div3A_446, %dma_wait3A_478, %dma_wait3A_479] : memref<32x3x28x128xi32, #tpu.memory_space<hbm>> -> memref<1x1x28x128xi32, #tpu.memory_space<hbm>>
          %dma_wait3A_481 = tpu.memref_squeeze %dma_wait3A_480 : memref<1x1x28x128xi32, #tpu.memory_space<hbm>> -> memref<28x128xi32, #tpu.memory_space<hbm>>
          tpu.wait_dma2 semaphore(%run_scoped3A_449 : memref<!tpu.dma_semaphore, #tpu.memory_space<semaphore_mem>>) src(%dma_wait3A_481 : memref<28x128xi32, #tpu.memory_space<hbm>>) dst(%dma_wait3A_477 : memref<28x128xi32, #tpu.memory_space<vmem>>)
          tpu.yield
        }) : () -> ()
        "tpu.region"() ({
          %run_scoped3A_449 = tpu.sem_alloc : memref<!tpu.dma_semaphore, #tpu.memory_space<semaphore_mem>>
          %dma_start3A_450 = arith.constant 0 : i32
          %dma_start3A_451 = arith.constant 0 : i32
          %dma_start3A_452 = tpu.memref_slice %arg12[%rem3A_448, %dma_start3A_450, %dma_start3A_451] : memref<2x28x128xi32, #tpu.memory_space<vmem>> -> memref<1x28x128xi32, #tpu.memory_space<vmem>>
          %dma_start3A_453 = tpu.memref_squeeze %dma_start3A_452 : memref<1x28x128xi32, #tpu.memory_space<vmem>> -> memref<28x128xi32, #tpu.memory_space<vmem>>
          %dma_start3A_454 = arith.constant 0 : i32
          %dma_start3A_455 = arith.constant 0 : i32
          %dma_start3A_456 = tpu.memref_slice %arg3[%add3A, %div3A_446, %dma_start3A_454, %dma_start3A_455] : memref<32x3x28x128xi32, #tpu.memory_space<hbm>> -> memref<1x1x28x128xi32, #tpu.memory_space<hbm>>
          %dma_start3A_457 = tpu.memref_squeeze %dma_start3A_456 : memref<1x1x28x128xi32, #tpu.memory_space<hbm>> -> memref<28x128xi32, #tpu.memory_space<hbm>>
          %dma_start3A_458 = arith.constant 0 : i32
          %dma_start3A_459 = arith.constant 0 : i32
          %dma_start3A_460 = tpu.memref_slice %arg12[%rem3A_448, %dma_start3A_458, %dma_start3A_459] : memref<2x28x128xi32, #tpu.memory_space<vmem>> -> memref<1x28x128xi32, #tpu.memory_space<vmem>>
          %dma_start3A_461 = tpu.memref_squeeze %dma_start3A_460 : memref<1x28x128xi32, #tpu.memory_space<vmem>> -> memref<28x128xi32, #tpu.memory_space<vmem>>
          %dma_start3A_462 = arith.constant 0 : i32
          %dma_start3A_463 = arith.constant 0 : i32
          %dma_start3A_464 = tpu.memref_slice %arg3[%add3A, %div3A_446, %dma_start3A_462, %dma_start3A_463] : memref<32x3x28x128xi32, #tpu.memory_space<hbm>> -> memref<1x1x28x128xi32, #tpu.memory_space<hbm>>
          %dma_start3A_465 = tpu.memref_squeeze %dma_start3A_464 : memref<1x1x28x128xi32, #tpu.memory_space<hbm>> -> memref<28x128xi32, #tpu.memory_space<hbm>>
          tpu.enqueue_dma source(%dma_start3A_465 : memref<28x128xi32, #tpu.memory_space<hbm>>) target(%dma_start3A_461 : memref<28x128xi32, #tpu.memory_space<vmem>>) target_semaphore(%run_scoped3A_449 : memref<!tpu.dma_semaphore, #tpu.memory_space<semaphore_mem>>)
          %dma_wait3A_466 = arith.constant 0 : i32
          %dma_wait3A_467 = arith.constant 0 : i32
          %dma_wait3A_468 = tpu.memref_slice %arg12[%rem3A_448, %dma_wait3A_466, %dma_wait3A_467] : memref<2x28x128xi32, #tpu.memory_space<vmem>> -> memref<1x28x128xi32, #tpu.memory_space<vmem>>
          %dma_wait3A_469 = tpu.memref_squeeze %dma_wait3A_468 : memref<1x28x128xi32, #tpu.memory_space<vmem>> -> memref<28x128xi32, #tpu.memory_space<vmem>>
          %dma_wait3A_470 = arith.constant 0 : i32
          %dma_wait3A_471 = arith.constant 0 : i32
          %dma_wait3A_472 = tpu.memref_slice %arg3[%add3A, %div3A_446, %dma_wait3A_470, %dma_wait3A_471] : memref<32x3x28x128xi32, #tpu.memory_space<hbm>> -> memref<1x1x28x128xi32, #tpu.memory_space<hbm>>
          %dma_wait3A_473 = tpu.memref_squeeze %dma_wait3A_472 : memref<1x1x28x128xi32, #tpu.memory_space<hbm>> -> memref<28x128xi32, #tpu.memory_space<hbm>>
          %dma_wait3A_474 = arith.constant 0 : i32
          %dma_wait3A_475 = arith.constant 0 : i32
          %dma_wait3A_476 = tpu.memref_slice %arg12[%rem3A_448, %dma_wait3A_474, %dma_wait3A_475] : memref<2x28x128xi32, #tpu.memory_space<vmem>> -> memref<1x28x128xi32, #tpu.memory_space<vmem>>
          %dma_wait3A_477 = tpu.memref_squeeze %dma_wait3A_476 : memref<1x28x128xi32, #tpu.memory_space<vmem>> -> memref<28x128xi32, #tpu.memory_space<vmem>>
          %dma_wait3A_478 = arith.constant 0 : i32
          %dma_wait3A_479 = arith.constant 0 : i32
          %dma_wait3A_480 = tpu.memref_slice %arg3[%add3A, %div3A_446, %dma_wait3A_478, %dma_wait3A_479] : memref<32x3x28x128xi32, #tpu.memory_space<hbm>> -> memref<1x1x28x128xi32, #tpu.memory_space<hbm>>
          %dma_wait3A_481 = tpu.memref_squeeze %dma_wait3A_480 : memref<1x1x28x128xi32, #tpu.memory_space<hbm>> -> memref<28x128xi32, #tpu.memory_space<hbm>>
          tpu.wait_dma2 semaphore(%run_scoped3A_449 : memref<!tpu.dma_semaphore, #tpu.memory_space<semaphore_mem>>) src(%dma_wait3A_481 : memref<28x128xi32, #tpu.memory_space<hbm>>) dst(%dma_wait3A_477 : memref<28x128xi32, #tpu.memory_space<vmem>>)
          tpu.yield
        }) : () -> ()
      } else {
      }
      %ge3A = arith.constant 2 : i32
      %ge3A_254 = arith.cmpi sge, %mul3A_244, %ge3A : i32
      %convert_element_type3A_255 = arith.extui %ge3A_254 : i1 to i32
      %cond3A_256 = arith.constant 0 : i32
      %cond3A_257 = arith.cmpi ne, %convert_element_type3A_255, %cond3A_256 : i32
      scf.if %cond3A_257 {
        %dma_wait3A_443 = arith.constant 1 : i32
        %dma_wait3A_444 = arith.constant 0 : i32
        %dma_wait3A_445 = arith.constant 0 : i32
        %dma_wait3A_446 = tpu.memref_slice %arg13[%dma_wait3A_443, %dma_wait3A_444, %dma_wait3A_445] : memref<3x128x64xf32, #tpu.memory_space<vmem>> -> memref<1x128x64xf32, #tpu.memory_space<vmem>>
        %dma_wait3A_447 = tpu.memref_squeeze %dma_wait3A_446 : memref<1x128x64xf32, #tpu.memory_space<vmem>> -> memref<128x64xf32, #tpu.memory_space<vmem>>
        %dma_wait3A_448 = arith.constant 0 : i32
        %dma_wait3A_449 = arith.constant 0 : i32
        %dma_wait3A_450 = tpu.memref_slice %arg6[%dma_wait3A_448, %dma_wait3A_449] : memref<10000x64xf32, #tpu.memory_space<hbm>> -> memref<128x64xf32, #tpu.memory_space<hbm>>
        %dma_wait3A_451 = arith.constant 0 : i32
        %dma_wait3A_452 = arith.constant 0 : i32
        %dma_wait3A_453 = tpu.memref_slice %arg13[%dma_wait3A_443, %dma_wait3A_451, %dma_wait3A_452] : memref<3x128x64xf32, #tpu.memory_space<vmem>> -> memref<1x128x64xf32, #tpu.memory_space<vmem>>
        %dma_wait3A_454 = tpu.memref_squeeze %dma_wait3A_453 : memref<1x128x64xf32, #tpu.memory_space<vmem>> -> memref<128x64xf32, #tpu.memory_space<vmem>>
        %dma_wait3A_455 = arith.constant 0 : i32
        %dma_wait3A_456 = arith.constant 0 : i32
        %dma_wait3A_457 = tpu.memref_slice %arg6[%dma_wait3A_455, %dma_wait3A_456] : memref<10000x64xf32, #tpu.memory_space<hbm>> -> memref<128x64xf32, #tpu.memory_space<hbm>>
        tpu.wait_dma2 semaphore(%arg25 : memref<!tpu.dma_semaphore, #tpu.memory_space<semaphore_mem>>) src(%dma_wait3A_457 : memref<128x64xf32, #tpu.memory_space<hbm>>) dst(%dma_wait3A_454 : memref<128x64xf32, #tpu.memory_space<vmem>>)
      } else {
      }
      %add3A_258 = arith.constant 1 : i32
      %add3A_259 = arith.addi %mul3A_244, %add3A_258 : i32
      %lt3A_260 = arith.constant 84 : i32
      %lt3A_261 = arith.cmpi slt, %add3A_259, %lt3A_260 : i32
      %convert_element_type3A_262 = arith.extui %lt3A_261 : i1 to i32
      %cond3A_263 = arith.constant 0 : i32
      %cond3A_264 = arith.cmpi ne, %convert_element_type3A_262, %cond3A_263 : i32
      scf.if %cond3A_264 {
        %add3A_443 = arith.constant 1 : i32
        %add3A_444 = arith.addi %mul3A_244, %add3A_443 : i32
        %div3A_445 = arith.constant 28 : i32
        %div3A_446 = arith.divsi %add3A_444, %div3A_445 : i32
        %rem3A_447 = arith.constant 2 : i32
        %rem3A_448 = arith.remsi %div3A_446, %rem3A_447 : i32
        %rem3A_449 = arith.constant 28 : i32
        %rem3A_450 = arith.remsi %add3A_444, %rem3A_449 : i32
        %dma_start3A_451 = arith.constant 1 : i32
        %dma_start3A_452 = arith.constant 0 : i32
        %dma_start3A_453 = arith.constant 0 : i32
        %dma_start3A_454 = tpu.memref_slice %arg13[%dma_start3A_451, %dma_start3A_452, %dma_start3A_453] : memref<3x128x64xf32, #tpu.memory_space<vmem>> -> memref<1x128x64xf32, #tpu.memory_space<vmem>>
        %dma_start3A_455 = tpu.memref_squeeze %dma_start3A_454 : memref<1x128x64xf32, #tpu.memory_space<vmem>> -> memref<128x64xf32, #tpu.memory_space<vmem>>
        %dma_start3A_456 = arith.constant 0 : i32
        %dma_start3A_457 = tpu.memref_slice %arg12[%rem3A_448, %rem3A_450, %dma_start3A_456] : memref<2x28x128xi32, #tpu.memory_space<vmem>> -> memref<1x1x128xi32, #tpu.memory_space<vmem>>
        %dma_start3A_458 = tpu.memref_squeeze %dma_start3A_457 : memref<1x1x128xi32, #tpu.memory_space<vmem>> -> memref<128xi32, #tpu.memory_space<vmem>>
        %dma_start3A_459 = arith.constant 0 : i32
        %dma_start3A_460 = arith.constant 0 : i32
        %dma_start3A_461 = tpu.memref_slice %arg7[%dma_start3A_459, %dma_start3A_460] : memref<10000x64xf32, #tpu.memory_space<hbm>> -> memref<10000x64xf32, #tpu.memory_space<hbm>>
        tpu.enqueue_indirect_dma source(%dma_start3A_461 : memref<10000x64xf32, #tpu.memory_space<hbm>>) target(%dma_start3A_455 : memref<128x64xf32, #tpu.memory_space<vmem>>) offsets(%dma_start3A_458 : memref<128xi32, #tpu.memory_space<vmem>>) semaphore(%arg22 : memref<!tpu.dma_semaphore, #tpu.memory_space<semaphore_mem>>)
      } else {
      }
      %dma_wait3A_265 = arith.constant 0 : i32
      %dma_wait3A_266 = arith.constant 0 : i32
      %dma_wait3A_267 = arith.constant 0 : i32
      %dma_wait3A_268 = tpu.memref_slice %arg13[%dma_wait3A_265, %dma_wait3A_266, %dma_wait3A_267] : memref<3x128x64xf32, #tpu.memory_space<vmem>> -> memref<1x128x64xf32, #tpu.memory_space<vmem>>
      %dma_wait3A_269 = tpu.memref_squeeze %dma_wait3A_268 : memref<1x128x64xf32, #tpu.memory_space<vmem>> -> memref<128x64xf32, #tpu.memory_space<vmem>>
      %dma_wait3A_270 = arith.constant 0 : i32
      %dma_wait3A_271 = arith.constant 0 : i32
      %dma_wait3A_272 = tpu.memref_slice %arg6[%dma_wait3A_270, %dma_wait3A_271] : memref<10000x64xf32, #tpu.memory_space<hbm>> -> memref<128x64xf32, #tpu.memory_space<hbm>>
      %dma_wait3A_273 = arith.constant 0 : i32
      %dma_wait3A_274 = arith.constant 0 : i32
      %dma_wait3A_275 = tpu.memref_slice %arg13[%dma_wait3A_265, %dma_wait3A_273, %dma_wait3A_274] : memref<3x128x64xf32, #tpu.memory_space<vmem>> -> memref<1x128x64xf32, #tpu.memory_space<vmem>>
      %dma_wait3A_276 = tpu.memref_squeeze %dma_wait3A_275 : memref<1x128x64xf32, #tpu.memory_space<vmem>> -> memref<128x64xf32, #tpu.memory_space<vmem>>
      %dma_wait3A_277 = arith.constant 0 : i32
      %dma_wait3A_278 = arith.constant 0 : i32
      %dma_wait3A_279 = tpu.memref_slice %arg6[%dma_wait3A_277, %dma_wait3A_278] : memref<10000x64xf32, #tpu.memory_space<hbm>> -> memref<128x64xf32, #tpu.memory_space<hbm>>
      tpu.wait_dma2 semaphore(%arg21 : memref<!tpu.dma_semaphore, #tpu.memory_space<semaphore_mem>>) src(%dma_wait3A_279 : memref<128x64xf32, #tpu.memory_space<hbm>>) dst(%dma_wait3A_276 : memref<128x64xf32, #tpu.memory_space<vmem>>)
      %scan3A_280 = arith.constant 0 : i32
      %scan3A_281 = arith.constant 0 : i32
      %scan3A_282 = arith.constant 64 : i32
      %scan3A_283 = arith.addi %scan3A_281, %scan3A_282 : i32
      %scan3A_284 = arith.constant 1 : i32
      %scan3A_285 = scf.for %scan3A_443 = %scan3A_281 to %scan3A_283 step %scan3A_284 iter_args(%scan3A_444 = %scan3A_280) -> (i32)  : i32 {
        %mul3A_445 = arith.constant 2 : i32
        %mul3A_446 = arith.muli %scan3A_443, %mul3A_445 : i32
        %add3A_447 = arith.constant 0 : i32
        %add3A_448 = arith.addi %mul3A_446, %add3A_447 : i32
        %broadcast_in_dim3A_449 = vector.broadcast %mul3A_244 : i32 to vector<16xi32>
        %broadcast_in_dim3A_450 = vector.broadcast %add3A_448 : i32 to vector<16xi32>
        %gather3A = tpu.vector_load_idx %arg18[%broadcast_in_dim3A_449, %broadcast_in_dim3A_450] : memref<84x128xf32, #tpu.memory_space<vmem>>[vector<16xi32>, vector<16xi32>], vector<16xf32>,
        %get3A_451 = arith.constant 0 : i32
        %get3A_452 = arith.index_cast %get3A_451 : i32 to index
        %get3A_453 = arith.index_cast %add3A_448 : i32 to index
        %get3A_454 = arith.constant 0 : index
        %get3A_455 = tpu.vector_load %arg13[%get3A_452, %get3A_453, %get3A_454] {strides = array<i32>} : memref<3x128x64xf32, #tpu.memory_space<vmem>>, vector<16xf32>,
        %mul3A_456 = arith.mulf %get3A_455, %gather3A : vector<16xf32>
        %swap3A = arith.constant 0 : i32
        %swap3A_457 = arith.index_cast %swap3A : i32 to index
        %swap3A_458 = arith.index_cast %add3A_448 : i32 to index
        %swap3A_459 = arith.constant 0 : index
        %swap3A_460 = tpu.vector_load %arg13[%swap3A_457, %swap3A_458, %swap3A_459] {strides = array<i32>} : memref<3x128x64xf32, #tpu.memory_space<vmem>>, vector<16xf32>,
        tpu.vector_store %arg13[%swap3A_457, %swap3A_458, %swap3A_459], %mul3A_456 {strides = array<i32>} : memref<3x128x64xf32, #tpu.memory_space<vmem>>, vector<16xf32>,
        %get3A_461 = arith.constant 0 : i32
        %get3A_462 = arith.index_cast %get3A_461 : i32 to index
        %get3A_463 = arith.index_cast %add3A_448 : i32 to index
        %get3A_464 = arith.constant 16 : index
        %get3A_465 = tpu.vector_load %arg13[%get3A_462, %get3A_463, %get3A_464] {strides = array<i32>} : memref<3x128x64xf32, #tpu.memory_space<vmem>>, vector<16xf32>,
        %mul3A_466 = arith.mulf %get3A_465, %gather3A : vector<16xf32>
        %swap3A_467 = arith.constant 0 : i32
        %swap3A_468 = arith.index_cast %swap3A_467 : i32 to index
        %swap3A_469 = arith.index_cast %add3A_448 : i32 to index
        %swap3A_470 = arith.constant 16 : index
        %swap3A_471 = tpu.vector_load %arg13[%swap3A_468, %swap3A_469, %swap3A_470] {strides = array<i32>} : memref<3x128x64xf32, #tpu.memory_space<vmem>>, vector<16xf32>,
        tpu.vector_store %arg13[%swap3A_468, %swap3A_469, %swap3A_470], %mul3A_466 {strides = array<i32>} : memref<3x128x64xf32, #tpu.memory_space<vmem>>, vector<16xf32>,
        %get3A_472 = arith.constant 0 : i32
        %get3A_473 = arith.index_cast %get3A_472 : i32 to index
        %get3A_474 = arith.index_cast %add3A_448 : i32 to index
        %get3A_475 = arith.constant 32 : index
        %get3A_476 = tpu.vector_load %arg13[%get3A_473, %get3A_474, %get3A_475] {strides = array<i32>} : memref<3x128x64xf32, #tpu.memory_space<vmem>>, vector<16xf32>,
        %mul3A_477 = arith.mulf %get3A_476, %gather3A : vector<16xf32>
        %swap3A_478 = arith.constant 0 : i32
        %swap3A_479 = arith.index_cast %swap3A_478 : i32 to index
        %swap3A_480 = arith.index_cast %add3A_448 : i32 to index
        %swap3A_481 = arith.constant 32 : index
        %swap3A_482 = tpu.vector_load %arg13[%swap3A_479, %swap3A_480, %swap3A_481] {strides = array<i32>} : memref<3x128x64xf32, #tpu.memory_space<vmem>>, vector<16xf32>,
        tpu.vector_store %arg13[%swap3A_479, %swap3A_480, %swap3A_481], %mul3A_477 {strides = array<i32>} : memref<3x128x64xf32, #tpu.memory_space<vmem>>, vector<16xf32>,
        %get3A_483 = arith.constant 0 : i32
        %get3A_484 = arith.index_cast %get3A_483 : i32 to index
        %get3A_485 = arith.index_cast %add3A_448 : i32 to index
        %get3A_486 = arith.constant 48 : index
        %get3A_487 = tpu.vector_load %arg13[%get3A_484, %get3A_485, %get3A_486] {strides = array<i32>} : memref<3x128x64xf32, #tpu.memory_space<vmem>>, vector<16xf32>,
        %mul3A_488 = arith.mulf %get3A_487, %gather3A : vector<16xf32>
        %swap3A_489 = arith.constant 0 : i32
        %swap3A_490 = arith.index_cast %swap3A_489 : i32 to index
        %swap3A_491 = arith.index_cast %add3A_448 : i32 to index
        %swap3A_492 = arith.constant 48 : index
        %swap3A_493 = tpu.vector_load %arg13[%swap3A_490, %swap3A_491, %swap3A_492] {strides = array<i32>} : memref<3x128x64xf32, #tpu.memory_space<vmem>>, vector<16xf32>,
        tpu.vector_store %arg13[%swap3A_490, %swap3A_491, %swap3A_492], %mul3A_488 {strides = array<i32>} : memref<3x128x64xf32, #tpu.memory_space<vmem>>, vector<16xf32>,
        %mul3A_494 = arith.constant 2 : i32
        %mul3A_495 = arith.muli %scan3A_443, %mul3A_494 : i32
        %add3A_496 = arith.constant 1 : i32
        %add3A_497 = arith.addi %mul3A_495, %add3A_496 : i32
        %broadcast_in_dim3A_498 = vector.broadcast %mul3A_244 : i32 to vector<16xi32>
        %broadcast_in_dim3A_499 = vector.broadcast %add3A_497 : i32 to vector<16xi32>
        %gather3A_500 = tpu.vector_load_idx %arg18[%broadcast_in_dim3A_498, %broadcast_in_dim3A_499] : memref<84x128xf32, #tpu.memory_space<vmem>>[vector<16xi32>, vector<16xi32>], vector<16xf32>,
        %get3A_501 = arith.constant 0 : i32
        %get3A_502 = arith.index_cast %get3A_501 : i32 to index
        %get3A_503 = arith.index_cast %add3A_497 : i32 to index
        %get3A_504 = arith.constant 0 : index
        %get3A_505 = tpu.vector_load %arg13[%get3A_502, %get3A_503, %get3A_504] {strides = array<i32>} : memref<3x128x64xf32, #tpu.memory_space<vmem>>, vector<16xf32>,
        %mul3A_506 = arith.mulf %get3A_505, %gather3A_500 : vector<16xf32>
        %swap3A_507 = arith.constant 0 : i32
        %swap3A_508 = arith.index_cast %swap3A_507 : i32 to index
        %swap3A_509 = arith.index_cast %add3A_497 : i32 to index
        %swap3A_510 = arith.constant 0 : index
        %swap3A_511 = tpu.vector_load %arg13[%swap3A_508, %swap3A_509, %swap3A_510] {strides = array<i32>} : memref<3x128x64xf32, #tpu.memory_space<vmem>>, vector<16xf32>,
        tpu.vector_store %arg13[%swap3A_508, %swap3A_509, %swap3A_510], %mul3A_506 {strides = array<i32>} : memref<3x128x64xf32, #tpu.memory_space<vmem>>, vector<16xf32>,
        %get3A_512 = arith.constant 0 : i32
        %get3A_513 = arith.index_cast %get3A_512 : i32 to index
        %get3A_514 = arith.index_cast %add3A_497 : i32 to index
        %get3A_515 = arith.constant 16 : index
        %get3A_516 = tpu.vector_load %arg13[%get3A_513, %get3A_514, %get3A_515] {strides = array<i32>} : memref<3x128x64xf32, #tpu.memory_space<vmem>>, vector<16xf32>,
        %mul3A_517 = arith.mulf %get3A_516, %gather3A_500 : vector<16xf32>
        %swap3A_518 = arith.constant 0 : i32
        %swap3A_519 = arith.index_cast %swap3A_518 : i32 to index
        %swap3A_520 = arith.index_cast %add3A_497 : i32 to index
        %swap3A_521 = arith.constant 16 : index
        %swap3A_522 = tpu.vector_load %arg13[%swap3A_519, %swap3A_520, %swap3A_521] {strides = array<i32>} : memref<3x128x64xf32, #tpu.memory_space<vmem>>, vector<16xf32>,
        tpu.vector_store %arg13[%swap3A_519, %swap3A_520, %swap3A_521], %mul3A_517 {strides = array<i32>} : memref<3x128x64xf32, #tpu.memory_space<vmem>>, vector<16xf32>,
        %get3A_523 = arith.constant 0 : i32
        %get3A_524 = arith.index_cast %get3A_523 : i32 to index
        %get3A_525 = arith.index_cast %add3A_497 : i32 to index
        %get3A_526 = arith.constant 32 : index
        %get3A_527 = tpu.vector_load %arg13[%get3A_524, %get3A_525, %get3A_526] {strides = array<i32>} : memref<3x128x64xf32, #tpu.memory_space<vmem>>, vector<16xf32>,
        %mul3A_528 = arith.mulf %get3A_527, %gather3A_500 : vector<16xf32>
        %swap3A_529 = arith.constant 0 : i32
        %swap3A_530 = arith.index_cast %swap3A_529 : i32 to index
        %swap3A_531 = arith.index_cast %add3A_497 : i32 to index
        %swap3A_532 = arith.constant 32 : index
        %swap3A_533 = tpu.vector_load %arg13[%swap3A_530, %swap3A_531, %swap3A_532] {strides = array<i32>} : memref<3x128x64xf32, #tpu.memory_space<vmem>>, vector<16xf32>,
        tpu.vector_store %arg13[%swap3A_530, %swap3A_531, %swap3A_532], %mul3A_528 {strides = array<i32>} : memref<3x128x64xf32, #tpu.memory_space<vmem>>, vector<16xf32>,
        %get3A_534 = arith.constant 0 : i32
        %get3A_535 = arith.index_cast %get3A_534 : i32 to index
        %get3A_536 = arith.index_cast %add3A_497 : i32 to index
        %get3A_537 = arith.constant 48 : index
        %get3A_538 = tpu.vector_load %arg13[%get3A_535, %get3A_536, %get3A_537] {strides = array<i32>} : memref<3x128x64xf32, #tpu.memory_space<vmem>>, vector<16xf32>,
        %mul3A_539 = arith.mulf %get3A_538, %gather3A_500 : vector<16xf32>
        %swap3A_540 = arith.constant 0 : i32
        %swap3A_541 = arith.index_cast %swap3A_540 : i32 to index
        %swap3A_542 = arith.index_cast %add3A_497 : i32 to index
        %swap3A_543 = arith.constant 48 : index
        %swap3A_544 = tpu.vector_load %arg13[%swap3A_541, %swap3A_542, %swap3A_543] {strides = array<i32>} : memref<3x128x64xf32, #tpu.memory_space<vmem>>, vector<16xf32>,
        tpu.vector_store %arg13[%swap3A_541, %swap3A_542, %swap3A_543], %mul3A_539 {strides = array<i32>} : memref<3x128x64xf32, #tpu.memory_space<vmem>>, vector<16xf32>,
        %scan3A_545 = arith.constant 0 : i32
        scf.yield %scan3A_545 : i32
      }
      %scan3A_286 = arith.constant 64 : i32
      %div3A_287 = arith.constant 28 : i32
      %div3A_288 = arith.divsi %mul3A_244, %div3A_287 : i32
      %rem3A_289 = arith.constant 2 : i32
      %rem3A_290 = arith.remsi %div3A_288, %rem3A_289 : i32
      %rem3A_291 = arith.constant 28 : i32
      %rem3A_292 = arith.remsi %mul3A_244, %rem3A_291 : i32
      %dma_start3A_293 = arith.constant 0 : i32
      %dma_start3A_294 = arith.constant 0 : i32
      %dma_start3A_295 = arith.constant 0 : i32
      %dma_start3A_296 = tpu.memref_slice %arg13[%dma_start3A_293, %dma_start3A_294, %dma_start3A_295] : memref<3x128x64xf32, #tpu.memory_space<vmem>> -> memref<1x128x64xf32, #tpu.memory_space<vmem>>
      %dma_start3A_297 = tpu.memref_squeeze %dma_start3A_296 : memref<1x128x64xf32, #tpu.memory_space<vmem>> -> memref<128x64xf32, #tpu.memory_space<vmem>>
      %dma_start3A_298 = arith.constant 0 : i32
      %dma_start3A_299 = tpu.memref_slice %arg11[%rem3A_290, %rem3A_292, %dma_start3A_298] : memref<2x28x128xi32, #tpu.memory_space<vmem>> -> memref<1x1x128xi32, #tpu.memory_space<vmem>>
      %dma_start3A_300 = tpu.memref_squeeze %dma_start3A_299 : memref<1x1x128xi32, #tpu.memory_space<vmem>> -> memref<128xi32, #tpu.memory_space<vmem>>
      %dma_start3A_301 = arith.constant 0 : i32
      %dma_start3A_302 = arith.constant 0 : i32
      %dma_start3A_303 = tpu.memref_slice %arg19[%dma_start3A_301, %dma_start3A_302] : memref<10240x64xf32, #tpu.memory_space<vmem_shared>> -> memref<10240x64xf32, #tpu.memory_space<vmem_shared>>
      tpu.enqueue_indirect_dma source(%dma_start3A_297 : memref<128x64xf32, #tpu.memory_space<vmem>>) target(%dma_start3A_303 : memref<10240x64xf32, #tpu.memory_space<vmem_shared>>) offsets(%dma_start3A_300 : memref<128xi32, #tpu.memory_space<vmem>>) semaphore(%arg24 : memref<!tpu.dma_semaphore, #tpu.memory_space<semaphore_mem>>) {add = true}
      %mul3A_304 = arith.constant 3 : i32
      %mul3A_305 = arith.muli %scan3A_241, %mul3A_304 : i32
      %add3A_306 = arith.constant 1 : i32
      %add3A_307 = arith.addi %mul3A_305, %add3A_306 : i32
      %add3A_308 = arith.constant 1 : i32
      %add3A_309 = arith.addi %add3A_307, %add3A_308 : i32
      %rem3A_310 = arith.constant 28 : i32
      %rem3A_311 = arith.remsi %add3A_309, %rem3A_310 : i32
      %eq3A_312 = arith.constant 0 : i32
      %eq3A_313 = arith.cmpi eq, %rem3A_311, %eq3A_312 : i32
      %add3A_314 = arith.constant 1 : i32
      %add3A_315 = arith.addi %add3A_307, %add3A_314 : i32
      %lt3A_316 = arith.constant 84 : i32
      %lt3A_317 = arith.cmpi slt, %add3A_315, %lt3A_316 : i32
      %and3A_318 = arith.andi %eq3A_313, %lt3A_317 : i1
      %convert_element_type3A_319 = arith.extui %and3A_318 : i1 to i32
      %cond3A_320 = arith.constant 0 : i32
      %cond3A_321 = arith.cmpi ne, %convert_element_type3A_319, %cond3A_320 : i32
      scf.if %cond3A_321 {
        %add3A_443 = arith.constant 1 : i32
        %add3A_444 = arith.addi %add3A_307, %add3A_443 : i32
        %div3A_445 = arith.constant 28 : i32
        %div3A_446 = arith.divsi %add3A_444, %div3A_445 : i32
        %rem3A_447 = arith.constant 2 : i32
        %rem3A_448 = arith.remsi %div3A_446, %rem3A_447 : i32
        "tpu.region"() ({
          %run_scoped3A_449 = tpu.sem_alloc : memref<!tpu.dma_semaphore, #tpu.memory_space<semaphore_mem>>
          %dma_start3A_450 = arith.constant 0 : i32
          %dma_start3A_451 = arith.constant 0 : i32
          %dma_start3A_452 = tpu.memref_slice %arg11[%rem3A_448, %dma_start3A_450, %dma_start3A_451] : memref<2x28x128xi32, #tpu.memory_space<vmem>> -> memref<1x28x128xi32, #tpu.memory_space<vmem>>
          %dma_start3A_453 = tpu.memref_squeeze %dma_start3A_452 : memref<1x28x128xi32, #tpu.memory_space<vmem>> -> memref<28x128xi32, #tpu.memory_space<vmem>>
          %dma_start3A_454 = arith.constant 0 : i32
          %dma_start3A_455 = arith.constant 0 : i32
          %dma_start3A_456 = tpu.memref_slice %arg2[%add3A, %div3A_446, %dma_start3A_454, %dma_start3A_455] : memref<32x3x28x128xi32, #tpu.memory_space<hbm>> -> memref<1x1x28x128xi32, #tpu.memory_space<hbm>>
          %dma_start3A_457 = tpu.memref_squeeze %dma_start3A_456 : memref<1x1x28x128xi32, #tpu.memory_space<hbm>> -> memref<28x128xi32, #tpu.memory_space<hbm>>
          %dma_start3A_458 = arith.constant 0 : i32
          %dma_start3A_459 = arith.constant 0 : i32
          %dma_start3A_460 = tpu.memref_slice %arg11[%rem3A_448, %dma_start3A_458, %dma_start3A_459] : memref<2x28x128xi32, #tpu.memory_space<vmem>> -> memref<1x28x128xi32, #tpu.memory_space<vmem>>
          %dma_start3A_461 = tpu.memref_squeeze %dma_start3A_460 : memref<1x28x128xi32, #tpu.memory_space<vmem>> -> memref<28x128xi32, #tpu.memory_space<vmem>>
          %dma_start3A_462 = arith.constant 0 : i32
          %dma_start3A_463 = arith.constant 0 : i32
          %dma_start3A_464 = tpu.memref_slice %arg2[%add3A, %div3A_446, %dma_start3A_462, %dma_start3A_463] : memref<32x3x28x128xi32, #tpu.memory_space<hbm>> -> memref<1x1x28x128xi32, #tpu.memory_space<hbm>>
          %dma_start3A_465 = tpu.memref_squeeze %dma_start3A_464 : memref<1x1x28x128xi32, #tpu.memory_space<hbm>> -> memref<28x128xi32, #tpu.memory_space<hbm>>
          tpu.enqueue_dma source(%dma_start3A_465 : memref<28x128xi32, #tpu.memory_space<hbm>>) target(%dma_start3A_461 : memref<28x128xi32, #tpu.memory_space<vmem>>) target_semaphore(%run_scoped3A_449 : memref<!tpu.dma_semaphore, #tpu.memory_space<semaphore_mem>>)
          %dma_wait3A_466 = arith.constant 0 : i32
          %dma_wait3A_467 = arith.constant 0 : i32
          %dma_wait3A_468 = tpu.memref_slice %arg11[%rem3A_448, %dma_wait3A_466, %dma_wait3A_467] : memref<2x28x128xi32, #tpu.memory_space<vmem>> -> memref<1x28x128xi32, #tpu.memory_space<vmem>>
          %dma_wait3A_469 = tpu.memref_squeeze %dma_wait3A_468 : memref<1x28x128xi32, #tpu.memory_space<vmem>> -> memref<28x128xi32, #tpu.memory_space<vmem>>
          %dma_wait3A_470 = arith.constant 0 : i32
          %dma_wait3A_471 = arith.constant 0 : i32
          %dma_wait3A_472 = tpu.memref_slice %arg2[%add3A, %div3A_446, %dma_wait3A_470, %dma_wait3A_471] : memref<32x3x28x128xi32, #tpu.memory_space<hbm>> -> memref<1x1x28x128xi32, #tpu.memory_space<hbm>>
          %dma_wait3A_473 = tpu.memref_squeeze %dma_wait3A_472 : memref<1x1x28x128xi32, #tpu.memory_space<hbm>> -> memref<28x128xi32, #tpu.memory_space<hbm>>
          %dma_wait3A_474 = arith.constant 0 : i32
          %dma_wait3A_475 = arith.constant 0 : i32
          %dma_wait3A_476 = tpu.memref_slice %arg11[%rem3A_448, %dma_wait3A_474, %dma_wait3A_475] : memref<2x28x128xi32, #tpu.memory_space<vmem>> -> memref<1x28x128xi32, #tpu.memory_space<vmem>>
          %dma_wait3A_477 = tpu.memref_squeeze %dma_wait3A_476 : memref<1x28x128xi32, #tpu.memory_space<vmem>> -> memref<28x128xi32, #tpu.memory_space<vmem>>
          %dma_wait3A_478 = arith.constant 0 : i32
          %dma_wait3A_479 = arith.constant 0 : i32
          %dma_wait3A_480 = tpu.memref_slice %arg2[%add3A, %div3A_446, %dma_wait3A_478, %dma_wait3A_479] : memref<32x3x28x128xi32, #tpu.memory_space<hbm>> -> memref<1x1x28x128xi32, #tpu.memory_space<hbm>>
          %dma_wait3A_481 = tpu.memref_squeeze %dma_wait3A_480 : memref<1x1x28x128xi32, #tpu.memory_space<hbm>> -> memref<28x128xi32, #tpu.memory_space<hbm>>
          tpu.wait_dma2 semaphore(%run_scoped3A_449 : memref<!tpu.dma_semaphore, #tpu.memory_space<semaphore_mem>>) src(%dma_wait3A_481 : memref<28x128xi32, #tpu.memory_space<hbm>>) dst(%dma_wait3A_477 : memref<28x128xi32, #tpu.memory_space<vmem>>)
          tpu.yield
        }) : () -> ()
        "tpu.region"() ({
          %run_scoped3A_449 = tpu.sem_alloc : memref<!tpu.dma_semaphore, #tpu.memory_space<semaphore_mem>>
          %dma_start3A_450 = arith.constant 0 : i32
          %dma_start3A_451 = arith.constant 0 : i32
          %dma_start3A_452 = tpu.memref_slice %arg12[%rem3A_448, %dma_start3A_450, %dma_start3A_451] : memref<2x28x128xi32, #tpu.memory_space<vmem>> -> memref<1x28x128xi32, #tpu.memory_space<vmem>>
          %dma_start3A_453 = tpu.memref_squeeze %dma_start3A_452 : memref<1x28x128xi32, #tpu.memory_space<vmem>> -> memref<28x128xi32, #tpu.memory_space<vmem>>
          %dma_start3A_454 = arith.constant 0 : i32
          %dma_start3A_455 = arith.constant 0 : i32
          %dma_start3A_456 = tpu.memref_slice %arg3[%add3A, %div3A_446, %dma_start3A_454, %dma_start3A_455] : memref<32x3x28x128xi32, #tpu.memory_space<hbm>> -> memref<1x1x28x128xi32, #tpu.memory_space<hbm>>
          %dma_start3A_457 = tpu.memref_squeeze %dma_start3A_456 : memref<1x1x28x128xi32, #tpu.memory_space<hbm>> -> memref<28x128xi32, #tpu.memory_space<hbm>>
          %dma_start3A_458 = arith.constant 0 : i32
          %dma_start3A_459 = arith.constant 0 : i32
          %dma_start3A_460 = tpu.memref_slice %arg12[%rem3A_448, %dma_start3A_458, %dma_start3A_459] : memref<2x28x128xi32, #tpu.memory_space<vmem>> -> memref<1x28x128xi32, #tpu.memory_space<vmem>>
          %dma_start3A_461 = tpu.memref_squeeze %dma_start3A_460 : memref<1x28x128xi32, #tpu.memory_space<vmem>> -> memref<28x128xi32, #tpu.memory_space<vmem>>
          %dma_start3A_462 = arith.constant 0 : i32
          %dma_start3A_463 = arith.constant 0 : i32
          %dma_start3A_464 = tpu.memref_slice %arg3[%add3A, %div3A_446, %dma_start3A_462, %dma_start3A_463] : memref<32x3x28x128xi32, #tpu.memory_space<hbm>> -> memref<1x1x28x128xi32, #tpu.memory_space<hbm>>
          %dma_start3A_465 = tpu.memref_squeeze %dma_start3A_464 : memref<1x1x28x128xi32, #tpu.memory_space<hbm>> -> memref<28x128xi32, #tpu.memory_space<hbm>>
          tpu.enqueue_dma source(%dma_start3A_465 : memref<28x128xi32, #tpu.memory_space<hbm>>) target(%dma_start3A_461 : memref<28x128xi32, #tpu.memory_space<vmem>>) target_semaphore(%run_scoped3A_449 : memref<!tpu.dma_semaphore, #tpu.memory_space<semaphore_mem>>)
          %dma_wait3A_466 = arith.constant 0 : i32
          %dma_wait3A_467 = arith.constant 0 : i32
          %dma_wait3A_468 = tpu.memref_slice %arg12[%rem3A_448, %dma_wait3A_466, %dma_wait3A_467] : memref<2x28x128xi32, #tpu.memory_space<vmem>> -> memref<1x28x128xi32, #tpu.memory_space<vmem>>
          %dma_wait3A_469 = tpu.memref_squeeze %dma_wait3A_468 : memref<1x28x128xi32, #tpu.memory_space<vmem>> -> memref<28x128xi32, #tpu.memory_space<vmem>>
          %dma_wait3A_470 = arith.constant 0 : i32
          %dma_wait3A_471 = arith.constant 0 : i32
          %dma_wait3A_472 = tpu.memref_slice %arg3[%add3A, %div3A_446, %dma_wait3A_470, %dma_wait3A_471] : memref<32x3x28x128xi32, #tpu.memory_space<hbm>> -> memref<1x1x28x128xi32, #tpu.memory_space<hbm>>
          %dma_wait3A_473 = tpu.memref_squeeze %dma_wait3A_472 : memref<1x1x28x128xi32, #tpu.memory_space<hbm>> -> memref<28x128xi32, #tpu.memory_space<hbm>>
          %dma_wait3A_474 = arith.constant 0 : i32
          %dma_wait3A_475 = arith.constant 0 : i32
          %dma_wait3A_476 = tpu.memref_slice %arg12[%rem3A_448, %dma_wait3A_474, %dma_wait3A_475] : memref<2x28x128xi32, #tpu.memory_space<vmem>> -> memref<1x28x128xi32, #tpu.memory_space<vmem>>
          %dma_wait3A_477 = tpu.memref_squeeze %dma_wait3A_476 : memref<1x28x128xi32, #tpu.memory_space<vmem>> -> memref<28x128xi32, #tpu.memory_space<vmem>>
          %dma_wait3A_478 = arith.constant 0 : i32
          %dma_wait3A_479 = arith.constant 0 : i32
          %dma_wait3A_480 = tpu.memref_slice %arg3[%add3A, %div3A_446, %dma_wait3A_478, %dma_wait3A_479] : memref<32x3x28x128xi32, #tpu.memory_space<hbm>> -> memref<1x1x28x128xi32, #tpu.memory_space<hbm>>
          %dma_wait3A_481 = tpu.memref_squeeze %dma_wait3A_480 : memref<1x1x28x128xi32, #tpu.memory_space<hbm>> -> memref<28x128xi32, #tpu.memory_space<hbm>>
          tpu.wait_dma2 semaphore(%run_scoped3A_449 : memref<!tpu.dma_semaphore, #tpu.memory_space<semaphore_mem>>) src(%dma_wait3A_481 : memref<28x128xi32, #tpu.memory_space<hbm>>) dst(%dma_wait3A_477 : memref<28x128xi32, #tpu.memory_space<vmem>>)
          tpu.yield
        }) : () -> ()
      } else {
      }
      %ge3A_322 = arith.constant 2 : i32
      %ge3A_323 = arith.cmpi sge, %add3A_307, %ge3A_322 : i32
      %convert_element_type3A_324 = arith.extui %ge3A_323 : i1 to i32
      %cond3A_325 = arith.constant 0 : i32
      %cond3A_326 = arith.cmpi ne, %convert_element_type3A_324, %cond3A_325 : i32
      scf.if %cond3A_326 {
        %dma_wait3A_443 = arith.constant 2 : i32
        %dma_wait3A_444 = arith.constant 0 : i32
        %dma_wait3A_445 = arith.constant 0 : i32
        %dma_wait3A_446 = tpu.memref_slice %arg13[%dma_wait3A_443, %dma_wait3A_444, %dma_wait3A_445] : memref<3x128x64xf32, #tpu.memory_space<vmem>> -> memref<1x128x64xf32, #tpu.memory_space<vmem>>
        %dma_wait3A_447 = tpu.memref_squeeze %dma_wait3A_446 : memref<1x128x64xf32, #tpu.memory_space<vmem>> -> memref<128x64xf32, #tpu.memory_space<vmem>>
        %dma_wait3A_448 = arith.constant 0 : i32
        %dma_wait3A_449 = arith.constant 0 : i32
        %dma_wait3A_450 = tpu.memref_slice %arg6[%dma_wait3A_448, %dma_wait3A_449] : memref<10000x64xf32, #tpu.memory_space<hbm>> -> memref<128x64xf32, #tpu.memory_space<hbm>>
        %dma_wait3A_451 = arith.constant 0 : i32
        %dma_wait3A_452 = arith.constant 0 : i32
        %dma_wait3A_453 = tpu.memref_slice %arg13[%dma_wait3A_443, %dma_wait3A_451, %dma_wait3A_452] : memref<3x128x64xf32, #tpu.memory_space<vmem>> -> memref<1x128x64xf32, #tpu.memory_space<vmem>>
        %dma_wait3A_454 = tpu.memref_squeeze %dma_wait3A_453 : memref<1x128x64xf32, #tpu.memory_space<vmem>> -> memref<128x64xf32, #tpu.memory_space<vmem>>
        %dma_wait3A_455 = arith.constant 0 : i32
        %dma_wait3A_456 = arith.constant 0 : i32
        %dma_wait3A_457 = tpu.memref_slice %arg6[%dma_wait3A_455, %dma_wait3A_456] : memref<10000x64xf32, #tpu.memory_space<hbm>> -> memref<128x64xf32, #tpu.memory_space<hbm>>
        tpu.wait_dma2 semaphore(%arg26 : memref<!tpu.dma_semaphore, #tpu.memory_space<semaphore_mem>>) src(%dma_wait3A_457 : memref<128x64xf32, #tpu.memory_space<hbm>>) dst(%dma_wait3A_454 : memref<128x64xf32, #tpu.memory_space<vmem>>)
      } else {
      }
      %add3A_327 = arith.constant 1 : i32
      %add3A_328 = arith.addi %add3A_307, %add3A_327 : i32
      %lt3A_329 = arith.constant 84 : i32
      %lt3A_330 = arith.cmpi slt, %add3A_328, %lt3A_329 : i32
      %convert_element_type3A_331 = arith.extui %lt3A_330 : i1 to i32
      %cond3A_332 = arith.constant 0 : i32
      %cond3A_333 = arith.cmpi ne, %convert_element_type3A_331, %cond3A_332 : i32
      scf.if %cond3A_333 {
        %add3A_443 = arith.constant 1 : i32
        %add3A_444 = arith.addi %add3A_307, %add3A_443 : i32
        %div3A_445 = arith.constant 28 : i32
        %div3A_446 = arith.divsi %add3A_444, %div3A_445 : i32
        %rem3A_447 = arith.constant 2 : i32
        %rem3A_448 = arith.remsi %div3A_446, %rem3A_447 : i32
        %rem3A_449 = arith.constant 28 : i32
        %rem3A_450 = arith.remsi %add3A_444, %rem3A_449 : i32
        %dma_start3A_451 = arith.constant 2 : i32
        %dma_start3A_452 = arith.constant 0 : i32
        %dma_start3A_453 = arith.constant 0 : i32
        %dma_start3A_454 = tpu.memref_slice %arg13[%dma_start3A_451, %dma_start3A_452, %dma_start3A_453] : memref<3x128x64xf32, #tpu.memory_space<vmem>> -> memref<1x128x64xf32, #tpu.memory_space<vmem>>
        %dma_start3A_455 = tpu.memref_squeeze %dma_start3A_454 : memref<1x128x64xf32, #tpu.memory_space<vmem>> -> memref<128x64xf32, #tpu.memory_space<vmem>>
        %dma_start3A_456 = arith.constant 0 : i32
        %dma_start3A_457 = tpu.memref_slice %arg12[%rem3A_448, %rem3A_450, %dma_start3A_456] : memref<2x28x128xi32, #tpu.memory_space<vmem>> -> memref<1x1x128xi32, #tpu.memory_space<vmem>>
        %dma_start3A_458 = tpu.memref_squeeze %dma_start3A_457 : memref<1x1x128xi32, #tpu.memory_space<vmem>> -> memref<128xi32, #tpu.memory_space<vmem>>
        %dma_start3A_459 = arith.constant 0 : i32
        %dma_start3A_460 = arith.constant 0 : i32
        %dma_start3A_461 = tpu.memref_slice %arg7[%dma_start3A_459, %dma_start3A_460] : memref<10000x64xf32, #tpu.memory_space<hbm>> -> memref<10000x64xf32, #tpu.memory_space<hbm>>
        tpu.enqueue_indirect_dma source(%dma_start3A_461 : memref<10000x64xf32, #tpu.memory_space<hbm>>) target(%dma_start3A_455 : memref<128x64xf32, #tpu.memory_space<vmem>>) offsets(%dma_start3A_458 : memref<128xi32, #tpu.memory_space<vmem>>) semaphore(%arg23 : memref<!tpu.dma_semaphore, #tpu.memory_space<semaphore_mem>>)
      } else {
      }
      %dma_wait3A_334 = arith.constant 1 : i32
      %dma_wait3A_335 = arith.constant 0 : i32
      %dma_wait3A_336 = arith.constant 0 : i32
      %dma_wait3A_337 = tpu.memref_slice %arg13[%dma_wait3A_334, %dma_wait3A_335, %dma_wait3A_336] : memref<3x128x64xf32, #tpu.memory_space<vmem>> -> memref<1x128x64xf32, #tpu.memory_space<vmem>>
      %dma_wait3A_338 = tpu.memref_squeeze %dma_wait3A_337 : memref<1x128x64xf32, #tpu.memory_space<vmem>> -> memref<128x64xf32, #tpu.memory_space<vmem>>
      %dma_wait3A_339 = arith.constant 0 : i32
      %dma_wait3A_340 = arith.constant 0 : i32
      %dma_wait3A_341 = tpu.memref_slice %arg6[%dma_wait3A_339, %dma_wait3A_340] : memref<10000x64xf32, #tpu.memory_space<hbm>> -> memref<128x64xf32, #tpu.memory_space<hbm>>
      %dma_wait3A_342 = arith.constant 0 : i32
      %dma_wait3A_343 = arith.constant 0 : i32
      %dma_wait3A_344 = tpu.memref_slice %arg13[%dma_wait3A_334, %dma_wait3A_342, %dma_wait3A_343] : memref<3x128x64xf32, #tpu.memory_space<vmem>> -> memref<1x128x64xf32, #tpu.memory_space<vmem>>
      %dma_wait3A_345 = tpu.memref_squeeze %dma_wait3A_344 : memref<1x128x64xf32, #tpu.memory_space<vmem>> -> memref<128x64xf32, #tpu.memory_space<vmem>>
      %dma_wait3A_346 = arith.constant 0 : i32
      %dma_wait3A_347 = arith.constant 0 : i32
      %dma_wait3A_348 = tpu.memref_slice %arg6[%dma_wait3A_346, %dma_wait3A_347] : memref<10000x64xf32, #tpu.memory_space<hbm>> -> memref<128x64xf32, #tpu.memory_space<hbm>>
      tpu.wait_dma2 semaphore(%arg22 : memref<!tpu.dma_semaphore, #tpu.memory_space<semaphore_mem>>) src(%dma_wait3A_348 : memref<128x64xf32, #tpu.memory_space<hbm>>) dst(%dma_wait3A_345 : memref<128x64xf32, #tpu.memory_space<vmem>>)
      %scan3A_349 = arith.constant 0 : i32
      %scan3A_350 = arith.constant 0 : i32
      %scan3A_351 = arith.constant 64 : i32
      %scan3A_352 = arith.addi %scan3A_350, %scan3A_351 : i32
      %scan3A_353 = arith.constant 1 : i32
      %scan3A_354 = scf.for %scan3A_443 = %scan3A_350 to %scan3A_352 step %scan3A_353 iter_args(%scan3A_444 = %scan3A_349) -> (i32)  : i32 {
        %mul3A_445 = arith.constant 2 : i32
        %mul3A_446 = arith.muli %scan3A_443, %mul3A_445 : i32
        %add3A_447 = arith.constant 0 : i32
        %add3A_448 = arith.addi %mul3A_446, %add3A_447 : i32
        %broadcast_in_dim3A_449 = vector.broadcast %add3A_307 : i32 to vector<16xi32>
        %broadcast_in_dim3A_450 = vector.broadcast %add3A_448 : i32 to vector<16xi32>
        %gather3A = tpu.vector_load_idx %arg18[%broadcast_in_dim3A_449, %broadcast_in_dim3A_450] : memref<84x128xf32, #tpu.memory_space<vmem>>[vector<16xi32>, vector<16xi32>], vector<16xf32>,
        %get3A_451 = arith.constant 1 : i32
        %get3A_452 = arith.index_cast %get3A_451 : i32 to index
        %get3A_453 = arith.index_cast %add3A_448 : i32 to index
        %get3A_454 = arith.constant 0 : index
        %get3A_455 = tpu.vector_load %arg13[%get3A_452, %get3A_453, %get3A_454] {strides = array<i32>} : memref<3x128x64xf32, #tpu.memory_space<vmem>>, vector<16xf32>,
        %mul3A_456 = arith.mulf %get3A_455, %gather3A : vector<16xf32>
        %swap3A = arith.constant 1 : i32
        %swap3A_457 = arith.index_cast %swap3A : i32 to index
        %swap3A_458 = arith.index_cast %add3A_448 : i32 to index
        %swap3A_459 = arith.constant 0 : index
        %swap3A_460 = tpu.vector_load %arg13[%swap3A_457, %swap3A_458, %swap3A_459] {strides = array<i32>} : memref<3x128x64xf32, #tpu.memory_space<vmem>>, vector<16xf32>,
        tpu.vector_store %arg13[%swap3A_457, %swap3A_458, %swap3A_459], %mul3A_456 {strides = array<i32>} : memref<3x128x64xf32, #tpu.memory_space<vmem>>, vector<16xf32>,
        %get3A_461 = arith.constant 1 : i32
        %get3A_462 = arith.index_cast %get3A_461 : i32 to index
        %get3A_463 = arith.index_cast %add3A_448 : i32 to index
        %get3A_464 = arith.constant 16 : index
        %get3A_465 = tpu.vector_load %arg13[%get3A_462, %get3A_463, %get3A_464] {strides = array<i32>} : memref<3x128x64xf32, #tpu.memory_space<vmem>>, vector<16xf32>,
        %mul3A_466 = arith.mulf %get3A_465, %gather3A : vector<16xf32>
        %swap3A_467 = arith.constant 1 : i32
        %swap3A_468 = arith.index_cast %swap3A_467 : i32 to index
        %swap3A_469 = arith.index_cast %add3A_448 : i32 to index
        %swap3A_470 = arith.constant 16 : index
        %swap3A_471 = tpu.vector_load %arg13[%swap3A_468, %swap3A_469, %swap3A_470] {strides = array<i32>} : memref<3x128x64xf32, #tpu.memory_space<vmem>>, vector<16xf32>,
        tpu.vector_store %arg13[%swap3A_468, %swap3A_469, %swap3A_470], %mul3A_466 {strides = array<i32>} : memref<3x128x64xf32, #tpu.memory_space<vmem>>, vector<16xf32>,
        %get3A_472 = arith.constant 1 : i32
        %get3A_473 = arith.index_cast %get3A_472 : i32 to index
        %get3A_474 = arith.index_cast %add3A_448 : i32 to index
        %get3A_475 = arith.constant 32 : index
        %get3A_476 = tpu.vector_load %arg13[%get3A_473, %get3A_474, %get3A_475] {strides = array<i32>} : memref<3x128x64xf32, #tpu.memory_space<vmem>>, vector<16xf32>,
        %mul3A_477 = arith.mulf %get3A_476, %gather3A : vector<16xf32>
        %swap3A_478 = arith.constant 1 : i32
        %swap3A_479 = arith.index_cast %swap3A_478 : i32 to index
        %swap3A_480 = arith.index_cast %add3A_448 : i32 to index
        %swap3A_481 = arith.constant 32 : index
        %swap3A_482 = tpu.vector_load %arg13[%swap3A_479, %swap3A_480, %swap3A_481] {strides = array<i32>} : memref<3x128x64xf32, #tpu.memory_space<vmem>>, vector<16xf32>,
        tpu.vector_store %arg13[%swap3A_479, %swap3A_480, %swap3A_481], %mul3A_477 {strides = array<i32>} : memref<3x128x64xf32, #tpu.memory_space<vmem>>, vector<16xf32>,
        %get3A_483 = arith.constant 1 : i32
        %get3A_484 = arith.index_cast %get3A_483 : i32 to index
        %get3A_485 = arith.index_cast %add3A_448 : i32 to index
        %get3A_486 = arith.constant 48 : index
        %get3A_487 = tpu.vector_load %arg13[%get3A_484, %get3A_485, %get3A_486] {strides = array<i32>} : memref<3x128x64xf32, #tpu.memory_space<vmem>>, vector<16xf32>,
        %mul3A_488 = arith.mulf %get3A_487, %gather3A : vector<16xf32>
        %swap3A_489 = arith.constant 1 : i32
        %swap3A_490 = arith.index_cast %swap3A_489 : i32 to index
        %swap3A_491 = arith.index_cast %add3A_448 : i32 to index
        %swap3A_492 = arith.constant 48 : index
        %swap3A_493 = tpu.vector_load %arg13[%swap3A_490, %swap3A_491, %swap3A_492] {strides = array<i32>} : memref<3x128x64xf32, #tpu.memory_space<vmem>>, vector<16xf32>,
        tpu.vector_store %arg13[%swap3A_490, %swap3A_491, %swap3A_492], %mul3A_488 {strides = array<i32>} : memref<3x128x64xf32, #tpu.memory_space<vmem>>, vector<16xf32>,
        %mul3A_494 = arith.constant 2 : i32
        %mul3A_495 = arith.muli %scan3A_443, %mul3A_494 : i32
        %add3A_496 = arith.constant 1 : i32
        %add3A_497 = arith.addi %mul3A_495, %add3A_496 : i32
        %broadcast_in_dim3A_498 = vector.broadcast %add3A_307 : i32 to vector<16xi32>
        %broadcast_in_dim3A_499 = vector.broadcast %add3A_497 : i32 to vector<16xi32>
        %gather3A_500 = tpu.vector_load_idx %arg18[%broadcast_in_dim3A_498, %broadcast_in_dim3A_499] : memref<84x128xf32, #tpu.memory_space<vmem>>[vector<16xi32>, vector<16xi32>], vector<16xf32>,
        %get3A_501 = arith.constant 1 : i32
        %get3A_502 = arith.index_cast %get3A_501 : i32 to index
        %get3A_503 = arith.index_cast %add3A_497 : i32 to index
        %get3A_504 = arith.constant 0 : index
        %get3A_505 = tpu.vector_load %arg13[%get3A_502, %get3A_503, %get3A_504] {strides = array<i32>} : memref<3x128x64xf32, #tpu.memory_space<vmem>>, vector<16xf32>,
        %mul3A_506 = arith.mulf %get3A_505, %gather3A_500 : vector<16xf32>
        %swap3A_507 = arith.constant 1 : i32
        %swap3A_508 = arith.index_cast %swap3A_507 : i32 to index
        %swap3A_509 = arith.index_cast %add3A_497 : i32 to index
        %swap3A_510 = arith.constant 0 : index
        %swap3A_511 = tpu.vector_load %arg13[%swap3A_508, %swap3A_509, %swap3A_510] {strides = array<i32>} : memref<3x128x64xf32, #tpu.memory_space<vmem>>, vector<16xf32>,
        tpu.vector_store %arg13[%swap3A_508, %swap3A_509, %swap3A_510], %mul3A_506 {strides = array<i32>} : memref<3x128x64xf32, #tpu.memory_space<vmem>>, vector<16xf32>,
        %get3A_512 = arith.constant 1 : i32
        %get3A_513 = arith.index_cast %get3A_512 : i32 to index
        %get3A_514 = arith.index_cast %add3A_497 : i32 to index
        %get3A_515 = arith.constant 16 : index
        %get3A_516 = tpu.vector_load %arg13[%get3A_513, %get3A_514, %get3A_515] {strides = array<i32>} : memref<3x128x64xf32, #tpu.memory_space<vmem>>, vector<16xf32>,
        %mul3A_517 = arith.mulf %get3A_516, %gather3A_500 : vector<16xf32>
        %swap3A_518 = arith.constant 1 : i32
        %swap3A_519 = arith.index_cast %swap3A_518 : i32 to index
        %swap3A_520 = arith.index_cast %add3A_497 : i32 to index
        %swap3A_521 = arith.constant 16 : index
        %swap3A_522 = tpu.vector_load %arg13[%swap3A_519, %swap3A_520, %swap3A_521] {strides = array<i32>} : memref<3x128x64xf32, #tpu.memory_space<vmem>>, vector<16xf32>,
        tpu.vector_store %arg13[%swap3A_519, %swap3A_520, %swap3A_521], %mul3A_517 {strides = array<i32>} : memref<3x128x64xf32, #tpu.memory_space<vmem>>, vector<16xf32>,
        %get3A_523 = arith.constant 1 : i32
        %get3A_524 = arith.index_cast %get3A_523 : i32 to index
        %get3A_525 = arith.index_cast %add3A_497 : i32 to index
        %get3A_526 = arith.constant 32 : index
        %get3A_527 = tpu.vector_load %arg13[%get3A_524, %get3A_525, %get3A_526] {strides = array<i32>} : memref<3x128x64xf32, #tpu.memory_space<vmem>>, vector<16xf32>,
        %mul3A_528 = arith.mulf %get3A_527, %gather3A_500 : vector<16xf32>
        %swap3A_529 = arith.constant 1 : i32
        %swap3A_530 = arith.index_cast %swap3A_529 : i32 to index
        %swap3A_531 = arith.index_cast %add3A_497 : i32 to index
        %swap3A_532 = arith.constant 32 : index
        %swap3A_533 = tpu.vector_load %arg13[%swap3A_530, %swap3A_531, %swap3A_532] {strides = array<i32>} : memref<3x128x64xf32, #tpu.memory_space<vmem>>, vector<16xf32>,
        tpu.vector_store %arg13[%swap3A_530, %swap3A_531, %swap3A_532], %mul3A_528 {strides = array<i32>} : memref<3x128x64xf32, #tpu.memory_space<vmem>>, vector<16xf32>,
        %get3A_534 = arith.constant 1 : i32
        %get3A_535 = arith.index_cast %get3A_534 : i32 to index
        %get3A_536 = arith.index_cast %add3A_497 : i32 to index
        %get3A_537 = arith.constant 48 : index
        %get3A_538 = tpu.vector_load %arg13[%get3A_535, %get3A_536, %get3A_537] {strides = array<i32>} : memref<3x128x64xf32, #tpu.memory_space<vmem>>, vector<16xf32>,
        %mul3A_539 = arith.mulf %get3A_538, %gather3A_500 : vector<16xf32>
        %swap3A_540 = arith.constant 1 : i32
        %swap3A_541 = arith.index_cast %swap3A_540 : i32 to index
        %swap3A_542 = arith.index_cast %add3A_497 : i32 to index
        %swap3A_543 = arith.constant 48 : index
        %swap3A_544 = tpu.vector_load %arg13[%swap3A_541, %swap3A_542, %swap3A_543] {strides = array<i32>} : memref<3x128x64xf32, #tpu.memory_space<vmem>>, vector<16xf32>,
        tpu.vector_store %arg13[%swap3A_541, %swap3A_542, %swap3A_543], %mul3A_539 {strides = array<i32>} : memref<3x128x64xf32, #tpu.memory_space<vmem>>, vector<16xf32>,
        %scan3A_545 = arith.constant 0 : i32
        scf.yield %scan3A_545 : i32
      }
      %scan3A_355 = arith.constant 64 : i32
      %div3A_356 = arith.constant 28 : i32
      %div3A_357 = arith.divsi %add3A_307, %div3A_356 : i32
      %rem3A_358 = arith.constant 2 : i32
      %rem3A_359 = arith.remsi %div3A_357, %rem3A_358 : i32
      %rem3A_360 = arith.constant 28 : i32
      %rem3A_361 = arith.remsi %add3A_307, %rem3A_360 : i32
      %dma_start3A_362 = arith.constant 1 : i32
      %dma_start3A_363 = arith.constant 0 : i32
      %dma_start3A_364 = arith.constant 0 : i32
      %dma_start3A_365 = tpu.memref_slice %arg13[%dma_start3A_362, %dma_start3A_363, %dma_start3A_364] : memref<3x128x64xf32, #tpu.memory_space<vmem>> -> memref<1x128x64xf32, #tpu.memory_space<vmem>>
      %dma_start3A_366 = tpu.memref_squeeze %dma_start3A_365 : memref<1x128x64xf32, #tpu.memory_space<vmem>> -> memref<128x64xf32, #tpu.memory_space<vmem>>
      %dma_start3A_367 = arith.constant 0 : i32
      %dma_start3A_368 = tpu.memref_slice %arg11[%rem3A_359, %rem3A_361, %dma_start3A_367] : memref<2x28x128xi32, #tpu.memory_space<vmem>> -> memref<1x1x128xi32, #tpu.memory_space<vmem>>
      %dma_start3A_369 = tpu.memref_squeeze %dma_start3A_368 : memref<1x1x128xi32, #tpu.memory_space<vmem>> -> memref<128xi32, #tpu.memory_space<vmem>>
      %dma_start3A_370 = arith.constant 0 : i32
      %dma_start3A_371 = arith.constant 0 : i32
      %dma_start3A_372 = tpu.memref_slice %arg19[%dma_start3A_370, %dma_start3A_371] : memref<10240x64xf32, #tpu.memory_space<vmem_shared>> -> memref<10240x64xf32, #tpu.memory_space<vmem_shared>>
      tpu.enqueue_indirect_dma source(%dma_start3A_366 : memref<128x64xf32, #tpu.memory_space<vmem>>) target(%dma_start3A_372 : memref<10240x64xf32, #tpu.memory_space<vmem_shared>>) offsets(%dma_start3A_369 : memref<128xi32, #tpu.memory_space<vmem>>) semaphore(%arg25 : memref<!tpu.dma_semaphore, #tpu.memory_space<semaphore_mem>>) {add = true}
      %mul3A_373 = arith.constant 3 : i32
      %mul3A_374 = arith.muli %scan3A_241, %mul3A_373 : i32
      %add3A_375 = arith.constant 2 : i32
      %add3A_376 = arith.addi %mul3A_374, %add3A_375 : i32
      %add3A_377 = arith.constant 1 : i32
      %add3A_378 = arith.addi %add3A_376, %add3A_377 : i32
      %rem3A_379 = arith.constant 28 : i32
      %rem3A_380 = arith.remsi %add3A_378, %rem3A_379 : i32
      %eq3A_381 = arith.constant 0 : i32
      %eq3A_382 = arith.cmpi eq, %rem3A_380, %eq3A_381 : i32
      %add3A_383 = arith.constant 1 : i32
      %add3A_384 = arith.addi %add3A_376, %add3A_383 : i32
      %lt3A_385 = arith.constant 84 : i32
      %lt3A_386 = arith.cmpi slt, %add3A_384, %lt3A_385 : i32
      %and3A_387 = arith.andi %eq3A_382, %lt3A_386 : i1
      %convert_element_type3A_388 = arith.extui %and3A_387 : i1 to i32
      %cond3A_389 = arith.constant 0 : i32
      %cond3A_390 = arith.cmpi ne, %convert_element_type3A_388, %cond3A_389 : i32
      scf.if %cond3A_390 {
        %add3A_443 = arith.constant 1 : i32
        %add3A_444 = arith.addi %add3A_376, %add3A_443 : i32
        %div3A_445 = arith.constant 28 : i32
        %div3A_446 = arith.divsi %add3A_444, %div3A_445 : i32
        %rem3A_447 = arith.constant 2 : i32
        %rem3A_448 = arith.remsi %div3A_446, %rem3A_447 : i32
        "tpu.region"() ({
          %run_scoped3A_449 = tpu.sem_alloc : memref<!tpu.dma_semaphore, #tpu.memory_space<semaphore_mem>>
          %dma_start3A_450 = arith.constant 0 : i32
          %dma_start3A_451 = arith.constant 0 : i32
          %dma_start3A_452 = tpu.memref_slice %arg11[%rem3A_448, %dma_start3A_450, %dma_start3A_451] : memref<2x28x128xi32, #tpu.memory_space<vmem>> -> memref<1x28x128xi32, #tpu.memory_space<vmem>>
          %dma_start3A_453 = tpu.memref_squeeze %dma_start3A_452 : memref<1x28x128xi32, #tpu.memory_space<vmem>> -> memref<28x128xi32, #tpu.memory_space<vmem>>
          %dma_start3A_454 = arith.constant 0 : i32
          %dma_start3A_455 = arith.constant 0 : i32
          %dma_start3A_456 = tpu.memref_slice %arg2[%add3A, %div3A_446, %dma_start3A_454, %dma_start3A_455] : memref<32x3x28x128xi32, #tpu.memory_space<hbm>> -> memref<1x1x28x128xi32, #tpu.memory_space<hbm>>
          %dma_start3A_457 = tpu.memref_squeeze %dma_start3A_456 : memref<1x1x28x128xi32, #tpu.memory_space<hbm>> -> memref<28x128xi32, #tpu.memory_space<hbm>>
          %dma_start3A_458 = arith.constant 0 : i32
          %dma_start3A_459 = arith.constant 0 : i32
          %dma_start3A_460 = tpu.memref_slice %arg11[%rem3A_448, %dma_start3A_458, %dma_start3A_459] : memref<2x28x128xi32, #tpu.memory_space<vmem>> -> memref<1x28x128xi32, #tpu.memory_space<vmem>>
          %dma_start3A_461 = tpu.memref_squeeze %dma_start3A_460 : memref<1x28x128xi32, #tpu.memory_space<vmem>> -> memref<28x128xi32, #tpu.memory_space<vmem>>
          %dma_start3A_462 = arith.constant 0 : i32
          %dma_start3A_463 = arith.constant 0 : i32
          %dma_start3A_464 = tpu.memref_slice %arg2[%add3A, %div3A_446, %dma_start3A_462, %dma_start3A_463] : memref<32x3x28x128xi32, #tpu.memory_space<hbm>> -> memref<1x1x28x128xi32, #tpu.memory_space<hbm>>
          %dma_start3A_465 = tpu.memref_squeeze %dma_start3A_464 : memref<1x1x28x128xi32, #tpu.memory_space<hbm>> -> memref<28x128xi32, #tpu.memory_space<hbm>>
          tpu.enqueue_dma source(%dma_start3A_465 : memref<28x128xi32, #tpu.memory_space<hbm>>) target(%dma_start3A_461 : memref<28x128xi32, #tpu.memory_space<vmem>>) target_semaphore(%run_scoped3A_449 : memref<!tpu.dma_semaphore, #tpu.memory_space<semaphore_mem>>)
          %dma_wait3A_466 = arith.constant 0 : i32
          %dma_wait3A_467 = arith.constant 0 : i32
          %dma_wait3A_468 = tpu.memref_slice %arg11[%rem3A_448, %dma_wait3A_466, %dma_wait3A_467] : memref<2x28x128xi32, #tpu.memory_space<vmem>> -> memref<1x28x128xi32, #tpu.memory_space<vmem>>
          %dma_wait3A_469 = tpu.memref_squeeze %dma_wait3A_468 : memref<1x28x128xi32, #tpu.memory_space<vmem>> -> memref<28x128xi32, #tpu.memory_space<vmem>>
          %dma_wait3A_470 = arith.constant 0 : i32
          %dma_wait3A_471 = arith.constant 0 : i32
          %dma_wait3A_472 = tpu.memref_slice %arg2[%add3A, %div3A_446, %dma_wait3A_470, %dma_wait3A_471] : memref<32x3x28x128xi32, #tpu.memory_space<hbm>> -> memref<1x1x28x128xi32, #tpu.memory_space<hbm>>
          %dma_wait3A_473 = tpu.memref_squeeze %dma_wait3A_472 : memref<1x1x28x128xi32, #tpu.memory_space<hbm>> -> memref<28x128xi32, #tpu.memory_space<hbm>>
          %dma_wait3A_474 = arith.constant 0 : i32
          %dma_wait3A_475 = arith.constant 0 : i32
          %dma_wait3A_476 = tpu.memref_slice %arg11[%rem3A_448, %dma_wait3A_474, %dma_wait3A_475] : memref<2x28x128xi32, #tpu.memory_space<vmem>> -> memref<1x28x128xi32, #tpu.memory_space<vmem>>
          %dma_wait3A_477 = tpu.memref_squeeze %dma_wait3A_476 : memref<1x28x128xi32, #tpu.memory_space<vmem>> -> memref<28x128xi32, #tpu.memory_space<vmem>>
          %dma_wait3A_478 = arith.constant 0 : i32
          %dma_wait3A_479 = arith.constant 0 : i32
          %dma_wait3A_480 = tpu.memref_slice %arg2[%add3A, %div3A_446, %dma_wait3A_478, %dma_wait3A_479] : memref<32x3x28x128xi32, #tpu.memory_space<hbm>> -> memref<1x1x28x128xi32, #tpu.memory_space<hbm>>
          %dma_wait3A_481 = tpu.memref_squeeze %dma_wait3A_480 : memref<1x1x28x128xi32, #tpu.memory_space<hbm>> -> memref<28x128xi32, #tpu.memory_space<hbm>>
          tpu.wait_dma2 semaphore(%run_scoped3A_449 : memref<!tpu.dma_semaphore, #tpu.memory_space<semaphore_mem>>) src(%dma_wait3A_481 : memref<28x128xi32, #tpu.memory_space<hbm>>) dst(%dma_wait3A_477 : memref<28x128xi32, #tpu.memory_space<vmem>>)
          tpu.yield
        }) : () -> ()
        "tpu.region"() ({
          %run_scoped3A_449 = tpu.sem_alloc : memref<!tpu.dma_semaphore, #tpu.memory_space<semaphore_mem>>
          %dma_start3A_450 = arith.constant 0 : i32
          %dma_start3A_451 = arith.constant 0 : i32
          %dma_start3A_452 = tpu.memref_slice %arg12[%rem3A_448, %dma_start3A_450, %dma_start3A_451] : memref<2x28x128xi32, #tpu.memory_space<vmem>> -> memref<1x28x128xi32, #tpu.memory_space<vmem>>
          %dma_start3A_453 = tpu.memref_squeeze %dma_start3A_452 : memref<1x28x128xi32, #tpu.memory_space<vmem>> -> memref<28x128xi32, #tpu.memory_space<vmem>>
          %dma_start3A_454 = arith.constant 0 : i32
          %dma_start3A_455 = arith.constant 0 : i32
          %dma_start3A_456 = tpu.memref_slice %arg3[%add3A, %div3A_446, %dma_start3A_454, %dma_start3A_455] : memref<32x3x28x128xi32, #tpu.memory_space<hbm>> -> memref<1x1x28x128xi32, #tpu.memory_space<hbm>>
          %dma_start3A_457 = tpu.memref_squeeze %dma_start3A_456 : memref<1x1x28x128xi32, #tpu.memory_space<hbm>> -> memref<28x128xi32, #tpu.memory_space<hbm>>
          %dma_start3A_458 = arith.constant 0 : i32
          %dma_start3A_459 = arith.constant 0 : i32
          %dma_start3A_460 = tpu.memref_slice %arg12[%rem3A_448, %dma_start3A_458, %dma_start3A_459] : memref<2x28x128xi32, #tpu.memory_space<vmem>> -> memref<1x28x128xi32, #tpu.memory_space<vmem>>
          %dma_start3A_461 = tpu.memref_squeeze %dma_start3A_460 : memref<1x28x128xi32, #tpu.memory_space<vmem>> -> memref<28x128xi32, #tpu.memory_space<vmem>>
          %dma_start3A_462 = arith.constant 0 : i32
          %dma_start3A_463 = arith.constant 0 : i32
          %dma_start3A_464 = tpu.memref_slice %arg3[%add3A, %div3A_446, %dma_start3A_462, %dma_start3A_463] : memref<32x3x28x128xi32, #tpu.memory_space<hbm>> -> memref<1x1x28x128xi32, #tpu.memory_space<hbm>>
          %dma_start3A_465 = tpu.memref_squeeze %dma_start3A_464 : memref<1x1x28x128xi32, #tpu.memory_space<hbm>> -> memref<28x128xi32, #tpu.memory_space<hbm>>
          tpu.enqueue_dma source(%dma_start3A_465 : memref<28x128xi32, #tpu.memory_space<hbm>>) target(%dma_start3A_461 : memref<28x128xi32, #tpu.memory_space<vmem>>) target_semaphore(%run_scoped3A_449 : memref<!tpu.dma_semaphore, #tpu.memory_space<semaphore_mem>>)
          %dma_wait3A_466 = arith.constant 0 : i32
          %dma_wait3A_467 = arith.constant 0 : i32
          %dma_wait3A_468 = tpu.memref_slice %arg12[%rem3A_448, %dma_wait3A_466, %dma_wait3A_467] : memref<2x28x128xi32, #tpu.memory_space<vmem>> -> memref<1x28x128xi32, #tpu.memory_space<vmem>>
          %dma_wait3A_469 = tpu.memref_squeeze %dma_wait3A_468 : memref<1x28x128xi32, #tpu.memory_space<vmem>> -> memref<28x128xi32, #tpu.memory_space<vmem>>
          %dma_wait3A_470 = arith.constant 0 : i32
          %dma_wait3A_471 = arith.constant 0 : i32
          %dma_wait3A_472 = tpu.memref_slice %arg3[%add3A, %div3A_446, %dma_wait3A_470, %dma_wait3A_471] : memref<32x3x28x128xi32, #tpu.memory_space<hbm>> -> memref<1x1x28x128xi32, #tpu.memory_space<hbm>>
          %dma_wait3A_473 = tpu.memref_squeeze %dma_wait3A_472 : memref<1x1x28x128xi32, #tpu.memory_space<hbm>> -> memref<28x128xi32, #tpu.memory_space<hbm>>
          %dma_wait3A_474 = arith.constant 0 : i32
          %dma_wait3A_475 = arith.constant 0 : i32
          %dma_wait3A_476 = tpu.memref_slice %arg12[%rem3A_448, %dma_wait3A_474, %dma_wait3A_475] : memref<2x28x128xi32, #tpu.memory_space<vmem>> -> memref<1x28x128xi32, #tpu.memory_space<vmem>>
          %dma_wait3A_477 = tpu.memref_squeeze %dma_wait3A_476 : memref<1x28x128xi32, #tpu.memory_space<vmem>> -> memref<28x128xi32, #tpu.memory_space<vmem>>
          %dma_wait3A_478 = arith.constant 0 : i32
          %dma_wait3A_479 = arith.constant 0 : i32
          %dma_wait3A_480 = tpu.memref_slice %arg3[%add3A, %div3A_446, %dma_wait3A_478, %dma_wait3A_479] : memref<32x3x28x128xi32, #tpu.memory_space<hbm>> -> memref<1x1x28x128xi32, #tpu.memory_space<hbm>>
          %dma_wait3A_481 = tpu.memref_squeeze %dma_wait3A_480 : memref<1x1x28x128xi32, #tpu.memory_space<hbm>> -> memref<28x128xi32, #tpu.memory_space<hbm>>
          tpu.wait_dma2 semaphore(%run_scoped3A_449 : memref<!tpu.dma_semaphore, #tpu.memory_space<semaphore_mem>>) src(%dma_wait3A_481 : memref<28x128xi32, #tpu.memory_space<hbm>>) dst(%dma_wait3A_477 : memref<28x128xi32, #tpu.memory_space<vmem>>)
          tpu.yield
        }) : () -> ()
      } else {
      }
      %ge3A_391 = arith.constant 2 : i32
      %ge3A_392 = arith.cmpi sge, %add3A_376, %ge3A_391 : i32
      %convert_element_type3A_393 = arith.extui %ge3A_392 : i1 to i32
      %cond3A_394 = arith.constant 0 : i32
      %cond3A_395 = arith.cmpi ne, %convert_element_type3A_393, %cond3A_394 : i32
      scf.if %cond3A_395 {
        %dma_wait3A_443 = arith.constant 0 : i32
        %dma_wait3A_444 = arith.constant 0 : i32
        %dma_wait3A_445 = arith.constant 0 : i32
        %dma_wait3A_446 = tpu.memref_slice %arg13[%dma_wait3A_443, %dma_wait3A_444, %dma_wait3A_445] : memref<3x128x64xf32, #tpu.memory_space<vmem>> -> memref<1x128x64xf32, #tpu.memory_space<vmem>>
        %dma_wait3A_447 = tpu.memref_squeeze %dma_wait3A_446 : memref<1x128x64xf32, #tpu.memory_space<vmem>> -> memref<128x64xf32, #tpu.memory_space<vmem>>
        %dma_wait3A_448 = arith.constant 0 : i32
        %dma_wait3A_449 = arith.constant 0 : i32
        %dma_wait3A_450 = tpu.memref_slice %arg6[%dma_wait3A_448, %dma_wait3A_449] : memref<10000x64xf32, #tpu.memory_space<hbm>> -> memref<128x64xf32, #tpu.memory_space<hbm>>
        %dma_wait3A_451 = arith.constant 0 : i32
        %dma_wait3A_452 = arith.constant 0 : i32
        %dma_wait3A_453 = tpu.memref_slice %arg13[%dma_wait3A_443, %dma_wait3A_451, %dma_wait3A_452] : memref<3x128x64xf32, #tpu.memory_space<vmem>> -> memref<1x128x64xf32, #tpu.memory_space<vmem>>
        %dma_wait3A_454 = tpu.memref_squeeze %dma_wait3A_453 : memref<1x128x64xf32, #tpu.memory_space<vmem>> -> memref<128x64xf32, #tpu.memory_space<vmem>>
        %dma_wait3A_455 = arith.constant 0 : i32
        %dma_wait3A_456 = arith.constant 0 : i32
        %dma_wait3A_457 = tpu.memref_slice %arg6[%dma_wait3A_455, %dma_wait3A_456] : memref<10000x64xf32, #tpu.memory_space<hbm>> -> memref<128x64xf32, #tpu.memory_space<hbm>>
        tpu.wait_dma2 semaphore(%arg24 : memref<!tpu.dma_semaphore, #tpu.memory_space<semaphore_mem>>) src(%dma_wait3A_457 : memref<128x64xf32, #tpu.memory_space<hbm>>) dst(%dma_wait3A_454 : memref<128x64xf32, #tpu.memory_space<vmem>>)
      } else {
      }
      %add3A_396 = arith.constant 1 : i32
      %add3A_397 = arith.addi %add3A_376, %add3A_396 : i32
      %lt3A_398 = arith.constant 84 : i32
      %lt3A_399 = arith.cmpi slt, %add3A_397, %lt3A_398 : i32
      %convert_element_type3A_400 = arith.extui %lt3A_399 : i1 to i32
      %cond3A_401 = arith.constant 0 : i32
      %cond3A_402 = arith.cmpi ne, %convert_element_type3A_400, %cond3A_401 : i32
      scf.if %cond3A_402 {
        %add3A_443 = arith.constant 1 : i32
        %add3A_444 = arith.addi %add3A_376, %add3A_443 : i32
        %div3A_445 = arith.constant 28 : i32
        %div3A_446 = arith.divsi %add3A_444, %div3A_445 : i32
        %rem3A_447 = arith.constant 2 : i32
        %rem3A_448 = arith.remsi %div3A_446, %rem3A_447 : i32
        %rem3A_449 = arith.constant 28 : i32
        %rem3A_450 = arith.remsi %add3A_444, %rem3A_449 : i32
        %dma_start3A_451 = arith.constant 0 : i32
        %dma_start3A_452 = arith.constant 0 : i32
        %dma_start3A_453 = arith.constant 0 : i32
        %dma_start3A_454 = tpu.memref_slice %arg13[%dma_start3A_451, %dma_start3A_452, %dma_start3A_453] : memref<3x128x64xf32, #tpu.memory_space<vmem>> -> memref<1x128x64xf32, #tpu.memory_space<vmem>>
        %dma_start3A_455 = tpu.memref_squeeze %dma_start3A_454 : memref<1x128x64xf32, #tpu.memory_space<vmem>> -> memref<128x64xf32, #tpu.memory_space<vmem>>
        %dma_start3A_456 = arith.constant 0 : i32
        %dma_start3A_457 = tpu.memref_slice %arg12[%rem3A_448, %rem3A_450, %dma_start3A_456] : memref<2x28x128xi32, #tpu.memory_space<vmem>> -> memref<1x1x128xi32, #tpu.memory_space<vmem>>
        %dma_start3A_458 = tpu.memref_squeeze %dma_start3A_457 : memref<1x1x128xi32, #tpu.memory_space<vmem>> -> memref<128xi32, #tpu.memory_space<vmem>>
        %dma_start3A_459 = arith.constant 0 : i32
        %dma_start3A_460 = arith.constant 0 : i32
        %dma_start3A_461 = tpu.memref_slice %arg7[%dma_start3A_459, %dma_start3A_460] : memref<10000x64xf32, #tpu.memory_space<hbm>> -> memref<10000x64xf32, #tpu.memory_space<hbm>>
        tpu.enqueue_indirect_dma source(%dma_start3A_461 : memref<10000x64xf32, #tpu.memory_space<hbm>>) target(%dma_start3A_455 : memref<128x64xf32, #tpu.memory_space<vmem>>) offsets(%dma_start3A_458 : memref<128xi32, #tpu.memory_space<vmem>>) semaphore(%arg21 : memref<!tpu.dma_semaphore, #tpu.memory_space<semaphore_mem>>)
      } else {
      }
      %dma_wait3A_403 = arith.constant 2 : i32
      %dma_wait3A_404 = arith.constant 0 : i32
      %dma_wait3A_405 = arith.constant 0 : i32
      %dma_wait3A_406 = tpu.memref_slice %arg13[%dma_wait3A_403, %dma_wait3A_404, %dma_wait3A_405] : memref<3x128x64xf32, #tpu.memory_space<vmem>> -> memref<1x128x64xf32, #tpu.memory_space<vmem>>
      %dma_wait3A_407 = tpu.memref_squeeze %dma_wait3A_406 : memref<1x128x64xf32, #tpu.memory_space<vmem>> -> memref<128x64xf32, #tpu.memory_space<vmem>>
      %dma_wait3A_408 = arith.constant 0 : i32
      %dma_wait3A_409 = arith.constant 0 : i32
      %dma_wait3A_410 = tpu.memref_slice %arg6[%dma_wait3A_408, %dma_wait3A_409] : memref<10000x64xf32, #tpu.memory_space<hbm>> -> memref<128x64xf32, #tpu.memory_space<hbm>>
      %dma_wait3A_411 = arith.constant 0 : i32
      %dma_wait3A_412 = arith.constant 0 : i32
      %dma_wait3A_413 = tpu.memref_slice %arg13[%dma_wait3A_403, %dma_wait3A_411, %dma_wait3A_412] : memref<3x128x64xf32, #tpu.memory_space<vmem>> -> memref<1x128x64xf32, #tpu.memory_space<vmem>>
      %dma_wait3A_414 = tpu.memref_squeeze %dma_wait3A_413 : memref<1x128x64xf32, #tpu.memory_space<vmem>> -> memref<128x64xf32, #tpu.memory_space<vmem>>
      %dma_wait3A_415 = arith.constant 0 : i32
      %dma_wait3A_416 = arith.constant 0 : i32
      %dma_wait3A_417 = tpu.memref_slice %arg6[%dma_wait3A_415, %dma_wait3A_416] : memref<10000x64xf32, #tpu.memory_space<hbm>> -> memref<128x64xf32, #tpu.memory_space<hbm>>
      tpu.wait_dma2 semaphore(%arg23 : memref<!tpu.dma_semaphore, #tpu.memory_space<semaphore_mem>>) src(%dma_wait3A_417 : memref<128x64xf32, #tpu.memory_space<hbm>>) dst(%dma_wait3A_414 : memref<128x64xf32, #tpu.memory_space<vmem>>)
      %scan3A_418 = arith.constant 0 : i32
      %scan3A_419 = arith.constant 0 : i32
      %scan3A_420 = arith.constant 64 : i32
      %scan3A_421 = arith.addi %scan3A_419, %scan3A_420 : i32
      %scan3A_422 = arith.constant 1 : i32
      %scan3A_423 = scf.for %scan3A_443 = %scan3A_419 to %scan3A_421 step %scan3A_422 iter_args(%scan3A_444 = %scan3A_418) -> (i32)  : i32 {
        %mul3A_445 = arith.constant 2 : i32
        %mul3A_446 = arith.muli %scan3A_443, %mul3A_445 : i32
        %add3A_447 = arith.constant 0 : i32
        %add3A_448 = arith.addi %mul3A_446, %add3A_447 : i32
        %broadcast_in_dim3A_449 = vector.broadcast %add3A_376 : i32 to vector<16xi32>
        %broadcast_in_dim3A_450 = vector.broadcast %add3A_448 : i32 to vector<16xi32>
        %gather3A = tpu.vector_load_idx %arg18[%broadcast_in_dim3A_449, %broadcast_in_dim3A_450] : memref<84x128xf32, #tpu.memory_space<vmem>>[vector<16xi32>, vector<16xi32>], vector<16xf32>,
        %get3A_451 = arith.constant 2 : i32
        %get3A_452 = arith.index_cast %get3A_451 : i32 to index
        %get3A_453 = arith.index_cast %add3A_448 : i32 to index
        %get3A_454 = arith.constant 0 : index
        %get3A_455 = tpu.vector_load %arg13[%get3A_452, %get3A_453, %get3A_454] {strides = array<i32>} : memref<3x128x64xf32, #tpu.memory_space<vmem>>, vector<16xf32>,
        %mul3A_456 = arith.mulf %get3A_455, %gather3A : vector<16xf32>
        %swap3A = arith.constant 2 : i32
        %swap3A_457 = arith.index_cast %swap3A : i32 to index
        %swap3A_458 = arith.index_cast %add3A_448 : i32 to index
        %swap3A_459 = arith.constant 0 : index
        %swap3A_460 = tpu.vector_load %arg13[%swap3A_457, %swap3A_458, %swap3A_459] {strides = array<i32>} : memref<3x128x64xf32, #tpu.memory_space<vmem>>, vector<16xf32>,
        tpu.vector_store %arg13[%swap3A_457, %swap3A_458, %swap3A_459], %mul3A_456 {strides = array<i32>} : memref<3x128x64xf32, #tpu.memory_space<vmem>>, vector<16xf32>,
        %get3A_461 = arith.constant 2 : i32
        %get3A_462 = arith.index_cast %get3A_461 : i32 to index
        %get3A_463 = arith.index_cast %add3A_448 : i32 to index
        %get3A_464 = arith.constant 16 : index
        %get3A_465 = tpu.vector_load %arg13[%get3A_462, %get3A_463, %get3A_464] {strides = array<i32>} : memref<3x128x64xf32, #tpu.memory_space<vmem>>, vector<16xf32>,
        %mul3A_466 = arith.mulf %get3A_465, %gather3A : vector<16xf32>
        %swap3A_467 = arith.constant 2 : i32
        %swap3A_468 = arith.index_cast %swap3A_467 : i32 to index
        %swap3A_469 = arith.index_cast %add3A_448 : i32 to index
        %swap3A_470 = arith.constant 16 : index
        %swap3A_471 = tpu.vector_load %arg13[%swap3A_468, %swap3A_469, %swap3A_470] {strides = array<i32>} : memref<3x128x64xf32, #tpu.memory_space<vmem>>, vector<16xf32>,
        tpu.vector_store %arg13[%swap3A_468, %swap3A_469, %swap3A_470], %mul3A_466 {strides = array<i32>} : memref<3x128x64xf32, #tpu.memory_space<vmem>>, vector<16xf32>,
        %get3A_472 = arith.constant 2 : i32
        %get3A_473 = arith.index_cast %get3A_472 : i32 to index
        %get3A_474 = arith.index_cast %add3A_448 : i32 to index
        %get3A_475 = arith.constant 32 : index
        %get3A_476 = tpu.vector_load %arg13[%get3A_473, %get3A_474, %get3A_475] {strides = array<i32>} : memref<3x128x64xf32, #tpu.memory_space<vmem>>, vector<16xf32>,
        %mul3A_477 = arith.mulf %get3A_476, %gather3A : vector<16xf32>
        %swap3A_478 = arith.constant 2 : i32
        %swap3A_479 = arith.index_cast %swap3A_478 : i32 to index
        %swap3A_480 = arith.index_cast %add3A_448 : i32 to index
        %swap3A_481 = arith.constant 32 : index
        %swap3A_482 = tpu.vector_load %arg13[%swap3A_479, %swap3A_480, %swap3A_481] {strides = array<i32>} : memref<3x128x64xf32, #tpu.memory_space<vmem>>, vector<16xf32>,
        tpu.vector_store %arg13[%swap3A_479, %swap3A_480, %swap3A_481], %mul3A_477 {strides = array<i32>} : memref<3x128x64xf32, #tpu.memory_space<vmem>>, vector<16xf32>,
        %get3A_483 = arith.constant 2 : i32
        %get3A_484 = arith.index_cast %get3A_483 : i32 to index
        %get3A_485 = arith.index_cast %add3A_448 : i32 to index
        %get3A_486 = arith.constant 48 : index
        %get3A_487 = tpu.vector_load %arg13[%get3A_484, %get3A_485, %get3A_486] {strides = array<i32>} : memref<3x128x64xf32, #tpu.memory_space<vmem>>, vector<16xf32>,
        %mul3A_488 = arith.mulf %get3A_487, %gather3A : vector<16xf32>
        %swap3A_489 = arith.constant 2 : i32
        %swap3A_490 = arith.index_cast %swap3A_489 : i32 to index
        %swap3A_491 = arith.index_cast %add3A_448 : i32 to index
        %swap3A_492 = arith.constant 48 : index
        %swap3A_493 = tpu.vector_load %arg13[%swap3A_490, %swap3A_491, %swap3A_492] {strides = array<i32>} : memref<3x128x64xf32, #tpu.memory_space<vmem>>, vector<16xf32>,
        tpu.vector_store %arg13[%swap3A_490, %swap3A_491, %swap3A_492], %mul3A_488 {strides = array<i32>} : memref<3x128x64xf32, #tpu.memory_space<vmem>>, vector<16xf32>,
        %mul3A_494 = arith.constant 2 : i32
        %mul3A_495 = arith.muli %scan3A_443, %mul3A_494 : i32
        %add3A_496 = arith.constant 1 : i32
        %add3A_497 = arith.addi %mul3A_495, %add3A_496 : i32
        %broadcast_in_dim3A_498 = vector.broadcast %add3A_376 : i32 to vector<16xi32>
        %broadcast_in_dim3A_499 = vector.broadcast %add3A_497 : i32 to vector<16xi32>
        %gather3A_500 = tpu.vector_load_idx %arg18[%broadcast_in_dim3A_498, %broadcast_in_dim3A_499] : memref<84x128xf32, #tpu.memory_space<vmem>>[vector<16xi32>, vector<16xi32>], vector<16xf32>,
        %get3A_501 = arith.constant 2 : i32
        %get3A_502 = arith.index_cast %get3A_501 : i32 to index
        %get3A_503 = arith.index_cast %add3A_497 : i32 to index
        %get3A_504 = arith.constant 0 : index
        %get3A_505 = tpu.vector_load %arg13[%get3A_502, %get3A_503, %get3A_504] {strides = array<i32>} : memref<3x128x64xf32, #tpu.memory_space<vmem>>, vector<16xf32>,
        %mul3A_506 = arith.mulf %get3A_505, %gather3A_500 : vector<16xf32>
        %swap3A_507 = arith.constant 2 : i32
        %swap3A_508 = arith.index_cast %swap3A_507 : i32 to index
        %swap3A_509 = arith.index_cast %add3A_497 : i32 to index
        %swap3A_510 = arith.constant 0 : index
        %swap3A_511 = tpu.vector_load %arg13[%swap3A_508, %swap3A_509, %swap3A_510] {strides = array<i32>} : memref<3x128x64xf32, #tpu.memory_space<vmem>>, vector<16xf32>,
        tpu.vector_store %arg13[%swap3A_508, %swap3A_509, %swap3A_510], %mul3A_506 {strides = array<i32>} : memref<3x128x64xf32, #tpu.memory_space<vmem>>, vector<16xf32>,
        %get3A_512 = arith.constant 2 : i32
        %get3A_513 = arith.index_cast %get3A_512 : i32 to index
        %get3A_514 = arith.index_cast %add3A_497 : i32 to index
        %get3A_515 = arith.constant 16 : index
        %get3A_516 = tpu.vector_load %arg13[%get3A_513, %get3A_514, %get3A_515] {strides = array<i32>} : memref<3x128x64xf32, #tpu.memory_space<vmem>>, vector<16xf32>,
        %mul3A_517 = arith.mulf %get3A_516, %gather3A_500 : vector<16xf32>
        %swap3A_518 = arith.constant 2 : i32
        %swap3A_519 = arith.index_cast %swap3A_518 : i32 to index
        %swap3A_520 = arith.index_cast %add3A_497 : i32 to index
        %swap3A_521 = arith.constant 16 : index
        %swap3A_522 = tpu.vector_load %arg13[%swap3A_519, %swap3A_520, %swap3A_521] {strides = array<i32>} : memref<3x128x64xf32, #tpu.memory_space<vmem>>, vector<16xf32>,
        tpu.vector_store %arg13[%swap3A_519, %swap3A_520, %swap3A_521], %mul3A_517 {strides = array<i32>} : memref<3x128x64xf32, #tpu.memory_space<vmem>>, vector<16xf32>,
        %get3A_523 = arith.constant 2 : i32
        %get3A_524 = arith.index_cast %get3A_523 : i32 to index
        %get3A_525 = arith.index_cast %add3A_497 : i32 to index
        %get3A_526 = arith.constant 32 : index
        %get3A_527 = tpu.vector_load %arg13[%get3A_524, %get3A_525, %get3A_526] {strides = array<i32>} : memref<3x128x64xf32, #tpu.memory_space<vmem>>, vector<16xf32>,
        %mul3A_528 = arith.mulf %get3A_527, %gather3A_500 : vector<16xf32>
        %swap3A_529 = arith.constant 2 : i32
        %swap3A_530 = arith.index_cast %swap3A_529 : i32 to index
        %swap3A_531 = arith.index_cast %add3A_497 : i32 to index
        %swap3A_532 = arith.constant 32 : index
        %swap3A_533 = tpu.vector_load %arg13[%swap3A_530, %swap3A_531, %swap3A_532] {strides = array<i32>} : memref<3x128x64xf32, #tpu.memory_space<vmem>>, vector<16xf32>,
        tpu.vector_store %arg13[%swap3A_530, %swap3A_531, %swap3A_532], %mul3A_528 {strides = array<i32>} : memref<3x128x64xf32, #tpu.memory_space<vmem>>, vector<16xf32>,
        %get3A_534 = arith.constant 2 : i32
        %get3A_535 = arith.index_cast %get3A_534 : i32 to index
        %get3A_536 = arith.index_cast %add3A_497 : i32 to index
        %get3A_537 = arith.constant 48 : index
        %get3A_538 = tpu.vector_load %arg13[%get3A_535, %get3A_536, %get3A_537] {strides = array<i32>} : memref<3x128x64xf32, #tpu.memory_space<vmem>>, vector<16xf32>,
        %mul3A_539 = arith.mulf %get3A_538, %gather3A_500 : vector<16xf32>
        %swap3A_540 = arith.constant 2 : i32
        %swap3A_541 = arith.index_cast %swap3A_540 : i32 to index
        %swap3A_542 = arith.index_cast %add3A_497 : i32 to index
        %swap3A_543 = arith.constant 48 : index
        %swap3A_544 = tpu.vector_load %arg13[%swap3A_541, %swap3A_542, %swap3A_543] {strides = array<i32>} : memref<3x128x64xf32, #tpu.memory_space<vmem>>, vector<16xf32>,
        tpu.vector_store %arg13[%swap3A_541, %swap3A_542, %swap3A_543], %mul3A_539 {strides = array<i32>} : memref<3x128x64xf32, #tpu.memory_space<vmem>>, vector<16xf32>,
        %scan3A_545 = arith.constant 0 : i32
        scf.yield %scan3A_545 : i32
      }
      %scan3A_424 = arith.constant 64 : i32
      %div3A_425 = arith.constant 28 : i32
      %div3A_426 = arith.divsi %add3A_376, %div3A_425 : i32
      %rem3A_427 = arith.constant 2 : i32
      %rem3A_428 = arith.remsi %div3A_426, %rem3A_427 : i32
      %rem3A_429 = arith.constant 28 : i32
      %rem3A_430 = arith.remsi %add3A_376, %rem3A_429 : i32
      %dma_start3A_431 = arith.constant 2 : i32
      %dma_start3A_432 = arith.constant 0 : i32
      %dma_start3A_433 = arith.constant 0 : i32
      %dma_start3A_434 = tpu.memref_slice %arg13[%dma_start3A_431, %dma_start3A_432, %dma_start3A_433] : memref<3x128x64xf32, #tpu.memory_space<vmem>> -> memref<1x128x64xf32, #tpu.memory_space<vmem>>
      %dma_start3A_435 = tpu.memref_squeeze %dma_start3A_434 : memref<1x128x64xf32, #tpu.memory_space<vmem>> -> memref<128x64xf32, #tpu.memory_space<vmem>>
      %dma_start3A_436 = arith.constant 0 : i32
      %dma_start3A_437 = tpu.memref_slice %arg11[%rem3A_428, %rem3A_430, %dma_start3A_436] : memref<2x28x128xi32, #tpu.memory_space<vmem>> -> memref<1x1x128xi32, #tpu.memory_space<vmem>>
      %dma_start3A_438 = tpu.memref_squeeze %dma_start3A_437 : memref<1x1x128xi32, #tpu.memory_space<vmem>> -> memref<128xi32, #tpu.memory_space<vmem>>
      %dma_start3A_439 = arith.constant 0 : i32
      %dma_start3A_440 = arith.constant 0 : i32
      %dma_start3A_441 = tpu.memref_slice %arg19[%dma_start3A_439, %dma_start3A_440] : memref<10240x64xf32, #tpu.memory_space<vmem_shared>> -> memref<10240x64xf32, #tpu.memory_space<vmem_shared>>
      tpu.enqueue_indirect_dma source(%dma_start3A_435 : memref<128x64xf32, #tpu.memory_space<vmem>>) target(%dma_start3A_441 : memref<10240x64xf32, #tpu.memory_space<vmem_shared>>) offsets(%dma_start3A_438 : memref<128xi32, #tpu.memory_space<vmem>>) semaphore(%arg26 : memref<!tpu.dma_semaphore, #tpu.memory_space<semaphore_mem>>) {add = true}
      %scan3A_442 = arith.constant 0 : i32
      scf.yield %scan3A_442 : i32
    }
    %scan3A_208 = arith.constant 28 : i32
    %dma_wait3A_209 = arith.constant 1 : i32
    %dma_wait3A_210 = arith.constant 0 : i32
    %dma_wait3A_211 = arith.constant 0 : i32
    %dma_wait3A_212 = tpu.memref_slice %arg13[%dma_wait3A_209, %dma_wait3A_210, %dma_wait3A_211] : memref<3x128x64xf32, #tpu.memory_space<vmem>> -> memref<1x128x64xf32, #tpu.memory_space<vmem>>
    %dma_wait3A_213 = tpu.memref_squeeze %dma_wait3A_212 : memref<1x128x64xf32, #tpu.memory_space<vmem>> -> memref<128x64xf32, #tpu.memory_space<vmem>>
    %dma_wait3A_214 = arith.constant 0 : i32
    %dma_wait3A_215 = arith.constant 0 : i32
    %dma_wait3A_216 = tpu.memref_slice %arg6[%dma_wait3A_214, %dma_wait3A_215] : memref<10000x64xf32, #tpu.memory_space<hbm>> -> memref<128x64xf32, #tpu.memory_space<hbm>>
    %dma_wait3A_217 = arith.constant 0 : i32
    %dma_wait3A_218 = arith.constant 0 : i32
    %dma_wait3A_219 = tpu.memref_slice %arg13[%dma_wait3A_209, %dma_wait3A_217, %dma_wait3A_218] : memref<3x128x64xf32, #tpu.memory_space<vmem>> -> memref<1x128x64xf32, #tpu.memory_space<vmem>>
    %dma_wait3A_220 = tpu.memref_squeeze %dma_wait3A_219 : memref<1x128x64xf32, #tpu.memory_space<vmem>> -> memref<128x64xf32, #tpu.memory_space<vmem>>
    %dma_wait3A_221 = arith.constant 0 : i32
    %dma_wait3A_222 = arith.constant 0 : i32
    %dma_wait3A_223 = tpu.memref_slice %arg6[%dma_wait3A_221, %dma_wait3A_222] : memref<10000x64xf32, #tpu.memory_space<hbm>> -> memref<128x64xf32, #tpu.memory_space<hbm>>
    tpu.wait_dma2 semaphore(%arg25 : memref<!tpu.dma_semaphore, #tpu.memory_space<semaphore_mem>>) src(%dma_wait3A_223 : memref<128x64xf32, #tpu.memory_space<hbm>>) dst(%dma_wait3A_220 : memref<128x64xf32, #tpu.memory_space<vmem>>)
    %dma_wait3A_224 = arith.constant 2 : i32
    %dma_wait3A_225 = arith.constant 0 : i32
    %dma_wait3A_226 = arith.constant 0 : i32
    %dma_wait3A_227 = tpu.memref_slice %arg13[%dma_wait3A_224, %dma_wait3A_225, %dma_wait3A_226] : memref<3x128x64xf32, #tpu.memory_space<vmem>> -> memref<1x128x64xf32, #tpu.memory_space<vmem>>
    %dma_wait3A_228 = tpu.memref_squeeze %dma_wait3A_227 : memref<1x128x64xf32, #tpu.memory_space<vmem>> -> memref<128x64xf32, #tpu.memory_space<vmem>>
    %dma_wait3A_229 = arith.constant 0 : i32
    %dma_wait3A_230 = arith.constant 0 : i32
    %dma_wait3A_231 = tpu.memref_slice %arg6[%dma_wait3A_229, %dma_wait3A_230] : memref<10000x64xf32, #tpu.memory_space<hbm>> -> memref<128x64xf32, #tpu.memory_space<hbm>>
    %dma_wait3A_232 = arith.constant 0 : i32
    %dma_wait3A_233 = arith.constant 0 : i32
    %dma_wait3A_234 = tpu.memref_slice %arg13[%dma_wait3A_224, %dma_wait3A_232, %dma_wait3A_233] : memref<3x128x64xf32, #tpu.memory_space<vmem>> -> memref<1x128x64xf32, #tpu.memory_space<vmem>>
    %dma_wait3A_235 = tpu.memref_squeeze %dma_wait3A_234 : memref<1x128x64xf32, #tpu.memory_space<vmem>> -> memref<128x64xf32, #tpu.memory_space<vmem>>
    %dma_wait3A_236 = arith.constant 0 : i32
    %dma_wait3A_237 = arith.constant 0 : i32
    %dma_wait3A_238 = tpu.memref_slice %arg6[%dma_wait3A_236, %dma_wait3A_237] : memref<10000x64xf32, #tpu.memory_space<hbm>> -> memref<128x64xf32, #tpu.memory_space<hbm>>
    tpu.wait_dma2 semaphore(%arg26 : memref<!tpu.dma_semaphore, #tpu.memory_space<semaphore_mem>>) src(%dma_wait3A_238 : memref<128x64xf32, #tpu.memory_space<hbm>>) dst(%dma_wait3A_235 : memref<128x64xf32, #tpu.memory_space<vmem>>)
    %barrier3A_239 = arith.constant 0 : index
    tpu.barrier barrier_id(%barrier3A_239)
    %run_scoped3A_240 = arith.constant 1 : i32
    "tpu.region"() ({
      %run_scoped3A_241 = tpu.sem_alloc : memref<!tpu.dma_semaphore, #tpu.memory_space<semaphore_mem>>
      %dma_start3A_242 = arith.constant 0 : i32
      %dma_start3A_243 = tpu.memref_slice %arg9[%arg0, %run_scoped3A_240, %mul3A_4, %dma_start3A_242] : memref<2x2x10240x64xf32, #tpu.memory_space<hbm>> -> memref<1x1x640x64xf32, #tpu.memory_space<hbm>>
      %dma_start3A_244 = tpu.memref_squeeze %dma_start3A_243 : memref<1x1x640x64xf32, #tpu.memory_space<hbm>> -> memref<640x64xf32, #tpu.memory_space<hbm>>
      %dma_start3A_245 = arith.constant 0 : i32
      %dma_start3A_246 = tpu.memref_slice %arg19[%mul3A_4, %dma_start3A_245] : memref<10240x64xf32, #tpu.memory_space<vmem_shared>> -> memref<640x64xf32, #tpu.memory_space<vmem_shared>>
      tpu.enqueue_dma source(%dma_start3A_246 : memref<640x64xf32, #tpu.memory_space<vmem_shared>>) target(%dma_start3A_244 : memref<640x64xf32, #tpu.memory_space<hbm>>) target_semaphore(%run_scoped3A_241 : memref<!tpu.dma_semaphore, #tpu.memory_space<semaphore_mem>>)
      %dma_wait3A_247 = arith.constant 0 : i32
      %dma_wait3A_248 = tpu.memref_slice %arg9[%arg0, %run_scoped3A_240, %mul3A_4, %dma_wait3A_247] : memref<2x2x10240x64xf32, #tpu.memory_space<hbm>> -> memref<1x1x640x64xf32, #tpu.memory_space<hbm>>
      %dma_wait3A_249 = tpu.memref_squeeze %dma_wait3A_248 : memref<1x1x640x64xf32, #tpu.memory_space<hbm>> -> memref<640x64xf32, #tpu.memory_space<hbm>>
      %dma_wait3A_250 = arith.constant 0 : i32
      %dma_wait3A_251 = tpu.memref_slice %arg19[%mul3A_4, %dma_wait3A_250] : memref<10240x64xf32, #tpu.memory_space<vmem_shared>> -> memref<640x64xf32, #tpu.memory_space<vmem_shared>>
      tpu.wait_dma2 semaphore(%run_scoped3A_241 : memref<!tpu.dma_semaphore, #tpu.memory_space<semaphore_mem>>) src(%dma_wait3A_251 : memref<640x64xf32, #tpu.memory_space<vmem_shared>>) dst(%dma_wait3A_249 : memref<640x64xf32, #tpu.memory_space<hbm>>)
      tpu.yield
    }) : () -> ()
    return
  }
}

module attributes {stable_mosaic.version = 14 : i64} {
  func.func @_prolog_body(%arg0: i32, %arg1: memref<1000x128xf32, #tpu.memory_space<vmem>>, %arg2: memref<128x128xf32, #tpu.memory_space<vmem>>, %arg3: memref<1x256xf32, #tpu.memory_space<vmem>>, %arg4: memref<1000x64xf32, #tpu.memory_space<vmem>>, %arg5: memref<1000x64xf32, #tpu.memory_space<vmem>>, %arg6: memref<1000x16xf32, #tpu.memory_space<vmem>>, %arg7: memref<1000x16xf32, #tpu.memory_space<vmem>>, %arg8: memref<1x2xf32, #tpu.memory_space<vmem>>) attributes {dimension_semantics = [#tpu.dimension_semantics<arbitrary>], iteration_bounds = array<i64: 10>, scalar_prefetch = 0 : i64, scratch_operands = 0 : i64, tpu.core_type = #tpu.core_type<tc>, window_params = [{transform_indices = @transform_0, window_bounds = array<i64: 1000, 128>}, {pipeline_mode = #tpu.pipeline_mode<synchronous>, transform_indices = @transform_1, window_bounds = array<i64: 128, 128>}, {pipeline_mode = #tpu.pipeline_mode<synchronous>, transform_indices = @transform_2, window_bounds = array<i64: 1, 256>}, {transform_indices = @transform_3, window_bounds = array<i64: 1000, 64>}, {transform_indices = @transform_4, window_bounds = array<i64: 1000, 64>}, {transform_indices = @transform_5, window_bounds = array<i64: 1000, 16>}, {transform_indices = @transform_6, window_bounds = array<i64: 1000, 16>}, {pipeline_mode = #tpu.pipeline_mode<synchronous>, transform_indices = @transform_7, window_bounds = array<i64: 1, 2>}]} {
    %get3A = arith.constant 0 : index
    %get3A_0 = arith.constant 0 : index
    %get3A_1 = vector.load %arg1[%get3A, %get3A_0] : memref<1000x128xf32, #tpu.memory_space<vmem>>, vector<1000x128xf32>
    %get3A_2 = arith.constant 0 : index
    %get3A_3 = arith.constant 0 : index
    %get3A_4 = vector.load %arg2[%get3A_2, %get3A_3] : memref<128x128xf32, #tpu.memory_space<vmem>>, vector<128x128xf32>
    %dot_general3A = arith.constant dense<0.000000e+00> : vector<1000x128xf32>
    %dot_general3A_5 = tpu.matmul %get3A_1, %get3A_4, %dot_general3A {dimension_numbers = #tpu.dot_dimension_numbers<[1], [1], [0], [0], [0, 0, 1, 0], [], []>, transpose_lhs_hint = false} : vector<1000x128xf32>, vector<128x128xf32>, vector<1000x128xf32> -> vector<1000x128xf32>
    %slice3A = vector.extract_strided_slice %dot_general3A_5 {offsets = [0, 0], sizes = [1000, 64], strides = [1, 1]} : vector<1000x128xf32> to vector<1000x64xf32>
    %swap3A = arith.constant 0 : index
    %swap3A_6 = arith.constant 0 : index
    %swap3A_7 = vector.load %arg4[%swap3A, %swap3A_6] : memref<1000x64xf32, #tpu.memory_space<vmem>>, vector<1000x64xf32>
    tpu.vector_store %arg4[%swap3A, %swap3A_6], %slice3A {strides = array<i32>} : memref<1000x64xf32, #tpu.memory_space<vmem>>, vector<1000x64xf32>,
    %slice3A_8 = vector.extract_strided_slice %dot_general3A_5 {offsets = [0, 64], sizes = [1000, 64], strides = [1, 1]} : vector<1000x128xf32> to vector<1000x64xf32>
    %swap3A_9 = arith.constant 0 : index
    %swap3A_10 = arith.constant 0 : index
    %swap3A_11 = vector.load %arg5[%swap3A_9, %swap3A_10] : memref<1000x64xf32, #tpu.memory_space<vmem>>, vector<1000x64xf32>
    tpu.vector_store %arg5[%swap3A_9, %swap3A_10], %slice3A_8 {strides = array<i32>} : memref<1000x64xf32, #tpu.memory_space<vmem>>, vector<1000x64xf32>,
    %get3A_12 = arith.constant 0 : index
    %get3A_13 = arith.constant 0 : index
    %get3A_14 = vector.load %arg3[%get3A_12, %get3A_13] : memref<1x256xf32, #tpu.memory_space<vmem>>, vector<1x128xf32>
    %get3A_15 = vector.shape_cast %get3A_14 : vector<1x128xf32> to vector<128xf32>
    %get3A_16 = arith.constant 0 : index
    %get3A_17 = arith.constant 128 : index
    %get3A_18 = vector.load %arg3[%get3A_16, %get3A_17] : memref<1x256xf32, #tpu.memory_space<vmem>>, vector<1x128xf32>
    %get3A_19 = vector.shape_cast %get3A_18 : vector<1x128xf32> to vector<128xf32>
    %broadcast_in_dim3A = vector.shape_cast %get3A_15 : vector<128xf32> to vector<1x128xf32>
    %mul3A = vector.broadcast %broadcast_in_dim3A : vector<1x128xf32> to vector<1000x128xf32>
    %mul3A_20 = arith.mulf %dot_general3A_5, %mul3A : vector<1000x128xf32>
    %reduce_sum3A = arith.constant dense<0.000000e+00> : vector<1000xf32>
    %reduce_sum3A_21 = vector.multi_reduction <add>, %mul3A_20, %reduce_sum3A [1] : vector<1000x128xf32> to vector<1000xf32>
    %broadcast_in_dim3A_22 = vector.shape_cast %reduce_sum3A_21 : vector<1000xf32> to vector<1000x1xf32>
    %broadcast_in_dim3A_23 = vector.shape_cast %get3A_19 : vector<128xf32> to vector<1x128xf32>
    %mul3A_24 = vector.broadcast %broadcast_in_dim3A_23 : vector<1x128xf32> to vector<1000x128xf32>
    %mul3A_25 = arith.mulf %dot_general3A_5, %mul3A_24 : vector<1000x128xf32>
    %reduce_sum3A_26 = arith.constant dense<0.000000e+00> : vector<1000xf32>
    %reduce_sum3A_27 = vector.multi_reduction <add>, %mul3A_25, %reduce_sum3A_26 [1] : vector<1000x128xf32> to vector<1000xf32>
    %broadcast_in_dim3A_28 = vector.shape_cast %reduce_sum3A_27 : vector<1000xf32> to vector<1000x1xf32>
    %broadcast_in_dim3A_29 = vector.shape_cast %broadcast_in_dim3A_22 : vector<1000x1xf32> to vector<1000x1xf32>
    %broadcast_in_dim3A_30 = vector.broadcast %broadcast_in_dim3A_29 : vector<1000x1xf32> to vector<1000x16xf32>
    %swap3A_31 = arith.constant 0 : index
    %swap3A_32 = arith.constant 0 : index
    %swap3A_33 = vector.load %arg6[%swap3A_31, %swap3A_32] : memref<1000x16xf32, #tpu.memory_space<vmem>>, vector<1000x16xf32>
    tpu.vector_store %arg6[%swap3A_31, %swap3A_32], %broadcast_in_dim3A_30 {strides = array<i32>} : memref<1000x16xf32, #tpu.memory_space<vmem>>, vector<1000x16xf32>,
    %broadcast_in_dim3A_34 = vector.shape_cast %broadcast_in_dim3A_28 : vector<1000x1xf32> to vector<1000x1xf32>
    %broadcast_in_dim3A_35 = vector.broadcast %broadcast_in_dim3A_34 : vector<1000x1xf32> to vector<1000x16xf32>
    %swap3A_36 = arith.constant 0 : index
    %swap3A_37 = arith.constant 0 : index
    %swap3A_38 = vector.load %arg7[%swap3A_36, %swap3A_37] : memref<1000x16xf32, #tpu.memory_space<vmem>>, vector<1000x16xf32>
    tpu.vector_store %arg7[%swap3A_36, %swap3A_37], %broadcast_in_dim3A_35 {strides = array<i32>} : memref<1000x16xf32, #tpu.memory_space<vmem>>, vector<1000x16xf32>,
    %reduce_max3A = vector.shape_cast %broadcast_in_dim3A_22 : vector<1000x1xf32> to vector<1x1000x1xf32>
    %reduce_max3A_39 = arith.constant dense<0xFF800000> : vector<1xf32>
    %reduce_max3A_40 = vector.multi_reduction <maximumf>, %reduce_max3A, %reduce_max3A_39 [1, 2] : vector<1x1000x1xf32> to vector<1xf32>
    %reduce_max3A_41 = vector.shape_cast %reduce_max3A_40 : vector<1xf32> to vector<1x1x1xf32>
    %reduce_max3A_42 = vector.extract %reduce_max3A_41[0, 0, 0] : f32 from vector<1x1x1xf32>
    %broadcast_in_dim3A_43 = vector.broadcast %reduce_max3A_42 : f32 to vector<1x1xf32>
    %reduce_max3A_44 = vector.shape_cast %broadcast_in_dim3A_28 : vector<1000x1xf32> to vector<1x1000x1xf32>
    %reduce_max3A_45 = arith.constant dense<0xFF800000> : vector<1xf32>
    %reduce_max3A_46 = vector.multi_reduction <maximumf>, %reduce_max3A_44, %reduce_max3A_45 [1, 2] : vector<1x1000x1xf32> to vector<1xf32>
    %reduce_max3A_47 = vector.shape_cast %reduce_max3A_46 : vector<1xf32> to vector<1x1x1xf32>
    %reduce_max3A_48 = vector.extract %reduce_max3A_47[0, 0, 0] : f32 from vector<1x1x1xf32>
    %broadcast_in_dim3A_49 = vector.broadcast %reduce_max3A_48 : f32 to vector<1x1xf32>
    %concatenate3A = tpu.concatenate %broadcast_in_dim3A_43, %broadcast_in_dim3A_49 in 1 : vector<1x1xf32>, vector<1x1xf32> -> vector<1x2xf32>
    %eq3A = arith.constant 0 : i32
    %eq3A_50 = arith.cmpi eq, %arg0, %eq3A : i32
    %get3A_51 = arith.constant 0 : index
    %get3A_52 = arith.constant 0 : index
    %get3A_53 = vector.load %arg8[%get3A_51, %get3A_52] : memref<1x2xf32, #tpu.memory_space<vmem>>, vector<1x2xf32>
    %max3A = arith.maximumf %get3A_53, %concatenate3A : vector<1x2xf32>
    %select_n3A = arith.select %eq3A_50, %concatenate3A, %max3A : vector<1x2xf32>
    %reduce_sum3A_54 = arith.constant dense<0.000000e+00> : vector<1xf32>
    %reduce_sum3A_55 = vector.multi_reduction <add>, %select_n3A, %reduce_sum3A_54 [1] : vector<1x2xf32> to vector<1xf32>
    %broadcast_in_dim3A_56 = vector.shape_cast %reduce_sum3A_55 : vector<1xf32> to vector<1x1xf32>
    %gt3A = arith.constant 0.000000e+00 : f32
    %gt3A_57 = vector.broadcast %gt3A : f32 to vector<1x1xf32>
    %gt3A_58 = arith.cmpf ogt, %broadcast_in_dim3A_56, %gt3A_57 : vector<1x1xf32>
    %mul3A_59 = arith.constant 2.000000e-01 : f32
    %mul3A_60 = vector.broadcast %mul3A_59 : f32 to vector<1x1xf32>
    %mul3A_61 = arith.mulf %broadcast_in_dim3A_56, %mul3A_60 : vector<1x1xf32>
    %select_n3A_62 = arith.select %gt3A_58, %broadcast_in_dim3A_56, %mul3A_61 : vector<1x1xi1>, vector<1x1xf32>
    %broadcast_in_dim3A_63 = vector.shape_cast %select_n3A_62 : vector<1x1xf32> to vector<1x1xf32>
    %broadcast_in_dim3A_64 = vector.broadcast %broadcast_in_dim3A_63 : vector<1x1xf32> to vector<1x2xf32>
    %eq3A_65 = arith.constant 9 : i32
    %eq3A_66 = arith.cmpi eq, %arg0, %eq3A_65 : i32
    %select_n3A_67 = arith.select %eq3A_66, %broadcast_in_dim3A_64, %select_n3A : vector<1x2xf32>
    %swap3A_68 = arith.constant 0 : index
    %swap3A_69 = arith.constant 0 : index
    %swap3A_70 = vector.load %arg8[%swap3A_68, %swap3A_69] : memref<1x2xf32, #tpu.memory_space<vmem>>, vector<1x2xf32>
    tpu.vector_store %arg8[%swap3A_68, %swap3A_69], %select_n3A_67 {strides = array<i32>} : memref<1x2xf32, #tpu.memory_space<vmem>>, vector<1x2xf32>,
    return
  }
  func.func @transform_0(%arg0: i32) -> (i32, i32) {
    %c0_i32 = arith.constant 0 : i32
    %c0_i32_0 = arith.constant 0 : i32
    return %arg0, %c0_i32 : i32, i32
  }
  func.func @transform_1(%arg0: i32) -> (i32, i32) {
    %c0_i32 = arith.constant 0 : i32
    %c0_i32_0 = arith.constant 0 : i32
    %c0_i32_1 = arith.constant 0 : i32
    return %c0_i32, %c0_i32_0 : i32, i32
  }
  func.func @transform_2(%arg0: i32) -> (i32, i32) {
    %c0_i32 = arith.constant 0 : i32
    %c0_i32_0 = arith.constant 0 : i32
    %c0_i32_1 = arith.constant 0 : i32
    return %c0_i32, %c0_i32_0 : i32, i32
  }
  func.func @transform_3(%arg0: i32) -> (i32, i32) {
    %c0_i32 = arith.constant 0 : i32
    %c0_i32_0 = arith.constant 0 : i32
    return %arg0, %c0_i32 : i32, i32
  }
  func.func @transform_4(%arg0: i32) -> (i32, i32) {
    %c0_i32 = arith.constant 0 : i32
    %c0_i32_0 = arith.constant 0 : i32
    return %arg0, %c0_i32 : i32, i32
  }
  func.func @transform_5(%arg0: i32) -> (i32, i32) {
    %c0_i32 = arith.constant 0 : i32
    %c0_i32_0 = arith.constant 0 : i32
    return %arg0, %c0_i32 : i32, i32
  }
  func.func @transform_6(%arg0: i32) -> (i32, i32) {
    %c0_i32 = arith.constant 0 : i32
    %c0_i32_0 = arith.constant 0 : i32
    return %arg0, %c0_i32 : i32, i32
  }
  func.func @transform_7(%arg0: i32) -> (i32, i32) {
    %c0_i32 = arith.constant 0 : i32
    %c0_i32_0 = arith.constant 0 : i32
    %c0_i32_1 = arith.constant 0 : i32
    return %c0_i32, %c0_i32_0 : i32, i32
  }
}

module attributes {stable_mosaic.version = 14 : i64} {
  func.func @_epilog_body(%arg0: i32, %arg1: memref<2x2x1024x64xf32, #tpu.memory_space<vmem>>, %arg2: memref<2x1024x16xf32, #tpu.memory_space<vmem>>, %arg3: memref<1024x128xf32, #tpu.memory_space<vmem>>) attributes {dimension_semantics = [#tpu.dimension_semantics<arbitrary>], iteration_bounds = array<i64: 10>, scalar_prefetch = 0 : i64, scratch_operands = 0 : i64, tpu.core_type = #tpu.core_type<tc>, window_params = [{transform_indices = @transform_0, window_bounds = array<i64: 2, 2, 1024, 64>}, {transform_indices = @transform_1, window_bounds = array<i64: 2, 1024, 16>}, {transform_indices = @transform_2, window_bounds = array<i64: 1024, 128>}]} {
    %get3A = arith.constant 0 : index
    %get3A_0 = arith.constant 0 : index
    %get3A_1 = arith.constant 0 : index
    %get3A_2 = arith.constant 0 : index
    %get3A_3 = vector.load %arg1[%get3A, %get3A_0, %get3A_1, %get3A_2] : memref<2x2x1024x64xf32, #tpu.memory_space<vmem>>, vector<1x1x1024x64xf32>
    %get3A_4 = vector.shape_cast %get3A_3 : vector<1x1x1024x64xf32> to vector<1024x64xf32>
    %get3A_5 = arith.constant 1 : index
    %get3A_6 = arith.constant 0 : index
    %get3A_7 = arith.constant 0 : index
    %get3A_8 = arith.constant 0 : index
    %get3A_9 = vector.load %arg1[%get3A_5, %get3A_6, %get3A_7, %get3A_8] : memref<2x2x1024x64xf32, #tpu.memory_space<vmem>>, vector<1x1x1024x64xf32>
    %get3A_10 = vector.shape_cast %get3A_9 : vector<1x1x1024x64xf32> to vector<1024x64xf32>
    %add3A = arith.addf %get3A_4, %get3A_10 : vector<1024x64xf32>
    %get3A_11 = arith.constant 0 : index
    %get3A_12 = arith.constant 1 : index
    %get3A_13 = arith.constant 0 : index
    %get3A_14 = arith.constant 0 : index
    %get3A_15 = vector.load %arg1[%get3A_11, %get3A_12, %get3A_13, %get3A_14] : memref<2x2x1024x64xf32, #tpu.memory_space<vmem>>, vector<1x1x1024x64xf32>
    %get3A_16 = vector.shape_cast %get3A_15 : vector<1x1x1024x64xf32> to vector<1024x64xf32>
    %get3A_17 = arith.constant 1 : index
    %get3A_18 = arith.constant 1 : index
    %get3A_19 = arith.constant 0 : index
    %get3A_20 = arith.constant 0 : index
    %get3A_21 = vector.load %arg1[%get3A_17, %get3A_18, %get3A_19, %get3A_20] : memref<2x2x1024x64xf32, #tpu.memory_space<vmem>>, vector<1x1x1024x64xf32>
    %get3A_22 = vector.shape_cast %get3A_21 : vector<1x1x1024x64xf32> to vector<1024x64xf32>
    %add3A_23 = arith.addf %get3A_16, %get3A_22 : vector<1024x64xf32>
    %get3A_24 = arith.constant 0 : index
    %get3A_25 = arith.constant 0 : index
    %get3A_26 = arith.constant 0 : index
    %get3A_27 = vector.load %arg2[%get3A_24, %get3A_25, %get3A_26] : memref<2x1024x16xf32, #tpu.memory_space<vmem>>, vector<1x1024x16xf32>
    %get3A_28 = vector.shape_cast %get3A_27 : vector<1x1024x16xf32> to vector<1024x16xf32>
    %slice3A = vector.extract_strided_slice %get3A_28 {offsets = [0, 0], sizes = [1024, 1], strides = [1, 1]} : vector<1024x16xf32> to vector<1024x1xf32>
    %get3A_29 = arith.constant 1 : index
    %get3A_30 = arith.constant 0 : index
    %get3A_31 = arith.constant 0 : index
    %get3A_32 = vector.load %arg2[%get3A_29, %get3A_30, %get3A_31] : memref<2x1024x16xf32, #tpu.memory_space<vmem>>, vector<1x1024x16xf32>
    %get3A_33 = vector.shape_cast %get3A_32 : vector<1x1024x16xf32> to vector<1024x16xf32>
    %slice3A_34 = vector.extract_strided_slice %get3A_33 {offsets = [0, 0], sizes = [1024, 1], strides = [1, 1]} : vector<1024x16xf32> to vector<1024x1xf32>
    %add3A_35 = arith.addf %slice3A, %slice3A_34 : vector<1024x1xf32>
    %add3A_36 = arith.constant 1.000000e-16 : f32
    %add3A_37 = vector.broadcast %add3A_36 : f32 to vector<1024x1xf32>
    %add3A_38 = arith.addf %add3A_35, %add3A_37 : vector<1024x1xf32>
    %concatenate3A = tpu.concatenate %add3A, %add3A_23 in 1 : vector<1024x64xf32>, vector<1024x64xf32> -> vector<1024x128xf32>
    %div3A = vector.broadcast %add3A_38 : vector<1024x1xf32> to vector<1024x128xf32>
    %div3A_39 = arith.divf %concatenate3A, %div3A : vector<1024x128xf32>
    %gt3A = arith.constant 0.000000e+00 : f32
    %gt3A_40 = vector.broadcast %gt3A : f32 to vector<1024x128xf32>
    %gt3A_41 = arith.cmpf ogt, %div3A_39, %gt3A_40 : vector<1024x128xf32>
    %min3A = arith.constant 0.000000e+00 : f32
    %min3A_42 = vector.broadcast %min3A : f32 to vector<1024x128xf32>
    %min3A_43 = arith.minimumf %div3A_39, %min3A_42 : vector<1024x128xf32>
    %exp3A = math.exp %min3A_43 : vector<1024x128xf32>
    %sub3A = arith.constant 1.000000e+00 : f32
    %sub3A_44 = vector.broadcast %sub3A : f32 to vector<1024x128xf32>
    %sub3A_45 = arith.subf %exp3A, %sub3A_44 : vector<1024x128xf32>
    %select_n3A = arith.select %gt3A_41, %div3A_39, %sub3A_45 : vector<1024x128xi1>, vector<1024x128xf32>
    %swap3A = arith.constant 0 : index
    %swap3A_46 = arith.constant 0 : index
    %swap3A_47 = vector.load %arg3[%swap3A, %swap3A_46] : memref<1024x128xf32, #tpu.memory_space<vmem>>, vector<1024x128xf32>
    tpu.vector_store %arg3[%swap3A, %swap3A_46], %select_n3A {strides = array<i32>} : memref<1024x128xf32, #tpu.memory_space<vmem>>, vector<1024x128xf32>,
    return
  }
  func.func @transform_0(%arg0: i32) -> (i32, i32, i32, i32) {
    %c0_i32 = arith.constant 0 : i32
    %c0_i32_0 = arith.constant 0 : i32
    %c0_i32_1 = arith.constant 0 : i32
    %c0_i32_2 = arith.constant 0 : i32
    return %c0_i32, %c0_i32_0, %arg0, %c0_i32_1 : i32, i32, i32, i32
  }
  func.func @transform_1(%arg0: i32) -> (i32, i32, i32) {
    %c0_i32 = arith.constant 0 : i32
    %c0_i32_0 = arith.constant 0 : i32
    %c0_i32_1 = arith.constant 0 : i32
    return %c0_i32, %arg0, %c0_i32_0 : i32, i32, i32
  }
  func.func @transform_2(%arg0: i32) -> (i32, i32) {
    %c0_i32 = arith.constant 0 : i32
    %c0_i32_0 = arith.constant 0 : i32
    return %arg0, %c0_i32 : i32, i32
  }
}

</mosaic_0001>

<sc_bundles>
// kernel: kernel.5.cloned.1.call-start
scs
__scs_entry_jumppad:
0x0: {  	(pc) =	sbr.rel $0x88, $3  }
0x1: {  	(tag) =	ssettag $0x0;
	lr =	simm.s32 $0x1  }
0x2: {  	[smem:$0x3F9D] =	sst lr;
	_ =	strace $0xD0000000  }
0x3: {  	_ = 	snop  }
0x4: {  	_ = 	snop  }
0x5: {  	_ = 	snop  }
0x6: {  	_ = 	snop  }
0x7: {  	_ = 	snop  }
__scs_overlays_trampoline_lowered:
0x8: {  	[smem:$0x3FAC] =	sst s0  }
0x9: {  	[smem:$0x3FAD] =	sst s1  }
0xa: {  	[smem:$0x3FAE] =	sst s2  }
0xb: {  	[smem:$0x3FAF] =	sst s3  }
0xc: {  	[smem:$0x3FB0] =	sst s4  }
0xd: {  	[smem:$0x3FB1] =	sst s5  }
0xe: {  	[smem:$0x3FB2] =	sst s6  }
0xf: {  	[smem:$0x3FB3] =	sst s7  }
0x10: {  	[smem:$0x3FB4] =	sst s8  }
0x11: {  	[smem:$0x3FB5] =	sst s9;
	s0 =	simm.s32 @!p0 $0x0  }
0x12: {  	s1 =	sld [smem:$0x3F9B];
	s0 =	simm.s32 @p0 $0x1  }
0x13: {  	[smem:$0x3FB6] =	sst s0;
	s0 =	simm.s32 @!p1 $0x0  }
0x14: {  	s2 =	sld [smem:$0x3F9A];
	s0 =	simm.s32 @p1 $0x1  }
0x15: {  	[smem:$0x3FB7] =	sst s0;
	s0 =	simm.s32 @!p2 $0x0  }
0x16: {  	s3 =	sld [smem:$0x3FDB];
	s0 =	simm.s32 @p2 $0x1  }
0x17: {  	s4 =	simm.s32 $0x1BF5;
	[smem:$0x3FB9] =	sst s0  }
0x18: {  	s0 =	sld [smem:$0x3F9C];
	_ =	swait.ge [sflag:s4], $0x0  }
0x19: {  	s7 =	sld [smem:$0x3F9D]  }
0x1a: {  	s8 =	sadd.s32 $0xFFFFE003, lr  }
0x1b: {  	s9 =	sadd.s32 $0xFFFFFEF7, lr;
	s5 =	simm.s32 $0xFFFFFFFF;
	p2 =	slt.u32 s8, $0xFFFFF086  }
0x1c: {  	p1 =	slt.u32 s9, $0xF7A;
	s5 =	simm.s32 @!p2 $0x0  }
0x1d: {  	s5 =	simm.s32 @p1 $0x1;
	p0 =	seq.s32 s7, s2  }
0x1e: {  	s7 =	smul.u32 @!p0 $0xF7A, s2;
	p2 =	seq.s32 @!p0 s5, $0x0  }
0x1f: {  	s9 =	smul.u32 $0xF7A, s1;
	s8 =	simm.s32 @!p0 $0x1BF5;
	p2 =	por !p2, p0  }
0x20: {  	[sflag:s8] =	ssyncset.s32 @!p0 $0xFFFFF086;
	s6 =	sadd.s32 @!p0 s3, s7;
	s7 =	simm.s32 @!p0 $0x108  }
0x21: {  	s3 =	sadd.s32 s3, s9;
	s6 =	sadd.s32 @!p0 $0x88, s6;
	s7 =	simm.s32 @p2 $0x1082  }
0x22: {  	[simem:s7], [sflag:s8] =	dma.local @!p0 [hbm:s6], $0xF7A  }
0x23: {  	s9 =	sor.u32 $0xD0000000, s2;
	s6 =	simm.s32 $0x108;
	_ =	swait.ge @!p0 [sflag:s8], $0x0  }
0x24: {  	s3 =	sadd.s32 $0x88, s3;
	s6 =	simm.s32 @!p1 $0x1082;
	[sflag:s4] =	ssyncset.s32 $0xFFFFF086  }
0x25: {  	[simem:s6], [sflag:s4] =	dma.local [hbm:s3], $0xF7A  }
0x26: {  	[smem:$0x3F9D] =	sst s1;
	(tag) =	ssettag s2;
	_ =	strace s9  }
0x27: {  	s1 =	sld [smem:$0x3FAD]  }
0x28: {  	s2 =	sld [smem:$0x3FAE]  }
0x29: {  	s4 =	sld [smem:$0x3FB0]  }
0x2a: {  	p0 =	seq.s32 s5, $0x0;
	s5 =	sld [smem:$0x3FB1]  }
0x2b: {  	s6 =	sld [smem:$0x3FB2]  }
0x2c: {  	s7 =	sld [smem:$0x3FB3]  }
0x2d: {  	s3 =	simm.s32 $0x108;
	s8 =	sld [smem:$0x3FB4]  }
0x2e: {  	s3 =	simm.s32 @!p0 $0x1082;
	s9 =	sld [smem:$0x3FB5]  }
0x2f: {  	lr =	sadd.s32 s0, s3;
	s0 =	sld [smem:$0x3FAC]  }
0x30: {  	s3 =	sld [smem:$0x3FAF]  }
0x31: {  	[smem:$0x3FB8] =	sst s10  }
0x32: {  	s10 =	sld [smem:$0x3FB6];
	_ =	sdelay $0x3  }
0x33: {  	p0 =	seq.s32 s10, $0x1;
	s10 =	sld [smem:$0x3FB8];
	_ =	sdelay $0x3  }
0x34: {  	[smem:$0x3FB8] =	sst s10  }
0x35: {  	s10 =	sld [smem:$0x3FB7];
	_ =	sdelay $0x3  }
0x36: {  	p1 =	seq.s32 s10, $0x1;
	s10 =	sld [smem:$0x3FB8];
	_ =	sdelay $0x3  }
0x37: {  	[smem:$0x3FB8] =	sst s10  }
0x38: {  	s10 =	sld [smem:$0x3FB9]  }
0x39: {  	_ = 	snop;
	(pc) =	sbr.ind lr, $3  }
0x3a: {  	_ = 	snop  }
0x3b: {  	_ = 	snop  }
0x3c: {  	p2 =	seq.s32 s10, $0x1;
	s10 =	sld [smem:$0x3FB8]  }
0x3d: {  	_ =	shalt  }
0x3e: {  	_ =	shalt  }
0x3f: {  	_ =	shalt  }
0x40: {  	_ =	shalt  }
0x41: {  	_ =	shalt  }
0x42: {  	_ =	shalt  }
0x43: {  	_ =	shalt  }
0x44: {  	_ =	shalt  }
0x45: {  	_ =	shalt  }
0x46: {  	_ =	shalt  }
0x47: {  	_ =	shalt  }
0x48: {  	_ =	shalt  }
0x49: {  	_ =	shalt  }
0x4a: {  	_ =	shalt  }
0x4b: {  	_ =	shalt  }
0x4c: {  	_ =	shalt  }
0x4d: {  	_ =	shalt  }
0x4e: {  	_ =	shalt  }
0x4f: {  	_ =	shalt  }
0x50: {  	_ =	shalt  }
0x51: {  	_ =	shalt  }
0x52: {  	_ =	shalt  }
0x53: {  	_ =	shalt  }
0x54: {  	_ =	shalt  }
0x55: {  	_ =	shalt  }
0x56: {  	_ =	shalt  }
0x57: {  	_ =	shalt  }
0x58: {  	_ =	shalt  }
0x59: {  	_ =	shalt  }
0x5a: {  	_ =	shalt  }
0x5b: {  	_ =	shalt  }
0x5c: {  	_ =	shalt  }
0x5d: {  	_ =	shalt  }
0x5e: {  	_ =	shalt  }
0x5f: {  	_ =	shalt  }
0x60: {  	_ =	shalt  }
0x61: {  	_ =	shalt  }
0x62: {  	_ =	shalt  }
0x63: {  	_ =	shalt  }
0x64: {  	_ =	shalt  }
0x65: {  	_ =	shalt  }
0x66: {  	_ =	shalt  }
0x67: {  	_ =	shalt  }
0x68: {  	_ =	shalt  }
0x69: {  	_ =	shalt  }
0x6a: {  	_ =	shalt  }
0x6b: {  	_ =	shalt  }
0x6c: {  	_ =	shalt  }
0x6d: {  	_ =	shalt  }
0x6e: {  	_ =	shalt  }
0x6f: {  	_ =	shalt  }
0x70: {  	_ =	shalt  }
0x71: {  	_ =	shalt  }
0x72: {  	_ =	shalt  }
0x73: {  	_ =	shalt  }
0x74: {  	_ =	shalt  }
0x75: {  	_ =	shalt  }
0x76: {  	_ =	shalt  }
0x77: {  	_ =	shalt  }
0x78: {  	_ =	shalt  }
0x79: {  	_ =	shalt  }
0x7a: {  	_ =	shalt  }
0x7b: {  	_ =	shalt  }
0x7c: {  	_ =	shalt  }
0x7d: {  	_ =	shalt  }
0x7e: {  	_ =	shalt  }
0x7f: {  	_ =	shalt  }
0x80: {  	_ =	shalt  }
0x81: {  	_ =	shalt  }
0x82: {  	_ =	shalt  }
0x83: {  	_ =	shalt  }
0x84: {  	_ =	shalt  }
0x85: {  	_ =	shalt  }
0x86: {  	_ =	shalt  }
0x87: {  	_ =	shalt  }
.Lfunc_end0:
.L_simem_size_0:
called_computation_lowered:
.L_overlay_start_0:
0x88: {  	s2 =	sld [smem:$0x3FD9]  }
0x89: {  	s3 =	sld [smem:$0x3FFE];
	_ =	sdelay $0x1  }
0x8a: {  	s1 =	srdreg.scid  }
0x8b: {  	s0 =	sand.u32 $0x1, s1  }
0x8c: {  	s17 =	sshll.u32 s0, $0xA;
	s2 =	sadd.s32 s3, s2  }
0x8d: {  	s2 =	sadd.s32 s2, s17  }
0x8e: {  	[smem:$0x3FC4] =	sst s2  }
0x8f: {  	_ = 	snop  }
0x90: {  	s2 =	sld [smem:$0x3FD0];
	(tm) =	ssettm $0x1  }
0x91: {  	s18 =	sld [smem:$0x3FFB];
	_ =	sdelay $0x3  }
0x92: {  	_ =	strace s18  }
0x93: {  	s3 =	sld [smem:$0x3FFC];
	_ =	sdelay $0x3  }
0x94: {  	_ =	strace s3  }
0x95: {  	s3 =	sld [smem:$0x3FFD];
	_ =	sdelay $0x3  }
0x96: {  	_ =	strace s3  }
0x97: {  	_ =	strace $0x8FFFFFFF  }
0x98: {  	s19 =	sld [smem:$0x3FDB];
	_ =	sdelay $0x1  }
0x99: {  	s4 =	simm.s32 $_scs_section_size  }
0x9a: {  	s5 =	simm.s32 $_size__tile_overlayer_lowered;
	s6 =	simm.s32 $_tile_overlayer_lowered  }
0x9b: {  	s22 =	simm.s32 $0x1BFF;
	s21 =	sshll.u32 s6, $0x1;
	s3 =	sadd.s32 s4, s19  }
0x9c: {  	s7 =	simm.s32 $0x0;
	s20 =	sshll.u32 s5, $0x1;
	s5 =	sadd.s32 s21, s3  }
0x9d: {  	[timem:s7], [sflag:s22] =	dma.local [hbm:s5], s20  }
0x9e: {  	_ =	swait.ge [sflag:s22], s20  }
0x9f: {  	s4 =	ssub.s32 $0x0, s20;
	[sflag:s22] =	ssyncset.done $0x0  }
0xa0: {  	[sflag:s22] =	ssyncadd.s32 s4;
	_ =	sdelay $0x1  }
0xa1: {  	s23 =	simm.s32 $0x1B8B  }
0xa2: {  	_ =	swait.ge [sflag:s23], $0x1  }
0xa3: {  	[sflag:s23] =	ssyncset.done $0x0  }
0xa4: {  	s25 =	simm.s32 $0x1B8E;
	s24 =	sld [smem:$0x3FFE];
	[sflag:s23] =	ssyncadd.s32 $0xFFFFFFFF  }
0xa5: {  	s26 =	simm.s32 $execute0_lowered;
	[smem:$0x3FD2] =	sst s25  }
0xa6: {  	s5 =	sshll.u32 s26, $0x1;
	_ =	strace $0x80000046;
	[dreg:$0x1] =	wrdreg $0xFFFFFFFF  }
0xa7: {  	s28 =	simm.s32 $_size_execute0_lowered;
	s3 =	sadd.s32 s3, s5;
	[dreg:$0x0] =	wrdreg $0x0  }
0xa8: {  	s5 =	sshll.u32 s28, $0x1;
	[dreg:$0x2] =	wrdreg s3  }
0xa9: {  	[dreg:$0x3] =	wrdreg s5  }
0xaa: {  	[dreg:$0x4] =	wrdreg $0xC0  }
0xab: {  	_ =	task [dreg:s7], $0x5FFFF  }
0xac: {  	[dreg:$0x1] =	wrdreg $0xFFFFFFFF  }
0xad: {  	[dreg:$0x0] =	wrdreg $0x60  }
0xae: {  	[dreg:$0x2] =	wrdreg s24  }
0xaf: {  	[dreg:$0x3] =	wrdreg s2  }
0xb0: {  	[dreg:$0x4] =	wrdreg $0x10A100  }
0xb1: {  	[dreg:$0x5] =	wrdreg $0x1AA100  }
0xb2: {  	[dreg:$0x6] =	wrdreg $0x9  }
0xb3: {  	_ =	task.clear_ibuf [dreg:s7], $0x7FFFF;
	_ =	strace $0x90000046  }
0xb4: {  	s29 =	simm.s32 $0x9;
	_ =	strace $0x80000048  }
0xb5: {  	_ =	swait.ge [sflag:s29], $0x1  }
0xb6: {  	[sflag:s29] =	ssyncadd.s32 $0xFFFFFFFF  }
0xb7: {  	_ =	strace $0x90000048  }
0xb8: {  	_ =	sfence  }
0xb9: {  	s30 =	sld [smem:$0x0];
	_ =	sdelay $0x2  }
0xba: {  	s31 =	sshll.u32 s1, $0xD;
	s1 =	sshrl.u32 s1, $0x2  }
0xbb: {  	s3 =	sand.u32 $0x4000, s31;
	s1 =	sadd.s32 s1, s30  }
0xbc: {  	s0 =	sor.u32 s3, s0;
	s1 =	sshll.u32 s1, $0x11  }
0xbd: {  	s0 =	sor.u32 s1, s0  }
0xbe: {  	s0 =	sadd.s32 $0x8F2B, s0  }
0xbf: {  	[sflag:s0] =	ssyncadd.remote.s32 $0x1  }
0xc0: {  	_ =	sfence.sel $0xFFFF  }
0xc1: {  	[dreg:$0x0] =	wrdreg $0xFFFFFFFF;
	(pc) =	sbr.abs _section_cstart, $3  }
0xc2: {  	[dreg:$0x1] =	wrdreg $0xFFFFFFFF  }
0xc3: {  	_ =	task.clear_ibuf [dreg:s7], $0x2FFFF;
	_ =	strace $0x9FFFFFFF  }
0xc4: {  	(tm) =	ssettm $0x7FFFFFFF  }
0xc5: {  	_ =	shalt  }
tec
execute0_lowered:
.L_overlay_start_1:
0x0: {  	(tag) =	ssettag $0x1  }
0x1: {  	s0 =	rddreg [dreg:$0x0]  }
0x2: {  	s3 =	rddreg [dreg:$0x2]  }
0x3: {  	s17 =	rddreg [dreg:$0x3]  }
0x4: {  	s1 =	srdreg.scid;
	s14 =	stileid.u32;
	s4 =	simm.s32 $0x0  }
0x5: {  	s31 =	simm.s32 $0x7;
	s30 =	simm.s32 $0x9800;
	s1 =	sand.u32 $0x1, s1  }
0x6: {  	s2 =	smul.u32 $0xA000, s14;
	[smem:$0x7FF] =	sst s4;
	s6 =	sadd.s32 $0x1EC00, s0  }
0x7: {  	s5 =	smul.u32 $0x2800, s14;
	s7 =	sadd.s32 $0x14400, s0;
	s8 =	sadd.s32 $0x2E400, s0  }
0x8: {  	s9 =	sadd.s32 $0x29400, s0;
	s10 =	sadd.s32 $0xA00, s0;
	s13 =	smul.u32 $0x280, s14  }
0x9: {  	s12 =	sadd.s32 $0x800, s0;
	s23 =	smul.u32 $0x140000, s1;
	_ =	strace $0x80000047  }
0xa: {  	s11 =	smul.u32 $0x28000, s1;
	s24 =	ssub.s32 $0x2, s1;
	s1 =	sshll.u32 s1, $0x4  }
0xb: {  	[dreg:$0x5] =	wrdreg s12;
	s25 =	sshrl.u32 s24, $0x1;
	s1 =	sor.u32 s14, s1  }
0xc: {  	s26 =	sadd.s32 $0x80, s13;
	s29 =	sadd.s32 $0x100, s13;
	s15 =	sadd.s32 $0x180, s13  }
0xd: {  	s13 =	sadd.s32 $0x200, s13;
	s14 =	simm.s32 $0xB800;
	s4 =	sadd.s32 s2, s23  }
0xe: {  	s11 =	sadd.s32 s5, s11;
	s12 =	smul.u32 $0x2A00, s1;
	s28 =	sshll.u32 s26, $0x6  }
0xf: {  	s2 =	sadd.s32 s2, s3;
	s16 =	sshll.u32 s29, $0x6;
	s18 =	sshll.u32 s15, $0x6  }
0x10: {  	s20 =	sshll.u32 s26, $0x4;
	s5 =	sadd.s32 s5, s17;
	s21 =	sshll.u32 s15, $0x4  }
0x11: {  	s22 =	sshll.u32 s13, $0x4;
	s15 =	simm.s32 $0x2;
	s4 =	sshrl.u32 s4, $0x3  }
0x12: {  	s11 =	sshrl.u32 s11, $0x3;
	[dreg:$0x6] =	wrdreg s2;
	s1 =	sadd.s32 s28, s3  }
0x13: {  	s2 =	sadd.s32 s16, s3;
	s16 =	sshll.u32 s13, $0x6;
	[dreg:$0xb] =	wrdreg s5  }
0x14: {  	s23 =	sadd.s32 s22, s17;
	s13 =	simm.s32 $0xE010;
	[dreg:$0x7] =	wrdreg s1  }
0x15: {  	s4 =	sadd.s32 s4, s0;
	s0 =	sadd.s32 s11, s0;
	[dreg:$0x8] =	wrdreg s2  }
0x16: {  	s11 =	ssub.s32 s24, s25;
	s2 =	sadd.s32 s18, s3;
	[dreg:$0xf] =	wrdreg s23  }
0x17: {  	v0 =	vlaneseq.u32;
	s19 =	sadd.s32 s16, s3;
	s1 =	sshll.u32 s29, $0x4;
	[dreg:$0x9] =	wrdreg s2  }
0x18: {  	v0 =	vmul.u32 $0x10, v0;
	s24 =	sshrl.u32 s12, $0x3;
	[dreg:$0xa] =	wrdreg s19;
	s2 =	sadd.s32 s20, s17  }
0x19: {  	s16 =	simm.s32 $0xA000;
	s1 =	sadd.s32 s1, s17;
	[dreg:$0xc] =	wrdreg s2  }
0x1a: {  	v1 =	vimm.f32 $0.0e+00;
	v2 =	vor.u32 $0x100, v0;
	v3 =	vor.u32 $0x200, v0;
	s18 =	simm.s32 $0x3;
	s25 =	sadd.s32 s6, s24;
	[dreg:$0xd] =	wrdreg s1  }
0x1b: {  	v4 =	vor.u32 $0x300, v0;
	v5 =	vor.u32 $0x400, v0;
	v6 =	vor.u32 $0x500, v0;
	s23 =	simm.s32 $0xA800;
	s0 =	sadd.s32 $0x83400, s0;
	[dreg:$0x10] =	wrdreg s25  }
0x1c: {  	v7 =	vor.u32 $0x600, v0;
	v8 =	vor.u32 $0x700, v0;
	v9 =	vor.u32 $0x800, v0;
	s26 =	sadd.s32 $0x33400, s4;
	s28 =	sadd.s32 $0x47400, s4;
	[dreg:$0x12] =	wrdreg s0  }
.Ltmp0:
0x1d: {  	v10 =	vor.u32 $0x900, v0;
	v11 =	vor.u32 $0xA00, v0;
	v12 =	vor.u32 $0xB00, v0;
	s29 =	smax.u32 s11, $0x1;
	[dreg:$0x13] =	wrdreg s26;
	(pc) =	sbr.rel .LBB2_1-.Ltmp0, $4  }
0x1e: {  	v13 =	vor.u32 $0xC00, v0;
	v14 =	vor.u32 $0xD00, v0;
	v15 =	vor.u32 $0xE00, v0;
	s11 =	simm.s32 $0x80;
	s19 =	simm.s32 $0xB000;
	[dreg:$0x14] =	wrdreg s28  }
0x1f: {  	v16 =	vor.u32 $0xF00, v0;
	v17 =	vor.u32 $0x1000, v0;
	v18 =	vor.u32 $0x1100, v0;
	s20 =	simm.s32 $0xC800;
	s1 =	sadd.s32 s21, s17;
	[dreg:$0x15] =	wrdreg s29  }
0x20: {  	v19 =	vor.u32 $0x1200, v0;
	v20 =	vor.u32 $0x1300, v0;
	v21 =	vor.u32 $0x1400, v0;
	s26 =	simm.s32 $0x1;
	[dreg:$0xe] =	wrdreg s1;
	s1 =	sadd.s32 s7, s24  }
0x21: {  	v22 =	vor.u32 $0x1500, v0;
	v23 =	vor.u32 $0x1600, v0;
	v24 =	vor.u32 $0x1700, v0;
	s17 =	simm.s32 $0x4;
	[dreg:$0x11] =	wrdreg s1;
	s1 =	simm.s32 $0x0  }
.LBB2_26:
0x22: {  	s0 =	simm.s32 $0x5  }
0x23: {  	_ =	swait.ge [sflag:s0], $0x2000  }
0x24: {  	[sflag:s0] =	ssyncset.done $0x0  }
0x25: {  	s24 =	simm.s32 $0x6;
	[sflag:s0] =	ssyncadd.s32 $0xFFFFE000  }
0x26: {  	_ =	swait.ge [sflag:s24], $0x2000  }
0x27: {  	[sflag:s24] =	ssyncset.done $0x0  }
0x28: {  	[sflag:s24] =	ssyncadd.s32 $0xFFFFE000  }
0x29: {  	[bflag:$0x0] =	sbarrier.arrive $0xFFFF  }
0x2a: {  	s25 =	rddreg [dreg:$0x14]  }
0x2b: {  	s1 =	rddreg [dreg:$0x17]  }
0x2c: {  	s2 =	rddreg [dreg:$0x18]  }
0x2d: {  	[hbm:s25], [sflag:s1] =	dma.local [spmem:s2], $0x1400  }
0x2e: {  	_ =	swait.ge [sflag:s31], $0x1400  }
0x2f: {  	s28 =	rddreg [dreg:$0x16]  }
0x30: {  	s29 =	rddreg [dreg:$0x15];
	s1 =	sadd.s32 $0x1, s28  }
0x31: {  	p0 =	sne.s32 s1, s29  }
.Ltmp1:
0x32: {  	_ = 	snop;
	(pc) =	sbr.rel @!p0 .LBB2_27-.Ltmp1, $3  }
0x33: {  	_ =	sdelay $0x1  }
0x34: {  	[sflag:s31] =	ssyncset.done $0x0  }
0x35: {  	s14 =	simm.s32 $0xB800;
	[sflag:s31] =	ssyncadd.s32 $0xFFFFEC00  }
.LBB2_1:
0x36: {  	[dreg:$0x16] =	wrdreg s1  }
0x37: {  	s0 =	simm.s32 $0x0;
	s29 =	rddreg [dreg:$0x5];
	s2 =	simm.s32 $0xE000  }
0x38: {  	[tilespmem:s2], [sflag:$0x7] =	stream.linear.gather [hbm4b:s29+s0], $0x10, $0x38;
	[tilespmem:$0x1D210] =	vst v63  }
0x39: {  	_ =	swait.ge [sflag:s31], $0x10  }
0x3a: {  	[sflag:s31] =	ssyncset.done $0x0  }
0x3b: {  	s0 =	simm.s32 $0x3820;
	[sflag:s31] =	ssyncadd.s32 $0xFFFFFFF0  }
0x3c: {  	[tilespmem:s0+$0xFFFFFFF0] =	vst v1  }
0x3d: {  	[tilespmem:s0+$0xFFFFFFE0] =	vst v1  }
0x3e: {  	[tilespmem:s0+$0x0] =	vst v1  }
0x3f: {  	s1 =	simm.s32 $0x40;
	s2 =	simm.s32 $0x0;
	[tilespmem:s0+$0x10] =	vst v1  }
.LBB2_2:
0x40: {  	p0 =	sne.s32 s1, $0x1FC0;
	[tilespmem:s2+$0xA800] =	vst v1  }
0x41: {  	[tilespmem:s2+$0x9800] =	vst v1  }
.Ltmp2:
0x42: {  	s0 =	sadd.s32 $0x40, s0;
	[tilespmem:s2+$0xA000] =	vst v1;
	(pc) =	sbr.rel @p0 .LBB2_2-.Ltmp2, $4  }
0x43: {  	[tilespmem:s0+$0xFFFFFFF0] =	vst v1  }
0x44: {  	[tilespmem:s0+$0xFFFFFFE0] =	vst v1  }
0x45: {  	[tilespmem:s0+$0x0] =	vst v1  }
0x46: {  	s2 =	sshra.s32 s1, $0x2;
	s1 =	sadd.s32 $0x40, s1;
	[tilespmem:s0+$0x10] =	vst v1  }
0x47: {  	[tilespmem:s2+$0xA800] =	vst v1  }
0x48: {  	[tilespmem:s2+$0x9800] =	vst v1  }
0x49: {  	[tilespmem:s2+$0xA000] =	vst v1;
	s0 =	rddreg [dreg:$0x6];
	s1 =	simm.s32 $0x3800  }
0x4a: {  	[spmem:s0] =	stream.linear.scatter [tilespmem:s1], [sflag:$0x7], $0x2000, $0x38;
	[tilespmem:$0x1D210] =	vst v63  }
0x4b: {  	_ =	swait.ge [sflag:s31], $0x2000  }
0x4c: {  	[sflag:s31] =	ssyncset.done $0x0  }
0x4d: {  	s25 =	rddreg [dreg:$0x7];
	[sflag:s31] =	ssyncadd.s32 $0xFFFFE000  }
0x4e: {  	[spmem:s25] =	stream.linear.scatter [tilespmem:s1], [sflag:$0x7], $0x2000, $0x38;
	[tilespmem:$0x1D210] =	vst v63  }
0x4f: {  	_ =	swait.ge [sflag:s31], $0x2000  }
0x50: {  	[sflag:s31] =	ssyncset.done $0x0  }
0x51: {  	s28 =	rddreg [dreg:$0x8];
	[sflag:s31] =	ssyncadd.s32 $0xFFFFE000  }
0x52: {  	[spmem:s28] =	stream.linear.scatter [tilespmem:s1], [sflag:$0x7], $0x2000, $0x38;
	[tilespmem:$0x1D210] =	vst v63  }
0x53: {  	_ =	swait.ge [sflag:s31], $0x2000  }
0x54: {  	[sflag:s31] =	ssyncset.done $0x0  }
0x55: {  	s29 =	rddreg [dreg:$0x9];
	[sflag:s31] =	ssyncadd.s32 $0xFFFFE000  }
0x56: {  	[spmem:s29] =	stream.linear.scatter [tilespmem:s1], [sflag:$0x7], $0x2000, $0x38;
	[tilespmem:$0x1D210] =	vst v63  }
0x57: {  	_ =	swait.ge [sflag:s31], $0x2000  }
0x58: {  	[sflag:s31] =	ssyncset.done $0x0  }
0x59: {  	s2 =	rddreg [dreg:$0xa];
	[sflag:s31] =	ssyncadd.s32 $0xFFFFE000  }
0x5a: {  	[spmem:s2] =	stream.linear.scatter [tilespmem:s1], [sflag:$0x7], $0x2000, $0x38;
	[tilespmem:$0x1D210] =	vst v63  }
0x5b: {  	_ =	swait.ge [sflag:s31], $0x2000  }
0x5c: {  	[sflag:s31] =	ssyncset.done $0x0  }
0x5d: {  	s4 =	rddreg [dreg:$0xb];
	[sflag:s31] =	ssyncadd.s32 $0xFFFFE000  }
0x5e: {  	[spmem:s4] =	stream.linear.scatter [tilespmem:s30], [sflag:$0x7], $0x800, $0x38;
	[tilespmem:$0x1D210] =	vst v63  }
0x5f: {  	_ =	swait.ge [sflag:s31], $0x800  }
0x60: {  	[sflag:s31] =	ssyncset.done $0x0  }
0x61: {  	s5 =	rddreg [dreg:$0xc];
	[sflag:s31] =	ssyncadd.s32 $0xFFFFF800  }
0x62: {  	[spmem:s5] =	stream.linear.scatter [tilespmem:s30], [sflag:$0x7], $0x800, $0x38;
	[tilespmem:$0x1D210] =	vst v63  }
0x63: {  	_ =	swait.ge [sflag:s31], $0x800  }
0x64: {  	[sflag:s31] =	ssyncset.done $0x0  }
0x65: {  	s21 =	rddreg [dreg:$0xd];
	[sflag:s31] =	ssyncadd.s32 $0xFFFFF800  }
0x66: {  	[spmem:s21] =	stream.linear.scatter [tilespmem:s30], [sflag:$0x7], $0x800, $0x38;
	[tilespmem:$0x1D210] =	vst v63  }
0x67: {  	_ =	swait.ge [sflag:s31], $0x800  }
0x68: {  	[sflag:s31] =	ssyncset.done $0x0  }
0x69: {  	s22 =	rddreg [dreg:$0xe];
	[sflag:s31] =	ssyncadd.s32 $0xFFFFF800  }
0x6a: {  	[spmem:s22] =	stream.linear.scatter [tilespmem:s30], [sflag:$0x7], $0x800, $0x38;
	[tilespmem:$0x1D210] =	vst v63  }
0x6b: {  	_ =	swait.ge [sflag:s31], $0x800  }
0x6c: {  	[sflag:s31] =	ssyncset.done $0x0  }
0x6d: {  	s24 =	rddreg [dreg:$0xf];
	[sflag:s31] =	ssyncadd.s32 $0xFFFFF800  }
0x6e: {  	[spmem:s24] =	stream.linear.scatter [tilespmem:s30], [sflag:$0x7], $0x800, $0x38;
	[tilespmem:$0x1D210] =	vst v63  }
0x6f: {  	_ =	swait.ge [sflag:s31], $0x800  }
0x70: {  	[sflag:s31] =	ssyncset.done $0x0  }
0x71: {  	[sflag:s31] =	ssyncadd.s32 $0xFFFFF800  }
0x72: {  	[bflag:$0x0] =	sbarrier.arrive $0xFFFF  }
0x73: {  	s2 =	simm.s32 $0x0;
	s25 =	rddreg [dreg:$0x10]  }
0x74: {  	v25 =	vld [tilespmem:$0xE000];
	[tilespmem:s2], [sflag:$0x7] =	stream.linear.gather [hbm4b:s25+s2], $0xE00, $0x38  }
0x75: {  	_ =	swait.ge [sflag:s31], $0xE00  }
0x76: {  	[sflag:s31] =	ssyncset.done $0x0  }
0x77: {  	s4 =	simm.s32 $0x1C00;
	s28 =	rddreg [dreg:$0x11];
	[sflag:s31] =	ssyncadd.s32 $0xFFFFF200  }
0x78: {  	[tilespmem:s4], [sflag:$0x7] =	stream.linear.gather [hbm4b:s28+s2], $0xE00, $0x38;
	[tilespmem:$0x1D210] =	vst v63  }
0x79: {  	_ =	swait.ge [sflag:s31], $0xE00  }
0x7a: {  	[sflag:s31] =	ssyncset.done $0x0  }
0x7b: {  	[sflag:s31] =	ssyncadd.s32 $0xFFFFF200  }
0x7c: {  	[tilespmem:s19], [sflag:$0x1] =	stream.indirect.gather [hbm4b:s8+s11], $0x10, s2, s11, $0xb8;
	[tilespmem:$0x1D210] =	vst v63  }
0x7d: {  	_ = 	snop  }
0x7e: {  	[tilespmem:s20], [sflag:$0x1] =	stream.indirect.gather [hbm4b:s9+s11], $0x10, s4, s11, $0xb8;
	[tilespmem:$0x1D210] =	vst v63  }
0x7f: {  	s29 =	rddreg [dreg:$0x1]  }
0x80: {  	[tilespmem:s1], [sflag:$0x1] =	stream.indirect.gather [hbm4b:s29+s11], $0x40, s4, s11, $0xb8;
	[tilespmem:$0x1D210] =	vst v63  }
.LBB2_4:
0x81: {  	s22 =	smul.u32 $0x3, s2;
	_ =	sdelay $0x1  }
0x82: {  	s5 =	sadd.s32 $0x1, s22  }
0x83: {  	s0 =	sand.u32 $0xFC, s5  }
0x84: {  	s0 =	sshrl.u32 s0, $0x2  }
0x85: {  	s0 =	smul.u32 $0x25, s0;
	_ =	sdelay $0x1  }
0x86: {  	s0 =	sshrl.u32 s0, $0x8  }
0x87: {  	s1 =	smul.u32 $0x1C, s0;
	_ =	sdelay $0x1  }
0x88: {  	s1 =	ssub.s32 s5, s1  }
0x89: {  	s1 =	sand.u32 $0xFF, s1  }
0x8a: {  	p1 =	sne.s32 s1, $0x0  }
0x8b: {  	s4 =	smul.u32 @!p1 $0xE00, s0  }
0x8c: {  	s21 =	sand.u32 @!p1 $0x1, s0  }
0x8d: {  	p0 =	seq.s32 @!p1 s21, $0x1;
	s4 =	sadd.s32 @!p1 s12, s4  }
0x8e: {  	s21 =	simm.s32 @!p1 $0xE00;
	p0 =	por !p0, p1;
	s4 =	sshrl.u32 @!p1 s4, $0x3  }
0x8f: {  	s28 =	simm.s32 @!p1 $0x0;
	s21 =	simm.s32 @p0 $0x0;
	s24 =	sadd.s32 @!p1 s6, s4  }
0x90: {  	[tilespmem:s21], [sflag:$0x7] =	stream.linear.gather @!p1 [hbm4b:s24+s28], $0xE00, $0x38;
	[tilespmem:$0x1D210] =	vst v63  }
0x91: {  	s24 =	simm.s32 @!p1 $0x7  }
0x92: {  	_ =	swait.ge @!p1 [sflag:s24], $0xE00  }
0x93: {  	[sflag:s24] =	ssyncset.done @!p1 $0x0  }
0x94: {  	s4 =	sadd.s32 @!p1 s7, s4;
	s21 =	sadd.s32 @!p1 $0x1C00, s21;
	[sflag:s24] =	ssyncadd.s32 @!p1 $0xFFFFF200  }
0x95: {  	[tilespmem:s21], [sflag:$0x7] =	stream.linear.gather @!p1 [hbm4b:s4+s28], $0xE00, $0x38;
	[tilespmem:$0x1D210] =	vst v63  }
0x96: {  	_ =	swait.ge @!p1 [sflag:s24], $0xE00  }
0x97: {  	p0 =	seq.s32 s2, $0x0;
	[sflag:s24] =	ssyncset.done @!p1 $0x0  }
0x98: {  	s4 =	simm.s32 @!p0 $0x5;
	[sflag:s24] =	ssyncadd.s32 @!p1 $0xFFFFF200  }
0x99: {  	_ =	swait.ge @!p0 [sflag:s4], $0x2000  }
0x9a: {  	[sflag:s4] =	ssyncset.done @!p0 $0x0  }
0x9b: {  	s0 =	sand.u32 $0x1, s0;
	[sflag:s4] =	ssyncadd.s32 @!p0 $0xFFFFE000  }
0x9c: {  	p1 =	seq.s32 s0, $0x1;
	s0 =	simm.s32 $0xE00;
	_ =	swait.ge @!p0 [sflag:s4], $0x800  }
0x9d: {  	s1 =	sshll.u32 s1, $0x7;
	s0 =	simm.s32 @!p1 $0x0;
	[sflag:s4] =	ssyncset.done @!p0 $0x0  }
0x9e: {  	s28 =	sadd.s32 s1, s0;
	[sflag:s4] =	ssyncadd.s32 @!p0 $0xFFFFF800  }
0x9f: {  	[tilespmem:s14], [sflag:$0x2] =	stream.indirect.gather [hbm4b:s8+s11], $0x10, s28, s11, $0xb8;
	[tilespmem:$0x1D210] =	vst v63  }
0xa0: {  	s21 =	simm.s32 $0xD000;
	s0 =	sadd.s32 $0x1C00, s28  }
0xa1: {  	[tilespmem:s21], [sflag:$0x2] =	stream.indirect.gather [hbm4b:s9+s11], $0x10, s0, s11, $0xb8;
	[tilespmem:$0x1D210] =	vst v63  }
0xa2: {  	s25 =	simm.s32 $0x5800;
	s24 =	rddreg [dreg:$0x1]  }
0xa3: {  	[tilespmem:s25], [sflag:$0x2] =	stream.indirect.gather [hbm4b:s24+s11], $0x40, s0, s11, $0xb8;
	[tilespmem:$0x1D210] =	vst v63  }
0xa4: {  	_ =	swait.ge [sflag:s26], $0x800  }
0xa5: {  	[sflag:s26] =	ssyncset.done $0x0  }
0xa6: {  	[sflag:s26] =	ssyncadd.s32 $0xFFFFF800  }
0xa7: {  	_ =	swait.ge [sflag:s26], $0x800  }
0xa8: {  	[sflag:s26] =	ssyncset.done $0x0  }
0xa9: {  	[sflag:s26] =	ssyncadd.s32 $0xFFFFF800  }
0xaa: {  	_ =	swait.ge [sflag:s26], $0x2000  }
0xab: {  	[sflag:s26] =	ssyncset.done $0x0  }
0xac: {  	[sflag:s26] =	ssyncadd.s32 $0xFFFFE000  }
0xad: {  	v26 =	vld.idx.msk [tilespmem:v0+s19+$0x0], $0xffff  }
0xae: {  	v27 =	vld.idx.msk [tilespmem:v0+s20+$0x0], $0xffff;
	_ =	sdelay $0x4  }
0xaf: {  	v26 =	vadd.f32 v27, v26;
	_ =	sdelay $0x1  }
0xb0: {  	v27 =	vmul.f32 $2.000000030e-01, v26  }
0xb1: {  	vm0 =	vgt.f32 v26, $0.0e+00  }
0xb2: {  	v26 =	vsel vm0, v26, v27  }
0xb3: {  	v26 =	vsub.f32 v26, v25;
	_ =	sdelay $0x1  }
0xb4: {  	v26 =	vmul.f32 $1.442695020e+00, v26;
	_ =	sdelay $0x1  }
0xb5: {  	(erf) = vpow2.f32 v26;
	_ =	sdelay $0x5  }
0xb6: {  	s21 =	smul.u32 $0x180, s2;
	_ =	sdelay $0x1  }
0xb7: {  	s4 =	sadd.s32 s12, s21  }
0xb8: {  	p4 =	slt.u32 s4, $0x50910;
	v26 =	vpop (erf)  }
0xb9: {  	v26 =	vpsel !p4, $0x0, v26  }
0xba: {  	[tilespmem:v0+s30+$0x0] =	vst.idx.msk $0xffff, v26  }
0xbb: {  	[tilespmem:s21+$0xE010] =	vst v26  }
0xbc: {  	v26 =	vld.idx.msk [tilespmem:v2+s19+$0x0], $0xffff  }
0xbd: {  	v27 =	vld.idx.msk [tilespmem:v2+s20+$0x0], $0xffff;
	_ =	sdelay $0x4  }
0xbe: {  	v26 =	vadd.f32 v27, v26;
	_ =	sdelay $0x1  }
0xbf: {  	v27 =	vmul.f32 $2.000000030e-01, v26  }
0xc0: {  	vm9 =	vgt.f32 v26, $0.0e+00  }
0xc1: {  	v26 =	vsel vm9, v26, v27  }
0xc2: {  	v26 =	vsub.f32 v26, v25;
	_ =	sdelay $0x1  }
0xc3: {  	v26 =	vmul.f32 $1.442695020e+00, v26;
	_ =	sdelay $0x1  }
0xc4: {  	(erf) = vpow2.f32 v26;
	_ =	sdelay $0x7  }
0xc5: {  	s29 =	sor.u32 $0x10, s4  }
0xc6: {  	p5 =	slt.u32 s29, $0x50910;
	v26 =	vpop (erf)  }
0xc7: {  	v26 =	vpsel !p5, $0x0, v26  }
0xc8: {  	[tilespmem:v2+s30+$0x0] =	vst.idx.msk $0xffff, v26  }
0xc9: {  	[tilespmem:s21+$0xE020] =	vst v26  }
0xca: {  	v26 =	vld.idx.msk [tilespmem:v3+s19+$0x0], $0xffff  }
0xcb: {  	v27 =	vld.idx.msk [tilespmem:v3+s20+$0x0], $0xffff;
	_ =	sdelay $0x4  }
0xcc: {  	v26 =	vadd.f32 v27, v26;
	_ =	sdelay $0x1  }
0xcd: {  	v27 =	vmul.f32 $2.000000030e-01, v26  }
0xce: {  	vm10 =	vgt.f32 v26, $0.0e+00  }
0xcf: {  	v26 =	vsel vm10, v26, v27  }
0xd0: {  	v26 =	vsub.f32 v26, v25;
	_ =	sdelay $0x1  }
0xd1: {  	v26 =	vmul.f32 $1.442695020e+00, v26;
	_ =	sdelay $0x1  }
0xd2: {  	(erf) = vpow2.f32 v26;
	_ =	sdelay $0x7  }
0xd3: {  	s1 =	sor.u32 $0x20, s4  }
0xd4: {  	p6 =	slt.u32 s1, $0x50910;
	v26 =	vpop (erf)  }
0xd5: {  	v26 =	vpsel !p6, $0x0, v26  }
0xd6: {  	[tilespmem:v3+s30+$0x0] =	vst.idx.msk $0xffff, v26  }
0xd7: {  	[tilespmem:s21+$0xE030] =	vst v26  }
0xd8: {  	v26 =	vld.idx.msk [tilespmem:v4+s19+$0x0], $0xffff  }
0xd9: {  	v27 =	vld.idx.msk [tilespmem:v4+s20+$0x0], $0xffff;
	_ =	sdelay $0x4  }
0xda: {  	v26 =	vadd.f32 v27, v26;
	_ =	sdelay $0x1  }
0xdb: {  	v27 =	vmul.f32 $2.000000030e-01, v26  }
0xdc: {  	vm11 =	vgt.f32 v26, $0.0e+00  }
0xdd: {  	v26 =	vsel vm11, v26, v27  }
0xde: {  	v26 =	vsub.f32 v26, v25;
	_ =	sdelay $0x1  }
0xdf: {  	v26 =	vmul.f32 $1.442695020e+00, v26;
	_ =	sdelay $0x1  }
0xe0: {  	(erf) = vpow2.f32 v26;
	_ =	sdelay $0x7  }
0xe1: {  	s24 =	sor.u32 $0x30, s4  }
0xe2: {  	p2 =	slt.u32 s24, $0x50910;
	v26 =	vpop (erf)  }
0xe3: {  	v26 =	vpsel !p2, $0x0, v26  }
0xe4: {  	[tilespmem:v4+s30+$0x0] =	vst.idx.msk $0xffff, v26  }
0xe5: {  	[tilespmem:s21+$0xE040] =	vst v26  }
0xe6: {  	v26 =	vld.idx.msk [tilespmem:v5+s19+$0x0], $0xffff  }
0xe7: {  	v27 =	vld.idx.msk [tilespmem:v5+s20+$0x0], $0xffff;
	_ =	sdelay $0x4  }
0xe8: {  	v26 =	vadd.f32 v27, v26;
	_ =	sdelay $0x1  }
0xe9: {  	v27 =	vmul.f32 $2.000000030e-01, v26  }
0xea: {  	vm12 =	vgt.f32 v26, $0.0e+00  }
0xeb: {  	v26 =	vsel vm12, v26, v27  }
0xec: {  	v26 =	vsub.f32 v26, v25;
	_ =	sdelay $0x1  }
0xed: {  	v26 =	vmul.f32 $1.442695020e+00, v26;
	_ =	sdelay $0x1  }
0xee: {  	(erf) = vpow2.f32 v26;
	_ =	sdelay $0x7  }
0xef: {  	s25 =	sor.u32 $0x40, s4  }
0xf0: {  	p3 =	slt.u32 s25, $0x50910;
	v26 =	vpop (erf)  }
0xf1: {  	v26 =	vpsel !p3, $0x0, v26  }
0xf2: {  	[tilespmem:v5+s30+$0x0] =	vst.idx.msk $0xffff, v26  }
0xf3: {  	[tilespmem:s21+$0xE050] =	vst v26  }
0xf4: {  	v26 =	vld.idx.msk [tilespmem:v6+s19+$0x0], $0xffff  }
0xf5: {  	v27 =	vld.idx.msk [tilespmem:v6+s20+$0x0], $0xffff;
	_ =	sdelay $0x4  }
0xf6: {  	v26 =	vadd.f32 v27, v26;
	_ =	sdelay $0x1  }
0xf7: {  	v27 =	vmul.f32 $2.000000030e-01, v26  }
0xf8: {  	vm13 =	vgt.f32 v26, $0.0e+00  }
0xf9: {  	v26 =	vsel vm13, v26, v27  }
0xfa: {  	v26 =	vsub.f32 v26, v25;
	_ =	sdelay $0x1  }
0xfb: {  	v26 =	vmul.f32 $1.442695020e+00, v26;
	_ =	sdelay $0x1  }
0xfc: {  	(erf) = vpow2.f32 v26;
	_ =	sdelay $0x7  }
0xfd: {  	s29 =	sor.u32 $0x50, s4  }
0xfe: {  	p4 =	slt.u32 s29, $0x50910;
	v26 =	vpop (erf)  }
0xff: {  	v26 =	vpsel !p4, $0x0, v26  }
0x100: {  	[tilespmem:v6+s30+$0x0] =	vst.idx.msk $0xffff, v26  }
0x101: {  	[tilespmem:s21+$0xE060] =	vst v26  }
0x102: {  	v26 =	vld.idx.msk [tilespmem:v7+s19+$0x0], $0xffff  }
0x103: {  	v27 =	vld.idx.msk [tilespmem:v7+s20+$0x0], $0xffff;
	_ =	sdelay $0x4  }
0x104: {  	v26 =	vadd.f32 v27, v26;
	_ =	sdelay $0x1  }
0x105: {  	v27 =	vmul.f32 $2.000000030e-01, v26  }
0x106: {  	vm14 =	vgt.f32 v26, $0.0e+00  }
0x107: {  	v26 =	vsel vm14, v26, v27  }
0x108: {  	v26 =	vsub.f32 v26, v25;
	_ =	sdelay $0x1  }
0x109: {  	v26 =	vmul.f32 $1.442695020e+00, v26;
	_ =	sdelay $0x1  }
0x10a: {  	(erf) = vpow2.f32 v26;
	_ =	sdelay $0x7  }
0x10b: {  	s1 =	sor.u32 $0x60, s4  }
0x10c: {  	p5 =	slt.u32 s1, $0x50910;
	v26 =	vpop (erf)  }
0x10d: {  	v26 =	vpsel !p5, $0x0, v26  }
0x10e: {  	[tilespmem:v7+s30+$0x0] =	vst.idx.msk $0xffff, v26  }
0x10f: {  	[tilespmem:s21+$0xE070] =	vst v26  }
0x110: {  	v26 =	vld.idx.msk [tilespmem:v8+s19+$0x0], $0xffff  }
0x111: {  	v27 =	vld.idx.msk [tilespmem:v8+s20+$0x0], $0xffff;
	_ =	sdelay $0x4  }
0x112: {  	v26 =	vadd.f32 v27, v26;
	_ =	sdelay $0x1  }
0x113: {  	v27 =	vmul.f32 $2.000000030e-01, v26  }
0x114: {  	vm15 =	vgt.f32 v26, $0.0e+00  }
0x115: {  	v26 =	vsel vm15, v26, v27  }
0x116: {  	v26 =	vsub.f32 v26, v25;
	_ =	sdelay $0x1  }
0x117: {  	v26 =	vmul.f32 $1.442695020e+00, v26;
	_ =	sdelay $0x1  }
0x118: {  	(erf) = vpow2.f32 v26;
	_ =	sdelay $0x7  }
0x119: {  	s24 =	sor.u32 $0x70, s4;
	s25 =	simm.s32 $0x0  }
0x11a: {  	p6 =	slt.u32 s24, $0x50910;
	v27 =	vmov s25;
	v26 =	vpop (erf)  }
0x11b: {  	v26 =	vpsel !p6, $0x0, v26  }
0x11c: {  	[tilespmem:v8+s30+$0x0] =	vst.idx.msk $0xffff, v26  }
0x11d: {  	s4 =	simm.s32 $0x3840;
	[tilespmem:s21+$0xE080] =	vst v26  }
0x11e: {  	v26 =	vld [tilespmem:s4+$0xFFFFFFF0]  }
0x11f: {  	v27 =	vld.idx.msk [tilespmem:v27+s30+$0x0], $0xffff;
	_ =	sdelay $0x1  }
0x120: {  	v28 =	vld [tilespmem:s4+$0xFFFFFFC0]  }
0x121: {  	v29 =	vld [tilespmem:s4+$0xFFFFFFD0]  }
0x122: {  	v30 =	vld [tilespmem:s4+$0xFFFFFFE0]  }
0x123: {  	v26 =	vmul.f32 v26, v27  }
0x124: {  	s29 =	simm.s32 $0x10  }
0x125: {  	v28 =	vmul.f32 v28, v27;
	[tilespmem:s4+$0xFFFFFFF0] =	vst v26;
	v26 =	vmov s29  }
0x126: {  	v29 =	vmul.f32 v29, v27  }
0x127: {  	v27 =	vmul.f32 v30, v27;
	v30 =	vld [tilespmem:s4+$0x10];
	[tilespmem:s4+$0xFFFFFFC0] =	vst v28  }
0x128: {  	[tilespmem:s4+$0xFFFFFFD0] =	vst v29;
	v28 =	vld [tilespmem:s4+$0x0]  }
0x129: {  	[tilespmem:s4+$0xFFFFFFE0] =	vst v27;
	v27 =	vld [tilespmem:s4+$0x30]  }
0x12a: {  	v26 =	vld.idx.msk [tilespmem:v26+s30+$0x0], $0xffff  }
0x12b: {  	s1 =	simm.s32 $0x3840;
	s21 =	simm.s32 $0x2;
	v29 =	vld [tilespmem:s4+$0x20]  }
.LBB2_5:
0x12c: {  	_ = 	snop  }
0x12d: {  	p1 =	sne.s32 s21, $0x7E  }
0x12e: {  	s4 =	sadd.s32 $0x80, s4;
	s0 =	smov.u32 s21;
	s21 =	sadd.s32 $0x2, s21  }
0x12f: {  	s0 =	sshll.u32 s0, $0x4;
	v28 =	vmul.f32 v28, v26;
	v30 =	vmul.f32 v30, v26  }
0x130: {  	v31 =	vmov s0;
	s0 =	sadd.s32 $0x10, s0;
	v29 =	vmul.f32 v29, v26;
	v26 =	vmul.f32 v27, v26  }
0x131: {  	[tilespmem:s1+$0x0] =	vst v28  }
0x132: {  	[tilespmem:s1+$0x10] =	vst v30  }
0x133: {  	v27 =	vld [tilespmem:s4+$0xFFFFFFE0];
	[tilespmem:s1+$0x30] =	vst v26  }
0x134: {  	v26 =	vld [tilespmem:s4+$0xFFFFFFF0];
	[tilespmem:s1+$0x20] =	vst v29;
	s1 =	smov.u32 s4  }
0x135: {  	v28 =	vld.idx.msk [tilespmem:v31+s30+$0x0], $0xffff  }
0x136: {  	v29 =	vld [tilespmem:s4+$0xFFFFFFC0]  }
0x137: {  	v30 =	vld [tilespmem:s4+$0xFFFFFFD0];
	_ =	sdelay $0x3  }
0x138: {  	v26 =	vmul.f32 v26, v28;
	v29 =	vmul.f32 v29, v28  }
0x139: {  	v31 =	vmov s0;
	v27 =	vmul.f32 v27, v28;
	v30 =	vmul.f32 v30, v28  }
0x13a: {  	[tilespmem:s4+$0xFFFFFFF0] =	vst v26  }
0x13b: {  	[tilespmem:s4+$0xFFFFFFC0] =	vst v29  }
.Ltmp3:
0x13c: {  	[tilespmem:s4+$0xFFFFFFD0] =	vst v30;
	v28 =	vld [tilespmem:s4+$0x0];
	(pc) =	sbr.rel @p1 .LBB2_5-.Ltmp3, $4  }
0x13d: {  	[tilespmem:s4+$0xFFFFFFE0] =	vst v27;
	v27 =	vld [tilespmem:s4+$0x30]  }
0x13e: {  	v26 =	vld.idx.msk [tilespmem:v31+s30+$0x0], $0xffff  }
0x13f: {  	v30 =	vld [tilespmem:s4+$0x10]  }
0x140: {  	v29 =	vld [tilespmem:s4+$0x20]  }
0x141: {  	s0 =	sshrl.u32 s22, $0x2  }
0x142: {  	s0 =	smulhi.u32 $0x24924925, s0  }
0x143: {  	v28 =	vmul.f32 v28, v26  }
0x144: {  	v27 =	vmul.f32 v27, v26;
	s4 =	smul.u32 $0x1C, s0  }
0x145: {  	s29 =	sadd.s32 $0x2, s22;
	v30 =	vmul.f32 v30, v26;
	s0 =	sand.u32 $0x1, s0;
	[tilespmem:s1+$0x0] =	vst v28  }
0x146: {  	v26 =	vmul.f32 v29, v26;
	p1 =	seq.s32 s0, $0x1;
	s0 =	simm.s32 $0xE00;
	[tilespmem:s1+$0x30] =	vst v27;
	s4 =	ssub.s32 s22, s4  }
0x147: {  	s21 =	sshrl.u32 s29, $0x2;
	[tilespmem:s1+$0x10] =	vst v30;
	s0 =	simm.s32 @!p1 $0x0;
	s4 =	sshll.u32 s4, $0x7  }
0x148: {  	[tilespmem:s1+$0x20] =	vst v26;
	s1 =	smulhi.u32 $0x24924925, s21;
	s21 =	simm.s32 $0x3800;
	s0 =	sadd.s32 s4, s0  }
0x149: {  	[spmem:s3] =	stream.indirect.scatter.add.f32 [tilespmem:s21], [sflag:$0x4], $0x40, s0, s11, $0xb8;
	[tilespmem:$0x1D210] =	vst v63  }
0x14a: {  	s25 =	rddreg [dreg:$0x3];
	s24 =	smul.u32 $0x1C, s1  }
0x14b: {  	[spmem:s25] =	stream.indirect.scatter.add.f32 [tilespmem:s30], [sflag:$0x4], $0x10, s0, s11, $0xb8;
	[tilespmem:$0x1D210] =	vst v63  }
0x14c: {  	s0 =	ssub.s32 s29, s24  }
0x14d: {  	p1 =	sne.s32 s0, $0x0  }
0x14e: {  	s4 =	smul.u32 @!p1 $0xE00, s1  }
0x14f: {  	s21 =	sand.u32 @!p1 $0x1, s1  }
0x150: {  	p2 =	seq.s32 @!p1 s21, $0x1;
	s4 =	sadd.s32 @!p1 s12, s4  }
0x151: {  	s21 =	simm.s32 @!p1 $0xE00;
	p2 =	por !p2, p1;
	s4 =	sshrl.u32 @!p1 s4, $0x3  }
0x152: {  	s25 =	simm.s32 @!p1 $0x0;
	s21 =	simm.s32 @p2 $0x0;
	s24 =	sadd.s32 @!p1 s6, s4  }
0x153: {  	[tilespmem:s21], [sflag:$0x7] =	stream.linear.gather @!p1 [hbm4b:s24+s25], $0xE00, $0x38;
	[tilespmem:$0x1D210] =	vst v63  }
0x154: {  	s24 =	simm.s32 @!p1 $0x7  }
0x155: {  	_ =	swait.ge @!p1 [sflag:s24], $0xE00  }
0x156: {  	[sflag:s24] =	ssyncset.done @!p1 $0x0  }
0x157: {  	s4 =	sadd.s32 @!p1 s7, s4;
	s21 =	sadd.s32 @!p1 $0x1C00, s21;
	[sflag:s24] =	ssyncadd.s32 @!p1 $0xFFFFF200  }
0x158: {  	[tilespmem:s21], [sflag:$0x7] =	stream.linear.gather @!p1 [hbm4b:s4+s25], $0xE00, $0x38;
	[tilespmem:$0x1D210] =	vst v63  }
0x159: {  	_ =	swait.ge @!p1 [sflag:s24], $0xE00  }
0x15a: {  	[sflag:s24] =	ssyncset.done @!p1 $0x0  }
0x15b: {  	s4 =	simm.s32 @!p0 $0x6;
	[sflag:s24] =	ssyncadd.s32 @!p1 $0xFFFFF200  }
0x15c: {  	_ =	swait.ge @!p0 [sflag:s4], $0x2000  }
0x15d: {  	[sflag:s4] =	ssyncset.done @!p0 $0x0  }
0x15e: {  	s1 =	sand.u32 $0x1, s1;
	[sflag:s4] =	ssyncadd.s32 @!p0 $0xFFFFE000  }
0x15f: {  	p1 =	seq.s32 s1, $0x1;
	s24 =	simm.s32 $0xE00;
	_ =	swait.ge @!p0 [sflag:s4], $0x800  }
0x160: {  	s21 =	sshll.u32 s0, $0x7;
	s24 =	simm.s32 @!p1 $0x0;
	[sflag:s4] =	ssyncset.done @!p0 $0x0  }
0x161: {  	s0 =	sadd.s32 s21, s24;
	[sflag:s4] =	ssyncadd.s32 @!p0 $0xFFFFF800;
	s4 =	simm.s32 $0xC000  }
0x162: {  	[tilespmem:s4], [sflag:$0x3] =	stream.indirect.gather [hbm4b:s8+s11], $0x10, s0, s11, $0xb8;
	[tilespmem:$0x1D210] =	vst v63  }
0x163: {  	s25 =	simm.s32 $0xD800;
	s0 =	sadd.s32 $0x1C00, s0  }
0x164: {  	[tilespmem:s25], [sflag:$0x3] =	stream.indirect.gather [hbm4b:s9+s11], $0x10, s0, s11, $0xb8;
	[tilespmem:$0x1D210] =	vst v63  }
0x165: {  	s4 =	rddreg [dreg:$0x1];
	s25 =	simm.s32 $0x7800  }
0x166: {  	[tilespmem:s25], [sflag:$0x3] =	stream.indirect.gather [hbm4b:s4+s11], $0x40, s0, s11, $0xb8;
	[tilespmem:$0x1D210] =	vst v63  }
0x167: {  	_ =	swait.ge [sflag:s15], $0x800  }
0x168: {  	[sflag:s15] =	ssyncset.done $0x0  }
0x169: {  	[sflag:s15] =	ssyncadd.s32 $0xFFFFF800  }
0x16a: {  	_ =	swait.ge [sflag:s15], $0x800  }
0x16b: {  	[sflag:s15] =	ssyncset.done $0x0  }
0x16c: {  	[sflag:s15] =	ssyncadd.s32 $0xFFFFF800  }
0x16d: {  	_ =	swait.ge [sflag:s15], $0x2000  }
0x16e: {  	[sflag:s15] =	ssyncset.done $0x0  }
0x16f: {  	[sflag:s15] =	ssyncadd.s32 $0xFFFFE000  }
0x170: {  	v26 =	vld.idx.msk [tilespmem:v9+s19+$0x0], $0xffff  }
0x171: {  	v27 =	vld.idx.msk [tilespmem:v9+s20+$0x0], $0xffff;
	_ =	sdelay $0x4  }
0x172: {  	v26 =	vadd.f32 v27, v26;
	_ =	sdelay $0x1  }
0x173: {  	v27 =	vmul.f32 $2.000000030e-01, v26  }
0x174: {  	vm0 =	vgt.f32 v26, $0.0e+00  }
0x175: {  	v26 =	vsel vm0, v26, v27  }
0x176: {  	v26 =	vsub.f32 v26, v25;
	_ =	sdelay $0x1  }
0x177: {  	v26 =	vmul.f32 $1.442695020e+00, v26;
	_ =	sdelay $0x1  }
0x178: {  	(erf) = vpow2.f32 v26;
	_ =	sdelay $0x6  }
0x179: {  	s5 =	sshll.u32 s5, $0x7  }
0x17a: {  	s4 =	sadd.s32 s12, s5  }
0x17b: {  	p5 =	slt.u32 s4, $0x50910;
	v26 =	vpop (erf)  }
0x17c: {  	v26 =	vpsel !p5, $0x0, v26  }
0x17d: {  	[tilespmem:v0+s16+$0x0] =	vst.idx.msk $0xffff, v26  }
0x17e: {  	[tilespmem:s5+$0xE010] =	vst v26  }
0x17f: {  	v26 =	vld.idx.msk [tilespmem:v10+s19+$0x0], $0xffff  }
0x180: {  	v27 =	vld.idx.msk [tilespmem:v10+s20+$0x0], $0xffff;
	_ =	sdelay $0x4  }
0x181: {  	v26 =	vadd.f32 v27, v26;
	_ =	sdelay $0x1  }
0x182: {  	v27 =	vmul.f32 $2.000000030e-01, v26  }
0x183: {  	vm9 =	vgt.f32 v26, $0.0e+00  }
0x184: {  	v26 =	vsel vm9, v26, v27  }
0x185: {  	v26 =	vsub.f32 v26, v25;
	_ =	sdelay $0x1  }
0x186: {  	v26 =	vmul.f32 $1.442695020e+00, v26;
	_ =	sdelay $0x1  }
0x187: {  	(erf) = vpow2.f32 v26;
	_ =	sdelay $0x7  }
0x188: {  	s1 =	sor.u32 $0x10, s4  }
0x189: {  	p6 =	slt.u32 s1, $0x50910;
	v26 =	vpop (erf)  }
0x18a: {  	v26 =	vpsel !p6, $0x0, v26  }
0x18b: {  	[tilespmem:v2+s16+$0x0] =	vst.idx.msk $0xffff, v26  }
0x18c: {  	[tilespmem:s5+$0xE020] =	vst v26  }
0x18d: {  	v26 =	vld.idx.msk [tilespmem:v11+s19+$0x0], $0xffff  }
0x18e: {  	v27 =	vld.idx.msk [tilespmem:v11+s20+$0x0], $0xffff;
	_ =	sdelay $0x4  }
0x18f: {  	v26 =	vadd.f32 v27, v26;
	_ =	sdelay $0x1  }
0x190: {  	v27 =	vmul.f32 $2.000000030e-01, v26  }
0x191: {  	vm10 =	vgt.f32 v26, $0.0e+00  }
0x192: {  	v26 =	vsel vm10, v26, v27  }
0x193: {  	v26 =	vsub.f32 v26, v25;
	_ =	sdelay $0x1  }
0x194: {  	v26 =	vmul.f32 $1.442695020e+00, v26;
	_ =	sdelay $0x1  }
0x195: {  	(erf) = vpow2.f32 v26;
	_ =	sdelay $0x7  }
0x196: {  	s25 =	sor.u32 $0x20, s4  }
0x197: {  	p1 =	slt.u32 s25, $0x50910;
	v26 =	vpop (erf)  }
0x198: {  	v26 =	vpsel !p1, $0x0, v26  }
0x199: {  	[tilespmem:v3+s16+$0x0] =	vst.idx.msk $0xffff, v26  }
0x19a: {  	[tilespmem:s5+$0xE030] =	vst v26  }
0x19b: {  	v26 =	vld.idx.msk [tilespmem:v12+s19+$0x0], $0xffff  }
0x19c: {  	v27 =	vld.idx.msk [tilespmem:v12+s20+$0x0], $0xffff;
	_ =	sdelay $0x4  }
0x19d: {  	v26 =	vadd.f32 v27, v26;
	_ =	sdelay $0x1  }
0x19e: {  	v27 =	vmul.f32 $2.000000030e-01, v26  }
0x19f: {  	vm11 =	vgt.f32 v26, $0.0e+00  }
0x1a0: {  	v26 =	vsel vm11, v26, v27  }
0x1a1: {  	v26 =	vsub.f32 v26, v25;
	_ =	sdelay $0x1  }
0x1a2: {  	v26 =	vmul.f32 $1.442695020e+00, v26;
	_ =	sdelay $0x1  }
0x1a3: {  	(erf) = vpow2.f32 v26;
	_ =	sdelay $0x7  }
0x1a4: {  	s1 =	sor.u32 $0x30, s4  }
0x1a5: {  	p2 =	slt.u32 s1, $0x50910;
	v26 =	vpop (erf)  }
0x1a6: {  	v26 =	vpsel !p2, $0x0, v26  }
0x1a7: {  	[tilespmem:v4+s16+$0x0] =	vst.idx.msk $0xffff, v26  }
0x1a8: {  	[tilespmem:s5+$0xE040] =	vst v26  }
0x1a9: {  	v26 =	vld.idx.msk [tilespmem:v13+s19+$0x0], $0xffff  }
0x1aa: {  	v27 =	vld.idx.msk [tilespmem:v13+s20+$0x0], $0xffff;
	_ =	sdelay $0x4  }
0x1ab: {  	v26 =	vadd.f32 v27, v26;
	_ =	sdelay $0x1  }
0x1ac: {  	v27 =	vmul.f32 $2.000000030e-01, v26  }
0x1ad: {  	vm12 =	vgt.f32 v26, $0.0e+00  }
0x1ae: {  	v26 =	vsel vm12, v26, v27  }
0x1af: {  	v26 =	vsub.f32 v26, v25;
	_ =	sdelay $0x1  }
0x1b0: {  	v26 =	vmul.f32 $1.442695020e+00, v26;
	_ =	sdelay $0x1  }
0x1b1: {  	(erf) = vpow2.f32 v26;
	_ =	sdelay $0x7  }
0x1b2: {  	s25 =	sor.u32 $0x40, s4  }
0x1b3: {  	p3 =	slt.u32 s25, $0x50910;
	v26 =	vpop (erf)  }
0x1b4: {  	v26 =	vpsel !p3, $0x0, v26  }
0x1b5: {  	[tilespmem:v5+s16+$0x0] =	vst.idx.msk $0xffff, v26  }
0x1b6: {  	[tilespmem:s5+$0xE050] =	vst v26  }
0x1b7: {  	v26 =	vld.idx.msk [tilespmem:v14+s19+$0x0], $0xffff  }
0x1b8: {  	v27 =	vld.idx.msk [tilespmem:v14+s20+$0x0], $0xffff;
	_ =	sdelay $0x4  }
0x1b9: {  	v26 =	vadd.f32 v27, v26;
	_ =	sdelay $0x1  }
0x1ba: {  	v27 =	vmul.f32 $2.000000030e-01, v26  }
0x1bb: {  	vm13 =	vgt.f32 v26, $0.0e+00  }
0x1bc: {  	v26 =	vsel vm13, v26, v27  }
0x1bd: {  	v26 =	vsub.f32 v26, v25;
	_ =	sdelay $0x1  }
0x1be: {  	v26 =	vmul.f32 $1.442695020e+00, v26;
	_ =	sdelay $0x1  }
0x1bf: {  	(erf) = vpow2.f32 v26;
	_ =	sdelay $0x7  }
0x1c0: {  	s1 =	sor.u32 $0x50, s4  }
0x1c1: {  	p4 =	slt.u32 s1, $0x50910;
	v26 =	vpop (erf)  }
0x1c2: {  	v26 =	vpsel !p4, $0x0, v26  }
0x1c3: {  	[tilespmem:v6+s16+$0x0] =	vst.idx.msk $0xffff, v26  }
0x1c4: {  	[tilespmem:s5+$0xE060] =	vst v26  }
0x1c5: {  	v26 =	vld.idx.msk [tilespmem:v15+s19+$0x0], $0xffff  }
0x1c6: {  	v27 =	vld.idx.msk [tilespmem:v15+s20+$0x0], $0xffff;
	_ =	sdelay $0x4  }
0x1c7: {  	v26 =	vadd.f32 v27, v26;
	_ =	sdelay $0x1  }
0x1c8: {  	v27 =	vmul.f32 $2.000000030e-01, v26  }
0x1c9: {  	vm14 =	vgt.f32 v26, $0.0e+00  }
0x1ca: {  	v26 =	vsel vm14, v26, v27  }
0x1cb: {  	v26 =	vsub.f32 v26, v25;
	_ =	sdelay $0x1  }
0x1cc: {  	v26 =	vmul.f32 $1.442695020e+00, v26;
	_ =	sdelay $0x1  }
0x1cd: {  	(erf) = vpow2.f32 v26;
	_ =	sdelay $0x7  }
0x1ce: {  	s25 =	sor.u32 $0x60, s4  }
0x1cf: {  	p5 =	slt.u32 s25, $0x50910;
	v26 =	vpop (erf)  }
0x1d0: {  	v26 =	vpsel !p5, $0x0, v26  }
0x1d1: {  	[tilespmem:v7+s16+$0x0] =	vst.idx.msk $0xffff, v26  }
0x1d2: {  	[tilespmem:s5+$0xE070] =	vst v26  }
0x1d3: {  	v26 =	vld.idx.msk [tilespmem:v16+s19+$0x0], $0xffff  }
0x1d4: {  	v27 =	vld.idx.msk [tilespmem:v16+s20+$0x0], $0xffff;
	_ =	sdelay $0x4  }
0x1d5: {  	v26 =	vadd.f32 v27, v26;
	_ =	sdelay $0x1  }
0x1d6: {  	v27 =	vmul.f32 $2.000000030e-01, v26  }
0x1d7: {  	vm15 =	vgt.f32 v26, $0.0e+00  }
0x1d8: {  	v26 =	vsel vm15, v26, v27  }
0x1d9: {  	v26 =	vsub.f32 v26, v25;
	_ =	sdelay $0x1  }
0x1da: {  	v26 =	vmul.f32 $1.442695020e+00, v26;
	_ =	sdelay $0x1  }
0x1db: {  	(erf) = vpow2.f32 v26;
	_ =	sdelay $0x3  }
0x1dc: {  	s1 =	simm.s32 $0x0  }
0x1dd: {  	v26 =	vmov s1  }
0x1de: {  	v26 =	vadd.s32 $0x800, v26  }
0x1df: {  	v26 =	vbroadcast v26, $0x0  }
0x1e0: {  	s4 =	sor.u32 $0x70, s4  }
0x1e1: {  	p6 =	slt.u32 s4, $0x50910;
	v27 =	vpop (erf)  }
0x1e2: {  	v27 =	vpsel !p6, $0x0, v27  }
0x1e3: {  	[tilespmem:v8+s16+$0x0] =	vst.idx.msk $0xffff, v27  }
0x1e4: {  	[tilespmem:s5+$0xE080] =	vst v27  }
0x1e5: {  	s4 =	simm.s32 $0x5870;
	v26 =	vld.idx.msk [tilespmem:v26+s30+$0x0], $0xffff  }
0x1e6: {  	v27 =	vld [tilespmem:s4+$0xFFFFFF90]  }
0x1e7: {  	v28 =	vld [tilespmem:s4+$0xFFFFFFC0]  }
0x1e8: {  	s5 =	simm.s32 $0x10;
	v29 =	vld [tilespmem:s4+$0xFFFFFFA0]  }
0x1e9: {  	v30 =	vld [tilespmem:s4+$0xFFFFFFB0];
	v31 =	vmov s5  }
0x1ea: {  	v31 =	vadd.s32 $0x800, v31  }
0x1eb: {  	v31 =	vbroadcast v31, $0x0;
	v27 =	vmul.f32 v27, v26  }
0x1ec: {  	v28 =	vmul.f32 v28, v26  }
0x1ed: {  	[tilespmem:s4+$0xFFFFFF90] =	vst v27;
	v27 =	vmul.f32 v29, v26  }
0x1ee: {  	v26 =	vmul.f32 v30, v26;
	[tilespmem:s4+$0xFFFFFFC0] =	vst v28  }
0x1ef: {  	v29 =	vld [tilespmem:s4+$0xFFFFFFD0];
	[tilespmem:s4+$0xFFFFFFA0] =	vst v27  }
0x1f0: {  	v30 =	vld [tilespmem:s4+$0xFFFFFFE0];
	[tilespmem:s4+$0xFFFFFFB0] =	vst v26  }
0x1f1: {  	v26 =	vld.idx.msk [tilespmem:v31+s30+$0x0], $0xffff  }
0x1f2: {  	s25 =	simm.s32 $0x20;
	v27 =	vld [tilespmem:s4+$0xFFFFFFF0]  }
0x1f3: {  	s0 =	simm.s32 $0x30;
	s1 =	simm.s32 $0x5870;
	s5 =	simm.s32 $0x4;
	v28 =	vld [tilespmem:s4+$0x0];
	v31 =	vmov s25  }
.LBB2_7:
0x1f4: {  	p0 =	sne.s32 s5, $0x7E  }
0x1f5: {  	v31 =	vadd.s32 $0x800, v31;
	s4 =	sadd.s32 $0x80, s4;
	s25 =	smov.u32 s5;
	s5 =	sadd.s32 $0x2, s5  }
0x1f6: {  	v31 =	vbroadcast v31, $0x0;
	v29 =	vmul.f32 v29, v26  }
0x1f7: {  	v27 =	vmul.f32 v27, v26;
	v30 =	vmul.f32 v30, v26  }
0x1f8: {  	[tilespmem:s1+$0xFFFFFFD0] =	vst v29;
	v26 =	vmul.f32 v28, v26  }
0x1f9: {  	[tilespmem:s1+$0xFFFFFFE0] =	vst v30  }
0x1fa: {  	[tilespmem:s1+$0xFFFFFFF0] =	vst v27  }
0x1fb: {  	v27 =	vld [tilespmem:s4+$0xFFFFFFC0];
	[tilespmem:s1+$0x0] =	vst v26;
	s1 =	smov.u32 s4  }
0x1fc: {  	v26 =	vld.idx.msk [tilespmem:v31+s30+$0x0], $0xffff  }
0x1fd: {  	v28 =	vld [tilespmem:s4+$0xFFFFFF90]  }
0x1fe: {  	v29 =	vld [tilespmem:s4+$0xFFFFFFB0]  }
0x1ff: {  	v30 =	vld [tilespmem:s4+$0xFFFFFFA0]  }
0x200: {  	v31 =	vmov s0  }
0x201: {  	v31 =	vadd.s32 $0x800, v31  }
0x202: {  	v31 =	vbroadcast v31, $0x0;
	v28 =	vmul.f32 v28, v26  }
0x203: {  	v27 =	vmul.f32 v27, v26;
	v29 =	vmul.f32 v29, v26  }
0x204: {  	[tilespmem:s4+$0xFFFFFF90] =	vst v28;
	v26 =	vmul.f32 v30, v26  }
0x205: {  	[tilespmem:s4+$0xFFFFFFC0] =	vst v27  }
0x206: {  	[tilespmem:s4+$0xFFFFFFA0] =	vst v26  }
0x207: {  	[tilespmem:s4+$0xFFFFFFB0] =	vst v29;
	v27 =	vld [tilespmem:s4+$0xFFFFFFF0]  }
.Ltmp4:
0x208: {  	v26 =	vld.idx.msk [tilespmem:v31+s30+$0x0], $0xffff;
	(pc) =	sbr.rel @p0 .LBB2_7-.Ltmp4, $4  }
0x209: {  	v29 =	vld [tilespmem:s4+$0xFFFFFFD0]  }
0x20a: {  	v30 =	vld [tilespmem:s4+$0xFFFFFFE0]  }
0x20b: {  	s0 =	sshll.u32 s25, $0x4;
	v28 =	vld [tilespmem:s4+$0x0]  }
0x20c: {  	v31 =	vmov s0;
	s0 =	sadd.s32 $0x10, s0  }
0x20d: {  	v31 =	vadd.s32 $0x800, v31  }
0x20e: {  	v27 =	vmul.f32 v27, v26;
	v31 =	vbroadcast v31, $0x0  }
0x20f: {  	v29 =	vmul.f32 v29, v26  }
0x210: {  	v30 =	vmul.f32 v30, v26;
	[tilespmem:s1+$0xFFFFFFF0] =	vst v27  }
0x211: {  	[tilespmem:s1+$0xFFFFFFD0] =	vst v29;
	v26 =	vmul.f32 v28, v26  }
0x212: {  	s4 =	sadd.s32 $0x80, s4;
	[tilespmem:s1+$0xFFFFFFE0] =	vst v30  }
0x213: {  	v27 =	vld [tilespmem:s4+$0xFFFFFF90];
	[tilespmem:s1+$0x0] =	vst v26  }
0x214: {  	v26 =	vld.idx.msk [tilespmem:v31+s30+$0x0], $0xffff  }
0x215: {  	v28 =	vld [tilespmem:s4+$0xFFFFFFC0]  }
0x216: {  	v29 =	vld [tilespmem:s4+$0xFFFFFFA0]  }
0x217: {  	v30 =	vld [tilespmem:s4+$0xFFFFFFB0];
	v31 =	vmov s0  }
0x218: {  	v31 =	vadd.s32 $0x800, v31  }
0x219: {  	v31 =	vbroadcast v31, $0x0;
	v27 =	vmul.f32 v27, v26  }
0x21a: {  	v28 =	vmul.f32 v28, v26  }
0x21b: {  	[tilespmem:s4+$0xFFFFFF90] =	vst v27;
	v27 =	vmul.f32 v29, v26  }
0x21c: {  	v26 =	vmul.f32 v30, v26;
	[tilespmem:s4+$0xFFFFFFC0] =	vst v28  }
0x21d: {  	[tilespmem:s4+$0xFFFFFFA0] =	vst v27  }
0x21e: {  	[tilespmem:s4+$0xFFFFFFB0] =	vst v26;
	v27 =	vld [tilespmem:s4+$0xFFFFFFD0]  }
0x21f: {  	v26 =	vld.idx.msk [tilespmem:v31+s30+$0x0], $0xffff  }
0x220: {  	v28 =	vld [tilespmem:s4+$0xFFFFFFE0]  }
0x221: {  	v29 =	vld [tilespmem:s4+$0xFFFFFFF0]  }
0x222: {  	s0 =	sadd.s32 $0x3, s22;
	v30 =	vld [tilespmem:s4+$0x0]  }
0x223: {  	s5 =	sshrl.u32 s0, $0x2  }
0x224: {  	s1 =	smulhi.u32 $0x24924925, s5;
	v27 =	vmul.f32 v27, v26  }
0x225: {  	v28 =	vmul.f32 v28, v26  }
0x226: {  	s25 =	smul.u32 $0x1C, s1;
	v29 =	vmul.f32 v29, v26;
	[tilespmem:s4+$0xFFFFFFD0] =	vst v27  }
0x227: {  	v26 =	vmul.f32 v30, v26;
	[tilespmem:s4+$0xFFFFFFE0] =	vst v28  }
0x228: {  	p0 =	seq.s32 s2, $0x1B;
	s0 =	ssub.s32 s0, s25;
	[tilespmem:s4+$0xFFFFFFF0] =	vst v29  }
0x229: {  	s22 =	simm.s32 $0x5800;
	p2 =	sne.s32 @!p0 s0, $0x0;
	[tilespmem:s4+$0x0] =	vst v26  }
0x22a: {  	[spmem:s3] =	stream.indirect.scatter.add.f32 [tilespmem:s22], [sflag:$0x5], $0x40, s28, s11, $0xb8;
	[tilespmem:$0x1D210] =	vst v63  }
0x22b: {  	s5 =	rddreg [dreg:$0x3];
	p1 =	por p2, p0  }
0x22c: {  	[spmem:s5] =	stream.indirect.scatter.add.f32 [tilespmem:s16], [sflag:$0x5], $0x10, s28, s11, $0xb8;
	[tilespmem:$0x1D210] =	vst v63  }
0x22d: {  	s4 =	smul.u32 @!p1 $0xE00, s1;
	s5 =	sand.u32 @!p1 $0x1, s1  }
0x22e: {  	p3 =	seq.s32 @!p1 s5, $0x1  }
0x22f: {  	s4 =	sadd.s32 @!p1 s12, s4;
	p2 =	por @!p0 !p3, p2  }
0x230: {  	s4 =	sshrl.u32 @!p1 s4, $0x3;
	s5 =	simm.s32 @!p1 $0xE00;
	p2 =	por !p2, p0  }
0x231: {  	s25 =	simm.s32 @!p1 $0x0;
	s22 =	sadd.s32 @!p1 s6, s4;
	s5 =	simm.s32 @!p2 $0x0  }
0x232: {  	[tilespmem:s5], [sflag:$0x7] =	stream.linear.gather @!p1 [hbm4b:s22+s25], $0xE00, $0x38;
	[tilespmem:$0x1D210] =	vst v63  }
0x233: {  	s22 =	simm.s32 @!p1 $0x7  }
0x234: {  	_ =	swait.ge @!p1 [sflag:s22], $0xE00  }
0x235: {  	[sflag:s22] =	ssyncset.done @!p1 $0x0  }
0x236: {  	s4 =	sadd.s32 @!p1 s7, s4;
	s5 =	sadd.s32 @!p1 $0x1C00, s5;
	[sflag:s22] =	ssyncadd.s32 @!p1 $0xFFFFF200  }
0x237: {  	[tilespmem:s5], [sflag:$0x7] =	stream.linear.gather @!p1 [hbm4b:s4+s25], $0xE00, $0x38;
	[tilespmem:$0x1D210] =	vst v63  }
0x238: {  	_ =	swait.ge @!p1 [sflag:s22], $0xE00  }
0x239: {  	[sflag:s22] =	ssyncset.done @!p1 $0x0  }
0x23a: {  	[sflag:s22] =	ssyncadd.s32 @!p1 $0xFFFFF200  }
0x23b: {  	_ =	swait.ge [sflag:s17], $0x2000  }
0x23c: {  	s1 =	sand.u32 @!p0 $0x1, s1;
	[sflag:s17] =	ssyncset.done $0x0  }
0x23d: {  	s0 =	sshll.u32 @!p0 s0, $0x7;
	p1 =	seq.s32 @!p0 s1, $0x1;
	[sflag:s17] =	ssyncadd.s32 $0xFFFFE000  }
0x23e: {  	s1 =	simm.s32 @!p0 $0xE00;
	p1 =	por !p1, p0;
	_ =	swait.ge [sflag:s17], $0x800  }
0x23f: {  	s4 =	simm.s32 @!p0 $0xB000;
	s1 =	simm.s32 @p1 $0x0;
	[sflag:s17] =	ssyncset.done $0x0  }
0x240: {  	s0 =	sadd.s32 @!p0 s0, s1;
	s1 =	simm.s32 @!p0 $0x80;
	[sflag:s17] =	ssyncadd.s32 $0xFFFFF800  }
0x241: {  	[tilespmem:s4], [sflag:$0x1] =	stream.indirect.gather @!p0 [hbm4b:s8+s1], $0x10, s0, s1, $0xb8;
	[tilespmem:$0x1D210] =	vst v63  }
0x242: {  	s0 =	sadd.s32 @!p0 $0x1C00, s0;
	s4 =	simm.s32 @!p0 $0xC800  }
0x243: {  	[tilespmem:s4], [sflag:$0x1] =	stream.indirect.gather @!p0 [hbm4b:s9+s1], $0x10, s0, s1, $0xb8;
	[tilespmem:$0x1D210] =	vst v63  }
0x244: {  	s5 =	rddreg [dreg:$0x1];
	s4 =	simm.s32 @!p0 $0x3800  }
0x245: {  	[tilespmem:s4], [sflag:$0x1] =	stream.indirect.gather @!p0 [hbm4b:s5+s1], $0x40, s0, s1, $0xb8;
	[tilespmem:$0x1D210] =	vst v63  }
0x246: {  	_ =	swait.ge [sflag:s18], $0x800  }
0x247: {  	[sflag:s18] =	ssyncset.done $0x0  }
0x248: {  	[sflag:s18] =	ssyncadd.s32 $0xFFFFF800  }
0x249: {  	_ =	swait.ge [sflag:s18], $0x800  }
0x24a: {  	[sflag:s18] =	ssyncset.done $0x0  }
0x24b: {  	[sflag:s18] =	ssyncadd.s32 $0xFFFFF800  }
0x24c: {  	_ =	swait.ge [sflag:s18], $0x2000  }
0x24d: {  	[sflag:s18] =	ssyncset.done $0x0  }
0x24e: {  	[sflag:s18] =	ssyncadd.s32 $0xFFFFE000  }
0x24f: {  	v26 =	vld.idx.msk [tilespmem:v17+s19+$0x0], $0xffff  }
0x250: {  	v27 =	vld.idx.msk [tilespmem:v17+s20+$0x0], $0xffff;
	_ =	sdelay $0x4  }
0x251: {  	v26 =	vadd.f32 v27, v26;
	_ =	sdelay $0x1  }
0x252: {  	v27 =	vmul.f32 $2.000000030e-01, v26  }
0x253: {  	vm0 =	vgt.f32 v26, $0.0e+00  }
0x254: {  	v26 =	vsel vm0, v26, v27  }
0x255: {  	v26 =	vsub.f32 v26, v25;
	_ =	sdelay $0x1  }
0x256: {  	v26 =	vmul.f32 $1.442695020e+00, v26;
	_ =	sdelay $0x1  }
0x257: {  	(erf) = vpow2.f32 v26;
	_ =	sdelay $0x6  }
0x258: {  	s5 =	sshll.u32 s29, $0x7  }
0x259: {  	s4 =	sadd.s32 s12, s5  }
0x25a: {  	p5 =	slt.u32 s4, $0x50910;
	v26 =	vpop (erf)  }
0x25b: {  	v26 =	vpsel !p5, $0x0, v26  }
0x25c: {  	[tilespmem:v0+s23+$0x0] =	vst.idx.msk $0xffff, v26  }
0x25d: {  	[tilespmem:s5+$0xE010] =	vst v26  }
0x25e: {  	v26 =	vld.idx.msk [tilespmem:v18+s19+$0x0], $0xffff  }
0x25f: {  	v27 =	vld.idx.msk [tilespmem:v18+s20+$0x0], $0xffff;
	_ =	sdelay $0x4  }
0x260: {  	v26 =	vadd.f32 v27, v26;
	_ =	sdelay $0x1  }
0x261: {  	v27 =	vmul.f32 $2.000000030e-01, v26  }
0x262: {  	vm9 =	vgt.f32 v26, $0.0e+00  }
0x263: {  	v26 =	vsel vm9, v26, v27  }
0x264: {  	v26 =	vsub.f32 v26, v25;
	_ =	sdelay $0x1  }
0x265: {  	v26 =	vmul.f32 $1.442695020e+00, v26;
	_ =	sdelay $0x1  }
0x266: {  	(erf) = vpow2.f32 v26;
	_ =	sdelay $0x7  }
0x267: {  	s29 =	sor.u32 $0x10, s4  }
0x268: {  	p6 =	slt.u32 s29, $0x50910;
	v26 =	vpop (erf)  }
0x269: {  	v26 =	vpsel !p6, $0x0, v26  }
0x26a: {  	[tilespmem:v2+s23+$0x0] =	vst.idx.msk $0xffff, v26  }
0x26b: {  	[tilespmem:s5+$0xE020] =	vst v26  }
0x26c: {  	v26 =	vld.idx.msk [tilespmem:v19+s19+$0x0], $0xffff  }
0x26d: {  	v27 =	vld.idx.msk [tilespmem:v19+s20+$0x0], $0xffff;
	_ =	sdelay $0x4  }
0x26e: {  	v26 =	vadd.f32 v27, v26;
	_ =	sdelay $0x1  }
0x26f: {  	v27 =	vmul.f32 $2.000000030e-01, v26  }
0x270: {  	vm10 =	vgt.f32 v26, $0.0e+00  }
0x271: {  	v26 =	vsel vm10, v26, v27  }
0x272: {  	v26 =	vsub.f32 v26, v25;
	_ =	sdelay $0x1  }
0x273: {  	v26 =	vmul.f32 $1.442695020e+00, v26;
	_ =	sdelay $0x1  }
0x274: {  	(erf) = vpow2.f32 v26;
	_ =	sdelay $0x7  }
0x275: {  	s1 =	sor.u32 $0x20, s4  }
0x276: {  	p1 =	slt.u32 s1, $0x50910;
	v26 =	vpop (erf)  }
0x277: {  	v26 =	vpsel !p1, $0x0, v26  }
0x278: {  	[tilespmem:v3+s23+$0x0] =	vst.idx.msk $0xffff, v26  }
0x279: {  	[tilespmem:s5+$0xE030] =	vst v26  }
0x27a: {  	v26 =	vld.idx.msk [tilespmem:v20+s19+$0x0], $0xffff  }
0x27b: {  	v27 =	vld.idx.msk [tilespmem:v20+s20+$0x0], $0xffff;
	_ =	sdelay $0x4  }
0x27c: {  	v26 =	vadd.f32 v27, v26;
	_ =	sdelay $0x1  }
0x27d: {  	v27 =	vmul.f32 $2.000000030e-01, v26  }
0x27e: {  	vm11 =	vgt.f32 v26, $0.0e+00  }
0x27f: {  	v26 =	vsel vm11, v26, v27  }
0x280: {  	v26 =	vsub.f32 v26, v25;
	_ =	sdelay $0x1  }
0x281: {  	v26 =	vmul.f32 $1.442695020e+00, v26;
	_ =	sdelay $0x1  }
0x282: {  	(erf) = vpow2.f32 v26;
	_ =	sdelay $0x7  }
0x283: {  	s22 =	sor.u32 $0x30, s4  }
0x284: {  	p2 =	slt.u32 s22, $0x50910;
	v26 =	vpop (erf)  }
0x285: {  	v26 =	vpsel !p2, $0x0, v26  }
0x286: {  	[tilespmem:v4+s23+$0x0] =	vst.idx.msk $0xffff, v26  }
0x287: {  	[tilespmem:s5+$0xE040] =	vst v26  }
0x288: {  	v26 =	vld.idx.msk [tilespmem:v21+s19+$0x0], $0xffff  }
0x289: {  	v27 =	vld.idx.msk [tilespmem:v21+s20+$0x0], $0xffff;
	_ =	sdelay $0x4  }
0x28a: {  	v26 =	vadd.f32 v27, v26;
	_ =	sdelay $0x1  }
0x28b: {  	v27 =	vmul.f32 $2.000000030e-01, v26  }
0x28c: {  	vm12 =	vgt.f32 v26, $0.0e+00  }
0x28d: {  	v26 =	vsel vm12, v26, v27  }
0x28e: {  	v26 =	vsub.f32 v26, v25;
	_ =	sdelay $0x1  }
0x28f: {  	v26 =	vmul.f32 $1.442695020e+00, v26;
	_ =	sdelay $0x1  }
0x290: {  	(erf) = vpow2.f32 v26;
	_ =	sdelay $0x7  }
0x291: {  	s25 =	sor.u32 $0x40, s4  }
0x292: {  	p3 =	slt.u32 s25, $0x50910;
	v26 =	vpop (erf)  }
0x293: {  	v26 =	vpsel !p3, $0x0, v26  }
0x294: {  	[tilespmem:v5+s23+$0x0] =	vst.idx.msk $0xffff, v26  }
0x295: {  	[tilespmem:s5+$0xE050] =	vst v26  }
0x296: {  	v26 =	vld.idx.msk [tilespmem:v22+s19+$0x0], $0xffff  }
0x297: {  	v27 =	vld.idx.msk [tilespmem:v22+s20+$0x0], $0xffff;
	_ =	sdelay $0x4  }
0x298: {  	v26 =	vadd.f32 v27, v26;
	_ =	sdelay $0x1  }
0x299: {  	v27 =	vmul.f32 $2.000000030e-01, v26  }
0x29a: {  	vm13 =	vgt.f32 v26, $0.0e+00  }
0x29b: {  	v26 =	vsel vm13, v26, v27  }
0x29c: {  	v26 =	vsub.f32 v26, v25;
	_ =	sdelay $0x1  }
0x29d: {  	v26 =	vmul.f32 $1.442695020e+00, v26;
	_ =	sdelay $0x1  }
0x29e: {  	(erf) = vpow2.f32 v26;
	_ =	sdelay $0x7  }
0x29f: {  	s28 =	sor.u32 $0x50, s4  }
0x2a0: {  	p4 =	slt.u32 s28, $0x50910;
	v26 =	vpop (erf)  }
0x2a1: {  	v26 =	vpsel !p4, $0x0, v26  }
0x2a2: {  	[tilespmem:v6+s23+$0x0] =	vst.idx.msk $0xffff, v26  }
0x2a3: {  	[tilespmem:s5+$0xE060] =	vst v26  }
0x2a4: {  	v26 =	vld.idx.msk [tilespmem:v23+s19+$0x0], $0xffff  }
0x2a5: {  	v27 =	vld.idx.msk [tilespmem:v23+s20+$0x0], $0xffff;
	_ =	sdelay $0x4  }
0x2a6: {  	v26 =	vadd.f32 v27, v26;
	_ =	sdelay $0x1  }
0x2a7: {  	v27 =	vmul.f32 $2.000000030e-01, v26  }
0x2a8: {  	vm14 =	vgt.f32 v26, $0.0e+00  }
0x2a9: {  	v26 =	vsel vm14, v26, v27  }
0x2aa: {  	v26 =	vsub.f32 v26, v25;
	_ =	sdelay $0x1  }
0x2ab: {  	v26 =	vmul.f32 $1.442695020e+00, v26;
	_ =	sdelay $0x1  }
0x2ac: {  	(erf) = vpow2.f32 v26;
	_ =	sdelay $0x7  }
0x2ad: {  	s29 =	sor.u32 $0x60, s4  }
0x2ae: {  	p5 =	slt.u32 s29, $0x50910;
	v26 =	vpop (erf)  }
0x2af: {  	v26 =	vpsel !p5, $0x0, v26  }
0x2b0: {  	[tilespmem:v7+s23+$0x0] =	vst.idx.msk $0xffff, v26  }
0x2b1: {  	[tilespmem:s5+$0xE070] =	vst v26  }
0x2b2: {  	v26 =	vld.idx.msk [tilespmem:v24+s19+$0x0], $0xffff  }
0x2b3: {  	v27 =	vld.idx.msk [tilespmem:v24+s20+$0x0], $0xffff;
	_ =	sdelay $0x4  }
0x2b4: {  	v26 =	vadd.f32 v27, v26;
	_ =	sdelay $0x1  }
0x2b5: {  	v27 =	vmul.f32 $2.000000030e-01, v26  }
0x2b6: {  	vm15 =	vgt.f32 v26, $0.0e+00  }
0x2b7: {  	v26 =	vsel vm15, v26, v27  }
0x2b8: {  	v26 =	vsub.f32 v26, v25;
	_ =	sdelay $0x1  }
0x2b9: {  	v26 =	vmul.f32 $1.442695020e+00, v26;
	_ =	sdelay $0x1  }
0x2ba: {  	(erf) = vpow2.f32 v26;
	_ =	sdelay $0x4  }
0x2bb: {  	s1 =	simm.s32 $0x0  }
0x2bc: {  	v26 =	vmov s1  }
0x2bd: {  	v26 =	vadd.s32 $0x1000, v26  }
0x2be: {  	s22 =	sor.u32 $0x70, s4;
	v26 =	vbroadcast v26, $0x0  }
0x2bf: {  	p6 =	slt.u32 s22, $0x50910;
	v27 =	vpop (erf)  }
0x2c0: {  	v27 =	vpsel !p6, $0x0, v27  }
0x2c1: {  	[tilespmem:v8+s23+$0x0] =	vst.idx.msk $0xffff, v27  }
0x2c2: {  	[tilespmem:s5+$0xE080] =	vst v27;
	s5 =	simm.s32 $0x0  }
0x2c3: {  	v27 =	vld [tilespmem:s5+$0x7830]  }
0x2c4: {  	v26 =	vld.idx.msk [tilespmem:v26+s30+$0x0], $0xffff  }
0x2c5: {  	v28 =	vld [tilespmem:s5+$0x7800]  }
0x2c6: {  	s25 =	simm.s32 $0x10;
	v29 =	vld [tilespmem:s5+$0x7810]  }
0x2c7: {  	v31 =	vmov s25;
	v30 =	vld [tilespmem:s5+$0x7820]  }
0x2c8: {  	v31 =	vadd.s32 $0x1000, v31  }
0x2c9: {  	v31 =	vbroadcast v31, $0x0;
	v27 =	vmul.f32 v27, v26  }
0x2ca: {  	v28 =	vmul.f32 v28, v26  }
0x2cb: {  	v29 =	vmul.f32 v29, v26;
	[tilespmem:s5+$0x7830] =	vst v27  }
0x2cc: {  	v26 =	vmul.f32 v30, v26;
	[tilespmem:s5+$0x7800] =	vst v28  }
0x2cd: {  	v30 =	vld [tilespmem:s5+$0x7840];
	[tilespmem:s5+$0x7810] =	vst v29  }
0x2ce: {  	[tilespmem:s5+$0x7820] =	vst v26;
	v28 =	vld [tilespmem:s5+$0x7870]  }
0x2cf: {  	v27 =	vld.idx.msk [tilespmem:v31+s30+$0x0], $0xffff  }
0x2d0: {  	s28 =	simm.s32 $0x30;
	v29 =	vld [tilespmem:s5+$0x7850]  }
0x2d1: {  	s29 =	simm.s32 $0x20;
	v26 =	vmov s28;
	v31 =	vld [tilespmem:s5+$0x7860]  }
0x2d2: {  	s4 =	simm.s32 $0x400;
	v32 =	vmov s29;
	s22 =	simm.s32 $0x3;
	s1 =	simm.s32 $0x200;
	v26 =	vadd.s32 $0x1000, v26  }
.LBB2_9:
0x2d3: {  	p0 =	sne.s32 s4, $0x7E00;
	v32 =	vadd.s32 $0x1000, v32;
	s0 =	smov.u32 s4;
	s4 =	sadd.s32 $0x200, s4  }
0x2d4: {  	v32 =	vbroadcast v32, $0x0;
	v30 =	vmul.f32 v30, v27  }
0x2d5: {  	v28 =	vmul.f32 v28, v27;
	v29 =	vmul.f32 v29, v27  }
0x2d6: {  	[tilespmem:s5+$0x7840] =	vst v30;
	v27 =	vmul.f32 v31, v27  }
0x2d7: {  	s25 =	sshra.s32 s1, $0x2;
	s1 =	smov.u32 s0;
	[tilespmem:s5+$0x7870] =	vst v28  }
0x2d8: {  	v28 =	vld [tilespmem:s25+$0x7830];
	[tilespmem:s5+$0x7850] =	vst v29  }
0x2d9: {  	v29 =	vld [tilespmem:s25+$0x7810];
	[tilespmem:s5+$0x7860] =	vst v27;
	s5 =	smov.u32 s25  }
0x2da: {  	v27 =	vld.idx.msk [tilespmem:v32+s30+$0x0], $0xffff  }
0x2db: {  	v30 =	vld [tilespmem:s5+$0x7800]  }
0x2dc: {  	v31 =	vld [tilespmem:s5+$0x7820];
	_ =	sdelay $0x2  }
0x2dd: {  	v26 =	vbroadcast v26, $0x0  }
0x2de: {  	v28 =	vmul.f32 v28, v27;
	v30 =	vmul.f32 v30, v27  }
0x2df: {  	v29 =	vmul.f32 v29, v27;
	v27 =	vmul.f32 v31, v27  }
0x2e0: {  	[tilespmem:s5+$0x7830] =	vst v28  }
0x2e1: {  	[tilespmem:s5+$0x7800] =	vst v30  }
0x2e2: {  	[tilespmem:s5+$0x7810] =	vst v29  }
0x2e3: {  	[tilespmem:s5+$0x7820] =	vst v27;
	v28 =	vld [tilespmem:s5+$0x7870]  }
.Ltmp5:
0x2e4: {  	v27 =	vld.idx.msk [tilespmem:v26+s30+$0x0], $0xffff;
	(pc) =	sbr.rel @p0 .LBB2_9-.Ltmp5, $4  }
0x2e5: {  	s22 =	sadd.s32 $0x2, s22;
	v30 =	vld [tilespmem:s5+$0x7840]  }
0x2e6: {  	s0 =	sshll.u32 s22, $0x4;
	v29 =	vld [tilespmem:s5+$0x7850]  }
0x2e7: {  	s25 =	sadd.s32 $0xFFFFFFF0, s0;
	v26 =	vmov s0;
	v31 =	vld [tilespmem:s5+$0x7860]  }
0x2e8: {  	v32 =	vmov s25;
	v26 =	vadd.s32 $0x1000, v26  }
0x2e9: {  	v32 =	vadd.s32 $0x1000, v32  }
0x2ea: {  	v28 =	vmul.f32 v28, v27;
	v32 =	vbroadcast v32, $0x0  }
0x2eb: {  	v30 =	vmul.f32 v30, v27  }
0x2ec: {  	v29 =	vmul.f32 v29, v27;
	[tilespmem:s5+$0x7870] =	vst v28  }
0x2ed: {  	s0 =	sshra.s32 s1, $0x2;
	[tilespmem:s5+$0x7840] =	vst v30;
	v27 =	vmul.f32 v31, v27  }
0x2ee: {  	v28 =	vld [tilespmem:s0+$0x7830];
	[tilespmem:s5+$0x7850] =	vst v29  }
0x2ef: {  	v29 =	vld [tilespmem:s0+$0x7810];
	[tilespmem:s5+$0x7860] =	vst v27  }
0x2f0: {  	v27 =	vld.idx.msk [tilespmem:v32+s30+$0x0], $0xffff  }
0x2f1: {  	v30 =	vld [tilespmem:s0+$0x7800];
	_ =	sdelay $0x1  }
0x2f2: {  	v60 =	vld [tilespmem:s0+$0x7820];
	_ =	sdelay $0x1  }
0x2f3: {  	v26 =	vbroadcast v26, $0x0;
	v28 =	vmul.f32 v28, v27  }
0x2f4: {  	v30 =	vmul.f32 v30, v27  }
0x2f5: {  	v29 =	vmul.f32 v29, v27;
	[tilespmem:s0+$0x7830] =	vst v28  }
0x2f6: {  	v27 =	vmul.f32 v60, v27;
	[tilespmem:s0+$0x7800] =	vst v30  }
0x2f7: {  	[tilespmem:s0+$0x7810] =	vst v29  }
0x2f8: {  	[tilespmem:s0+$0x7820] =	vst v27;
	v27 =	vld [tilespmem:s0+$0x7840]  }
0x2f9: {  	v26 =	vld.idx.msk [tilespmem:v26+s30+$0x0], $0xffff  }
0x2fa: {  	v61 =	vld [tilespmem:s0+$0x7870]  }
0x2fb: {  	v62 =	vld [tilespmem:s0+$0x7850]  }
0x2fc: {  	v63 =	vld [tilespmem:s0+$0x7860];
	_ =	sdelay $0x1  }
0x2fd: {  	v27 =	vmul.f32 v27, v26  }
0x2fe: {  	v28 =	vmul.f32 v61, v26  }
0x2ff: {  	s2 =	sadd.s32 $0x1, s2;
	v29 =	vmul.f32 v62, v26;
	[tilespmem:s0+$0x7840] =	vst v27  }
0x300: {  	p0 =	sne.s32 s2, $0x1C;
	v26 =	vmul.f32 v63, v26;
	[tilespmem:s0+$0x7870] =	vst v28  }
.Ltmp6:
0x301: {  	s22 =	sand.u32 $0x3FFFFF80, s21;
	[tilespmem:s0+$0x7850] =	vst v29;
	(pc) =	sbr.rel @p0 .LBB2_4-.Ltmp6, $4  }
0x302: {  	s28 =	simm.s32 $0x7800;
	s25 =	sadd.s32 s22, s24;
	[tilespmem:s0+$0x7860] =	vst v26  }
0x303: {  	[spmem:s3] =	stream.indirect.scatter.add.f32 [tilespmem:s28], [sflag:$0x6], $0x40, s25, s11, $0xb8;
	[tilespmem:$0x1D210] =	vst v63  }
0x304: {  	s29 =	rddreg [dreg:$0x3]  }
0x305: {  	[spmem:s29] =	stream.indirect.scatter.add.f32 [tilespmem:s23], [sflag:$0x6], $0x10, s25, s11, $0xb8;
	[tilespmem:$0x1D210] =	vst v63  }
0x306: {  	s0 =	simm.s32 $0x5  }
0x307: {  	_ =	swait.ge [sflag:s0], $0x2000  }
0x308: {  	[sflag:s0] =	ssyncset.done $0x0  }
0x309: {  	[sflag:s0] =	ssyncadd.s32 $0xFFFFE000  }
0x30a: {  	_ =	swait.ge [sflag:s0], $0x800  }
0x30b: {  	[sflag:s0] =	ssyncset.done $0x0  }
0x30c: {  	s21 =	simm.s32 $0x6;
	[sflag:s0] =	ssyncadd.s32 $0xFFFFF800  }
0x30d: {  	_ =	swait.ge [sflag:s21], $0x2000  }
0x30e: {  	[sflag:s21] =	ssyncset.done $0x0  }
0x30f: {  	[sflag:s21] =	ssyncadd.s32 $0xFFFFE000  }
0x310: {  	_ =	swait.ge [sflag:s21], $0x800  }
0x311: {  	[sflag:s21] =	ssyncset.done $0x0  }
0x312: {  	[sflag:s21] =	ssyncadd.s32 $0xFFFFF800  }
0x313: {  	[bflag:$0x0] =	sbarrier.arrive $0xFFFF  }
0x314: {  	s22 =	stileid.u32;
	s24 =	rddreg [dreg:$0x6]  }
0x315: {  	s0 =	sshll.u32 s22, $0x6;
	s25 =	rddreg [dreg:$0x13];
	s1 =	sshrl.u32 s24, $0x3  }
0x316: {  	s2 =	sor.u32 $0x1C07, s0;
	[dreg:$0x18] =	wrdreg s1  }
0x317: {  	[hbm:s25], [sflag:s2] =	dma.local [spmem:s1], $0x1400  }
0x318: {  	_ =	swait.ge [sflag:s31], $0x1400;
	[dreg:$0x17] =	wrdreg s2  }
0x319: {  	[sflag:s31] =	ssyncset.done $0x0;
	s28 =	rddreg [dreg:$0xb]  }
0x31a: {  	s29 =	rddreg [dreg:$0x12];
	[sflag:s31] =	ssyncadd.s32 $0xFFFFEC00;
	s0 =	sshrl.u32 s28, $0x3  }
0x31b: {  	[hbm:s29], [sflag:s2] =	dma.local [spmem:s0], $0x500  }
0x31c: {  	_ =	swait.ge [sflag:s31], $0x500  }
0x31d: {  	[sflag:s31] =	ssyncset.done $0x0  }
0x31e: {  	s1 =	simm.s32 $0x100;
	s0 =	simm.s32 $0x0;
	[sflag:s31] =	ssyncadd.s32 $0xFFFFFB00  }
.LBB2_12:
0x31f: {  	p0 =	sne.s32 s1, $0x7F00;
	[tilespmem:s0+$0x3830] =	vst v1;
	s2 =	smov.u32 s1;
	s1 =	sadd.s32 $0x100, s1  }
.Ltmp7:
0x320: {  	[tilespmem:s0+$0x3820] =	vst v1;
	(pc) =	sbr.rel @p0 .LBB2_12-.Ltmp7, $3  }
0x321: {  	[tilespmem:s0+$0x3800] =	vst v1  }
0x322: {  	[tilespmem:s0+$0x3810] =	vst v1;
	_ =	sdelay $0x1  }
0x323: {  	s0 =	sshra.s32 s2, $0x2  }
0x324: {  	[tilespmem:s0+$0x3830] =	vst v1  }
0x325: {  	[tilespmem:s0+$0x3820] =	vst v1  }
0x326: {  	[tilespmem:s0+$0x3800] =	vst v1  }
0x327: {  	[tilespmem:s0+$0x3810] =	vst v1;
	s14 =	rddreg [dreg:$0x6];
	s1 =	simm.s32 $0x3800  }
0x328: {  	[spmem:s14] =	stream.linear.scatter [tilespmem:s1], [sflag:$0x7], $0x2000, $0x38;
	[tilespmem:$0x1D210] =	vst v63  }
0x329: {  	_ =	swait.ge [sflag:s31], $0x2000  }
0x32a: {  	[sflag:s31] =	ssyncset.done $0x0  }
0x32b: {  	s21 =	rddreg [dreg:$0x7];
	[sflag:s31] =	ssyncadd.s32 $0xFFFFE000  }
0x32c: {  	[spmem:s21] =	stream.linear.scatter [tilespmem:s1], [sflag:$0x7], $0x2000, $0x38;
	[tilespmem:$0x1D210] =	vst v63  }
0x32d: {  	_ =	swait.ge [sflag:s31], $0x2000  }
0x32e: {  	[sflag:s31] =	ssyncset.done $0x0  }
0x32f: {  	s22 =	rddreg [dreg:$0x8];
	[sflag:s31] =	ssyncadd.s32 $0xFFFFE000  }
0x330: {  	[spmem:s22] =	stream.linear.scatter [tilespmem:s1], [sflag:$0x7], $0x2000, $0x38;
	[tilespmem:$0x1D210] =	vst v63  }
0x331: {  	_ =	swait.ge [sflag:s31], $0x2000  }
0x332: {  	[sflag:s31] =	ssyncset.done $0x0  }
0x333: {  	s24 =	rddreg [dreg:$0x9];
	[sflag:s31] =	ssyncadd.s32 $0xFFFFE000  }
0x334: {  	[spmem:s24] =	stream.linear.scatter [tilespmem:s1], [sflag:$0x7], $0x2000, $0x38;
	[tilespmem:$0x1D210] =	vst v63  }
0x335: {  	_ =	swait.ge [sflag:s31], $0x2000  }
0x336: {  	[sflag:s31] =	ssyncset.done $0x0  }
0x337: {  	s25 =	rddreg [dreg:$0xa];
	[sflag:s31] =	ssyncadd.s32 $0xFFFFE000  }
0x338: {  	[spmem:s25] =	stream.linear.scatter [tilespmem:s1], [sflag:$0x7], $0x2000, $0x38;
	[tilespmem:$0x1D210] =	vst v63  }
0x339: {  	_ =	swait.ge [sflag:s31], $0x2000  }
0x33a: {  	[sflag:s31] =	ssyncset.done $0x0  }
0x33b: {  	[sflag:s31] =	ssyncadd.s32 $0xFFFFE000  }
0x33c: {  	[bflag:$0x0] =	sbarrier.arrive $0xFFFF  }
0x33d: {  	s4 =	simm.s32 $0x0;
	s28 =	rddreg [dreg:$0x10]  }
0x33e: {  	[tilespmem:s4], [sflag:$0x7] =	stream.linear.gather [hbm4b:s28+s4], $0xE00, $0x38;
	[tilespmem:$0x1D210] =	vst v63  }
0x33f: {  	_ =	swait.ge [sflag:s31], $0xE00  }
0x340: {  	[sflag:s31] =	ssyncset.done $0x0  }
0x341: {  	s2 =	simm.s32 $0x1C00;
	s29 =	rddreg [dreg:$0x11];
	[sflag:s31] =	ssyncadd.s32 $0xFFFFF200  }
0x342: {  	[tilespmem:s2], [sflag:$0x7] =	stream.linear.gather [hbm4b:s29+s4], $0xE00, $0x38;
	[tilespmem:$0x1D210] =	vst v63  }
0x343: {  	_ =	swait.ge [sflag:s31], $0xE00  }
0x344: {  	[sflag:s31] =	ssyncset.done $0x0  }
0x345: {  	[sflag:s31] =	ssyncadd.s32 $0xFFFFF200  }
0x346: {  	[tilespmem:s1], [sflag:$0x1] =	stream.indirect.gather [hbm4b:s10+s11], $0x40, s2, s11, $0xb8;
	[tilespmem:$0x1D210] =	vst v63  }
0x347: {  	s14 =	simm.s32 $0x3800;
	s2 =	simm.s32 $0x0  }
.LBB2_14:
0x348: {  	s21 =	smul.u32 $0x3, s2;
	_ =	sdelay $0x1  }
0x349: {  	s28 =	sadd.s32 $0x1, s21  }
0x34a: {  	s0 =	sand.u32 $0xFC, s28  }
0x34b: {  	s0 =	sshrl.u32 s0, $0x2  }
0x34c: {  	s0 =	smul.u32 $0x25, s0;
	_ =	sdelay $0x1  }
0x34d: {  	s0 =	sshrl.u32 s0, $0x8  }
0x34e: {  	s1 =	smul.u32 $0x1C, s0;
	_ =	sdelay $0x1  }
0x34f: {  	s1 =	ssub.s32 s28, s1  }
0x350: {  	s1 =	sand.u32 $0xFF, s1  }
0x351: {  	p0 =	sne.s32 s1, $0x0  }
0x352: {  	s4 =	smul.u32 @!p0 $0xE00, s0  }
0x353: {  	s5 =	sand.u32 @!p0 $0x1, s0  }
0x354: {  	p1 =	seq.s32 @!p0 s5, $0x1;
	s4 =	sadd.s32 @!p0 s12, s4  }
0x355: {  	s5 =	simm.s32 @!p0 $0xE00;
	p1 =	por !p1, p0;
	s4 =	sshrl.u32 @!p0 s4, $0x3  }
0x356: {  	s24 =	simm.s32 @!p0 $0x0;
	s5 =	simm.s32 @p1 $0x0;
	s22 =	sadd.s32 @!p0 s6, s4  }
0x357: {  	[tilespmem:s5], [sflag:$0x7] =	stream.linear.gather @!p0 [hbm4b:s22+s24], $0xE00, $0x38;
	[tilespmem:$0x1D210] =	vst v63  }
0x358: {  	s22 =	simm.s32 @!p0 $0x7  }
0x359: {  	_ =	swait.ge @!p0 [sflag:s22], $0xE00  }
0x35a: {  	[sflag:s22] =	ssyncset.done @!p0 $0x0  }
0x35b: {  	s4 =	sadd.s32 @!p0 s7, s4;
	s5 =	sadd.s32 @!p0 $0x1C00, s5;
	[sflag:s22] =	ssyncadd.s32 @!p0 $0xFFFFF200  }
0x35c: {  	[tilespmem:s5], [sflag:$0x7] =	stream.linear.gather @!p0 [hbm4b:s4+s24], $0xE00, $0x38;
	[tilespmem:$0x1D210] =	vst v63  }
0x35d: {  	s25 =	sshll.u32 s21, $0x7;
	s0 =	sand.u32 $0x1, s0;
	_ =	swait.ge @!p0 [sflag:s22], $0xE00  }
0x35e: {  	p1 =	seq.s32 s0, $0x1;
	s0 =	simm.s32 $0x3800;
	[sflag:s22] =	ssyncset.done @!p0 $0x0  }
0x35f: {  	[sflag:s22] =	ssyncadd.s32 @!p0 $0xFFFFF200;
	p0 =	seq.s32 s2, $0x0;
	s22 =	simm.s32 $0x0  }
0x360: {  	s1 =	sshll.u32 s1, $0x9;
	s0 =	simm.s32 @!p1 $0x0;
	v26 =	vmov s22;
	s5 =	simm.s32 @!p0 $0x5  }
0x361: {  	v25 =	vmov s25;
	s1 =	sshrl.u32 s1, $0x2;
	s0 =	sshrl.u32 s0, $0x2;
	v26 =	vand.u32 $0x7E, v26;
	_ =	swait.ge @!p0 [sflag:s5], $0x2000  }
0x362: {  	s22 =	sadd.s32 s1, s0;
	v26 =	vor.u32 v25, v26;
	[sflag:s5] =	ssyncset.done @!p0 $0x0  }
0x363: {  	s24 =	simm.s32 $0x5800;
	s0 =	sadd.s32 $0x1C00, s22;
	v26 =	vbroadcast v26, $0x0;
	[sflag:s5] =	ssyncadd.s32 @!p0 $0xFFFFE000  }
0x364: {  	[tilespmem:s24], [sflag:$0x2] =	stream.indirect.gather [hbm4b:s10+s11], $0x40, s0, s11, $0xb8;
	[tilespmem:$0x1D210] =	vst v63  }
0x365: {  	_ =	swait.ge [sflag:s26], $0x2000  }
0x366: {  	[sflag:s26] =	ssyncset.done $0x0  }
0x367: {  	s4 =	simm.s32 $0x3840;
	[sflag:s26] =	ssyncadd.s32 $0xFFFFE000  }
0x368: {  	v27 =	vld [tilespmem:s4+$0xFFFFFFC0]  }
0x369: {  	v26 =	vld.idx.msk [tilespmem:v26+s13+$0x0], $0xffff  }
0x36a: {  	s25 =	simm.s32 $0x1;
	v28 =	vld [tilespmem:s4+$0xFFFFFFF0]  }
0x36b: {  	v30 =	vmov s25;
	v29 =	vld [tilespmem:s4+$0xFFFFFFD0]  }
0x36c: {  	v30 =	vand.u32 $0x7F, v30;
	v31 =	vld [tilespmem:s4+$0xFFFFFFE0]  }
0x36d: {  	v30 =	vor.u32 v25, v30  }
0x36e: {  	v30 =	vbroadcast v30, $0x0;
	v27 =	vmul.f32 v27, v26  }
0x36f: {  	v28 =	vmul.f32 v28, v26  }
0x370: {  	[tilespmem:s4+$0xFFFFFFC0] =	vst v27;
	v27 =	vmul.f32 v29, v26  }
0x371: {  	v26 =	vmul.f32 v31, v26;
	[tilespmem:s4+$0xFFFFFFF0] =	vst v28  }
0x372: {  	[tilespmem:s4+$0xFFFFFFD0] =	vst v27  }
0x373: {  	v29 =	vld [tilespmem:s4+$0x10];
	[tilespmem:s4+$0xFFFFFFE0] =	vst v26  }
0x374: {  	v26 =	vld.idx.msk [tilespmem:v30+s13+$0x0], $0xffff  }
0x375: {  	s5 =	simm.s32 $0x2;
	v30 =	vld [tilespmem:s4+$0x0]  }
0x376: {  	v31 =	vmov s5;
	v27 =	vld [tilespmem:s4+$0x30]  }
0x377: {  	s29 =	simm.s32 $0x3840;
	s1 =	simm.s32 $0x4;
	v28 =	vld [tilespmem:s4+$0x20];
	v31 =	vand.u32 $0x7E, v31  }
.LBB2_15:
0x378: {  	p1 =	sne.s32 s1, $0x7E  }
0x379: {  	v31 =	vor.u32 v25, v31;
	s4 =	sadd.s32 $0x80, s4;
	s0 =	smov.u32 s1;
	s1 =	sadd.s32 $0x2, s1  }
0x37a: {  	v31 =	vbroadcast v31, $0x0;
	v30 =	vmul.f32 v30, v26  }
0x37b: {  	v27 =	vmul.f32 v27, v26;
	v29 =	vmul.f32 v29, v26  }
0x37c: {  	[tilespmem:s29+$0x0] =	vst v30;
	v26 =	vmul.f32 v28, v26  }
0x37d: {  	[tilespmem:s29+$0x10] =	vst v29  }
0x37e: {  	v28 =	vld [tilespmem:s4+$0xFFFFFFF0];
	[tilespmem:s29+$0x20] =	vst v26  }
0x37f: {  	v26 =	vld [tilespmem:s4+$0xFFFFFFD0];
	[tilespmem:s29+$0x30] =	vst v27;
	s29 =	smov.u32 s4  }
0x380: {  	v27 =	vld.idx.msk [tilespmem:v31+s13+$0x0], $0xffff  }
0x381: {  	v29 =	vld [tilespmem:s4+$0xFFFFFFC0]  }
0x382: {  	s24 =	sadd.s32 $0x1, s5;
	s5 =	smov.u32 s0;
	v30 =	vld [tilespmem:s4+$0xFFFFFFE0]  }
0x383: {  	v31 =	vmov s24  }
0x384: {  	v31 =	vand.u32 $0x7F, v31  }
0x385: {  	v31 =	vor.u32 v25, v31  }
0x386: {  	v31 =	vbroadcast v31, $0x0;
	v29 =	vmul.f32 v29, v27  }
0x387: {  	v28 =	vmul.f32 v28, v27;
	v30 =	vmul.f32 v30, v27  }
0x388: {  	v26 =	vmul.f32 v26, v27;
	[tilespmem:s4+$0xFFFFFFC0] =	vst v29  }
0x389: {  	[tilespmem:s4+$0xFFFFFFF0] =	vst v28  }
0x38a: {  	[tilespmem:s4+$0xFFFFFFD0] =	vst v26  }
0x38b: {  	[tilespmem:s4+$0xFFFFFFE0] =	vst v30;
	v27 =	vld [tilespmem:s4+$0x30]  }
.Ltmp8:
0x38c: {  	v26 =	vld.idx.msk [tilespmem:v31+s13+$0x0], $0xffff;
	(pc) =	sbr.rel @p1 .LBB2_15-.Ltmp8, $4  }
0x38d: {  	v30 =	vld [tilespmem:s4+$0x0]  }
0x38e: {  	v29 =	vld [tilespmem:s4+$0x10]  }
0x38f: {  	v31 =	vmov s5;
	v28 =	vld [tilespmem:s4+$0x20]  }
0x390: {  	v31 =	vand.u32 $0x7E, v31  }
0x391: {  	v31 =	vor.u32 v25, v31  }
0x392: {  	v30 =	vmul.f32 v30, v26;
	v31 =	vbroadcast v31, $0x0  }
0x393: {  	v29 =	vmul.f32 v29, v26  }
0x394: {  	[tilespmem:s29+$0x0] =	vst v30;
	v28 =	vmul.f32 v28, v26  }
0x395: {  	s0 =	sadd.s32 $0x80, s4;
	v26 =	vmul.f32 v27, v26;
	[tilespmem:s29+$0x10] =	vst v29  }
0x396: {  	v27 =	vld [tilespmem:s0+$0xFFFFFFF0];
	[tilespmem:s29+$0x20] =	vst v28  }
0x397: {  	[tilespmem:s29+$0x30] =	vst v26;
	v28 =	vld [tilespmem:s0+$0xFFFFFFC0]  }
0x398: {  	v26 =	vld.idx.msk [tilespmem:v31+s13+$0x0], $0xffff  }
0x399: {  	s1 =	sadd.s32 $0x1, s5  }
0x39a: {  	v30 =	vmov s1;
	v29 =	vld [tilespmem:s0+$0xFFFFFFD0]  }
0x39b: {  	v30 =	vand.u32 $0x7F, v30;
	v31 =	vld [tilespmem:s0+$0xFFFFFFE0]  }
0x39c: {  	v25 =	vor.u32 v25, v30  }
0x39d: {  	v25 =	vbroadcast v25, $0x0;
	v28 =	vmul.f32 v28, v26  }
0x39e: {  	v27 =	vmul.f32 v27, v26  }
0x39f: {  	[tilespmem:s0+$0xFFFFFFC0] =	vst v28;
	v28 =	vmul.f32 v29, v26  }
0x3a0: {  	v26 =	vmul.f32 v31, v26;
	[tilespmem:s0+$0xFFFFFFF0] =	vst v27  }
0x3a1: {  	[tilespmem:s0+$0xFFFFFFD0] =	vst v28  }
0x3a2: {  	[tilespmem:s0+$0xFFFFFFE0] =	vst v26;
	v26 =	vld [tilespmem:s0+$0x0]  }
0x3a3: {  	v25 =	vld.idx.msk [tilespmem:v25+s13+$0x0], $0xffff  }
0x3a4: {  	v27 =	vld [tilespmem:s0+$0x10]  }
0x3a5: {  	v28 =	vld [tilespmem:s0+$0x20]  }
0x3a6: {  	s24 =	sshrl.u32 s21, $0x2;
	s5 =	sadd.s32 $0x2, s21;
	v29 =	vld [tilespmem:s0+$0x30]  }
0x3a7: {  	s1 =	smulhi.u32 $0x24924925, s24;
	s24 =	sshrl.u32 s5, $0x2  }
0x3a8: {  	s24 =	smulhi.u32 $0x24924925, s24;
	v26 =	vmul.f32 v26, v25  }
0x3a9: {  	s25 =	smul.u32 $0x1C, s1;
	s1 =	sand.u32 $0x1, s1;
	v27 =	vmul.f32 v27, v25  }
0x3aa: {  	p1 =	seq.s32 s1, $0x1;
	[tilespmem:s0+$0x0] =	vst v26;
	v26 =	vmul.f32 v28, v25  }
0x3ab: {  	s1 =	simm.s32 $0xE00;
	s4 =	ssub.s32 s21, s25;
	s25 =	smul.u32 $0x1C, s24;
	v25 =	vmul.f32 v29, v25;
	[tilespmem:s0+$0x10] =	vst v27  }
0x3ac: {  	s1 =	simm.s32 @!p1 $0x0;
	s4 =	sshll.u32 s4, $0x7;
	[tilespmem:s0+$0x20] =	vst v26  }
0x3ad: {  	s4 =	sadd.s32 s4, s1;
	[tilespmem:s0+$0x30] =	vst v25;
	s0 =	ssub.s32 s5, s25  }
0x3ae: {  	[spmem:s3] =	stream.indirect.scatter.add.f32 [tilespmem:s14], [sflag:$0x4], $0x40, s4, s11, $0xb8;
	[tilespmem:$0x1D210] =	vst v63  }
0x3af: {  	p1 =	sne.s32 s0, $0x0  }
0x3b0: {  	s1 =	smul.u32 @!p1 $0xE00, s24  }
0x3b1: {  	s4 =	sand.u32 @!p1 $0x1, s24  }
0x3b2: {  	p2 =	seq.s32 @!p1 s4, $0x1;
	s1 =	sadd.s32 @!p1 s12, s1  }
0x3b3: {  	s4 =	simm.s32 @!p1 $0xE00;
	p2 =	por !p2, p1;
	s1 =	sshrl.u32 @!p1 s1, $0x3  }
0x3b4: {  	s29 =	simm.s32 @!p1 $0x0;
	s4 =	simm.s32 @p2 $0x0;
	s25 =	sadd.s32 @!p1 s6, s1  }
0x3b5: {  	[tilespmem:s4], [sflag:$0x7] =	stream.linear.gather @!p1 [hbm4b:s25+s29], $0xE00, $0x38;
	[tilespmem:$0x1D210] =	vst v63  }
0x3b6: {  	s25 =	simm.s32 @!p1 $0x7  }
0x3b7: {  	_ =	swait.ge @!p1 [sflag:s25], $0xE00  }
0x3b8: {  	[sflag:s25] =	ssyncset.done @!p1 $0x0  }
0x3b9: {  	s1 =	sadd.s32 @!p1 s7, s1;
	s4 =	sadd.s32 @!p1 $0x1C00, s4;
	[sflag:s25] =	ssyncadd.s32 @!p1 $0xFFFFF200  }
0x3ba: {  	[tilespmem:s4], [sflag:$0x7] =	stream.linear.gather @!p1 [hbm4b:s1+s29], $0xE00, $0x38;
	[tilespmem:$0x1D210] =	vst v63  }
0x3bb: {  	s4 =	sand.u32 $0x1, s24;
	_ =	swait.ge @!p1 [sflag:s25], $0xE00  }
0x3bc: {  	s24 =	simm.s32 $0x0;
	s1 =	simm.s32 $0x3800;
	[sflag:s25] =	ssyncset.done @!p1 $0x0  }
0x3bd: {  	v26 =	vmov s24;
	[sflag:s25] =	ssyncadd.s32 @!p1 $0xFFFFF200;
	p1 =	seq.s32 s4, $0x1;
	s25 =	sshll.u32 s28, $0x7  }
0x3be: {  	s0 =	sshll.u32 s0, $0x9;
	v26 =	vand.u32 $0x7E, v26;
	s4 =	simm.s32 @!p0 $0x6;
	s1 =	simm.s32 @!p1 $0x0;
	v25 =	vmov s25  }
0x3bf: {  	s0 =	sshrl.u32 s0, $0x2;
	_ =	swait.ge @!p0 [sflag:s4], $0x2000;
	s1 =	sshrl.u32 s1, $0x2;
	v26 =	vor.u32 v25, v26  }
0x3c0: {  	[sflag:s4] =	ssyncset.done @!p0 $0x0;
	s28 =	sadd.s32 s0, s1;
	v26 =	vbroadcast v26, $0x0  }
0x3c1: {  	s24 =	simm.s32 $0x7800;
	[sflag:s4] =	ssyncadd.s32 @!p0 $0xFFFFE000;
	s0 =	sadd.s32 $0x1C00, s28  }
0x3c2: {  	[tilespmem:s24], [sflag:$0x3] =	stream.indirect.gather [hbm4b:s10+s11], $0x40, s0, s11, $0xb8;
	[tilespmem:$0x1D210] =	vst v63  }
0x3c3: {  	_ =	swait.ge [sflag:s15], $0x2000  }
0x3c4: {  	[sflag:s15] =	ssyncset.done $0x0  }
0x3c5: {  	[sflag:s15] =	ssyncadd.s32 $0xFFFFE000  }
0x3c6: {  	s4 =	simm.s32 $0x5870;
	v26 =	vld.idx.msk [tilespmem:v26+s13+$0x0], $0xffff  }
0x3c7: {  	v27 =	vld [tilespmem:s4+$0xFFFFFF90]  }
0x3c8: {  	s25 =	simm.s32 $0x1;
	v28 =	vld [tilespmem:s4+$0xFFFFFFC0]  }
0x3c9: {  	v30 =	vmov s25;
	v29 =	vld [tilespmem:s4+$0xFFFFFFA0]  }
0x3ca: {  	v30 =	vand.u32 $0x7F, v30;
	v31 =	vld [tilespmem:s4+$0xFFFFFFB0]  }
0x3cb: {  	v30 =	vor.u32 v25, v30  }
0x3cc: {  	v30 =	vbroadcast v30, $0x0;
	v27 =	vmul.f32 v27, v26  }
0x3cd: {  	v28 =	vmul.f32 v28, v26  }
0x3ce: {  	[tilespmem:s4+$0xFFFFFF90] =	vst v27;
	v27 =	vmul.f32 v29, v26  }
0x3cf: {  	v29 =	vmul.f32 v31, v26;
	[tilespmem:s4+$0xFFFFFFC0] =	vst v28  }
0x3d0: {  	v26 =	vld [tilespmem:s4+$0xFFFFFFF0];
	[tilespmem:s4+$0xFFFFFFA0] =	vst v27  }
0x3d1: {  	[tilespmem:s4+$0xFFFFFFB0] =	vst v29;
	v29 =	vld [tilespmem:s4+$0xFFFFFFD0]  }
0x3d2: {  	s29 =	simm.s32 $0x2;
	v28 =	vld.idx.msk [tilespmem:v30+s13+$0x0], $0xffff  }
0x3d3: {  	v31 =	vmov s29;
	v30 =	vld [tilespmem:s4+$0xFFFFFFE0]  }
0x3d4: {  	s1 =	simm.s32 $0x5870;
	s24 =	simm.s32 $0x4;
	v31 =	vand.u32 $0x7E, v31;
	v27 =	vld [tilespmem:s4+$0x0]  }
.LBB2_17:
0x3d5: {  	p0 =	sne.s32 s24, $0x7E  }
0x3d6: {  	v31 =	vor.u32 v25, v31;
	s4 =	sadd.s32 $0x80, s4;
	s0 =	smov.u32 s24;
	s24 =	sadd.s32 $0x2, s24  }
0x3d7: {  	v31 =	vbroadcast v31, $0x0;
	v29 =	vmul.f32 v29, v28  }
0x3d8: {  	v26 =	vmul.f32 v26, v28;
	v30 =	vmul.f32 v30, v28  }
0x3d9: {  	v27 =	vmul.f32 v27, v28;
	[tilespmem:s1+$0xFFFFFFD0] =	vst v29  }
0x3da: {  	[tilespmem:s1+$0xFFFFFFE0] =	vst v30  }
0x3db: {  	v28 =	vld [tilespmem:s4+$0xFFFFFFC0];
	[tilespmem:s1+$0xFFFFFFF0] =	vst v26  }
0x3dc: {  	v26 =	vld [tilespmem:s4+$0xFFFFFFA0];
	[tilespmem:s1+$0x0] =	vst v27;
	s1 =	smov.u32 s4  }
0x3dd: {  	v27 =	vld.idx.msk [tilespmem:v31+s13+$0x0], $0xffff  }
0x3de: {  	v29 =	vld [tilespmem:s4+$0xFFFFFF90]  }
0x3df: {  	s25 =	sadd.s32 $0x1, s29;
	s29 =	smov.u32 s0;
	v30 =	vld [tilespmem:s4+$0xFFFFFFB0]  }
0x3e0: {  	v31 =	vmov s25  }
0x3e1: {  	v31 =	vand.u32 $0x7F, v31  }
0x3e2: {  	v31 =	vor.u32 v25, v31  }
0x3e3: {  	v31 =	vbroadcast v31, $0x0;
	v29 =	vmul.f32 v29, v27  }
0x3e4: {  	v28 =	vmul.f32 v28, v27;
	v30 =	vmul.f32 v30, v27  }
0x3e5: {  	v26 =	vmul.f32 v26, v27;
	[tilespmem:s4+$0xFFFFFF90] =	vst v29  }
0x3e6: {  	[tilespmem:s4+$0xFFFFFFC0] =	vst v28  }
0x3e7: {  	[tilespmem:s4+$0xFFFFFFA0] =	vst v26;
	v26 =	vld [tilespmem:s4+$0xFFFFFFF0]  }
0x3e8: {  	[tilespmem:s4+$0xFFFFFFB0] =	vst v30;
	v27 =	vld [tilespmem:s4+$0x0]  }
.Ltmp9:
0x3e9: {  	v28 =	vld.idx.msk [tilespmem:v31+s13+$0x0], $0xffff;
	(pc) =	sbr.rel @p0 .LBB2_17-.Ltmp9, $4  }
0x3ea: {  	v29 =	vld [tilespmem:s4+$0xFFFFFFD0]  }
0x3eb: {  	v30 =	vld [tilespmem:s4+$0xFFFFFFE0]  }
0x3ec: {  	v31 =	vmov s29  }
0x3ed: {  	v31 =	vand.u32 $0x7E, v31  }
0x3ee: {  	v31 =	vor.u32 v25, v31  }
0x3ef: {  	v27 =	vmul.f32 v27, v28;
	v31 =	vbroadcast v31, $0x0  }
0x3f0: {  	v29 =	vmul.f32 v29, v28  }
0x3f1: {  	v30 =	vmul.f32 v30, v28;
	[tilespmem:s1+$0x0] =	vst v27  }
0x3f2: {  	s0 =	sadd.s32 $0x80, s4;
	v26 =	vmul.f32 v26, v28;
	[tilespmem:s1+$0xFFFFFFD0] =	vst v29  }
0x3f3: {  	v27 =	vld [tilespmem:s0+$0xFFFFFF90];
	[tilespmem:s1+$0xFFFFFFE0] =	vst v30  }
0x3f4: {  	v59 =	vld [tilespmem:s0+$0xFFFFFFC0];
	[tilespmem:s1+$0xFFFFFFF0] =	vst v26  }
0x3f5: {  	v26 =	vld.idx.msk [tilespmem:v31+s13+$0x0], $0xffff  }
0x3f6: {  	s4 =	sadd.s32 $0x1, s29  }
0x3f7: {  	v60 =	vmov s4;
	v29 =	vld [tilespmem:s0+$0xFFFFFFA0]  }
0x3f8: {  	v30 =	vand.u32 $0x7F, v60;
	v61 =	vld [tilespmem:s0+$0xFFFFFFB0]  }
0x3f9: {  	v25 =	vor.u32 v25, v30  }
0x3fa: {  	v25 =	vbroadcast v25, $0x0;
	v27 =	vmul.f32 v27, v26  }
0x3fb: {  	v28 =	vmul.f32 v59, v26  }
0x3fc: {  	[tilespmem:s0+$0xFFFFFF90] =	vst v27;
	v27 =	vmul.f32 v29, v26  }
0x3fd: {  	v26 =	vmul.f32 v61, v26;
	[tilespmem:s0+$0xFFFFFFC0] =	vst v28  }
0x3fe: {  	[tilespmem:s0+$0xFFFFFFA0] =	vst v27  }
0x3ff: {  	[tilespmem:s0+$0xFFFFFFB0] =	vst v26;
	v26 =	vld [tilespmem:s0+$0xFFFFFFD0]  }
0x400: {  	v25 =	vld.idx.msk [tilespmem:v25+s13+$0x0], $0xffff  }
0x401: {  	v27 =	vld [tilespmem:s0+$0xFFFFFFE0]  }
0x402: {  	v62 =	vld [tilespmem:s0+$0xFFFFFFF0]  }
0x403: {  	v63 =	vld [tilespmem:s0+$0x0]  }
0x404: {  	s4 =	sadd.s32 $0x3, s21  }
0x405: {  	s24 =	sshrl.u32 s4, $0x2;
	v26 =	vmul.f32 v26, v25  }
0x406: {  	s1 =	smulhi.u32 $0x24924925, s24;
	v27 =	vmul.f32 v27, v25  }
0x407: {  	v28 =	vmul.f32 v62, v25;
	[tilespmem:s0+$0xFFFFFFD0] =	vst v26  }
0x408: {  	s25 =	smul.u32 $0x1C, s1;
	v25 =	vmul.f32 v63, v25;
	[tilespmem:s0+$0xFFFFFFE0] =	vst v27  }
0x409: {  	[tilespmem:s0+$0xFFFFFFF0] =	vst v28  }
0x40a: {  	p0 =	seq.s32 s2, $0x1B;
	[tilespmem:s0+$0x0] =	vst v25;
	s0 =	ssub.s32 s4, s25  }
0x40b: {  	p1 =	sne.s32 @!p0 s0, $0x0  }
0x40c: {  	p1 =	por p0, p1  }
.Ltmp10:
0x40d: {  	_ = 	snop;
	(pc) =	sbr.rel @p1 .LBB2_20-.Ltmp10, $3  }
0x40e: {  	_ =	sdelay $0x1  }
0x40f: {  	s29 =	simm.s32 $0x5800  }
0x410: {  	[spmem:s3] =	stream.indirect.scatter.add.f32 [tilespmem:s29], [sflag:$0x5], $0x40, s22, s11, $0xb8;
	[tilespmem:$0x1D210] =	vst v63  }
0x411: {  	s4 =	smul.u32 $0xE00, s1;
	_ =	sdelay $0x1  }
0x412: {  	s29 =	sand.u32 $0x1, s1;
	s4 =	sadd.s32 s12, s4  }
0x413: {  	s1 =	simm.s32 $0xE00;
	p0 =	seq.s32 s29, $0x1;
	s4 =	sshrl.u32 s4, $0x3  }
0x414: {  	s22 =	simm.s32 $0x0;
	s1 =	simm.s32 @!p0 $0x0;
	s21 =	sadd.s32 s6, s4  }
0x415: {  	[tilespmem:s1], [sflag:$0x7] =	stream.linear.gather [hbm4b:s21+s22], $0xE00, $0x38;
	[tilespmem:$0x1D210] =	vst v63  }
0x416: {  	_ =	swait.ge [sflag:s31], $0xE00  }
0x417: {  	[sflag:s31] =	ssyncset.done $0x0  }
0x418: {  	s4 =	sadd.s32 s7, s4;
	s1 =	sadd.s32 $0x1C00, s1;
	[sflag:s31] =	ssyncadd.s32 $0xFFFFF200  }
0x419: {  	[tilespmem:s1], [sflag:$0x7] =	stream.linear.gather [hbm4b:s4+s22], $0xE00, $0x38;
	[tilespmem:$0x1D210] =	vst v63  }
0x41a: {  	_ =	swait.ge [sflag:s31], $0xE00  }
0x41b: {  	[sflag:s31] =	ssyncset.done $0x0  }
0x41c: {  	[sflag:s31] =	ssyncadd.s32 $0xFFFFF200  }
0x41d: {  	_ =	swait.ge [sflag:s17], $0x2000  }
0x41e: {  	[sflag:s17] =	ssyncset.done $0x0  }
0x41f: {  	[sflag:s17] =	ssyncadd.s32 $0xFFFFE000  }
.LBB2_22:
0x420: {  	s1 =	simm.s32 $0xE00;
	s0 =	sshll.u32 s0, $0x7  }
0x421: {  	s1 =	simm.s32 @!p0 $0x0;
	s0 =	sand.u32 $0x3FFFFF80, s0  }
0x422: {  	s0 =	sadd.s32 s0, s1  }
0x423: {  	s0 =	sadd.s32 $0x1C00, s0  }
0x424: {  	[tilespmem:s14], [sflag:$0x1] =	stream.indirect.gather [hbm4b:s10+s11], $0x40, s0, s11, $0xb8;
	[tilespmem:$0x1D210] =	vst v63  }
.LBB2_23:
0x425: {  	s0 =	simm.s32 $0x0  }
0x426: {  	s1 =	sshll.u32 s5, $0x7;
	v26 =	vmov s0  }
0x427: {  	v25 =	vmov s1;
	v26 =	vand.u32 $0x7E, v26  }
0x428: {  	v26 =	vor.u32 v25, v26  }
0x429: {  	v26 =	vbroadcast v26, $0x0;
	_ =	sdelay $0x1  }
0x42a: {  	_ =	swait.ge [sflag:s18], $0x2000  }
0x42b: {  	[sflag:s18] =	ssyncset.done $0x0  }
0x42c: {  	s5 =	simm.s32 $0x0;
	[sflag:s18] =	ssyncadd.s32 $0xFFFFE000  }
0x42d: {  	v27 =	vld [tilespmem:s5+$0x7800]  }
0x42e: {  	v26 =	vld.idx.msk [tilespmem:v26+s13+$0x0], $0xffff  }
0x42f: {  	s25 =	simm.s32 $0x1;
	v28 =	vld [tilespmem:s5+$0x7830]  }
0x430: {  	v31 =	vmov s25;
	v29 =	vld [tilespmem:s5+$0x7810]  }
0x431: {  	v31 =	vand.u32 $0x7F, v31;
	v30 =	vld [tilespmem:s5+$0x7820]  }
0x432: {  	v31 =	vor.u32 v25, v31  }
0x433: {  	v31 =	vbroadcast v31, $0x0;
	v27 =	vmul.f32 v27, v26  }
0x434: {  	v28 =	vmul.f32 v28, v26  }
0x435: {  	[tilespmem:s5+$0x7800] =	vst v27;
	v27 =	vmul.f32 v29, v26  }
0x436: {  	v26 =	vmul.f32 v30, v26;
	[tilespmem:s5+$0x7830] =	vst v28  }
0x437: {  	v28 =	vld [tilespmem:s5+$0x7840];
	[tilespmem:s5+$0x7810] =	vst v27  }
0x438: {  	v29 =	vld [tilespmem:s5+$0x7850];
	[tilespmem:s5+$0x7820] =	vst v26  }
0x439: {  	v26 =	vld.idx.msk [tilespmem:v31+s13+$0x0], $0xffff  }
0x43a: {  	s29 =	simm.s32 $0x2;
	v27 =	vld [tilespmem:s5+$0x7870]  }
0x43b: {  	v30 =	vld [tilespmem:s5+$0x7860];
	v31 =	vmov s29  }
0x43c: {  	s21 =	simm.s32 $0x400;
	s4 =	simm.s32 $0x3;
	s1 =	simm.s32 $0x200;
	v31 =	vand.u32 $0x7E, v31  }
.LBB2_24:
0x43d: {  	p0 =	sne.s32 s21, $0x7E00;
	v31 =	vor.u32 v25, v31;
	s0 =	smov.u32 s21;
	s21 =	sadd.s32 $0x200, s21  }
0x43e: {  	v31 =	vbroadcast v31, $0x0;
	v28 =	vmul.f32 v28, v26  }
0x43f: {  	v27 =	vmul.f32 v27, v26;
	v29 =	vmul.f32 v29, v26  }
0x440: {  	[tilespmem:s5+$0x7840] =	vst v28;
	v26 =	vmul.f32 v30, v26  }
0x441: {  	s22 =	sshra.s32 s1, $0x2;
	s1 =	smov.u32 s0;
	[tilespmem:s5+$0x7850] =	vst v29  }
0x442: {  	v28 =	vld [tilespmem:s22+$0x7830];
	[tilespmem:s5+$0x7860] =	vst v26  }
0x443: {  	v26 =	vld [tilespmem:s22+$0x7810];
	[tilespmem:s5+$0x7870] =	vst v27;
	s5 =	smov.u32 s22  }
0x444: {  	v27 =	vld.idx.msk [tilespmem:v31+s13+$0x0], $0xffff  }
0x445: {  	v29 =	vld [tilespmem:s5+$0x7800]  }
0x446: {  	v30 =	vld [tilespmem:s5+$0x7820]  }
0x447: {  	v31 =	vmov s4  }
0x448: {  	v31 =	vand.u32 $0x7F, v31  }
0x449: {  	v31 =	vor.u32 v25, v31  }
0x44a: {  	v31 =	vbroadcast v31, $0x0;
	v29 =	vmul.f32 v29, v27  }
0x44b: {  	v28 =	vmul.f32 v28, v27;
	v30 =	vmul.f32 v30, v27  }
0x44c: {  	v26 =	vmul.f32 v26, v27;
	[tilespmem:s5+$0x7800] =	vst v29  }
0x44d: {  	[tilespmem:s5+$0x7830] =	vst v28  }
0x44e: {  	[tilespmem:s5+$0x7810] =	vst v26  }
0x44f: {  	[tilespmem:s5+$0x7820] =	vst v30;
	v27 =	vld [tilespmem:s5+$0x7870]  }
.Ltmp11:
0x450: {  	v26 =	vld.idx.msk [tilespmem:v31+s13+$0x0], $0xffff;
	(pc) =	sbr.rel @p0 .LBB2_24-.Ltmp11, $4  }
0x451: {  	s4 =	sadd.s32 $0x2, s4;
	v28 =	vld [tilespmem:s5+$0x7840]  }
0x452: {  	s0 =	sadd.s32 $0xFFFFFFFF, s4;
	v29 =	vld [tilespmem:s5+$0x7850]  }
0x453: {  	v31 =	vmov s0;
	v30 =	vld [tilespmem:s5+$0x7860]  }
0x454: {  	v31 =	vand.u32 $0x7E, v31  }
0x455: {  	v31 =	vor.u32 v25, v31  }
0x456: {  	v28 =	vmul.f32 v28, v26;
	v31 =	vbroadcast v31, $0x0  }
0x457: {  	v29 =	vmul.f32 v29, v26  }
0x458: {  	[tilespmem:s5+$0x7840] =	vst v28;
	v59 =	vmul.f32 v30, v26  }
0x459: {  	s0 =	sshra.s32 s1, $0x2;
	v26 =	vmul.f32 v27, v26;
	[tilespmem:s5+$0x7850] =	vst v29  }
0x45a: {  	v29 =	vld [tilespmem:s0+$0x7830];
	[tilespmem:s5+$0x7860] =	vst v59  }
0x45b: {  	v27 =	vld [tilespmem:s0+$0x7810];
	[tilespmem:s5+$0x7870] =	vst v26  }
0x45c: {  	v26 =	vld.idx.msk [tilespmem:v31+s13+$0x0], $0xffff  }
0x45d: {  	v28 =	vld [tilespmem:s0+$0x7800];
	_ =	sdelay $0x1  }
0x45e: {  	v60 =	vmov s4  }
0x45f: {  	v30 =	vand.u32 $0x7F, v60;
	v61 =	vld [tilespmem:s0+$0x7820]  }
0x460: {  	v25 =	vor.u32 v25, v30  }
0x461: {  	v25 =	vbroadcast v25, $0x0;
	v28 =	vmul.f32 v28, v26  }
0x462: {  	v29 =	vmul.f32 v29, v26  }
0x463: {  	v27 =	vmul.f32 v27, v26;
	[tilespmem:s0+$0x7800] =	vst v28  }
0x464: {  	v26 =	vmul.f32 v61, v26;
	[tilespmem:s0+$0x7830] =	vst v29  }
0x465: {  	[tilespmem:s0+$0x7810] =	vst v27  }
0x466: {  	[tilespmem:s0+$0x7820] =	vst v26;
	v26 =	vld [tilespmem:s0+$0x7840]  }
0x467: {  	v25 =	vld.idx.msk [tilespmem:v25+s13+$0x0], $0xffff  }
0x468: {  	v27 =	vld [tilespmem:s0+$0x7850]  }
0x469: {  	v62 =	vld [tilespmem:s0+$0x7860]  }
0x46a: {  	v63 =	vld [tilespmem:s0+$0x7870];
	_ =	sdelay $0x1  }
0x46b: {  	s2 =	sadd.s32 $0x1, s2;
	v26 =	vmul.f32 v26, v25  }
0x46c: {  	p0 =	sne.s32 s2, $0x1C;
	v27 =	vmul.f32 v27, v25  }
.Ltmp12:
0x46d: {  	[tilespmem:s0+$0x7840] =	vst v26;
	v26 =	vmul.f32 v62, v25;
	(pc) =	sbr.rel @p0 .LBB2_14-.Ltmp12, $4  }
.Ltmp13:
0x46e: {  	v25 =	vmul.f32 v63, v25;
	[tilespmem:s0+$0x7850] =	vst v27;
	(pc) =	sbr.rel @!p0 .LBB2_26-.Ltmp13, $4  }
0x46f: {  	[tilespmem:s0+$0x7860] =	vst v26  }
0x470: {  	s29 =	simm.s32 $0x7800;
	[tilespmem:s0+$0x7870] =	vst v25  }
0x471: {  	[spmem:s3] =	stream.indirect.scatter.add.f32 [tilespmem:s29], [sflag:$0x6], $0x40, s28, s11, $0xb8;
	[tilespmem:$0x1D210] =	vst v63  }
0x472: {  	_ = 	snop  }
.LBB2_20:
.Ltmp14:
0x473: {  	(pc) =	sbr.rel @p0 .LBB2_23-.Ltmp14, $4  }
0x474: {  	_ = 	snop  }
0x475: {  	_ =	swait.ge [sflag:s17], $0x2000  }
0x476: {  	[sflag:s17] =	ssyncset.done $0x0  }
0x477: {  	[sflag:s17] =	ssyncadd.s32 $0xFFFFE000  }
.Ltmp15:
0x478: {  	(pc) =	sbr.rel .LBB2_22-.Ltmp15, $3  }
0x479: {  	_ =	sdelay $0x1  }
0x47a: {  	s1 =	sand.u32 $0x1, s1  }
0x47b: {  	p0 =	seq.s32 s1, $0x1  }
.LBB2_27:
0x47c: {  	_ =	sfence.sel $0x180000  }
0x47d: {  	[bflag:$0x0] =	sbarrier.arrive $0xFFFF  }
0x47e: {  	_ =	strace $0x90000047  }
0x47f: {  	s0 =	stileid.u32;
	[bflag:$0x2] =	sbarrier.arrive $0xFFFF  }
0x480: {  	p0 =	sne.s32 s0, $0x0;
	s0 =	rddreg [dreg:$0x4]  }
0x481: {  	s0 =	sadd.s32 @!p0 $0x100000, s0  }
0x482: {  	[sflag:s0] =	ssyncadd.tile.s32 @!p0 $0x1;
	_ =	shalt  }
.Lfunc_end2:
_tile_overlayer_lowered:
.L_overlay_start_2:
0x483: {  	(tag) =	ssettag $0x2  }
0x484: {  	s0 =	rddreg [dreg:$0x0];
	s2 =	stileid.u32  }
0x485: {  	s1 =	rddreg [dreg:$0x1];
	p0 =	sne.s32 s2, $0x0  }
0x486: {  	s3 =	rddreg [dreg:$0x2];
	[bflag:$0x3] =	sbarrier.arrive $0xFFFF;
	s2 =	simm.s32 @!p0 $0x1C07  }
0x487: {  	[timem:s3], [sflag:s2] =	dma.local @!p0 [hbm:s0], s1  }
0x488: {  	s0 =	simm.s32 @!p0 $0x7  }
0x489: {  	_ =	swait.ge @!p0 [sflag:s0], s1  }
0x48a: {  	s1 =	ssub.s32 @!p0 $0x0, s1;
	[sflag:s0] =	ssyncset.done @!p0 $0x0  }
0x48b: {  	[sflag:s0] =	ssyncadd.s32 @!p0 s1  }
0x48c: {  	[bflag:$0x3] =	sbarrier.arrive $0xFFFF  }
0x48d: {  	_ =	shalt  }

</sc_bundles>
